<compile_context>
chip_gen: v7x
topology: tpu7x:2x2x1
jax: 0.10.2.dev20260603
libtpu: 0.0.44.dev20260713+nightly
codegen_flags: <defaults>
</compile_context>

<pallas_src>
import functools

import jax
import jax.numpy as jnp
from jax import lax
from jax.experimental import pallas as pl
from jax.experimental.pallas import tpu as pltpu
from jax.experimental.pallas import tpu_sc as plsc

_N = 10000
_E = 320000
_NEG = 0.2
_NW = 32
_EP = 335872
_RPT = 632
_NPAD = 16 * _RPT


def _tc1_body(x_ref, w1_ref, ms_ref, md_ref, exp_ref, node1_ref, adst1_ref):
    h = jnp.dot(x_ref[...], w1_ref[...], preferred_element_type=jnp.float32)
    asrc = jnp.dot(h, ms_ref[...], preferred_element_type=jnp.float32)
    adst = jnp.dot(h, md_ref[...], preferred_element_type=jnp.float32)
    asrc_rep = jnp.dot(asrc, exp_ref[...], preferred_element_type=jnp.float32)
    adst_rep = jnp.dot(adst, exp_ref[...], preferred_element_type=jnp.float32)
    node1_ref[...] = jnp.concatenate([asrc_rep, h], axis=1)
    adst1_ref[...] = adst_rep


def _tc2_body(p_ref, b1_ref, gam_ref, bet_ref, w2_ref, ms2_ref, md2_ref,
              node2_ref, adst2_ref):
    acc = p_ref[0, 0:_N] + p_ref[1, 0:_N]
    denom = acc[:, 0:64]
    h = acc[:, 64:128] / (denom + 1e-16) + b1_ref[...]
    h = jnp.maximum(h, 0.0)
    mean = jnp.mean(h, axis=0, keepdims=True)
    var = jnp.mean((h - mean) * (h - mean), axis=0, keepdims=True)
    h = (h - mean) * lax.rsqrt(var + 1e-5) * gam_ref[...] + bet_ref[...]
    h2 = jnp.dot(h, w2_ref[...], preferred_element_type=jnp.float32)
    a2s = jnp.dot(h2, ms2_ref[...], preferred_element_type=jnp.float32)
    a2d = jnp.dot(h2, md2_ref[...], preferred_element_type=jnp.float32)
    node2_ref[...] = jnp.concatenate([a2s, h2], axis=1)
    adst2_ref[...] = a2d


def _tc3_body(p_ref, b2_ref, out_ref):
    acc = p_ref[0, 0:_N] + p_ref[1, 0:_N]
    out_ref[...] = acc[:, 16:32] / (acc[:, 0:16] + 1e-16) + b2_ref[...]


def _make_edge_body(nj, bb, nb0, nb1):
    hw = 16 * nj
    row_w = 2 * hw

    def body(node_hbm, adst_hbm, src_hbm, dst_hbm, zrows_hbm, out_hbm,
             sidx_v, dslab_v, rows_v, adst_v, msg_v, accum_sh, ssem, gsem):
        c = lax.axis_index("c")
        s = lax.axis_index("s")
        if nb0 == nb1:
            nbc = nb0
            base = (c * 16 + s) * nb0
        else:
            nbc = jnp.where(c == 0, nb0, nb1)
            base = jnp.where(c == 0, s * nb0, 16 * nb0 + s * nb1)
        pltpu.sync_copy(dst_hbm.at[pl.ds(base, max(nb0, nb1))], dslab_v)
        pltpu.sync_copy(src_hbm.at[base], sidx_v.at[0])
        pltpu.sync_copy(src_hbm.at[base + 1], sidx_v.at[1])
        pltpu.sync_copy(zrows_hbm, accum_sh.at[pl.ds(s * _RPT, _RPT)])
        plsc.subcore_barrier()

        def fetch_src(b, st):
            pltpu.async_copy(src_hbm.at[base + b], sidx_v.at[st],
                             ssem.at[st])

        def wait_src(st):
            pltpu.make_async_copy(src_hbm.at[0], sidx_v.at[st],
                                  ssem.at[st]).wait()

        def start_gathers(b, st):
            pltpu.async_copy(node_hbm.at[sidx_v.at[st]], rows_v.at[st],
                             gsem.at[st, 0])
            pltpu.async_copy(adst_hbm.at[dslab_v.at[b]], adst_v.at[st],
                             gsem.at[st, 1])

        def wait_gathers(st):
            pltpu.make_async_copy(node_hbm.at[pl.ds(0, bb)], rows_v.at[st],
                                  gsem.at[st, 0]).wait()
            pltpu.make_async_copy(adst_hbm.at[pl.ds(0, bb)], adst_v.at[st],
                                  gsem.at[st, 1]).wait()

        def consume(b, st):
            @plsc.parallel_loop(0, bb, 1, unroll=2)
            def edge_body(e):
                for j in range(nj):
                    va = rows_v[st, e, pl.ds(16 * j, 16)]
                    vb = adst_v[st, e, pl.ds(16 * j, 16)]
                    al = va + vb
                    al = jnp.maximum(al, al * _NEG)
                    ex = jnp.exp(al)
                    msg_v[e, pl.ds(16 * j, 16)] = ex
                    hv = rows_v[st, e, pl.ds(hw + 16 * j, 16)]
                    msg_v[e, pl.ds(hw + 16 * j, 16)] = hv * ex

            pltpu.sync_copy(msg_v, accum_sh.at[dslab_v.at[b]], add=True)

        start_gathers(0, 0)
        start_gathers(1, 1)

        def pair_body(g, carry):
            b0 = 2 * g
            wait_gathers(0)
            fetch_src(b0 + 2, 0)
            consume(b0, 0)
            wait_src(0)
            start_gathers(b0 + 2, 0)
            wait_gathers(1)
            fetch_src(b0 + 3, 1)
            consume(b0 + 1, 1)
            wait_src(1)
            start_gathers(b0 + 3, 1)
            return carry

        lax.fori_loop(0, nbc // 2 - 1, pair_body, 0)
        wait_gathers(0)
        consume(nbc - 2, 0)
        wait_gathers(1)
        consume(nbc - 1, 1)
        plsc.subcore_barrier()
        pltpu.sync_copy(accum_sh.at[pl.ds(s * _RPT, _RPT)],
                        out_hbm.at[c, pl.ds(s * _RPT, _RPT)])

    return body, row_w, hw


def _make_edge_kernel(nj, bb, nb0, nb1):
    body, row_w, hw = _make_edge_body(nj, bb, nb0, nb1)
    mesh = plsc.VectorSubcoreMesh(core_axis_name="c", subcore_axis_name="s")
    return pl.kernel(
        body,
        out_type=jax.ShapeDtypeStruct((2, _NPAD, row_w), jnp.float32),
        mesh=mesh,
        compiler_params=pltpu.CompilerParams(use_tc_tiling_on_sc=False),
        scratch_types=[
            pltpu.VMEM((2, bb), jnp.int32),
            pltpu.VMEM((max(nb0, nb1), bb), jnp.int32),
            pltpu.VMEM((2, bb, row_w), jnp.float32),
            pltpu.VMEM((2, bb, hw), jnp.float32),
            pltpu.VMEM((bb, row_w), jnp.float32),
            pltpu.VMEM_SHARED((_NPAD, row_w), jnp.float32),
            pltpu.SemaphoreType.DMA((2,)),
            pltpu.SemaphoreType.DMA((2, 2)),
        ],
    )


@jax.jit
def kernel(x, edge_index, W1, att_src1, att_dst1, b1, bn_gamma, bn_beta,
           W2, att_src2, att_dst2, b2):
    f32 = jnp.float32
    i32 = jnp.int32
    loops = jnp.arange(_N, dtype=i32)

    def edge_arrays(bb, nb0, nb1):
        tb = 16 * (nb0 + nb1)
        npad = tb * bb - _E - _N
        s = jnp.concatenate([edge_index[0], loops, jnp.zeros((npad,), i32)])
        d = jnp.concatenate([edge_index[1], loops, jnp.full((npad,), _N, i32)])
        nbm = max(nb0, nb1)
        s = jnp.concatenate([s.reshape(tb, bb), jnp.zeros((nbm, bb), i32)])
        d = jnp.concatenate([d.reshape(tb, bb), jnp.zeros((nbm, bb), i32)])
        return s, d

    src1, dst1 = edge_arrays(64, 164, 164)
    src2, dst2 = edge_arrays(128, 82, 82)

    eye8 = jnp.eye(8, dtype=f32)
    ms1 = jnp.repeat(eye8, 8, axis=0) * att_src1.reshape(64, 1)
    md1 = jnp.repeat(eye8, 8, axis=0) * att_dst1.reshape(64, 1)
    exp8 = jnp.repeat(eye8, 8, axis=1)
    ones16 = jnp.ones((1, 16), f32)
    ms2 = att_src2.reshape(16, 1) * ones16
    md2 = att_dst2.reshape(16, 1) * ones16

    node1, adst1 = pl.pallas_call(
        _tc1_body,
        out_shape=[jax.ShapeDtypeStruct((_N, 128), f32),
                   jax.ShapeDtypeStruct((_N, 64), f32)],
    )(x, W1, ms1, md1, exp8)
    adst1 = jnp.pad(adst1, ((0, 16), (0, 0)))

    z1 = jnp.zeros((_RPT, 128), f32)
    p1 = _make_edge_kernel(4, 64, 164, 164)(node1, adst1, src1, dst1, z1)

    node2, adst2 = pl.pallas_call(
        _tc2_body,
        out_shape=[jax.ShapeDtypeStruct((_N, 32), f32),
                   jax.ShapeDtypeStruct((_N, 16), f32)],
    )(p1, b1.reshape(1, 64), bn_gamma.reshape(1, 64), bn_beta.reshape(1, 64),
      W2, ms2, md2)
    adst2 = jnp.pad(adst2, ((0, 16), (0, 0)))

    z2 = jnp.zeros((_RPT, 32), f32)
    p2 = _make_edge_kernel(1, 128, 82, 82)(node2, adst2, src2, dst2, z2)

    out = pl.pallas_call(
        _tc3_body,
        out_shape=jax.ShapeDtypeStruct((_N, 16), f32),
    )(p2, b2.reshape(1, 16))
    return out

# --- scband reference (transcript-rebuilt; emitter-appended) ---
"""Pipeline reference for scband-nifty-gat-24438363914365 (READ-ONLY COPY).

The authoritative reference and input builder live on the scoring server;
editing this copy changes nothing except your own understanding.
"""

import jax, jax.numpy as jnp
import numpy as np

N = 10000
E = 320000
D_IN = 128
HEADS = 8
C1 = 8
D_OUT = 16
NEG_SLOPE = 0.2


def setup_inputs(seed: int = 0) -> dict:
    key = jax.random.key(seed)
    ks = jax.random.split(key, 10)
    x = jax.random.normal(ks[0], (N, D_IN), dtype=jnp.float32)
    edge_index = jax.random.randint(ks[1], (2, E), 0, N, dtype=jnp.int32)
    s = 0.1
    W1 = jax.random.normal(ks[2], (D_IN, HEADS * C1), dtype=jnp.float32) * s
    att_src1 = jax.random.normal(ks[3], (HEADS, C1), dtype=jnp.float32) * s
    att_dst1 = jax.random.normal(ks[4], (HEADS, C1), dtype=jnp.float32) * s
    b1 = jnp.zeros((HEADS * C1,), dtype=jnp.float32)
    bn_gamma = jnp.ones((HEADS * C1,), dtype=jnp.float32)
    bn_beta = jnp.zeros((HEADS * C1,), dtype=jnp.float32)
    W2 = jax.random.normal(ks[5], (HEADS * C1, D_OUT), dtype=jnp.float32) * s
    att_src2 = jax.random.normal(ks[6], (1, D_OUT), dtype=jnp.float32) * s
    att_dst2 = jax.random.normal(ks[7], (1, D_OUT), dtype=jnp.float32) * s
    b2 = jnp.zeros((D_OUT,), dtype=jnp.float32)
    return {"x": x, "edge_index": edge_index, "W1": W1, "att_src1": att_src1,
            "att_dst1": att_dst1, "b1": b1, "bn_gamma": bn_gamma, "bn_beta": bn_beta,
            "W2": W2, "att_src2": att_src2, "att_dst2": att_dst2, "b2": b2}


def _gat_layer(x, src, dst, W, att_src, att_dst, b, heads, ch, concat):
    n = x.shape[0]
    h = (x @ W).reshape(n, heads, ch)
    a_src = (h * att_src[None, :, :]).sum(-1)
    a_dst = (h * att_dst[None, :, :]).sum(-1)
    alpha = a_src[src] + a_dst[dst]
    alpha = jax.nn.leaky_relu(alpha, NEG_SLOPE)
    amax = jax.lax.stop_gradient(jax.ops.segment_max(alpha, dst, num_segments=n))
    amax = jnp.where(jnp.isfinite(amax), amax, 0.0)
    ex = jnp.exp(alpha - amax[dst])
    denom = jax.ops.segment_sum(ex, dst, num_segments=n)
    att = ex / (denom[dst] + 1e-16)
    msg = h[src] * att[:, :, None]
    out = jax.ops.segment_sum(msg, dst, num_segments=n)
    if concat:
        out = out.reshape(n, heads * ch)
    else:
        out = out.mean(axis=1)
    return out + b


def _forward(x, edge_index, W1, att_src1, att_dst1, b1, bn_gamma, bn_beta, W2, att_src2, att_dst2, b2):
    loops = jnp.arange(x.shape[0], dtype=edge_index.dtype)
    src = jnp.concatenate([edge_index[0], loops])
    dst = jnp.concatenate([edge_index[1], loops])
    h = _gat_layer(x, src, dst, W1, att_src1, att_dst1, b1, HEADS, C1, True)
    h = jax.nn.relu(h)
    mean = h.mean(axis=0)
    var = h.var(axis=0)
    h = (h - mean) / jnp.sqrt(var + 1e-5) * bn_gamma + bn_beta
    out = _gat_layer(h, src, dst, W2, att_src2, att_dst2, b2, 1, D_OUT, False)
    return out


def reference(x, edge_index, W1, att_src1, att_dst1, b1, bn_gamma, bn_beta, W2, att_src2, att_dst2, b2):
    return _forward(x, edge_index, W1, att_src1, att_dst1, b1, bn_gamma, bn_beta, W2, att_src2, att_dst2, b2)

if __name__ == "__main__":
    import jax
    _d = setup_inputs()
    print(jax.jit(kernel)(*tuple(_d.values())))

</pallas_src>

<mosaic_0001>
#map = affine_map<(d0, d1) -> (0, 0)>
#map1 = affine_map<(d0, d1) -> (0, 0, 0)>
module attributes {stable_mosaic.version = 14 : i64} {
  func.func @body(%arg0: i32, %arg1: i32, %arg2: memref<10000x32xf32, #tpu.memory_space<hbm>>, %arg3: memref<10016x16xf32, #tpu.memory_space<hbm>>, %arg4: memref<2706x128xi32, #tpu.memory_space<hbm>>, %arg5: memref<2706x128xi32, #tpu.memory_space<hbm>>, %arg6: memref<632x32xf32, #tpu.memory_space<hbm>>, %arg7: memref<2x10112x32xf32, #tpu.memory_space<hbm>>, %arg8: memref<2x128xi32, #tpu.memory_space<vmem>>, %arg9: memref<82x128xi32, #tpu.memory_space<vmem>>, %arg10: memref<2x128x32xf32, #tpu.memory_space<vmem>>, %arg11: memref<2x128x16xf32, #tpu.memory_space<vmem>>, %arg12: memref<128x32xf32, #tpu.memory_space<vmem>>, %arg13: memref<10112x32xf32, #tpu.memory_space<vmem_shared>>, %arg14: memref<2x!tpu.dma_semaphore, #tpu.memory_space<semaphore_mem>>, %arg15: memref<2x2x!tpu.dma_semaphore, #tpu.memory_space<semaphore_mem>>) attributes {dimension_semantics = [#tpu.dimension_semantics<core_parallel>, #tpu.dimension_semantics<subcore_parallel>], iteration_bounds = array<i64: 2, 16>, scalar_prefetch = 0 : i64, scratch_operands = 8 : i64, tpu.core_type = #tpu.core_type<sc_vector_subcore>, window_params = [{transform_indices = #map}, {transform_indices = #map}, {transform_indices = #map}, {transform_indices = #map}, {transform_indices = #map}, {transform_indices = #map1}]} {
    %mul3A = arith.constant 16 : i32
    %mul3A_0 = arith.muli %arg0, %mul3A : i32
    %add3A = arith.addi %mul3A_0, %arg1 : i32
    %mul3A_1 = arith.constant 82 : i32
    %mul3A_2 = arith.muli %add3A, %mul3A_1 : i32
    "tpu.region"() ({
      %run_scoped3A_163 = tpu.sem_alloc : memref<!tpu.dma_semaphore, #tpu.memory_space<semaphore_mem>>
      %dma_start3A_164 = arith.constant 0 : i32
      %dma_start3A_165 = tpu.memref_slice %arg5[%mul3A_2, %dma_start3A_164] : memref<2706x128xi32, #tpu.memory_space<hbm>> -> memref<82x128xi32, #tpu.memory_space<hbm>>
      %dma_start3A_166 = arith.constant 0 : i32
      %dma_start3A_167 = tpu.memref_slice %arg5[%mul3A_2, %dma_start3A_166] : memref<2706x128xi32, #tpu.memory_space<hbm>> -> memref<82x128xi32, #tpu.memory_space<hbm>>
      tpu.enqueue_dma source(%dma_start3A_167 : memref<82x128xi32, #tpu.memory_space<hbm>>) target(%arg9 : memref<82x128xi32, #tpu.memory_space<vmem>>) target_semaphore(%run_scoped3A_163 : memref<!tpu.dma_semaphore, #tpu.memory_space<semaphore_mem>>)
      %dma_wait3A_168 = arith.constant 0 : i32
      %dma_wait3A_169 = tpu.memref_slice %arg5[%mul3A_2, %dma_wait3A_168] : memref<2706x128xi32, #tpu.memory_space<hbm>> -> memref<82x128xi32, #tpu.memory_space<hbm>>
      %dma_wait3A_170 = arith.constant 0 : i32
      %dma_wait3A_171 = tpu.memref_slice %arg5[%mul3A_2, %dma_wait3A_170] : memref<2706x128xi32, #tpu.memory_space<hbm>> -> memref<82x128xi32, #tpu.memory_space<hbm>>
      tpu.wait_dma2 semaphore(%run_scoped3A_163 : memref<!tpu.dma_semaphore, #tpu.memory_space<semaphore_mem>>) src(%dma_wait3A_171 : memref<82x128xi32, #tpu.memory_space<hbm>>) dst(%arg9 : memref<82x128xi32, #tpu.memory_space<vmem>>)
      tpu.yield
    }) : () -> ()
    %run_scoped3A = arith.constant 0 : i32
    "tpu.region"() ({
      %run_scoped3A_163 = tpu.sem_alloc : memref<!tpu.dma_semaphore, #tpu.memory_space<semaphore_mem>>
      %dma_start3A_164 = arith.constant 0 : i32
      %dma_start3A_165 = tpu.memref_slice %arg8[%run_scoped3A, %dma_start3A_164] : memref<2x128xi32, #tpu.memory_space<vmem>> -> memref<1x128xi32, #tpu.memory_space<vmem>>
      %dma_start3A_166 = tpu.memref_squeeze %dma_start3A_165 : memref<1x128xi32, #tpu.memory_space<vmem>> -> memref<128xi32, #tpu.memory_space<vmem>>
      %dma_start3A_167 = arith.constant 0 : i32
      %dma_start3A_168 = tpu.memref_slice %arg4[%mul3A_2, %dma_start3A_167] : memref<2706x128xi32, #tpu.memory_space<hbm>> -> memref<1x128xi32, #tpu.memory_space<hbm>>
      %dma_start3A_169 = tpu.memref_squeeze %dma_start3A_168 : memref<1x128xi32, #tpu.memory_space<hbm>> -> memref<128xi32, #tpu.memory_space<hbm>>
      %dma_start3A_170 = arith.constant 0 : i32
      %dma_start3A_171 = tpu.memref_slice %arg8[%run_scoped3A, %dma_start3A_170] : memref<2x128xi32, #tpu.memory_space<vmem>> -> memref<1x128xi32, #tpu.memory_space<vmem>>
      %dma_start3A_172 = tpu.memref_squeeze %dma_start3A_171 : memref<1x128xi32, #tpu.memory_space<vmem>> -> memref<128xi32, #tpu.memory_space<vmem>>
      %dma_start3A_173 = arith.constant 0 : i32
      %dma_start3A_174 = tpu.memref_slice %arg4[%mul3A_2, %dma_start3A_173] : memref<2706x128xi32, #tpu.memory_space<hbm>> -> memref<1x128xi32, #tpu.memory_space<hbm>>
      %dma_start3A_175 = tpu.memref_squeeze %dma_start3A_174 : memref<1x128xi32, #tpu.memory_space<hbm>> -> memref<128xi32, #tpu.memory_space<hbm>>
      tpu.enqueue_dma source(%dma_start3A_175 : memref<128xi32, #tpu.memory_space<hbm>>) target(%dma_start3A_172 : memref<128xi32, #tpu.memory_space<vmem>>) target_semaphore(%run_scoped3A_163 : memref<!tpu.dma_semaphore, #tpu.memory_space<semaphore_mem>>)
      %dma_wait3A_176 = arith.constant 0 : i32
      %dma_wait3A_177 = tpu.memref_slice %arg8[%run_scoped3A, %dma_wait3A_176] : memref<2x128xi32, #tpu.memory_space<vmem>> -> memref<1x128xi32, #tpu.memory_space<vmem>>
      %dma_wait3A_178 = tpu.memref_squeeze %dma_wait3A_177 : memref<1x128xi32, #tpu.memory_space<vmem>> -> memref<128xi32, #tpu.memory_space<vmem>>
      %dma_wait3A_179 = arith.constant 0 : i32
      %dma_wait3A_180 = tpu.memref_slice %arg4[%mul3A_2, %dma_wait3A_179] : memref<2706x128xi32, #tpu.memory_space<hbm>> -> memref<1x128xi32, #tpu.memory_space<hbm>>
      %dma_wait3A_181 = tpu.memref_squeeze %dma_wait3A_180 : memref<1x128xi32, #tpu.memory_space<hbm>> -> memref<128xi32, #tpu.memory_space<hbm>>
      %dma_wait3A_182 = arith.constant 0 : i32
      %dma_wait3A_183 = tpu.memref_slice %arg8[%run_scoped3A, %dma_wait3A_182] : memref<2x128xi32, #tpu.memory_space<vmem>> -> memref<1x128xi32, #tpu.memory_space<vmem>>
      %dma_wait3A_184 = tpu.memref_squeeze %dma_wait3A_183 : memref<1x128xi32, #tpu.memory_space<vmem>> -> memref<128xi32, #tpu.memory_space<vmem>>
      %dma_wait3A_185 = arith.constant 0 : i32
      %dma_wait3A_186 = tpu.memref_slice %arg4[%mul3A_2, %dma_wait3A_185] : memref<2706x128xi32, #tpu.memory_space<hbm>> -> memref<1x128xi32, #tpu.memory_space<hbm>>
      %dma_wait3A_187 = tpu.memref_squeeze %dma_wait3A_186 : memref<1x128xi32, #tpu.memory_space<hbm>> -> memref<128xi32, #tpu.memory_space<hbm>>
      tpu.wait_dma2 semaphore(%run_scoped3A_163 : memref<!tpu.dma_semaphore, #tpu.memory_space<semaphore_mem>>) src(%dma_wait3A_187 : memref<128xi32, #tpu.memory_space<hbm>>) dst(%dma_wait3A_184 : memref<128xi32, #tpu.memory_space<vmem>>)
      tpu.yield
    }) : () -> ()
    %add3A_3 = arith.constant 1 : i32
    %add3A_4 = arith.addi %mul3A_2, %add3A_3 : i32
    %run_scoped3A_5 = arith.constant 1 : i32
    "tpu.region"() ({
      %run_scoped3A_163 = tpu.sem_alloc : memref<!tpu.dma_semaphore, #tpu.memory_space<semaphore_mem>>
      %dma_start3A_164 = arith.constant 0 : i32
      %dma_start3A_165 = tpu.memref_slice %arg8[%run_scoped3A_5, %dma_start3A_164] : memref<2x128xi32, #tpu.memory_space<vmem>> -> memref<1x128xi32, #tpu.memory_space<vmem>>
      %dma_start3A_166 = tpu.memref_squeeze %dma_start3A_165 : memref<1x128xi32, #tpu.memory_space<vmem>> -> memref<128xi32, #tpu.memory_space<vmem>>
      %dma_start3A_167 = arith.constant 0 : i32
      %dma_start3A_168 = tpu.memref_slice %arg4[%add3A_4, %dma_start3A_167] : memref<2706x128xi32, #tpu.memory_space<hbm>> -> memref<1x128xi32, #tpu.memory_space<hbm>>
      %dma_start3A_169 = tpu.memref_squeeze %dma_start3A_168 : memref<1x128xi32, #tpu.memory_space<hbm>> -> memref<128xi32, #tpu.memory_space<hbm>>
      %dma_start3A_170 = arith.constant 0 : i32
      %dma_start3A_171 = tpu.memref_slice %arg8[%run_scoped3A_5, %dma_start3A_170] : memref<2x128xi32, #tpu.memory_space<vmem>> -> memref<1x128xi32, #tpu.memory_space<vmem>>
      %dma_start3A_172 = tpu.memref_squeeze %dma_start3A_171 : memref<1x128xi32, #tpu.memory_space<vmem>> -> memref<128xi32, #tpu.memory_space<vmem>>
      %dma_start3A_173 = arith.constant 0 : i32
      %dma_start3A_174 = tpu.memref_slice %arg4[%add3A_4, %dma_start3A_173] : memref<2706x128xi32, #tpu.memory_space<hbm>> -> memref<1x128xi32, #tpu.memory_space<hbm>>
      %dma_start3A_175 = tpu.memref_squeeze %dma_start3A_174 : memref<1x128xi32, #tpu.memory_space<hbm>> -> memref<128xi32, #tpu.memory_space<hbm>>
      tpu.enqueue_dma source(%dma_start3A_175 : memref<128xi32, #tpu.memory_space<hbm>>) target(%dma_start3A_172 : memref<128xi32, #tpu.memory_space<vmem>>) target_semaphore(%run_scoped3A_163 : memref<!tpu.dma_semaphore, #tpu.memory_space<semaphore_mem>>)
      %dma_wait3A_176 = arith.constant 0 : i32
      %dma_wait3A_177 = tpu.memref_slice %arg8[%run_scoped3A_5, %dma_wait3A_176] : memref<2x128xi32, #tpu.memory_space<vmem>> -> memref<1x128xi32, #tpu.memory_space<vmem>>
      %dma_wait3A_178 = tpu.memref_squeeze %dma_wait3A_177 : memref<1x128xi32, #tpu.memory_space<vmem>> -> memref<128xi32, #tpu.memory_space<vmem>>
      %dma_wait3A_179 = arith.constant 0 : i32
      %dma_wait3A_180 = tpu.memref_slice %arg4[%add3A_4, %dma_wait3A_179] : memref<2706x128xi32, #tpu.memory_space<hbm>> -> memref<1x128xi32, #tpu.memory_space<hbm>>
      %dma_wait3A_181 = tpu.memref_squeeze %dma_wait3A_180 : memref<1x128xi32, #tpu.memory_space<hbm>> -> memref<128xi32, #tpu.memory_space<hbm>>
      %dma_wait3A_182 = arith.constant 0 : i32
      %dma_wait3A_183 = tpu.memref_slice %arg8[%run_scoped3A_5, %dma_wait3A_182] : memref<2x128xi32, #tpu.memory_space<vmem>> -> memref<1x128xi32, #tpu.memory_space<vmem>>
      %dma_wait3A_184 = tpu.memref_squeeze %dma_wait3A_183 : memref<1x128xi32, #tpu.memory_space<vmem>> -> memref<128xi32, #tpu.memory_space<vmem>>
      %dma_wait3A_185 = arith.constant 0 : i32
      %dma_wait3A_186 = tpu.memref_slice %arg4[%add3A_4, %dma_wait3A_185] : memref<2706x128xi32, #tpu.memory_space<hbm>> -> memref<1x128xi32, #tpu.memory_space<hbm>>
      %dma_wait3A_187 = tpu.memref_squeeze %dma_wait3A_186 : memref<1x128xi32, #tpu.memory_space<hbm>> -> memref<128xi32, #tpu.memory_space<hbm>>
      tpu.wait_dma2 semaphore(%run_scoped3A_163 : memref<!tpu.dma_semaphore, #tpu.memory_space<semaphore_mem>>) src(%dma_wait3A_187 : memref<128xi32, #tpu.memory_space<hbm>>) dst(%dma_wait3A_184 : memref<128xi32, #tpu.memory_space<vmem>>)
      tpu.yield
    }) : () -> ()
    %mul3A_6 = arith.constant 632 : i32
    %mul3A_7 = arith.muli %arg1, %mul3A_6 : i32
    "tpu.region"() ({
      %run_scoped3A_163 = tpu.sem_alloc : memref<!tpu.dma_semaphore, #tpu.memory_space<semaphore_mem>>
      %dma_start3A_164 = arith.constant 0 : i32
      %dma_start3A_165 = tpu.memref_slice %arg13[%mul3A_7, %dma_start3A_164] : memref<10112x32xf32, #tpu.memory_space<vmem_shared>> -> memref<632x32xf32, #tpu.memory_space<vmem_shared>>
      tpu.enqueue_dma source(%arg6 : memref<632x32xf32, #tpu.memory_space<hbm>>) target(%dma_start3A_165 : memref<632x32xf32, #tpu.memory_space<vmem_shared>>) target_semaphore(%run_scoped3A_163 : memref<!tpu.dma_semaphore, #tpu.memory_space<semaphore_mem>>)
      %dma_wait3A_166 = arith.constant 0 : i32
      %dma_wait3A_167 = tpu.memref_slice %arg13[%mul3A_7, %dma_wait3A_166] : memref<10112x32xf32, #tpu.memory_space<vmem_shared>> -> memref<632x32xf32, #tpu.memory_space<vmem_shared>>
      tpu.wait_dma2 semaphore(%run_scoped3A_163 : memref<!tpu.dma_semaphore, #tpu.memory_space<semaphore_mem>>) src(%arg6 : memref<632x32xf32, #tpu.memory_space<hbm>>) dst(%dma_wait3A_167 : memref<632x32xf32, #tpu.memory_space<vmem_shared>>)
      tpu.yield
    }) : () -> ()
    %barrier3A = arith.constant 0 : index
    tpu.barrier barrier_id(%barrier3A)
    %dma_start3A = arith.constant 0 : i32
    %dma_start3A_8 = arith.constant 0 : i32
    %dma_start3A_9 = arith.constant 0 : i32
    %dma_start3A_10 = arith.constant 0 : i32
    %dma_start3A_11 = arith.constant 0 : i32
    %dma_start3A_12 = arith.constant 0 : i32
    %dma_start3A_13 = tpu.memref_slice %arg10[%dma_start3A_8, %dma_start3A_11, %dma_start3A_12] : memref<2x128x32xf32, #tpu.memory_space<vmem>> -> memref<1x128x32xf32, #tpu.memory_space<vmem>>
    %dma_start3A_14 = tpu.memref_squeeze %dma_start3A_13 : memref<1x128x32xf32, #tpu.memory_space<vmem>> -> memref<128x32xf32, #tpu.memory_space<vmem>>
    %dma_start3A_15 = arith.constant 0 : i32
    %dma_start3A_16 = tpu.memref_slice %arg8[%dma_start3A, %dma_start3A_15] : memref<2x128xi32, #tpu.memory_space<vmem>> -> memref<1x128xi32, #tpu.memory_space<vmem>>
    %dma_start3A_17 = tpu.memref_squeeze %dma_start3A_16 : memref<1x128xi32, #tpu.memory_space<vmem>> -> memref<128xi32, #tpu.memory_space<vmem>>
    %dma_start3A_18 = arith.constant 0 : i32
    %dma_start3A_19 = arith.constant 0 : i32
    %dma_start3A_20 = tpu.memref_slice %arg2[%dma_start3A_18, %dma_start3A_19] : memref<10000x32xf32, #tpu.memory_space<hbm>> -> memref<10000x32xf32, #tpu.memory_space<hbm>>
    %dma_start3A_21 = tpu.memref_slice %arg15[%dma_start3A_9, %dma_start3A_10] : memref<2x2x!tpu.dma_semaphore, #tpu.memory_space<semaphore_mem>> -> memref<1x1x!tpu.dma_semaphore, #tpu.memory_space<semaphore_mem>>
    %dma_start3A_22 = tpu.memref_squeeze %dma_start3A_21 : memref<1x1x!tpu.dma_semaphore, #tpu.memory_space<semaphore_mem>> -> memref<!tpu.dma_semaphore, #tpu.memory_space<semaphore_mem>>
    tpu.enqueue_indirect_dma source(%dma_start3A_20 : memref<10000x32xf32, #tpu.memory_space<hbm>>) target(%dma_start3A_14 : memref<128x32xf32, #tpu.memory_space<vmem>>) offsets(%dma_start3A_17 : memref<128xi32, #tpu.memory_space<vmem>>) semaphore(%dma_start3A_22 : memref<!tpu.dma_semaphore, #tpu.memory_space<semaphore_mem>>)
    %dma_start3A_23 = arith.constant 0 : i32
    %dma_start3A_24 = arith.constant 0 : i32
    %dma_start3A_25 = arith.constant 0 : i32
    %dma_start3A_26 = arith.constant 1 : i32
    %dma_start3A_27 = arith.constant 0 : i32
    %dma_start3A_28 = arith.constant 0 : i32
    %dma_start3A_29 = tpu.memref_slice %arg11[%dma_start3A_24, %dma_start3A_27, %dma_start3A_28] : memref<2x128x16xf32, #tpu.memory_space<vmem>> -> memref<1x128x16xf32, #tpu.memory_space<vmem>>
    %dma_start3A_30 = tpu.memref_squeeze %dma_start3A_29 : memref<1x128x16xf32, #tpu.memory_space<vmem>> -> memref<128x16xf32, #tpu.memory_space<vmem>>
    %dma_start3A_31 = arith.constant 0 : i32
    %dma_start3A_32 = tpu.memref_slice %arg9[%dma_start3A_23, %dma_start3A_31] : memref<82x128xi32, #tpu.memory_space<vmem>> -> memref<1x128xi32, #tpu.memory_space<vmem>>
    %dma_start3A_33 = tpu.memref_squeeze %dma_start3A_32 : memref<1x128xi32, #tpu.memory_space<vmem>> -> memref<128xi32, #tpu.memory_space<vmem>>
    %dma_start3A_34 = arith.constant 0 : i32
    %dma_start3A_35 = arith.constant 0 : i32
    %dma_start3A_36 = tpu.memref_slice %arg3[%dma_start3A_34, %dma_start3A_35] : memref<10016x16xf32, #tpu.memory_space<hbm>> -> memref<10016x16xf32, #tpu.memory_space<hbm>>
    %dma_start3A_37 = tpu.memref_slice %arg15[%dma_start3A_25, %dma_start3A_26] : memref<2x2x!tpu.dma_semaphore, #tpu.memory_space<semaphore_mem>> -> memref<1x1x!tpu.dma_semaphore, #tpu.memory_space<semaphore_mem>>
    %dma_start3A_38 = tpu.memref_squeeze %dma_start3A_37 : memref<1x1x!tpu.dma_semaphore, #tpu.memory_space<semaphore_mem>> -> memref<!tpu.dma_semaphore, #tpu.memory_space<semaphore_mem>>
    tpu.enqueue_indirect_dma source(%dma_start3A_36 : memref<10016x16xf32, #tpu.memory_space<hbm>>) target(%dma_start3A_30 : memref<128x16xf32, #tpu.memory_space<vmem>>) offsets(%dma_start3A_33 : memref<128xi32, #tpu.memory_space<vmem>>) semaphore(%dma_start3A_38 : memref<!tpu.dma_semaphore, #tpu.memory_space<semaphore_mem>>)
    %dma_start3A_39 = arith.constant 1 : i32
    %dma_start3A_40 = arith.constant 1 : i32
    %dma_start3A_41 = arith.constant 1 : i32
    %dma_start3A_42 = arith.constant 0 : i32
    %dma_start3A_43 = arith.constant 0 : i32
    %dma_start3A_44 = arith.constant 0 : i32
    %dma_start3A_45 = tpu.memref_slice %arg10[%dma_start3A_40, %dma_start3A_43, %dma_start3A_44] : memref<2x128x32xf32, #tpu.memory_space<vmem>> -> memref<1x128x32xf32, #tpu.memory_space<vmem>>
    %dma_start3A_46 = tpu.memref_squeeze %dma_start3A_45 : memref<1x128x32xf32, #tpu.memory_space<vmem>> -> memref<128x32xf32, #tpu.memory_space<vmem>>
    %dma_start3A_47 = arith.constant 0 : i32
    %dma_start3A_48 = tpu.memref_slice %arg8[%dma_start3A_39, %dma_start3A_47] : memref<2x128xi32, #tpu.memory_space<vmem>> -> memref<1x128xi32, #tpu.memory_space<vmem>>
    %dma_start3A_49 = tpu.memref_squeeze %dma_start3A_48 : memref<1x128xi32, #tpu.memory_space<vmem>> -> memref<128xi32, #tpu.memory_space<vmem>>
    %dma_start3A_50 = arith.constant 0 : i32
    %dma_start3A_51 = arith.constant 0 : i32
    %dma_start3A_52 = tpu.memref_slice %arg2[%dma_start3A_50, %dma_start3A_51] : memref<10000x32xf32, #tpu.memory_space<hbm>> -> memref<10000x32xf32, #tpu.memory_space<hbm>>
    %dma_start3A_53 = tpu.memref_slice %arg15[%dma_start3A_41, %dma_start3A_42] : memref<2x2x!tpu.dma_semaphore, #tpu.memory_space<semaphore_mem>> -> memref<1x1x!tpu.dma_semaphore, #tpu.memory_space<semaphore_mem>>
    %dma_start3A_54 = tpu.memref_squeeze %dma_start3A_53 : memref<1x1x!tpu.dma_semaphore, #tpu.memory_space<semaphore_mem>> -> memref<!tpu.dma_semaphore, #tpu.memory_space<semaphore_mem>>
    tpu.enqueue_indirect_dma source(%dma_start3A_52 : memref<10000x32xf32, #tpu.memory_space<hbm>>) target(%dma_start3A_46 : memref<128x32xf32, #tpu.memory_space<vmem>>) offsets(%dma_start3A_49 : memref<128xi32, #tpu.memory_space<vmem>>) semaphore(%dma_start3A_54 : memref<!tpu.dma_semaphore, #tpu.memory_space<semaphore_mem>>)
    %dma_start3A_55 = arith.constant 1 : i32
    %dma_start3A_56 = arith.constant 1 : i32
    %dma_start3A_57 = arith.constant 1 : i32
    %dma_start3A_58 = arith.constant 1 : i32
    %dma_start3A_59 = arith.constant 0 : i32
    %dma_start3A_60 = arith.constant 0 : i32
    %dma_start3A_61 = tpu.memref_slice %arg11[%dma_start3A_56, %dma_start3A_59, %dma_start3A_60] : memref<2x128x16xf32, #tpu.memory_space<vmem>> -> memref<1x128x16xf32, #tpu.memory_space<vmem>>
    %dma_start3A_62 = tpu.memref_squeeze %dma_start3A_61 : memref<1x128x16xf32, #tpu.memory_space<vmem>> -> memref<128x16xf32, #tpu.memory_space<vmem>>
    %dma_start3A_63 = arith.constant 0 : i32
    %dma_start3A_64 = tpu.memref_slice %arg9[%dma_start3A_55, %dma_start3A_63] : memref<82x128xi32, #tpu.memory_space<vmem>> -> memref<1x128xi32, #tpu.memory_space<vmem>>
    %dma_start3A_65 = tpu.memref_squeeze %dma_start3A_64 : memref<1x128xi32, #tpu.memory_space<vmem>> -> memref<128xi32, #tpu.memory_space<vmem>>
    %dma_start3A_66 = arith.constant 0 : i32
    %dma_start3A_67 = arith.constant 0 : i32
    %dma_start3A_68 = tpu.memref_slice %arg3[%dma_start3A_66, %dma_start3A_67] : memref<10016x16xf32, #tpu.memory_space<hbm>> -> memref<10016x16xf32, #tpu.memory_space<hbm>>
    %dma_start3A_69 = tpu.memref_slice %arg15[%dma_start3A_57, %dma_start3A_58] : memref<2x2x!tpu.dma_semaphore, #tpu.memory_space<semaphore_mem>> -> memref<1x1x!tpu.dma_semaphore, #tpu.memory_space<semaphore_mem>>
    %dma_start3A_70 = tpu.memref_squeeze %dma_start3A_69 : memref<1x1x!tpu.dma_semaphore, #tpu.memory_space<semaphore_mem>> -> memref<!tpu.dma_semaphore, #tpu.memory_space<semaphore_mem>>
    tpu.enqueue_indirect_dma source(%dma_start3A_68 : memref<10016x16xf32, #tpu.memory_space<hbm>>) target(%dma_start3A_62 : memref<128x16xf32, #tpu.memory_space<vmem>>) offsets(%dma_start3A_65 : memref<128xi32, #tpu.memory_space<vmem>>) semaphore(%dma_start3A_70 : memref<!tpu.dma_semaphore, #tpu.memory_space<semaphore_mem>>)
    %scan3A = arith.constant 0 : i32
    %scan3A_71 = arith.constant 0 : i32
    %scan3A_72 = arith.constant 40 : i32
    %scan3A_73 = arith.addi %scan3A_71, %scan3A_72 : i32
    %scan3A_74 = arith.constant 1 : i32
    scf.for %scan3A_163 = %scan3A_71 to %scan3A_73 step %scan3A_74  : i32 {
      %mul3A_164 = arith.constant 2 : i32
      %mul3A_165 = arith.muli %mul3A_164, %scan3A_163 : i32
      %dma_wait3A_166 = arith.constant 0 : i32
      %dma_wait3A_167 = arith.constant 0 : i32
      %dma_wait3A_168 = arith.constant 0 : i32
      %dma_wait3A_169 = arith.constant 0 : i32
      %dma_wait3A_170 = arith.constant 0 : i32
      %dma_wait3A_171 = tpu.memref_slice %arg10[%dma_wait3A_166, %dma_wait3A_169, %dma_wait3A_170] : memref<2x128x32xf32, #tpu.memory_space<vmem>> -> memref<1x128x32xf32, #tpu.memory_space<vmem>>
      %dma_wait3A_172 = tpu.memref_squeeze %dma_wait3A_171 : memref<1x128x32xf32, #tpu.memory_space<vmem>> -> memref<128x32xf32, #tpu.memory_space<vmem>>
      %dma_wait3A_173 = arith.constant 0 : i32
      %dma_wait3A_174 = arith.constant 0 : i32
      %dma_wait3A_175 = tpu.memref_slice %arg2[%dma_wait3A_173, %dma_wait3A_174] : memref<10000x32xf32, #tpu.memory_space<hbm>> -> memref<128x32xf32, #tpu.memory_space<hbm>>
      %dma_wait3A_176 = tpu.memref_slice %arg15[%dma_wait3A_167, %dma_wait3A_168] : memref<2x2x!tpu.dma_semaphore, #tpu.memory_space<semaphore_mem>> -> memref<1x1x!tpu.dma_semaphore, #tpu.memory_space<semaphore_mem>>
      %dma_wait3A_177 = tpu.memref_squeeze %dma_wait3A_176 : memref<1x1x!tpu.dma_semaphore, #tpu.memory_space<semaphore_mem>> -> memref<!tpu.dma_semaphore, #tpu.memory_space<semaphore_mem>>
      %dma_wait3A_178 = arith.constant 0 : i32
      %dma_wait3A_179 = arith.constant 0 : i32
      %dma_wait3A_180 = tpu.memref_slice %arg10[%dma_wait3A_166, %dma_wait3A_178, %dma_wait3A_179] : memref<2x128x32xf32, #tpu.memory_space<vmem>> -> memref<1x128x32xf32, #tpu.memory_space<vmem>>
      %dma_wait3A_181 = tpu.memref_squeeze %dma_wait3A_180 : memref<1x128x32xf32, #tpu.memory_space<vmem>> -> memref<128x32xf32, #tpu.memory_space<vmem>>
      %dma_wait3A_182 = arith.constant 0 : i32
      %dma_wait3A_183 = arith.constant 0 : i32
      %dma_wait3A_184 = tpu.memref_slice %arg2[%dma_wait3A_182, %dma_wait3A_183] : memref<10000x32xf32, #tpu.memory_space<hbm>> -> memref<128x32xf32, #tpu.memory_space<hbm>>
      tpu.wait_dma2 semaphore(%dma_wait3A_177 : memref<!tpu.dma_semaphore, #tpu.memory_space<semaphore_mem>>) src(%dma_wait3A_184 : memref<128x32xf32, #tpu.memory_space<hbm>>) dst(%dma_wait3A_181 : memref<128x32xf32, #tpu.memory_space<vmem>>)
      %dma_wait3A_185 = arith.constant 0 : i32
      %dma_wait3A_186 = arith.constant 0 : i32
      %dma_wait3A_187 = arith.constant 1 : i32
      %dma_wait3A_188 = arith.constant 0 : i32
      %dma_wait3A_189 = arith.constant 0 : i32
      %dma_wait3A_190 = tpu.memref_slice %arg11[%dma_wait3A_185, %dma_wait3A_188, %dma_wait3A_189] : memref<2x128x16xf32, #tpu.memory_space<vmem>> -> memref<1x128x16xf32, #tpu.memory_space<vmem>>
      %dma_wait3A_191 = tpu.memref_squeeze %dma_wait3A_190 : memref<1x128x16xf32, #tpu.memory_space<vmem>> -> memref<128x16xf32, #tpu.memory_space<vmem>>
      %dma_wait3A_192 = arith.constant 0 : i32
      %dma_wait3A_193 = arith.constant 0 : i32
      %dma_wait3A_194 = tpu.memref_slice %arg3[%dma_wait3A_192, %dma_wait3A_193] : memref<10016x16xf32, #tpu.memory_space<hbm>> -> memref<128x16xf32, #tpu.memory_space<hbm>>
      %dma_wait3A_195 = tpu.memref_slice %arg15[%dma_wait3A_186, %dma_wait3A_187] : memref<2x2x!tpu.dma_semaphore, #tpu.memory_space<semaphore_mem>> -> memref<1x1x!tpu.dma_semaphore, #tpu.memory_space<semaphore_mem>>
      %dma_wait3A_196 = tpu.memref_squeeze %dma_wait3A_195 : memref<1x1x!tpu.dma_semaphore, #tpu.memory_space<semaphore_mem>> -> memref<!tpu.dma_semaphore, #tpu.memory_space<semaphore_mem>>
      %dma_wait3A_197 = arith.constant 0 : i32
      %dma_wait3A_198 = arith.constant 0 : i32
      %dma_wait3A_199 = tpu.memref_slice %arg11[%dma_wait3A_185, %dma_wait3A_197, %dma_wait3A_198] : memref<2x128x16xf32, #tpu.memory_space<vmem>> -> memref<1x128x16xf32, #tpu.memory_space<vmem>>
      %dma_wait3A_200 = tpu.memref_squeeze %dma_wait3A_199 : memref<1x128x16xf32, #tpu.memory_space<vmem>> -> memref<128x16xf32, #tpu.memory_space<vmem>>
      %dma_wait3A_201 = arith.constant 0 : i32
      %dma_wait3A_202 = arith.constant 0 : i32
      %dma_wait3A_203 = tpu.memref_slice %arg3[%dma_wait3A_201, %dma_wait3A_202] : memref<10016x16xf32, #tpu.memory_space<hbm>> -> memref<128x16xf32, #tpu.memory_space<hbm>>
      tpu.wait_dma2 semaphore(%dma_wait3A_196 : memref<!tpu.dma_semaphore, #tpu.memory_space<semaphore_mem>>) src(%dma_wait3A_203 : memref<128x16xf32, #tpu.memory_space<hbm>>) dst(%dma_wait3A_200 : memref<128x16xf32, #tpu.memory_space<vmem>>)
      %add3A_204 = arith.constant 2 : i32
      %add3A_205 = arith.addi %mul3A_165, %add3A_204 : i32
      %add3A_206 = arith.addi %mul3A_2, %add3A_205 : i32
      %dma_start3A_207 = arith.constant 0 : i32
      %dma_start3A_208 = arith.constant 0 : i32
      %dma_start3A_209 = arith.constant 0 : i32
      %dma_start3A_210 = tpu.memref_slice %arg8[%dma_start3A_207, %dma_start3A_209] : memref<2x128xi32, #tpu.memory_space<vmem>> -> memref<1x128xi32, #tpu.memory_space<vmem>>
      %dma_start3A_211 = tpu.memref_squeeze %dma_start3A_210 : memref<1x128xi32, #tpu.memory_space<vmem>> -> memref<128xi32, #tpu.memory_space<vmem>>
      %dma_start3A_212 = arith.constant 0 : i32
      %dma_start3A_213 = tpu.memref_slice %arg4[%add3A_206, %dma_start3A_212] : memref<2706x128xi32, #tpu.memory_space<hbm>> -> memref<1x128xi32, #tpu.memory_space<hbm>>
      %dma_start3A_214 = tpu.memref_squeeze %dma_start3A_213 : memref<1x128xi32, #tpu.memory_space<hbm>> -> memref<128xi32, #tpu.memory_space<hbm>>
      %dma_start3A_215 = tpu.memref_slice %arg14[%dma_start3A_208] : memref<2x!tpu.dma_semaphore, #tpu.memory_space<semaphore_mem>> -> memref<1x!tpu.dma_semaphore, #tpu.memory_space<semaphore_mem>>
      %dma_start3A_216 = tpu.memref_squeeze %dma_start3A_215 : memref<1x!tpu.dma_semaphore, #tpu.memory_space<semaphore_mem>> -> memref<!tpu.dma_semaphore, #tpu.memory_space<semaphore_mem>>
      %dma_start3A_217 = arith.constant 0 : i32
      %dma_start3A_218 = tpu.memref_slice %arg8[%dma_start3A_207, %dma_start3A_217] : memref<2x128xi32, #tpu.memory_space<vmem>> -> memref<1x128xi32, #tpu.memory_space<vmem>>
      %dma_start3A_219 = tpu.memref_squeeze %dma_start3A_218 : memref<1x128xi32, #tpu.memory_space<vmem>> -> memref<128xi32, #tpu.memory_space<vmem>>
      %dma_start3A_220 = arith.constant 0 : i32
      %dma_start3A_221 = tpu.memref_slice %arg4[%add3A_206, %dma_start3A_220] : memref<2706x128xi32, #tpu.memory_space<hbm>> -> memref<1x128xi32, #tpu.memory_space<hbm>>
      %dma_start3A_222 = tpu.memref_squeeze %dma_start3A_221 : memref<1x128xi32, #tpu.memory_space<hbm>> -> memref<128xi32, #tpu.memory_space<hbm>>
      tpu.enqueue_dma source(%dma_start3A_222 : memref<128xi32, #tpu.memory_space<hbm>>) target(%dma_start3A_219 : memref<128xi32, #tpu.memory_space<vmem>>) target_semaphore(%dma_start3A_216 : memref<!tpu.dma_semaphore, #tpu.memory_space<semaphore_mem>>)
      %parallel_loop3A_223 = arith.constant 0 : i32
      %parallel_loop3A_224 = arith.constant 128 : i32
      %parallel_loop3A_225 = arith.constant 1 : i32
      scf.for %parallel_loop3A_388 = %parallel_loop3A_223 to %parallel_loop3A_224 step %parallel_loop3A_225  : i32 {
        %parallel_loop3A_389 = arith.constant 0 : i32
        %parallel_loop3A_390 = arith.index_cast %parallel_loop3A_389 : i32 to index
        %parallel_loop3A_391 = arith.index_cast %parallel_loop3A_388 : i32 to index
        %parallel_loop3A_392 = arith.constant 0 : index
        %parallel_loop3A_393 = tpu.vector_load %arg10[%parallel_loop3A_390, %parallel_loop3A_391, %parallel_loop3A_392] {strides = array<i32>} : memref<2x128x32xf32, #tpu.memory_space<vmem>>, vector<1x1x16xf32>,
        %parallel_loop3A_394 = vector.shape_cast %parallel_loop3A_393 : vector<1x1x16xf32> to vector<16xf32>
        %parallel_loop3A_395 = arith.constant 0 : i32
        %parallel_loop3A_396 = arith.index_cast %parallel_loop3A_395 : i32 to index
        %parallel_loop3A_397 = arith.index_cast %parallel_loop3A_388 : i32 to index
        %parallel_loop3A_398 = arith.constant 0 : index
        %parallel_loop3A_399 = tpu.vector_load %arg11[%parallel_loop3A_396, %parallel_loop3A_397, %parallel_loop3A_398] {strides = array<i32>} : memref<2x128x16xf32, #tpu.memory_space<vmem>>, vector<1x1x16xf32>,
        %parallel_loop3A_400 = vector.shape_cast %parallel_loop3A_399 : vector<1x1x16xf32> to vector<16xf32>
        %parallel_loop3A_401 = arith.addf %parallel_loop3A_394, %parallel_loop3A_400 : vector<16xf32>
        %parallel_loop3A_402 = arith.constant 2.000000e-01 : f32
        %parallel_loop3A_403 = vector.broadcast %parallel_loop3A_402 : f32 to vector<16xf32>
        %parallel_loop3A_404 = arith.mulf %parallel_loop3A_401, %parallel_loop3A_403 : vector<16xf32>
        %parallel_loop3A_405 = arith.maximumf %parallel_loop3A_401, %parallel_loop3A_404 : vector<16xf32>
        %parallel_loop3A_406 = math.exp %parallel_loop3A_405 : vector<16xf32>
        %parallel_loop3A_407 = arith.index_cast %parallel_loop3A_388 : i32 to index
        %parallel_loop3A_408 = arith.constant 0 : index
        %parallel_loop3A_409 = tpu.vector_load %arg12[%parallel_loop3A_407, %parallel_loop3A_408] {strides = array<i32>} : memref<128x32xf32, #tpu.memory_space<vmem>>, vector<1x16xf32>,
        %parallel_loop3A_410 = vector.shape_cast %parallel_loop3A_409 : vector<1x16xf32> to vector<16xf32>
        %parallel_loop3A_411 = vector.shape_cast %parallel_loop3A_406 : vector<16xf32> to vector<1x16xf32>
        tpu.vector_store %arg12[%parallel_loop3A_407, %parallel_loop3A_408], %parallel_loop3A_411 {strides = array<i32>} : memref<128x32xf32, #tpu.memory_space<vmem>>, vector<1x16xf32>,
        %parallel_loop3A_412 = arith.constant 0 : i32
        %parallel_loop3A_413 = arith.index_cast %parallel_loop3A_412 : i32 to index
        %parallel_loop3A_414 = arith.index_cast %parallel_loop3A_388 : i32 to index
        %parallel_loop3A_415 = arith.constant 16 : index
        %parallel_loop3A_416 = tpu.vector_load %arg10[%parallel_loop3A_413, %parallel_loop3A_414, %parallel_loop3A_415] {strides = array<i32>} : memref<2x128x32xf32, #tpu.memory_space<vmem>>, vector<1x1x16xf32>,
        %parallel_loop3A_417 = vector.shape_cast %parallel_loop3A_416 : vector<1x1x16xf32> to vector<16xf32>
        %parallel_loop3A_418 = arith.mulf %parallel_loop3A_417, %parallel_loop3A_406 : vector<16xf32>
        %parallel_loop3A_419 = arith.index_cast %parallel_loop3A_388 : i32 to index
        %parallel_loop3A_420 = arith.constant 16 : index
        %parallel_loop3A_421 = tpu.vector_load %arg12[%parallel_loop3A_419, %parallel_loop3A_420] {strides = array<i32>} : memref<128x32xf32, #tpu.memory_space<vmem>>, vector<1x16xf32>,
        %parallel_loop3A_422 = vector.shape_cast %parallel_loop3A_421 : vector<1x16xf32> to vector<16xf32>
        %parallel_loop3A_423 = vector.shape_cast %parallel_loop3A_418 : vector<16xf32> to vector<1x16xf32>
        tpu.vector_store %arg12[%parallel_loop3A_419, %parallel_loop3A_420], %parallel_loop3A_423 {strides = array<i32>} : memref<128x32xf32, #tpu.memory_space<vmem>>, vector<1x16xf32>,
      } {sc.loop_unroll_factor = 2 : i64, sc.parallel_access}
      "tpu.region"() ({
        %run_scoped3A_388 = tpu.sem_alloc : memref<!tpu.dma_semaphore, #tpu.memory_space<semaphore_mem>>
        %dma_start3A_389 = arith.constant 0 : i32
        %dma_start3A_390 = tpu.memref_slice %arg9[%mul3A_165, %dma_start3A_389] : memref<82x128xi32, #tpu.memory_space<vmem>> -> memref<1x128xi32, #tpu.memory_space<vmem>>
        %dma_start3A_391 = tpu.memref_squeeze %dma_start3A_390 : memref<1x128xi32, #tpu.memory_space<vmem>> -> memref<128xi32, #tpu.memory_space<vmem>>
        %dma_start3A_392 = arith.constant 0 : i32
        %dma_start3A_393 = arith.constant 0 : i32
        %dma_start3A_394 = tpu.memref_slice %arg13[%dma_start3A_392, %dma_start3A_393] : memref<10112x32xf32, #tpu.memory_space<vmem_shared>> -> memref<10112x32xf32, #tpu.memory_space<vmem_shared>>
        tpu.enqueue_indirect_dma source(%arg12 : memref<128x32xf32, #tpu.memory_space<vmem>>) target(%dma_start3A_394 : memref<10112x32xf32, #tpu.memory_space<vmem_shared>>) offsets(%dma_start3A_391 : memref<128xi32, #tpu.memory_space<vmem>>) semaphore(%run_scoped3A_388 : memref<!tpu.dma_semaphore, #tpu.memory_space<semaphore_mem>>) {add = true}
        %dma_wait3A_395 = arith.constant 0 : i32
        %dma_wait3A_396 = tpu.memref_slice %arg9[%mul3A_165, %dma_wait3A_395] : memref<82x128xi32, #tpu.memory_space<vmem>> -> memref<1x128xi32, #tpu.memory_space<vmem>>
        %dma_wait3A_397 = tpu.memref_squeeze %dma_wait3A_396 : memref<1x128xi32, #tpu.memory_space<vmem>> -> memref<128xi32, #tpu.memory_space<vmem>>
        %dma_wait3A_398 = arith.constant 0 : i32
        %dma_wait3A_399 = arith.constant 0 : i32
        %dma_wait3A_400 = tpu.memref_slice %arg13[%dma_wait3A_398, %dma_wait3A_399] : memref<10112x32xf32, #tpu.memory_space<vmem_shared>> -> memref<10112x32xf32, #tpu.memory_space<vmem_shared>>
        tpu.wait_indirect_dma semaphore(%run_scoped3A_388 : memref<!tpu.dma_semaphore, #tpu.memory_space<semaphore_mem>>) src(%arg12 : memref<128x32xf32, #tpu.memory_space<vmem>>) dst(%dma_wait3A_400 : memref<10112x32xf32, #tpu.memory_space<vmem_shared>>)
        tpu.yield
      }) : () -> ()
      %dma_wait3A_226 = arith.constant 0 : i32
      %dma_wait3A_227 = arith.constant 0 : i32
      %dma_wait3A_228 = arith.constant 0 : i32
      %dma_wait3A_229 = arith.constant 0 : i32
      %dma_wait3A_230 = tpu.memref_slice %arg8[%dma_wait3A_227, %dma_wait3A_229] : memref<2x128xi32, #tpu.memory_space<vmem>> -> memref<1x128xi32, #tpu.memory_space<vmem>>
      %dma_wait3A_231 = tpu.memref_squeeze %dma_wait3A_230 : memref<1x128xi32, #tpu.memory_space<vmem>> -> memref<128xi32, #tpu.memory_space<vmem>>
      %dma_wait3A_232 = arith.constant 0 : i32
      %dma_wait3A_233 = tpu.memref_slice %arg4[%dma_wait3A_226, %dma_wait3A_232] : memref<2706x128xi32, #tpu.memory_space<hbm>> -> memref<1x128xi32, #tpu.memory_space<hbm>>
      %dma_wait3A_234 = tpu.memref_squeeze %dma_wait3A_233 : memref<1x128xi32, #tpu.memory_space<hbm>> -> memref<128xi32, #tpu.memory_space<hbm>>
      %dma_wait3A_235 = tpu.memref_slice %arg14[%dma_wait3A_228] : memref<2x!tpu.dma_semaphore, #tpu.memory_space<semaphore_mem>> -> memref<1x!tpu.dma_semaphore, #tpu.memory_space<semaphore_mem>>
      %dma_wait3A_236 = tpu.memref_squeeze %dma_wait3A_235 : memref<1x!tpu.dma_semaphore, #tpu.memory_space<semaphore_mem>> -> memref<!tpu.dma_semaphore, #tpu.memory_space<semaphore_mem>>
      %dma_wait3A_237 = arith.constant 0 : i32
      %dma_wait3A_238 = tpu.memref_slice %arg8[%dma_wait3A_227, %dma_wait3A_237] : memref<2x128xi32, #tpu.memory_space<vmem>> -> memref<1x128xi32, #tpu.memory_space<vmem>>
      %dma_wait3A_239 = tpu.memref_squeeze %dma_wait3A_238 : memref<1x128xi32, #tpu.memory_space<vmem>> -> memref<128xi32, #tpu.memory_space<vmem>>
      %dma_wait3A_240 = arith.constant 0 : i32
      %dma_wait3A_241 = tpu.memref_slice %arg4[%dma_wait3A_226, %dma_wait3A_240] : memref<2706x128xi32, #tpu.memory_space<hbm>> -> memref<1x128xi32, #tpu.memory_space<hbm>>
      %dma_wait3A_242 = tpu.memref_squeeze %dma_wait3A_241 : memref<1x128xi32, #tpu.memory_space<hbm>> -> memref<128xi32, #tpu.memory_space<hbm>>
      tpu.wait_dma2 semaphore(%dma_wait3A_236 : memref<!tpu.dma_semaphore, #tpu.memory_space<semaphore_mem>>) src(%dma_wait3A_242 : memref<128xi32, #tpu.memory_space<hbm>>) dst(%dma_wait3A_239 : memref<128xi32, #tpu.memory_space<vmem>>)
      %add3A_243 = arith.constant 2 : i32
      %add3A_244 = arith.addi %mul3A_165, %add3A_243 : i32
      %dma_start3A_245 = arith.constant 0 : i32
      %dma_start3A_246 = arith.constant 0 : i32
      %dma_start3A_247 = arith.constant 0 : i32
      %dma_start3A_248 = arith.constant 0 : i32
      %dma_start3A_249 = arith.constant 0 : i32
      %dma_start3A_250 = arith.constant 0 : i32
      %dma_start3A_251 = tpu.memref_slice %arg10[%dma_start3A_246, %dma_start3A_249, %dma_start3A_250] : memref<2x128x32xf32, #tpu.memory_space<vmem>> -> memref<1x128x32xf32, #tpu.memory_space<vmem>>
      %dma_start3A_252 = tpu.memref_squeeze %dma_start3A_251 : memref<1x128x32xf32, #tpu.memory_space<vmem>> -> memref<128x32xf32, #tpu.memory_space<vmem>>
      %dma_start3A_253 = arith.constant 0 : i32
      %dma_start3A_254 = tpu.memref_slice %arg8[%dma_start3A_245, %dma_start3A_253] : memref<2x128xi32, #tpu.memory_space<vmem>> -> memref<1x128xi32, #tpu.memory_space<vmem>>
      %dma_start3A_255 = tpu.memref_squeeze %dma_start3A_254 : memref<1x128xi32, #tpu.memory_space<vmem>> -> memref<128xi32, #tpu.memory_space<vmem>>
      %dma_start3A_256 = arith.constant 0 : i32
      %dma_start3A_257 = arith.constant 0 : i32
      %dma_start3A_258 = tpu.memref_slice %arg2[%dma_start3A_256, %dma_start3A_257] : memref<10000x32xf32, #tpu.memory_space<hbm>> -> memref<10000x32xf32, #tpu.memory_space<hbm>>
      %dma_start3A_259 = tpu.memref_slice %arg15[%dma_start3A_247, %dma_start3A_248] : memref<2x2x!tpu.dma_semaphore, #tpu.memory_space<semaphore_mem>> -> memref<1x1x!tpu.dma_semaphore, #tpu.memory_space<semaphore_mem>>
      %dma_start3A_260 = tpu.memref_squeeze %dma_start3A_259 : memref<1x1x!tpu.dma_semaphore, #tpu.memory_space<semaphore_mem>> -> memref<!tpu.dma_semaphore, #tpu.memory_space<semaphore_mem>>
      tpu.enqueue_indirect_dma source(%dma_start3A_258 : memref<10000x32xf32, #tpu.memory_space<hbm>>) target(%dma_start3A_252 : memref<128x32xf32, #tpu.memory_space<vmem>>) offsets(%dma_start3A_255 : memref<128xi32, #tpu.memory_space<vmem>>) semaphore(%dma_start3A_260 : memref<!tpu.dma_semaphore, #tpu.memory_space<semaphore_mem>>)
      %dma_start3A_261 = arith.constant 0 : i32
      %dma_start3A_262 = arith.constant 0 : i32
      %dma_start3A_263 = arith.constant 1 : i32
      %dma_start3A_264 = arith.constant 0 : i32
      %dma_start3A_265 = arith.constant 0 : i32
      %dma_start3A_266 = tpu.memref_slice %arg11[%dma_start3A_261, %dma_start3A_264, %dma_start3A_265] : memref<2x128x16xf32, #tpu.memory_space<vmem>> -> memref<1x128x16xf32, #tpu.memory_space<vmem>>
      %dma_start3A_267 = tpu.memref_squeeze %dma_start3A_266 : memref<1x128x16xf32, #tpu.memory_space<vmem>> -> memref<128x16xf32, #tpu.memory_space<vmem>>
      %dma_start3A_268 = arith.constant 0 : i32
      %dma_start3A_269 = tpu.memref_slice %arg9[%add3A_244, %dma_start3A_268] : memref<82x128xi32, #tpu.memory_space<vmem>> -> memref<1x128xi32, #tpu.memory_space<vmem>>
      %dma_start3A_270 = tpu.memref_squeeze %dma_start3A_269 : memref<1x128xi32, #tpu.memory_space<vmem>> -> memref<128xi32, #tpu.memory_space<vmem>>
      %dma_start3A_271 = arith.constant 0 : i32
      %dma_start3A_272 = arith.constant 0 : i32
      %dma_start3A_273 = tpu.memref_slice %arg3[%dma_start3A_271, %dma_start3A_272] : memref<10016x16xf32, #tpu.memory_space<hbm>> -> memref<10016x16xf32, #tpu.memory_space<hbm>>
      %dma_start3A_274 = tpu.memref_slice %arg15[%dma_start3A_262, %dma_start3A_263] : memref<2x2x!tpu.dma_semaphore, #tpu.memory_space<semaphore_mem>> -> memref<1x1x!tpu.dma_semaphore, #tpu.memory_space<semaphore_mem>>
      %dma_start3A_275 = tpu.memref_squeeze %dma_start3A_274 : memref<1x1x!tpu.dma_semaphore, #tpu.memory_space<semaphore_mem>> -> memref<!tpu.dma_semaphore, #tpu.memory_space<semaphore_mem>>
      tpu.enqueue_indirect_dma source(%dma_start3A_273 : memref<10016x16xf32, #tpu.memory_space<hbm>>) target(%dma_start3A_267 : memref<128x16xf32, #tpu.memory_space<vmem>>) offsets(%dma_start3A_270 : memref<128xi32, #tpu.memory_space<vmem>>) semaphore(%dma_start3A_275 : memref<!tpu.dma_semaphore, #tpu.memory_space<semaphore_mem>>)
      %dma_wait3A_276 = arith.constant 1 : i32
      %dma_wait3A_277 = arith.constant 1 : i32
      %dma_wait3A_278 = arith.constant 0 : i32
      %dma_wait3A_279 = arith.constant 0 : i32
      %dma_wait3A_280 = arith.constant 0 : i32
      %dma_wait3A_281 = tpu.memref_slice %arg10[%dma_wait3A_276, %dma_wait3A_279, %dma_wait3A_280] : memref<2x128x32xf32, #tpu.memory_space<vmem>> -> memref<1x128x32xf32, #tpu.memory_space<vmem>>
      %dma_wait3A_282 = tpu.memref_squeeze %dma_wait3A_281 : memref<1x128x32xf32, #tpu.memory_space<vmem>> -> memref<128x32xf32, #tpu.memory_space<vmem>>
      %dma_wait3A_283 = arith.constant 0 : i32
      %dma_wait3A_284 = arith.constant 0 : i32
      %dma_wait3A_285 = tpu.memref_slice %arg2[%dma_wait3A_283, %dma_wait3A_284] : memref<10000x32xf32, #tpu.memory_space<hbm>> -> memref<128x32xf32, #tpu.memory_space<hbm>>
      %dma_wait3A_286 = tpu.memref_slice %arg15[%dma_wait3A_277, %dma_wait3A_278] : memref<2x2x!tpu.dma_semaphore, #tpu.memory_space<semaphore_mem>> -> memref<1x1x!tpu.dma_semaphore, #tpu.memory_space<semaphore_mem>>
      %dma_wait3A_287 = tpu.memref_squeeze %dma_wait3A_286 : memref<1x1x!tpu.dma_semaphore, #tpu.memory_space<semaphore_mem>> -> memref<!tpu.dma_semaphore, #tpu.memory_space<semaphore_mem>>
      %dma_wait3A_288 = arith.constant 0 : i32
      %dma_wait3A_289 = arith.constant 0 : i32
      %dma_wait3A_290 = tpu.memref_slice %arg10[%dma_wait3A_276, %dma_wait3A_288, %dma_wait3A_289] : memref<2x128x32xf32, #tpu.memory_space<vmem>> -> memref<1x128x32xf32, #tpu.memory_space<vmem>>
      %dma_wait3A_291 = tpu.memref_squeeze %dma_wait3A_290 : memref<1x128x32xf32, #tpu.memory_space<vmem>> -> memref<128x32xf32, #tpu.memory_space<vmem>>
      %dma_wait3A_292 = arith.constant 0 : i32
      %dma_wait3A_293 = arith.constant 0 : i32
      %dma_wait3A_294 = tpu.memref_slice %arg2[%dma_wait3A_292, %dma_wait3A_293] : memref<10000x32xf32, #tpu.memory_space<hbm>> -> memref<128x32xf32, #tpu.memory_space<hbm>>
      tpu.wait_dma2 semaphore(%dma_wait3A_287 : memref<!tpu.dma_semaphore, #tpu.memory_space<semaphore_mem>>) src(%dma_wait3A_294 : memref<128x32xf32, #tpu.memory_space<hbm>>) dst(%dma_wait3A_291 : memref<128x32xf32, #tpu.memory_space<vmem>>)
      %dma_wait3A_295 = arith.constant 1 : i32
      %dma_wait3A_296 = arith.constant 1 : i32
      %dma_wait3A_297 = arith.constant 1 : i32
      %dma_wait3A_298 = arith.constant 0 : i32
      %dma_wait3A_299 = arith.constant 0 : i32
      %dma_wait3A_300 = tpu.memref_slice %arg11[%dma_wait3A_295, %dma_wait3A_298, %dma_wait3A_299] : memref<2x128x16xf32, #tpu.memory_space<vmem>> -> memref<1x128x16xf32, #tpu.memory_space<vmem>>
      %dma_wait3A_301 = tpu.memref_squeeze %dma_wait3A_300 : memref<1x128x16xf32, #tpu.memory_space<vmem>> -> memref<128x16xf32, #tpu.memory_space<vmem>>
      %dma_wait3A_302 = arith.constant 0 : i32
      %dma_wait3A_303 = arith.constant 0 : i32
      %dma_wait3A_304 = tpu.memref_slice %arg3[%dma_wait3A_302, %dma_wait3A_303] : memref<10016x16xf32, #tpu.memory_space<hbm>> -> memref<128x16xf32, #tpu.memory_space<hbm>>
      %dma_wait3A_305 = tpu.memref_slice %arg15[%dma_wait3A_296, %dma_wait3A_297] : memref<2x2x!tpu.dma_semaphore, #tpu.memory_space<semaphore_mem>> -> memref<1x1x!tpu.dma_semaphore, #tpu.memory_space<semaphore_mem>>
      %dma_wait3A_306 = tpu.memref_squeeze %dma_wait3A_305 : memref<1x1x!tpu.dma_semaphore, #tpu.memory_space<semaphore_mem>> -> memref<!tpu.dma_semaphore, #tpu.memory_space<semaphore_mem>>
      %dma_wait3A_307 = arith.constant 0 : i32
      %dma_wait3A_308 = arith.constant 0 : i32
      %dma_wait3A_309 = tpu.memref_slice %arg11[%dma_wait3A_295, %dma_wait3A_307, %dma_wait3A_308] : memref<2x128x16xf32, #tpu.memory_space<vmem>> -> memref<1x128x16xf32, #tpu.memory_space<vmem>>
      %dma_wait3A_310 = tpu.memref_squeeze %dma_wait3A_309 : memref<1x128x16xf32, #tpu.memory_space<vmem>> -> memref<128x16xf32, #tpu.memory_space<vmem>>
      %dma_wait3A_311 = arith.constant 0 : i32
      %dma_wait3A_312 = arith.constant 0 : i32
      %dma_wait3A_313 = tpu.memref_slice %arg3[%dma_wait3A_311, %dma_wait3A_312] : memref<10016x16xf32, #tpu.memory_space<hbm>> -> memref<128x16xf32, #tpu.memory_space<hbm>>
      tpu.wait_dma2 semaphore(%dma_wait3A_306 : memref<!tpu.dma_semaphore, #tpu.memory_space<semaphore_mem>>) src(%dma_wait3A_313 : memref<128x16xf32, #tpu.memory_space<hbm>>) dst(%dma_wait3A_310 : memref<128x16xf32, #tpu.memory_space<vmem>>)
      %add3A_314 = arith.constant 3 : i32
      %add3A_315 = arith.addi %mul3A_165, %add3A_314 : i32
      %add3A_316 = arith.addi %mul3A_2, %add3A_315 : i32
      %dma_start3A_317 = arith.constant 1 : i32
      %dma_start3A_318 = arith.constant 1 : i32
      %dma_start3A_319 = arith.constant 0 : i32
      %dma_start3A_320 = tpu.memref_slice %arg8[%dma_start3A_317, %dma_start3A_319] : memref<2x128xi32, #tpu.memory_space<vmem>> -> memref<1x128xi32, #tpu.memory_space<vmem>>
      %dma_start3A_321 = tpu.memref_squeeze %dma_start3A_320 : memref<1x128xi32, #tpu.memory_space<vmem>> -> memref<128xi32, #tpu.memory_space<vmem>>
      %dma_start3A_322 = arith.constant 0 : i32
      %dma_start3A_323 = tpu.memref_slice %arg4[%add3A_316, %dma_start3A_322] : memref<2706x128xi32, #tpu.memory_space<hbm>> -> memref<1x128xi32, #tpu.memory_space<hbm>>
      %dma_start3A_324 = tpu.memref_squeeze %dma_start3A_323 : memref<1x128xi32, #tpu.memory_space<hbm>> -> memref<128xi32, #tpu.memory_space<hbm>>
      %dma_start3A_325 = tpu.memref_slice %arg14[%dma_start3A_318] : memref<2x!tpu.dma_semaphore, #tpu.memory_space<semaphore_mem>> -> memref<1x!tpu.dma_semaphore, #tpu.memory_space<semaphore_mem>>
      %dma_start3A_326 = tpu.memref_squeeze %dma_start3A_325 : memref<1x!tpu.dma_semaphore, #tpu.memory_space<semaphore_mem>> -> memref<!tpu.dma_semaphore, #tpu.memory_space<semaphore_mem>>
      %dma_start3A_327 = arith.constant 0 : i32
      %dma_start3A_328 = tpu.memref_slice %arg8[%dma_start3A_317, %dma_start3A_327] : memref<2x128xi32, #tpu.memory_space<vmem>> -> memref<1x128xi32, #tpu.memory_space<vmem>>
      %dma_start3A_329 = tpu.memref_squeeze %dma_start3A_328 : memref<1x128xi32, #tpu.memory_space<vmem>> -> memref<128xi32, #tpu.memory_space<vmem>>
      %dma_start3A_330 = arith.constant 0 : i32
      %dma_start3A_331 = tpu.memref_slice %arg4[%add3A_316, %dma_start3A_330] : memref<2706x128xi32, #tpu.memory_space<hbm>> -> memref<1x128xi32, #tpu.memory_space<hbm>>
      %dma_start3A_332 = tpu.memref_squeeze %dma_start3A_331 : memref<1x128xi32, #tpu.memory_space<hbm>> -> memref<128xi32, #tpu.memory_space<hbm>>
      tpu.enqueue_dma source(%dma_start3A_332 : memref<128xi32, #tpu.memory_space<hbm>>) target(%dma_start3A_329 : memref<128xi32, #tpu.memory_space<vmem>>) target_semaphore(%dma_start3A_326 : memref<!tpu.dma_semaphore, #tpu.memory_space<semaphore_mem>>)
      %add3A_333 = arith.constant 1 : i32
      %add3A_334 = arith.addi %mul3A_165, %add3A_333 : i32
      %parallel_loop3A_335 = arith.constant 0 : i32
      %parallel_loop3A_336 = arith.constant 128 : i32
      %parallel_loop3A_337 = arith.constant 1 : i32
      scf.for %parallel_loop3A_388 = %parallel_loop3A_335 to %parallel_loop3A_336 step %parallel_loop3A_337  : i32 {
        %parallel_loop3A_389 = arith.constant 1 : i32
        %parallel_loop3A_390 = arith.index_cast %parallel_loop3A_389 : i32 to index
        %parallel_loop3A_391 = arith.index_cast %parallel_loop3A_388 : i32 to index
        %parallel_loop3A_392 = arith.constant 0 : index
        %parallel_loop3A_393 = tpu.vector_load %arg10[%parallel_loop3A_390, %parallel_loop3A_391, %parallel_loop3A_392] {strides = array<i32>} : memref<2x128x32xf32, #tpu.memory_space<vmem>>, vector<1x1x16xf32>,
        %parallel_loop3A_394 = vector.shape_cast %parallel_loop3A_393 : vector<1x1x16xf32> to vector<16xf32>
        %parallel_loop3A_395 = arith.constant 1 : i32
        %parallel_loop3A_396 = arith.index_cast %parallel_loop3A_395 : i32 to index
        %parallel_loop3A_397 = arith.index_cast %parallel_loop3A_388 : i32 to index
        %parallel_loop3A_398 = arith.constant 0 : index
        %parallel_loop3A_399 = tpu.vector_load %arg11[%parallel_loop3A_396, %parallel_loop3A_397, %parallel_loop3A_398] {strides = array<i32>} : memref<2x128x16xf32, #tpu.memory_space<vmem>>, vector<1x1x16xf32>,
        %parallel_loop3A_400 = vector.shape_cast %parallel_loop3A_399 : vector<1x1x16xf32> to vector<16xf32>
        %parallel_loop3A_401 = arith.addf %parallel_loop3A_394, %parallel_loop3A_400 : vector<16xf32>
        %parallel_loop3A_402 = arith.constant 2.000000e-01 : f32
        %parallel_loop3A_403 = vector.broadcast %parallel_loop3A_402 : f32 to vector<16xf32>
        %parallel_loop3A_404 = arith.mulf %parallel_loop3A_401, %parallel_loop3A_403 : vector<16xf32>
        %parallel_loop3A_405 = arith.maximumf %parallel_loop3A_401, %parallel_loop3A_404 : vector<16xf32>
        %parallel_loop3A_406 = math.exp %parallel_loop3A_405 : vector<16xf32>
        %parallel_loop3A_407 = arith.index_cast %parallel_loop3A_388 : i32 to index
        %parallel_loop3A_408 = arith.constant 0 : index
        %parallel_loop3A_409 = tpu.vector_load %arg12[%parallel_loop3A_407, %parallel_loop3A_408] {strides = array<i32>} : memref<128x32xf32, #tpu.memory_space<vmem>>, vector<1x16xf32>,
        %parallel_loop3A_410 = vector.shape_cast %parallel_loop3A_409 : vector<1x16xf32> to vector<16xf32>
        %parallel_loop3A_411 = vector.shape_cast %parallel_loop3A_406 : vector<16xf32> to vector<1x16xf32>
        tpu.vector_store %arg12[%parallel_loop3A_407, %parallel_loop3A_408], %parallel_loop3A_411 {strides = array<i32>} : memref<128x32xf32, #tpu.memory_space<vmem>>, vector<1x16xf32>,
        %parallel_loop3A_412 = arith.constant 1 : i32
        %parallel_loop3A_413 = arith.index_cast %parallel_loop3A_412 : i32 to index
        %parallel_loop3A_414 = arith.index_cast %parallel_loop3A_388 : i32 to index
        %parallel_loop3A_415 = arith.constant 16 : index
        %parallel_loop3A_416 = tpu.vector_load %arg10[%parallel_loop3A_413, %parallel_loop3A_414, %parallel_loop3A_415] {strides = array<i32>} : memref<2x128x32xf32, #tpu.memory_space<vmem>>, vector<1x1x16xf32>,
        %parallel_loop3A_417 = vector.shape_cast %parallel_loop3A_416 : vector<1x1x16xf32> to vector<16xf32>
        %parallel_loop3A_418 = arith.mulf %parallel_loop3A_417, %parallel_loop3A_406 : vector<16xf32>
        %parallel_loop3A_419 = arith.index_cast %parallel_loop3A_388 : i32 to index
        %parallel_loop3A_420 = arith.constant 16 : index
        %parallel_loop3A_421 = tpu.vector_load %arg12[%parallel_loop3A_419, %parallel_loop3A_420] {strides = array<i32>} : memref<128x32xf32, #tpu.memory_space<vmem>>, vector<1x16xf32>,
        %parallel_loop3A_422 = vector.shape_cast %parallel_loop3A_421 : vector<1x16xf32> to vector<16xf32>
        %parallel_loop3A_423 = vector.shape_cast %parallel_loop3A_418 : vector<16xf32> to vector<1x16xf32>
        tpu.vector_store %arg12[%parallel_loop3A_419, %parallel_loop3A_420], %parallel_loop3A_423 {strides = array<i32>} : memref<128x32xf32, #tpu.memory_space<vmem>>, vector<1x16xf32>,
      } {sc.loop_unroll_factor = 2 : i64, sc.parallel_access}
      "tpu.region"() ({
        %run_scoped3A_388 = tpu.sem_alloc : memref<!tpu.dma_semaphore, #tpu.memory_space<semaphore_mem>>
        %dma_start3A_389 = arith.constant 0 : i32
        %dma_start3A_390 = tpu.memref_slice %arg9[%add3A_334, %dma_start3A_389] : memref<82x128xi32, #tpu.memory_space<vmem>> -> memref<1x128xi32, #tpu.memory_space<vmem>>
        %dma_start3A_391 = tpu.memref_squeeze %dma_start3A_390 : memref<1x128xi32, #tpu.memory_space<vmem>> -> memref<128xi32, #tpu.memory_space<vmem>>
        %dma_start3A_392 = arith.constant 0 : i32
        %dma_start3A_393 = arith.constant 0 : i32
        %dma_start3A_394 = tpu.memref_slice %arg13[%dma_start3A_392, %dma_start3A_393] : memref<10112x32xf32, #tpu.memory_space<vmem_shared>> -> memref<10112x32xf32, #tpu.memory_space<vmem_shared>>
        tpu.enqueue_indirect_dma source(%arg12 : memref<128x32xf32, #tpu.memory_space<vmem>>) target(%dma_start3A_394 : memref<10112x32xf32, #tpu.memory_space<vmem_shared>>) offsets(%dma_start3A_391 : memref<128xi32, #tpu.memory_space<vmem>>) semaphore(%run_scoped3A_388 : memref<!tpu.dma_semaphore, #tpu.memory_space<semaphore_mem>>) {add = true}
        %dma_wait3A_395 = arith.constant 0 : i32
        %dma_wait3A_396 = tpu.memref_slice %arg9[%add3A_334, %dma_wait3A_395] : memref<82x128xi32, #tpu.memory_space<vmem>> -> memref<1x128xi32, #tpu.memory_space<vmem>>
        %dma_wait3A_397 = tpu.memref_squeeze %dma_wait3A_396 : memref<1x128xi32, #tpu.memory_space<vmem>> -> memref<128xi32, #tpu.memory_space<vmem>>
        %dma_wait3A_398 = arith.constant 0 : i32
        %dma_wait3A_399 = arith.constant 0 : i32
        %dma_wait3A_400 = tpu.memref_slice %arg13[%dma_wait3A_398, %dma_wait3A_399] : memref<10112x32xf32, #tpu.memory_space<vmem_shared>> -> memref<10112x32xf32, #tpu.memory_space<vmem_shared>>
        tpu.wait_indirect_dma semaphore(%run_scoped3A_388 : memref<!tpu.dma_semaphore, #tpu.memory_space<semaphore_mem>>) src(%arg12 : memref<128x32xf32, #tpu.memory_space<vmem>>) dst(%dma_wait3A_400 : memref<10112x32xf32, #tpu.memory_space<vmem_shared>>)
        tpu.yield
      }) : () -> ()
      %dma_wait3A_338 = arith.constant 0 : i32
      %dma_wait3A_339 = arith.constant 1 : i32
      %dma_wait3A_340 = arith.constant 1 : i32
      %dma_wait3A_341 = arith.constant 0 : i32
      %dma_wait3A_342 = tpu.memref_slice %arg8[%dma_wait3A_339, %dma_wait3A_341] : memref<2x128xi32, #tpu.memory_space<vmem>> -> memref<1x128xi32, #tpu.memory_space<vmem>>
      %dma_wait3A_343 = tpu.memref_squeeze %dma_wait3A_342 : memref<1x128xi32, #tpu.memory_space<vmem>> -> memref<128xi32, #tpu.memory_space<vmem>>
      %dma_wait3A_344 = arith.constant 0 : i32
      %dma_wait3A_345 = tpu.memref_slice %arg4[%dma_wait3A_338, %dma_wait3A_344] : memref<2706x128xi32, #tpu.memory_space<hbm>> -> memref<1x128xi32, #tpu.memory_space<hbm>>
      %dma_wait3A_346 = tpu.memref_squeeze %dma_wait3A_345 : memref<1x128xi32, #tpu.memory_space<hbm>> -> memref<128xi32, #tpu.memory_space<hbm>>
      %dma_wait3A_347 = tpu.memref_slice %arg14[%dma_wait3A_340] : memref<2x!tpu.dma_semaphore, #tpu.memory_space<semaphore_mem>> -> memref<1x!tpu.dma_semaphore, #tpu.memory_space<semaphore_mem>>
      %dma_wait3A_348 = tpu.memref_squeeze %dma_wait3A_347 : memref<1x!tpu.dma_semaphore, #tpu.memory_space<semaphore_mem>> -> memref<!tpu.dma_semaphore, #tpu.memory_space<semaphore_mem>>
      %dma_wait3A_349 = arith.constant 0 : i32
      %dma_wait3A_350 = tpu.memref_slice %arg8[%dma_wait3A_339, %dma_wait3A_349] : memref<2x128xi32, #tpu.memory_space<vmem>> -> memref<1x128xi32, #tpu.memory_space<vmem>>
      %dma_wait3A_351 = tpu.memref_squeeze %dma_wait3A_350 : memref<1x128xi32, #tpu.memory_space<vmem>> -> memref<128xi32, #tpu.memory_space<vmem>>
      %dma_wait3A_352 = arith.constant 0 : i32
      %dma_wait3A_353 = tpu.memref_slice %arg4[%dma_wait3A_338, %dma_wait3A_352] : memref<2706x128xi32, #tpu.memory_space<hbm>> -> memref<1x128xi32, #tpu.memory_space<hbm>>
      %dma_wait3A_354 = tpu.memref_squeeze %dma_wait3A_353 : memref<1x128xi32, #tpu.memory_space<hbm>> -> memref<128xi32, #tpu.memory_space<hbm>>
      tpu.wait_dma2 semaphore(%dma_wait3A_348 : memref<!tpu.dma_semaphore, #tpu.memory_space<semaphore_mem>>) src(%dma_wait3A_354 : memref<128xi32, #tpu.memory_space<hbm>>) dst(%dma_wait3A_351 : memref<128xi32, #tpu.memory_space<vmem>>)
      %add3A_355 = arith.constant 3 : i32
      %add3A_356 = arith.addi %mul3A_165, %add3A_355 : i32
      %dma_start3A_357 = arith.constant 1 : i32
      %dma_start3A_358 = arith.constant 1 : i32
      %dma_start3A_359 = arith.constant 1 : i32
      %dma_start3A_360 = arith.constant 0 : i32
      %dma_start3A_361 = arith.constant 0 : i32
      %dma_start3A_362 = arith.constant 0 : i32
      %dma_start3A_363 = tpu.memref_slice %arg10[%dma_start3A_358, %dma_start3A_361, %dma_start3A_362] : memref<2x128x32xf32, #tpu.memory_space<vmem>> -> memref<1x128x32xf32, #tpu.memory_space<vmem>>
      %dma_start3A_364 = tpu.memref_squeeze %dma_start3A_363 : memref<1x128x32xf32, #tpu.memory_space<vmem>> -> memref<128x32xf32, #tpu.memory_space<vmem>>
      %dma_start3A_365 = arith.constant 0 : i32
      %dma_start3A_366 = tpu.memref_slice %arg8[%dma_start3A_357, %dma_start3A_365] : memref<2x128xi32, #tpu.memory_space<vmem>> -> memref<1x128xi32, #tpu.memory_space<vmem>>
      %dma_start3A_367 = tpu.memref_squeeze %dma_start3A_366 : memref<1x128xi32, #tpu.memory_space<vmem>> -> memref<128xi32, #tpu.memory_space<vmem>>
      %dma_start3A_368 = arith.constant 0 : i32
      %dma_start3A_369 = arith.constant 0 : i32
      %dma_start3A_370 = tpu.memref_slice %arg2[%dma_start3A_368, %dma_start3A_369] : memref<10000x32xf32, #tpu.memory_space<hbm>> -> memref<10000x32xf32, #tpu.memory_space<hbm>>
      %dma_start3A_371 = tpu.memref_slice %arg15[%dma_start3A_359, %dma_start3A_360] : memref<2x2x!tpu.dma_semaphore, #tpu.memory_space<semaphore_mem>> -> memref<1x1x!tpu.dma_semaphore, #tpu.memory_space<semaphore_mem>>
      %dma_start3A_372 = tpu.memref_squeeze %dma_start3A_371 : memref<1x1x!tpu.dma_semaphore, #tpu.memory_space<semaphore_mem>> -> memref<!tpu.dma_semaphore, #tpu.memory_space<semaphore_mem>>
      tpu.enqueue_indirect_dma source(%dma_start3A_370 : memref<10000x32xf32, #tpu.memory_space<hbm>>) target(%dma_start3A_364 : memref<128x32xf32, #tpu.memory_space<vmem>>) offsets(%dma_start3A_367 : memref<128xi32, #tpu.memory_space<vmem>>) semaphore(%dma_start3A_372 : memref<!tpu.dma_semaphore, #tpu.memory_space<semaphore_mem>>)
      %dma_start3A_373 = arith.constant 1 : i32
      %dma_start3A_374 = arith.constant 1 : i32
      %dma_start3A_375 = arith.constant 1 : i32
      %dma_start3A_376 = arith.constant 0 : i32
      %dma_start3A_377 = arith.constant 0 : i32
      %dma_start3A_378 = tpu.memref_slice %arg11[%dma_start3A_373, %dma_start3A_376, %dma_start3A_377] : memref<2x128x16xf32, #tpu.memory_space<vmem>> -> memref<1x128x16xf32, #tpu.memory_space<vmem>>
      %dma_start3A_379 = tpu.memref_squeeze %dma_start3A_378 : memref<1x128x16xf32, #tpu.memory_space<vmem>> -> memref<128x16xf32, #tpu.memory_space<vmem>>
      %dma_start3A_380 = arith.constant 0 : i32
      %dma_start3A_381 = tpu.memref_slice %arg9[%add3A_356, %dma_start3A_380] : memref<82x128xi32, #tpu.memory_space<vmem>> -> memref<1x128xi32, #tpu.memory_space<vmem>>
      %dma_start3A_382 = tpu.memref_squeeze %dma_start3A_381 : memref<1x128xi32, #tpu.memory_space<vmem>> -> memref<128xi32, #tpu.memory_space<vmem>>
      %dma_start3A_383 = arith.constant 0 : i32
      %dma_start3A_384 = arith.constant 0 : i32
      %dma_start3A_385 = tpu.memref_slice %arg3[%dma_start3A_383, %dma_start3A_384] : memref<10016x16xf32, #tpu.memory_space<hbm>> -> memref<10016x16xf32, #tpu.memory_space<hbm>>
      %dma_start3A_386 = tpu.memref_slice %arg15[%dma_start3A_374, %dma_start3A_375] : memref<2x2x!tpu.dma_semaphore, #tpu.memory_space<semaphore_mem>> -> memref<1x1x!tpu.dma_semaphore, #tpu.memory_space<semaphore_mem>>
      %dma_start3A_387 = tpu.memref_squeeze %dma_start3A_386 : memref<1x1x!tpu.dma_semaphore, #tpu.memory_space<semaphore_mem>> -> memref<!tpu.dma_semaphore, #tpu.memory_space<semaphore_mem>>
      tpu.enqueue_indirect_dma source(%dma_start3A_385 : memref<10016x16xf32, #tpu.memory_space<hbm>>) target(%dma_start3A_379 : memref<128x16xf32, #tpu.memory_space<vmem>>) offsets(%dma_start3A_382 : memref<128xi32, #tpu.memory_space<vmem>>) semaphore(%dma_start3A_387 : memref<!tpu.dma_semaphore, #tpu.memory_space<semaphore_mem>>)
    }
    %scan3A_75 = arith.constant 40 : i32
    %dma_wait3A = arith.constant 0 : i32
    %dma_wait3A_76 = arith.constant 0 : i32
    %dma_wait3A_77 = arith.constant 0 : i32
    %dma_wait3A_78 = arith.constant 0 : i32
    %dma_wait3A_79 = arith.constant 0 : i32
    %dma_wait3A_80 = tpu.memref_slice %arg10[%dma_wait3A, %dma_wait3A_78, %dma_wait3A_79] : memref<2x128x32xf32, #tpu.memory_space<vmem>> -> memref<1x128x32xf32, #tpu.memory_space<vmem>>
    %dma_wait3A_81 = tpu.memref_squeeze %dma_wait3A_80 : memref<1x128x32xf32, #tpu.memory_space<vmem>> -> memref<128x32xf32, #tpu.memory_space<vmem>>
    %dma_wait3A_82 = arith.constant 0 : i32
    %dma_wait3A_83 = arith.constant 0 : i32
    %dma_wait3A_84 = tpu.memref_slice %arg2[%dma_wait3A_82, %dma_wait3A_83] : memref<10000x32xf32, #tpu.memory_space<hbm>> -> memref<128x32xf32, #tpu.memory_space<hbm>>
    %dma_wait3A_85 = tpu.memref_slice %arg15[%dma_wait3A_76, %dma_wait3A_77] : memref<2x2x!tpu.dma_semaphore, #tpu.memory_space<semaphore_mem>> -> memref<1x1x!tpu.dma_semaphore, #tpu.memory_space<semaphore_mem>>
    %dma_wait3A_86 = tpu.memref_squeeze %dma_wait3A_85 : memref<1x1x!tpu.dma_semaphore, #tpu.memory_space<semaphore_mem>> -> memref<!tpu.dma_semaphore, #tpu.memory_space<semaphore_mem>>
    %dma_wait3A_87 = arith.constant 0 : i32
    %dma_wait3A_88 = arith.constant 0 : i32
    %dma_wait3A_89 = tpu.memref_slice %arg10[%dma_wait3A, %dma_wait3A_87, %dma_wait3A_88] : memref<2x128x32xf32, #tpu.memory_space<vmem>> -> memref<1x128x32xf32, #tpu.memory_space<vmem>>
    %dma_wait3A_90 = tpu.memref_squeeze %dma_wait3A_89 : memref<1x128x32xf32, #tpu.memory_space<vmem>> -> memref<128x32xf32, #tpu.memory_space<vmem>>
    %dma_wait3A_91 = arith.constant 0 : i32
    %dma_wait3A_92 = arith.constant 0 : i32
    %dma_wait3A_93 = tpu.memref_slice %arg2[%dma_wait3A_91, %dma_wait3A_92] : memref<10000x32xf32, #tpu.memory_space<hbm>> -> memref<128x32xf32, #tpu.memory_space<hbm>>
    tpu.wait_dma2 semaphore(%dma_wait3A_86 : memref<!tpu.dma_semaphore, #tpu.memory_space<semaphore_mem>>) src(%dma_wait3A_93 : memref<128x32xf32, #tpu.memory_space<hbm>>) dst(%dma_wait3A_90 : memref<128x32xf32, #tpu.memory_space<vmem>>)
    %dma_wait3A_94 = arith.constant 0 : i32
    %dma_wait3A_95 = arith.constant 0 : i32
    %dma_wait3A_96 = arith.constant 1 : i32
    %dma_wait3A_97 = arith.constant 0 : i32
    %dma_wait3A_98 = arith.constant 0 : i32
    %dma_wait3A_99 = tpu.memref_slice %arg11[%dma_wait3A_94, %dma_wait3A_97, %dma_wait3A_98] : memref<2x128x16xf32, #tpu.memory_space<vmem>> -> memref<1x128x16xf32, #tpu.memory_space<vmem>>
    %dma_wait3A_100 = tpu.memref_squeeze %dma_wait3A_99 : memref<1x128x16xf32, #tpu.memory_space<vmem>> -> memref<128x16xf32, #tpu.memory_space<vmem>>
    %dma_wait3A_101 = arith.constant 0 : i32
    %dma_wait3A_102 = arith.constant 0 : i32
    %dma_wait3A_103 = tpu.memref_slice %arg3[%dma_wait3A_101, %dma_wait3A_102] : memref<10016x16xf32, #tpu.memory_space<hbm>> -> memref<128x16xf32, #tpu.memory_space<hbm>>
    %dma_wait3A_104 = tpu.memref_slice %arg15[%dma_wait3A_95, %dma_wait3A_96] : memref<2x2x!tpu.dma_semaphore, #tpu.memory_space<semaphore_mem>> -> memref<1x1x!tpu.dma_semaphore, #tpu.memory_space<semaphore_mem>>
    %dma_wait3A_105 = tpu.memref_squeeze %dma_wait3A_104 : memref<1x1x!tpu.dma_semaphore, #tpu.memory_space<semaphore_mem>> -> memref<!tpu.dma_semaphore, #tpu.memory_space<semaphore_mem>>
    %dma_wait3A_106 = arith.constant 0 : i32
    %dma_wait3A_107 = arith.constant 0 : i32
    %dma_wait3A_108 = tpu.memref_slice %arg11[%dma_wait3A_94, %dma_wait3A_106, %dma_wait3A_107] : memref<2x128x16xf32, #tpu.memory_space<vmem>> -> memref<1x128x16xf32, #tpu.memory_space<vmem>>
    %dma_wait3A_109 = tpu.memref_squeeze %dma_wait3A_108 : memref<1x128x16xf32, #tpu.memory_space<vmem>> -> memref<128x16xf32, #tpu.memory_space<vmem>>
    %dma_wait3A_110 = arith.constant 0 : i32
    %dma_wait3A_111 = arith.constant 0 : i32
    %dma_wait3A_112 = tpu.memref_slice %arg3[%dma_wait3A_110, %dma_wait3A_111] : memref<10016x16xf32, #tpu.memory_space<hbm>> -> memref<128x16xf32, #tpu.memory_space<hbm>>
    tpu.wait_dma2 semaphore(%dma_wait3A_105 : memref<!tpu.dma_semaphore, #tpu.memory_space<semaphore_mem>>) src(%dma_wait3A_112 : memref<128x16xf32, #tpu.memory_space<hbm>>) dst(%dma_wait3A_109 : memref<128x16xf32, #tpu.memory_space<vmem>>)
    %parallel_loop3A = arith.constant 0 : i32
    %parallel_loop3A_113 = arith.constant 128 : i32
    %parallel_loop3A_114 = arith.constant 1 : i32
    scf.for %parallel_loop3A_163 = %parallel_loop3A to %parallel_loop3A_113 step %parallel_loop3A_114  : i32 {
      %parallel_loop3A_164 = arith.constant 0 : i32
      %parallel_loop3A_165 = arith.index_cast %parallel_loop3A_164 : i32 to index
      %parallel_loop3A_166 = arith.index_cast %parallel_loop3A_163 : i32 to index
      %parallel_loop3A_167 = arith.constant 0 : index
      %parallel_loop3A_168 = tpu.vector_load %arg10[%parallel_loop3A_165, %parallel_loop3A_166, %parallel_loop3A_167] {strides = array<i32>} : memref<2x128x32xf32, #tpu.memory_space<vmem>>, vector<1x1x16xf32>,
      %parallel_loop3A_169 = vector.shape_cast %parallel_loop3A_168 : vector<1x1x16xf32> to vector<16xf32>
      %parallel_loop3A_170 = arith.constant 0 : i32
      %parallel_loop3A_171 = arith.index_cast %parallel_loop3A_170 : i32 to index
      %parallel_loop3A_172 = arith.index_cast %parallel_loop3A_163 : i32 to index
      %parallel_loop3A_173 = arith.constant 0 : index
      %parallel_loop3A_174 = tpu.vector_load %arg11[%parallel_loop3A_171, %parallel_loop3A_172, %parallel_loop3A_173] {strides = array<i32>} : memref<2x128x16xf32, #tpu.memory_space<vmem>>, vector<1x1x16xf32>,
      %parallel_loop3A_175 = vector.shape_cast %parallel_loop3A_174 : vector<1x1x16xf32> to vector<16xf32>
      %parallel_loop3A_176 = arith.addf %parallel_loop3A_169, %parallel_loop3A_175 : vector<16xf32>
      %parallel_loop3A_177 = arith.constant 2.000000e-01 : f32
      %parallel_loop3A_178 = vector.broadcast %parallel_loop3A_177 : f32 to vector<16xf32>
      %parallel_loop3A_179 = arith.mulf %parallel_loop3A_176, %parallel_loop3A_178 : vector<16xf32>
      %parallel_loop3A_180 = arith.maximumf %parallel_loop3A_176, %parallel_loop3A_179 : vector<16xf32>
      %parallel_loop3A_181 = math.exp %parallel_loop3A_180 : vector<16xf32>
      %parallel_loop3A_182 = arith.index_cast %parallel_loop3A_163 : i32 to index
      %parallel_loop3A_183 = arith.constant 0 : index
      %parallel_loop3A_184 = tpu.vector_load %arg12[%parallel_loop3A_182, %parallel_loop3A_183] {strides = array<i32>} : memref<128x32xf32, #tpu.memory_space<vmem>>, vector<1x16xf32>,
      %parallel_loop3A_185 = vector.shape_cast %parallel_loop3A_184 : vector<1x16xf32> to vector<16xf32>
      %parallel_loop3A_186 = vector.shape_cast %parallel_loop3A_181 : vector<16xf32> to vector<1x16xf32>
      tpu.vector_store %arg12[%parallel_loop3A_182, %parallel_loop3A_183], %parallel_loop3A_186 {strides = array<i32>} : memref<128x32xf32, #tpu.memory_space<vmem>>, vector<1x16xf32>,
      %parallel_loop3A_187 = arith.constant 0 : i32
      %parallel_loop3A_188 = arith.index_cast %parallel_loop3A_187 : i32 to index
      %parallel_loop3A_189 = arith.index_cast %parallel_loop3A_163 : i32 to index
      %parallel_loop3A_190 = arith.constant 16 : index
      %parallel_loop3A_191 = tpu.vector_load %arg10[%parallel_loop3A_188, %parallel_loop3A_189, %parallel_loop3A_190] {strides = array<i32>} : memref<2x128x32xf32, #tpu.memory_space<vmem>>, vector<1x1x16xf32>,
      %parallel_loop3A_192 = vector.shape_cast %parallel_loop3A_191 : vector<1x1x16xf32> to vector<16xf32>
      %parallel_loop3A_193 = arith.mulf %parallel_loop3A_192, %parallel_loop3A_181 : vector<16xf32>
      %parallel_loop3A_194 = arith.index_cast %parallel_loop3A_163 : i32 to index
      %parallel_loop3A_195 = arith.constant 16 : index
      %parallel_loop3A_196 = tpu.vector_load %arg12[%parallel_loop3A_194, %parallel_loop3A_195] {strides = array<i32>} : memref<128x32xf32, #tpu.memory_space<vmem>>, vector<1x16xf32>,
      %parallel_loop3A_197 = vector.shape_cast %parallel_loop3A_196 : vector<1x16xf32> to vector<16xf32>
      %parallel_loop3A_198 = vector.shape_cast %parallel_loop3A_193 : vector<16xf32> to vector<1x16xf32>
      tpu.vector_store %arg12[%parallel_loop3A_194, %parallel_loop3A_195], %parallel_loop3A_198 {strides = array<i32>} : memref<128x32xf32, #tpu.memory_space<vmem>>, vector<1x16xf32>,
    } {sc.loop_unroll_factor = 2 : i64, sc.parallel_access}
    %run_scoped3A_115 = arith.constant 80 : i32
    "tpu.region"() ({
      %run_scoped3A_163 = tpu.sem_alloc : memref<!tpu.dma_semaphore, #tpu.memory_space<semaphore_mem>>
      %dma_start3A_164 = arith.constant 0 : i32
      %dma_start3A_165 = tpu.memref_slice %arg9[%run_scoped3A_115, %dma_start3A_164] : memref<82x128xi32, #tpu.memory_space<vmem>> -> memref<1x128xi32, #tpu.memory_space<vmem>>
      %dma_start3A_166 = tpu.memref_squeeze %dma_start3A_165 : memref<1x128xi32, #tpu.memory_space<vmem>> -> memref<128xi32, #tpu.memory_space<vmem>>
      %dma_start3A_167 = arith.constant 0 : i32
      %dma_start3A_168 = arith.constant 0 : i32
      %dma_start3A_169 = tpu.memref_slice %arg13[%dma_start3A_167, %dma_start3A_168] : memref<10112x32xf32, #tpu.memory_space<vmem_shared>> -> memref<10112x32xf32, #tpu.memory_space<vmem_shared>>
      tpu.enqueue_indirect_dma source(%arg12 : memref<128x32xf32, #tpu.memory_space<vmem>>) target(%dma_start3A_169 : memref<10112x32xf32, #tpu.memory_space<vmem_shared>>) offsets(%dma_start3A_166 : memref<128xi32, #tpu.memory_space<vmem>>) semaphore(%run_scoped3A_163 : memref<!tpu.dma_semaphore, #tpu.memory_space<semaphore_mem>>) {add = true}
      %dma_wait3A_170 = arith.constant 0 : i32
      %dma_wait3A_171 = tpu.memref_slice %arg9[%run_scoped3A_115, %dma_wait3A_170] : memref<82x128xi32, #tpu.memory_space<vmem>> -> memref<1x128xi32, #tpu.memory_space<vmem>>
      %dma_wait3A_172 = tpu.memref_squeeze %dma_wait3A_171 : memref<1x128xi32, #tpu.memory_space<vmem>> -> memref<128xi32, #tpu.memory_space<vmem>>
      %dma_wait3A_173 = arith.constant 0 : i32
      %dma_wait3A_174 = arith.constant 0 : i32
      %dma_wait3A_175 = tpu.memref_slice %arg13[%dma_wait3A_173, %dma_wait3A_174] : memref<10112x32xf32, #tpu.memory_space<vmem_shared>> -> memref<10112x32xf32, #tpu.memory_space<vmem_shared>>
      tpu.wait_indirect_dma semaphore(%run_scoped3A_163 : memref<!tpu.dma_semaphore, #tpu.memory_space<semaphore_mem>>) src(%arg12 : memref<128x32xf32, #tpu.memory_space<vmem>>) dst(%dma_wait3A_175 : memref<10112x32xf32, #tpu.memory_space<vmem_shared>>)
      tpu.yield
    }) : () -> ()
    %dma_wait3A_116 = arith.constant 1 : i32
    %dma_wait3A_117 = arith.constant 1 : i32
    %dma_wait3A_118 = arith.constant 0 : i32
    %dma_wait3A_119 = arith.constant 0 : i32
    %dma_wait3A_120 = arith.constant 0 : i32
    %dma_wait3A_121 = tpu.memref_slice %arg10[%dma_wait3A_116, %dma_wait3A_119, %dma_wait3A_120] : memref<2x128x32xf32, #tpu.memory_space<vmem>> -> memref<1x128x32xf32, #tpu.memory_space<vmem>>
    %dma_wait3A_122 = tpu.memref_squeeze %dma_wait3A_121 : memref<1x128x32xf32, #tpu.memory_space<vmem>> -> memref<128x32xf32, #tpu.memory_space<vmem>>
    %dma_wait3A_123 = arith.constant 0 : i32
    %dma_wait3A_124 = arith.constant 0 : i32
    %dma_wait3A_125 = tpu.memref_slice %arg2[%dma_wait3A_123, %dma_wait3A_124] : memref<10000x32xf32, #tpu.memory_space<hbm>> -> memref<128x32xf32, #tpu.memory_space<hbm>>
    %dma_wait3A_126 = tpu.memref_slice %arg15[%dma_wait3A_117, %dma_wait3A_118] : memref<2x2x!tpu.dma_semaphore, #tpu.memory_space<semaphore_mem>> -> memref<1x1x!tpu.dma_semaphore, #tpu.memory_space<semaphore_mem>>
    %dma_wait3A_127 = tpu.memref_squeeze %dma_wait3A_126 : memref<1x1x!tpu.dma_semaphore, #tpu.memory_space<semaphore_mem>> -> memref<!tpu.dma_semaphore, #tpu.memory_space<semaphore_mem>>
    %dma_wait3A_128 = arith.constant 0 : i32
    %dma_wait3A_129 = arith.constant 0 : i32
    %dma_wait3A_130 = tpu.memref_slice %arg10[%dma_wait3A_116, %dma_wait3A_128, %dma_wait3A_129] : memref<2x128x32xf32, #tpu.memory_space<vmem>> -> memref<1x128x32xf32, #tpu.memory_space<vmem>>
    %dma_wait3A_131 = tpu.memref_squeeze %dma_wait3A_130 : memref<1x128x32xf32, #tpu.memory_space<vmem>> -> memref<128x32xf32, #tpu.memory_space<vmem>>
    %dma_wait3A_132 = arith.constant 0 : i32
    %dma_wait3A_133 = arith.constant 0 : i32
    %dma_wait3A_134 = tpu.memref_slice %arg2[%dma_wait3A_132, %dma_wait3A_133] : memref<10000x32xf32, #tpu.memory_space<hbm>> -> memref<128x32xf32, #tpu.memory_space<hbm>>
    tpu.wait_dma2 semaphore(%dma_wait3A_127 : memref<!tpu.dma_semaphore, #tpu.memory_space<semaphore_mem>>) src(%dma_wait3A_134 : memref<128x32xf32, #tpu.memory_space<hbm>>) dst(%dma_wait3A_131 : memref<128x32xf32, #tpu.memory_space<vmem>>)
    %dma_wait3A_135 = arith.constant 1 : i32
    %dma_wait3A_136 = arith.constant 1 : i32
    %dma_wait3A_137 = arith.constant 1 : i32
    %dma_wait3A_138 = arith.constant 0 : i32
    %dma_wait3A_139 = arith.constant 0 : i32
    %dma_wait3A_140 = tpu.memref_slice %arg11[%dma_wait3A_135, %dma_wait3A_138, %dma_wait3A_139] : memref<2x128x16xf32, #tpu.memory_space<vmem>> -> memref<1x128x16xf32, #tpu.memory_space<vmem>>
    %dma_wait3A_141 = tpu.memref_squeeze %dma_wait3A_140 : memref<1x128x16xf32, #tpu.memory_space<vmem>> -> memref<128x16xf32, #tpu.memory_space<vmem>>
    %dma_wait3A_142 = arith.constant 0 : i32
    %dma_wait3A_143 = arith.constant 0 : i32
    %dma_wait3A_144 = tpu.memref_slice %arg3[%dma_wait3A_142, %dma_wait3A_143] : memref<10016x16xf32, #tpu.memory_space<hbm>> -> memref<128x16xf32, #tpu.memory_space<hbm>>
    %dma_wait3A_145 = tpu.memref_slice %arg15[%dma_wait3A_136, %dma_wait3A_137] : memref<2x2x!tpu.dma_semaphore, #tpu.memory_space<semaphore_mem>> -> memref<1x1x!tpu.dma_semaphore, #tpu.memory_space<semaphore_mem>>
    %dma_wait3A_146 = tpu.memref_squeeze %dma_wait3A_145 : memref<1x1x!tpu.dma_semaphore, #tpu.memory_space<semaphore_mem>> -> memref<!tpu.dma_semaphore, #tpu.memory_space<semaphore_mem>>
    %dma_wait3A_147 = arith.constant 0 : i32
    %dma_wait3A_148 = arith.constant 0 : i32
    %dma_wait3A_149 = tpu.memref_slice %arg11[%dma_wait3A_135, %dma_wait3A_147, %dma_wait3A_148] : memref<2x128x16xf32, #tpu.memory_space<vmem>> -> memref<1x128x16xf32, #tpu.memory_space<vmem>>
    %dma_wait3A_150 = tpu.memref_squeeze %dma_wait3A_149 : memref<1x128x16xf32, #tpu.memory_space<vmem>> -> memref<128x16xf32, #tpu.memory_space<vmem>>
    %dma_wait3A_151 = arith.constant 0 : i32
    %dma_wait3A_152 = arith.constant 0 : i32
    %dma_wait3A_153 = tpu.memref_slice %arg3[%dma_wait3A_151, %dma_wait3A_152] : memref<10016x16xf32, #tpu.memory_space<hbm>> -> memref<128x16xf32, #tpu.memory_space<hbm>>
    tpu.wait_dma2 semaphore(%dma_wait3A_146 : memref<!tpu.dma_semaphore, #tpu.memory_space<semaphore_mem>>) src(%dma_wait3A_153 : memref<128x16xf32, #tpu.memory_space<hbm>>) dst(%dma_wait3A_150 : memref<128x16xf32, #tpu.memory_space<vmem>>)
    %parallel_loop3A_154 = arith.constant 0 : i32
    %parallel_loop3A_155 = arith.constant 128 : i32
    %parallel_loop3A_156 = arith.constant 1 : i32
    scf.for %parallel_loop3A_163 = %parallel_loop3A_154 to %parallel_loop3A_155 step %parallel_loop3A_156  : i32 {
      %parallel_loop3A_164 = arith.constant 1 : i32
      %parallel_loop3A_165 = arith.index_cast %parallel_loop3A_164 : i32 to index
      %parallel_loop3A_166 = arith.index_cast %parallel_loop3A_163 : i32 to index
      %parallel_loop3A_167 = arith.constant 0 : index
      %parallel_loop3A_168 = tpu.vector_load %arg10[%parallel_loop3A_165, %parallel_loop3A_166, %parallel_loop3A_167] {strides = array<i32>} : memref<2x128x32xf32, #tpu.memory_space<vmem>>, vector<1x1x16xf32>,
      %parallel_loop3A_169 = vector.shape_cast %parallel_loop3A_168 : vector<1x1x16xf32> to vector<16xf32>
      %parallel_loop3A_170 = arith.constant 1 : i32
      %parallel_loop3A_171 = arith.index_cast %parallel_loop3A_170 : i32 to index
      %parallel_loop3A_172 = arith.index_cast %parallel_loop3A_163 : i32 to index
      %parallel_loop3A_173 = arith.constant 0 : index
      %parallel_loop3A_174 = tpu.vector_load %arg11[%parallel_loop3A_171, %parallel_loop3A_172, %parallel_loop3A_173] {strides = array<i32>} : memref<2x128x16xf32, #tpu.memory_space<vmem>>, vector<1x1x16xf32>,
      %parallel_loop3A_175 = vector.shape_cast %parallel_loop3A_174 : vector<1x1x16xf32> to vector<16xf32>
      %parallel_loop3A_176 = arith.addf %parallel_loop3A_169, %parallel_loop3A_175 : vector<16xf32>
      %parallel_loop3A_177 = arith.constant 2.000000e-01 : f32
      %parallel_loop3A_178 = vector.broadcast %parallel_loop3A_177 : f32 to vector<16xf32>
      %parallel_loop3A_179 = arith.mulf %parallel_loop3A_176, %parallel_loop3A_178 : vector<16xf32>
      %parallel_loop3A_180 = arith.maximumf %parallel_loop3A_176, %parallel_loop3A_179 : vector<16xf32>
      %parallel_loop3A_181 = math.exp %parallel_loop3A_180 : vector<16xf32>
      %parallel_loop3A_182 = arith.index_cast %parallel_loop3A_163 : i32 to index
      %parallel_loop3A_183 = arith.constant 0 : index
      %parallel_loop3A_184 = tpu.vector_load %arg12[%parallel_loop3A_182, %parallel_loop3A_183] {strides = array<i32>} : memref<128x32xf32, #tpu.memory_space<vmem>>, vector<1x16xf32>,
      %parallel_loop3A_185 = vector.shape_cast %parallel_loop3A_184 : vector<1x16xf32> to vector<16xf32>
      %parallel_loop3A_186 = vector.shape_cast %parallel_loop3A_181 : vector<16xf32> to vector<1x16xf32>
      tpu.vector_store %arg12[%parallel_loop3A_182, %parallel_loop3A_183], %parallel_loop3A_186 {strides = array<i32>} : memref<128x32xf32, #tpu.memory_space<vmem>>, vector<1x16xf32>,
      %parallel_loop3A_187 = arith.constant 1 : i32
      %parallel_loop3A_188 = arith.index_cast %parallel_loop3A_187 : i32 to index
      %parallel_loop3A_189 = arith.index_cast %parallel_loop3A_163 : i32 to index
      %parallel_loop3A_190 = arith.constant 16 : index
      %parallel_loop3A_191 = tpu.vector_load %arg10[%parallel_loop3A_188, %parallel_loop3A_189, %parallel_loop3A_190] {strides = array<i32>} : memref<2x128x32xf32, #tpu.memory_space<vmem>>, vector<1x1x16xf32>,
      %parallel_loop3A_192 = vector.shape_cast %parallel_loop3A_191 : vector<1x1x16xf32> to vector<16xf32>
      %parallel_loop3A_193 = arith.mulf %parallel_loop3A_192, %parallel_loop3A_181 : vector<16xf32>
      %parallel_loop3A_194 = arith.index_cast %parallel_loop3A_163 : i32 to index
      %parallel_loop3A_195 = arith.constant 16 : index
      %parallel_loop3A_196 = tpu.vector_load %arg12[%parallel_loop3A_194, %parallel_loop3A_195] {strides = array<i32>} : memref<128x32xf32, #tpu.memory_space<vmem>>, vector<1x16xf32>,
      %parallel_loop3A_197 = vector.shape_cast %parallel_loop3A_196 : vector<1x16xf32> to vector<16xf32>
      %parallel_loop3A_198 = vector.shape_cast %parallel_loop3A_193 : vector<16xf32> to vector<1x16xf32>
      tpu.vector_store %arg12[%parallel_loop3A_194, %parallel_loop3A_195], %parallel_loop3A_198 {strides = array<i32>} : memref<128x32xf32, #tpu.memory_space<vmem>>, vector<1x16xf32>,
    } {sc.loop_unroll_factor = 2 : i64, sc.parallel_access}
    %run_scoped3A_157 = arith.constant 81 : i32
    "tpu.region"() ({
      %run_scoped3A_163 = tpu.sem_alloc : memref<!tpu.dma_semaphore, #tpu.memory_space<semaphore_mem>>
      %dma_start3A_164 = arith.constant 0 : i32
      %dma_start3A_165 = tpu.memref_slice %arg9[%run_scoped3A_157, %dma_start3A_164] : memref<82x128xi32, #tpu.memory_space<vmem>> -> memref<1x128xi32, #tpu.memory_space<vmem>>
      %dma_start3A_166 = tpu.memref_squeeze %dma_start3A_165 : memref<1x128xi32, #tpu.memory_space<vmem>> -> memref<128xi32, #tpu.memory_space<vmem>>
      %dma_start3A_167 = arith.constant 0 : i32
      %dma_start3A_168 = arith.constant 0 : i32
      %dma_start3A_169 = tpu.memref_slice %arg13[%dma_start3A_167, %dma_start3A_168] : memref<10112x32xf32, #tpu.memory_space<vmem_shared>> -> memref<10112x32xf32, #tpu.memory_space<vmem_shared>>
      tpu.enqueue_indirect_dma source(%arg12 : memref<128x32xf32, #tpu.memory_space<vmem>>) target(%dma_start3A_169 : memref<10112x32xf32, #tpu.memory_space<vmem_shared>>) offsets(%dma_start3A_166 : memref<128xi32, #tpu.memory_space<vmem>>) semaphore(%run_scoped3A_163 : memref<!tpu.dma_semaphore, #tpu.memory_space<semaphore_mem>>) {add = true}
      %dma_wait3A_170 = arith.constant 0 : i32
      %dma_wait3A_171 = tpu.memref_slice %arg9[%run_scoped3A_157, %dma_wait3A_170] : memref<82x128xi32, #tpu.memory_space<vmem>> -> memref<1x128xi32, #tpu.memory_space<vmem>>
      %dma_wait3A_172 = tpu.memref_squeeze %dma_wait3A_171 : memref<1x128xi32, #tpu.memory_space<vmem>> -> memref<128xi32, #tpu.memory_space<vmem>>
      %dma_wait3A_173 = arith.constant 0 : i32
      %dma_wait3A_174 = arith.constant 0 : i32
      %dma_wait3A_175 = tpu.memref_slice %arg13[%dma_wait3A_173, %dma_wait3A_174] : memref<10112x32xf32, #tpu.memory_space<vmem_shared>> -> memref<10112x32xf32, #tpu.memory_space<vmem_shared>>
      tpu.wait_indirect_dma semaphore(%run_scoped3A_163 : memref<!tpu.dma_semaphore, #tpu.memory_space<semaphore_mem>>) src(%arg12 : memref<128x32xf32, #tpu.memory_space<vmem>>) dst(%dma_wait3A_175 : memref<10112x32xf32, #tpu.memory_space<vmem_shared>>)
      tpu.yield
    }) : () -> ()
    %barrier3A_158 = arith.constant 0 : index
    tpu.barrier barrier_id(%barrier3A_158)
    %mul3A_159 = arith.constant 632 : i32
    %mul3A_160 = arith.muli %arg1, %mul3A_159 : i32
    %mul3A_161 = arith.constant 632 : i32
    %mul3A_162 = arith.muli %arg1, %mul3A_161 : i32
    "tpu.region"() ({
      %run_scoped3A_163 = tpu.sem_alloc : memref<!tpu.dma_semaphore, #tpu.memory_space<semaphore_mem>>
      %dma_start3A_164 = arith.constant 0 : i32
      %dma_start3A_165 = tpu.memref_slice %arg7[%arg0, %mul3A_162, %dma_start3A_164] : memref<2x10112x32xf32, #tpu.memory_space<hbm>> -> memref<1x632x32xf32, #tpu.memory_space<hbm>>
      %dma_start3A_166 = tpu.memref_squeeze %dma_start3A_165 : memref<1x632x32xf32, #tpu.memory_space<hbm>> -> memref<632x32xf32, #tpu.memory_space<hbm>>
      %dma_start3A_167 = arith.constant 0 : i32
      %dma_start3A_168 = tpu.memref_slice %arg13[%mul3A_160, %dma_start3A_167] : memref<10112x32xf32, #tpu.memory_space<vmem_shared>> -> memref<632x32xf32, #tpu.memory_space<vmem_shared>>
      tpu.enqueue_dma source(%dma_start3A_168 : memref<632x32xf32, #tpu.memory_space<vmem_shared>>) target(%dma_start3A_166 : memref<632x32xf32, #tpu.memory_space<hbm>>) target_semaphore(%run_scoped3A_163 : memref<!tpu.dma_semaphore, #tpu.memory_space<semaphore_mem>>)
      %dma_wait3A_169 = arith.constant 0 : i32
      %dma_wait3A_170 = tpu.memref_slice %arg7[%arg0, %mul3A_162, %dma_wait3A_169] : memref<2x10112x32xf32, #tpu.memory_space<hbm>> -> memref<1x632x32xf32, #tpu.memory_space<hbm>>
      %dma_wait3A_171 = tpu.memref_squeeze %dma_wait3A_170 : memref<1x632x32xf32, #tpu.memory_space<hbm>> -> memref<632x32xf32, #tpu.memory_space<hbm>>
      %dma_wait3A_172 = arith.constant 0 : i32
      %dma_wait3A_173 = tpu.memref_slice %arg13[%mul3A_160, %dma_wait3A_172] : memref<10112x32xf32, #tpu.memory_space<vmem_shared>> -> memref<632x32xf32, #tpu.memory_space<vmem_shared>>
      tpu.wait_dma2 semaphore(%run_scoped3A_163 : memref<!tpu.dma_semaphore, #tpu.memory_space<semaphore_mem>>) src(%dma_wait3A_173 : memref<632x32xf32, #tpu.memory_space<vmem_shared>>) dst(%dma_wait3A_171 : memref<632x32xf32, #tpu.memory_space<hbm>>)
      tpu.yield
    }) : () -> ()
    return
  }
}

#map = affine_map<(d0, d1) -> (0, 0)>
#map1 = affine_map<(d0, d1) -> (0, 0, 0)>
module attributes {stable_mosaic.version = 14 : i64} {
  func.func @body(%arg0: i32, %arg1: i32, %arg2: memref<10000x128xf32, #tpu.memory_space<hbm>>, %arg3: memref<10016x64xf32, #tpu.memory_space<hbm>>, %arg4: memref<5412x64xi32, #tpu.memory_space<hbm>>, %arg5: memref<5412x64xi32, #tpu.memory_space<hbm>>, %arg6: memref<632x128xf32, #tpu.memory_space<hbm>>, %arg7: memref<2x10112x128xf32, #tpu.memory_space<hbm>>, %arg8: memref<2x64xi32, #tpu.memory_space<vmem>>, %arg9: memref<164x64xi32, #tpu.memory_space<vmem>>, %arg10: memref<2x64x128xf32, #tpu.memory_space<vmem>>, %arg11: memref<2x64x64xf32, #tpu.memory_space<vmem>>, %arg12: memref<64x128xf32, #tpu.memory_space<vmem>>, %arg13: memref<10112x128xf32, #tpu.memory_space<vmem_shared>>, %arg14: memref<2x!tpu.dma_semaphore, #tpu.memory_space<semaphore_mem>>, %arg15: memref<2x2x!tpu.dma_semaphore, #tpu.memory_space<semaphore_mem>>) attributes {dimension_semantics = [#tpu.dimension_semantics<core_parallel>, #tpu.dimension_semantics<subcore_parallel>], iteration_bounds = array<i64: 2, 16>, scalar_prefetch = 0 : i64, scratch_operands = 8 : i64, tpu.core_type = #tpu.core_type<sc_vector_subcore>, window_params = [{transform_indices = #map}, {transform_indices = #map}, {transform_indices = #map}, {transform_indices = #map}, {transform_indices = #map}, {transform_indices = #map1}]} {
    %mul3A = arith.constant 16 : i32
    %mul3A_0 = arith.muli %arg0, %mul3A : i32
    %add3A = arith.addi %mul3A_0, %arg1 : i32
    %mul3A_1 = arith.constant 164 : i32
    %mul3A_2 = arith.muli %add3A, %mul3A_1 : i32
    "tpu.region"() ({
      %run_scoped3A_163 = tpu.sem_alloc : memref<!tpu.dma_semaphore, #tpu.memory_space<semaphore_mem>>
      %dma_start3A_164 = arith.constant 0 : i32
      %dma_start3A_165 = tpu.memref_slice %arg5[%mul3A_2, %dma_start3A_164] : memref<5412x64xi32, #tpu.memory_space<hbm>> -> memref<164x64xi32, #tpu.memory_space<hbm>>
      %dma_start3A_166 = arith.constant 0 : i32
      %dma_start3A_167 = tpu.memref_slice %arg5[%mul3A_2, %dma_start3A_166] : memref<5412x64xi32, #tpu.memory_space<hbm>> -> memref<164x64xi32, #tpu.memory_space<hbm>>
      tpu.enqueue_dma source(%dma_start3A_167 : memref<164x64xi32, #tpu.memory_space<hbm>>) target(%arg9 : memref<164x64xi32, #tpu.memory_space<vmem>>) target_semaphore(%run_scoped3A_163 : memref<!tpu.dma_semaphore, #tpu.memory_space<semaphore_mem>>)
      %dma_wait3A_168 = arith.constant 0 : i32
      %dma_wait3A_169 = tpu.memref_slice %arg5[%mul3A_2, %dma_wait3A_168] : memref<5412x64xi32, #tpu.memory_space<hbm>> -> memref<164x64xi32, #tpu.memory_space<hbm>>
      %dma_wait3A_170 = arith.constant 0 : i32
      %dma_wait3A_171 = tpu.memref_slice %arg5[%mul3A_2, %dma_wait3A_170] : memref<5412x64xi32, #tpu.memory_space<hbm>> -> memref<164x64xi32, #tpu.memory_space<hbm>>
      tpu.wait_dma2 semaphore(%run_scoped3A_163 : memref<!tpu.dma_semaphore, #tpu.memory_space<semaphore_mem>>) src(%dma_wait3A_171 : memref<164x64xi32, #tpu.memory_space<hbm>>) dst(%arg9 : memref<164x64xi32, #tpu.memory_space<vmem>>)
      tpu.yield
    }) : () -> ()
    %run_scoped3A = arith.constant 0 : i32
    "tpu.region"() ({
      %run_scoped3A_163 = tpu.sem_alloc : memref<!tpu.dma_semaphore, #tpu.memory_space<semaphore_mem>>
      %dma_start3A_164 = arith.constant 0 : i32
      %dma_start3A_165 = tpu.memref_slice %arg8[%run_scoped3A, %dma_start3A_164] : memref<2x64xi32, #tpu.memory_space<vmem>> -> memref<1x64xi32, #tpu.memory_space<vmem>>
      %dma_start3A_166 = tpu.memref_squeeze %dma_start3A_165 : memref<1x64xi32, #tpu.memory_space<vmem>> -> memref<64xi32, #tpu.memory_space<vmem>>
      %dma_start3A_167 = arith.constant 0 : i32
      %dma_start3A_168 = tpu.memref_slice %arg4[%mul3A_2, %dma_start3A_167] : memref<5412x64xi32, #tpu.memory_space<hbm>> -> memref<1x64xi32, #tpu.memory_space<hbm>>
      %dma_start3A_169 = tpu.memref_squeeze %dma_start3A_168 : memref<1x64xi32, #tpu.memory_space<hbm>> -> memref<64xi32, #tpu.memory_space<hbm>>
      %dma_start3A_170 = arith.constant 0 : i32
      %dma_start3A_171 = tpu.memref_slice %arg8[%run_scoped3A, %dma_start3A_170] : memref<2x64xi32, #tpu.memory_space<vmem>> -> memref<1x64xi32, #tpu.memory_space<vmem>>
      %dma_start3A_172 = tpu.memref_squeeze %dma_start3A_171 : memref<1x64xi32, #tpu.memory_space<vmem>> -> memref<64xi32, #tpu.memory_space<vmem>>
      %dma_start3A_173 = arith.constant 0 : i32
      %dma_start3A_174 = tpu.memref_slice %arg4[%mul3A_2, %dma_start3A_173] : memref<5412x64xi32, #tpu.memory_space<hbm>> -> memref<1x64xi32, #tpu.memory_space<hbm>>
      %dma_start3A_175 = tpu.memref_squeeze %dma_start3A_174 : memref<1x64xi32, #tpu.memory_space<hbm>> -> memref<64xi32, #tpu.memory_space<hbm>>
      tpu.enqueue_dma source(%dma_start3A_175 : memref<64xi32, #tpu.memory_space<hbm>>) target(%dma_start3A_172 : memref<64xi32, #tpu.memory_space<vmem>>) target_semaphore(%run_scoped3A_163 : memref<!tpu.dma_semaphore, #tpu.memory_space<semaphore_mem>>)
      %dma_wait3A_176 = arith.constant 0 : i32
      %dma_wait3A_177 = tpu.memref_slice %arg8[%run_scoped3A, %dma_wait3A_176] : memref<2x64xi32, #tpu.memory_space<vmem>> -> memref<1x64xi32, #tpu.memory_space<vmem>>
      %dma_wait3A_178 = tpu.memref_squeeze %dma_wait3A_177 : memref<1x64xi32, #tpu.memory_space<vmem>> -> memref<64xi32, #tpu.memory_space<vmem>>
      %dma_wait3A_179 = arith.constant 0 : i32
      %dma_wait3A_180 = tpu.memref_slice %arg4[%mul3A_2, %dma_wait3A_179] : memref<5412x64xi32, #tpu.memory_space<hbm>> -> memref<1x64xi32, #tpu.memory_space<hbm>>
      %dma_wait3A_181 = tpu.memref_squeeze %dma_wait3A_180 : memref<1x64xi32, #tpu.memory_space<hbm>> -> memref<64xi32, #tpu.memory_space<hbm>>
      %dma_wait3A_182 = arith.constant 0 : i32
      %dma_wait3A_183 = tpu.memref_slice %arg8[%run_scoped3A, %dma_wait3A_182] : memref<2x64xi32, #tpu.memory_space<vmem>> -> memref<1x64xi32, #tpu.memory_space<vmem>>
      %dma_wait3A_184 = tpu.memref_squeeze %dma_wait3A_183 : memref<1x64xi32, #tpu.memory_space<vmem>> -> memref<64xi32, #tpu.memory_space<vmem>>
      %dma_wait3A_185 = arith.constant 0 : i32
      %dma_wait3A_186 = tpu.memref_slice %arg4[%mul3A_2, %dma_wait3A_185] : memref<5412x64xi32, #tpu.memory_space<hbm>> -> memref<1x64xi32, #tpu.memory_space<hbm>>
      %dma_wait3A_187 = tpu.memref_squeeze %dma_wait3A_186 : memref<1x64xi32, #tpu.memory_space<hbm>> -> memref<64xi32, #tpu.memory_space<hbm>>
      tpu.wait_dma2 semaphore(%run_scoped3A_163 : memref<!tpu.dma_semaphore, #tpu.memory_space<semaphore_mem>>) src(%dma_wait3A_187 : memref<64xi32, #tpu.memory_space<hbm>>) dst(%dma_wait3A_184 : memref<64xi32, #tpu.memory_space<vmem>>)
      tpu.yield
    }) : () -> ()
    %add3A_3 = arith.constant 1 : i32
    %add3A_4 = arith.addi %mul3A_2, %add3A_3 : i32
    %run_scoped3A_5 = arith.constant 1 : i32
    "tpu.region"() ({
      %run_scoped3A_163 = tpu.sem_alloc : memref<!tpu.dma_semaphore, #tpu.memory_space<semaphore_mem>>
      %dma_start3A_164 = arith.constant 0 : i32
      %dma_start3A_165 = tpu.memref_slice %arg8[%run_scoped3A_5, %dma_start3A_164] : memref<2x64xi32, #tpu.memory_space<vmem>> -> memref<1x64xi32, #tpu.memory_space<vmem>>
      %dma_start3A_166 = tpu.memref_squeeze %dma_start3A_165 : memref<1x64xi32, #tpu.memory_space<vmem>> -> memref<64xi32, #tpu.memory_space<vmem>>
      %dma_start3A_167 = arith.constant 0 : i32
      %dma_start3A_168 = tpu.memref_slice %arg4[%add3A_4, %dma_start3A_167] : memref<5412x64xi32, #tpu.memory_space<hbm>> -> memref<1x64xi32, #tpu.memory_space<hbm>>
      %dma_start3A_169 = tpu.memref_squeeze %dma_start3A_168 : memref<1x64xi32, #tpu.memory_space<hbm>> -> memref<64xi32, #tpu.memory_space<hbm>>
      %dma_start3A_170 = arith.constant 0 : i32
      %dma_start3A_171 = tpu.memref_slice %arg8[%run_scoped3A_5, %dma_start3A_170] : memref<2x64xi32, #tpu.memory_space<vmem>> -> memref<1x64xi32, #tpu.memory_space<vmem>>
      %dma_start3A_172 = tpu.memref_squeeze %dma_start3A_171 : memref<1x64xi32, #tpu.memory_space<vmem>> -> memref<64xi32, #tpu.memory_space<vmem>>
      %dma_start3A_173 = arith.constant 0 : i32
      %dma_start3A_174 = tpu.memref_slice %arg4[%add3A_4, %dma_start3A_173] : memref<5412x64xi32, #tpu.memory_space<hbm>> -> memref<1x64xi32, #tpu.memory_space<hbm>>
      %dma_start3A_175 = tpu.memref_squeeze %dma_start3A_174 : memref<1x64xi32, #tpu.memory_space<hbm>> -> memref<64xi32, #tpu.memory_space<hbm>>
      tpu.enqueue_dma source(%dma_start3A_175 : memref<64xi32, #tpu.memory_space<hbm>>) target(%dma_start3A_172 : memref<64xi32, #tpu.memory_space<vmem>>) target_semaphore(%run_scoped3A_163 : memref<!tpu.dma_semaphore, #tpu.memory_space<semaphore_mem>>)
      %dma_wait3A_176 = arith.constant 0 : i32
      %dma_wait3A_177 = tpu.memref_slice %arg8[%run_scoped3A_5, %dma_wait3A_176] : memref<2x64xi32, #tpu.memory_space<vmem>> -> memref<1x64xi32, #tpu.memory_space<vmem>>
      %dma_wait3A_178 = tpu.memref_squeeze %dma_wait3A_177 : memref<1x64xi32, #tpu.memory_space<vmem>> -> memref<64xi32, #tpu.memory_space<vmem>>
      %dma_wait3A_179 = arith.constant 0 : i32
      %dma_wait3A_180 = tpu.memref_slice %arg4[%add3A_4, %dma_wait3A_179] : memref<5412x64xi32, #tpu.memory_space<hbm>> -> memref<1x64xi32, #tpu.memory_space<hbm>>
      %dma_wait3A_181 = tpu.memref_squeeze %dma_wait3A_180 : memref<1x64xi32, #tpu.memory_space<hbm>> -> memref<64xi32, #tpu.memory_space<hbm>>
      %dma_wait3A_182 = arith.constant 0 : i32
      %dma_wait3A_183 = tpu.memref_slice %arg8[%run_scoped3A_5, %dma_wait3A_182] : memref<2x64xi32, #tpu.memory_space<vmem>> -> memref<1x64xi32, #tpu.memory_space<vmem>>
      %dma_wait3A_184 = tpu.memref_squeeze %dma_wait3A_183 : memref<1x64xi32, #tpu.memory_space<vmem>> -> memref<64xi32, #tpu.memory_space<vmem>>
      %dma_wait3A_185 = arith.constant 0 : i32
      %dma_wait3A_186 = tpu.memref_slice %arg4[%add3A_4, %dma_wait3A_185] : memref<5412x64xi32, #tpu.memory_space<hbm>> -> memref<1x64xi32, #tpu.memory_space<hbm>>
      %dma_wait3A_187 = tpu.memref_squeeze %dma_wait3A_186 : memref<1x64xi32, #tpu.memory_space<hbm>> -> memref<64xi32, #tpu.memory_space<hbm>>
      tpu.wait_dma2 semaphore(%run_scoped3A_163 : memref<!tpu.dma_semaphore, #tpu.memory_space<semaphore_mem>>) src(%dma_wait3A_187 : memref<64xi32, #tpu.memory_space<hbm>>) dst(%dma_wait3A_184 : memref<64xi32, #tpu.memory_space<vmem>>)
      tpu.yield
    }) : () -> ()
    %mul3A_6 = arith.constant 632 : i32
    %mul3A_7 = arith.muli %arg1, %mul3A_6 : i32
    "tpu.region"() ({
      %run_scoped3A_163 = tpu.sem_alloc : memref<!tpu.dma_semaphore, #tpu.memory_space<semaphore_mem>>
      %dma_start3A_164 = arith.constant 0 : i32
      %dma_start3A_165 = tpu.memref_slice %arg13[%mul3A_7, %dma_start3A_164] : memref<10112x128xf32, #tpu.memory_space<vmem_shared>> -> memref<632x128xf32, #tpu.memory_space<vmem_shared>>
      tpu.enqueue_dma source(%arg6 : memref<632x128xf32, #tpu.memory_space<hbm>>) target(%dma_start3A_165 : memref<632x128xf32, #tpu.memory_space<vmem_shared>>) target_semaphore(%run_scoped3A_163 : memref<!tpu.dma_semaphore, #tpu.memory_space<semaphore_mem>>)
      %dma_wait3A_166 = arith.constant 0 : i32
      %dma_wait3A_167 = tpu.memref_slice %arg13[%mul3A_7, %dma_wait3A_166] : memref<10112x128xf32, #tpu.memory_space<vmem_shared>> -> memref<632x128xf32, #tpu.memory_space<vmem_shared>>
      tpu.wait_dma2 semaphore(%run_scoped3A_163 : memref<!tpu.dma_semaphore, #tpu.memory_space<semaphore_mem>>) src(%arg6 : memref<632x128xf32, #tpu.memory_space<hbm>>) dst(%dma_wait3A_167 : memref<632x128xf32, #tpu.memory_space<vmem_shared>>)
      tpu.yield
    }) : () -> ()
    %barrier3A = arith.constant 0 : index
    tpu.barrier barrier_id(%barrier3A)
    %dma_start3A = arith.constant 0 : i32
    %dma_start3A_8 = arith.constant 0 : i32
    %dma_start3A_9 = arith.constant 0 : i32
    %dma_start3A_10 = arith.constant 0 : i32
    %dma_start3A_11 = arith.constant 0 : i32
    %dma_start3A_12 = arith.constant 0 : i32
    %dma_start3A_13 = tpu.memref_slice %arg10[%dma_start3A_8, %dma_start3A_11, %dma_start3A_12] : memref<2x64x128xf32, #tpu.memory_space<vmem>> -> memref<1x64x128xf32, #tpu.memory_space<vmem>>
    %dma_start3A_14 = tpu.memref_squeeze %dma_start3A_13 : memref<1x64x128xf32, #tpu.memory_space<vmem>> -> memref<64x128xf32, #tpu.memory_space<vmem>>
    %dma_start3A_15 = arith.constant 0 : i32
    %dma_start3A_16 = tpu.memref_slice %arg8[%dma_start3A, %dma_start3A_15] : memref<2x64xi32, #tpu.memory_space<vmem>> -> memref<1x64xi32, #tpu.memory_space<vmem>>
    %dma_start3A_17 = tpu.memref_squeeze %dma_start3A_16 : memref<1x64xi32, #tpu.memory_space<vmem>> -> memref<64xi32, #tpu.memory_space<vmem>>
    %dma_start3A_18 = arith.constant 0 : i32
    %dma_start3A_19 = arith.constant 0 : i32
    %dma_start3A_20 = tpu.memref_slice %arg2[%dma_start3A_18, %dma_start3A_19] : memref<10000x128xf32, #tpu.memory_space<hbm>> -> memref<10000x128xf32, #tpu.memory_space<hbm>>
    %dma_start3A_21 = tpu.memref_slice %arg15[%dma_start3A_9, %dma_start3A_10] : memref<2x2x!tpu.dma_semaphore, #tpu.memory_space<semaphore_mem>> -> memref<1x1x!tpu.dma_semaphore, #tpu.memory_space<semaphore_mem>>
    %dma_start3A_22 = tpu.memref_squeeze %dma_start3A_21 : memref<1x1x!tpu.dma_semaphore, #tpu.memory_space<semaphore_mem>> -> memref<!tpu.dma_semaphore, #tpu.memory_space<semaphore_mem>>
    tpu.enqueue_indirect_dma source(%dma_start3A_20 : memref<10000x128xf32, #tpu.memory_space<hbm>>) target(%dma_start3A_14 : memref<64x128xf32, #tpu.memory_space<vmem>>) offsets(%dma_start3A_17 : memref<64xi32, #tpu.memory_space<vmem>>) semaphore(%dma_start3A_22 : memref<!tpu.dma_semaphore, #tpu.memory_space<semaphore_mem>>)
    %dma_start3A_23 = arith.constant 0 : i32
    %dma_start3A_24 = arith.constant 0 : i32
    %dma_start3A_25 = arith.constant 0 : i32
    %dma_start3A_26 = arith.constant 1 : i32
    %dma_start3A_27 = arith.constant 0 : i32
    %dma_start3A_28 = arith.constant 0 : i32
    %dma_start3A_29 = tpu.memref_slice %arg11[%dma_start3A_24, %dma_start3A_27, %dma_start3A_28] : memref<2x64x64xf32, #tpu.memory_space<vmem>> -> memref<1x64x64xf32, #tpu.memory_space<vmem>>
    %dma_start3A_30 = tpu.memref_squeeze %dma_start3A_29 : memref<1x64x64xf32, #tpu.memory_space<vmem>> -> memref<64x64xf32, #tpu.memory_space<vmem>>
    %dma_start3A_31 = arith.constant 0 : i32
    %dma_start3A_32 = tpu.memref_slice %arg9[%dma_start3A_23, %dma_start3A_31] : memref<164x64xi32, #tpu.memory_space<vmem>> -> memref<1x64xi32, #tpu.memory_space<vmem>>
    %dma_start3A_33 = tpu.memref_squeeze %dma_start3A_32 : memref<1x64xi32, #tpu.memory_space<vmem>> -> memref<64xi32, #tpu.memory_space<vmem>>
    %dma_start3A_34 = arith.constant 0 : i32
    %dma_start3A_35 = arith.constant 0 : i32
    %dma_start3A_36 = tpu.memref_slice %arg3[%dma_start3A_34, %dma_start3A_35] : memref<10016x64xf32, #tpu.memory_space<hbm>> -> memref<10016x64xf32, #tpu.memory_space<hbm>>
    %dma_start3A_37 = tpu.memref_slice %arg15[%dma_start3A_25, %dma_start3A_26] : memref<2x2x!tpu.dma_semaphore, #tpu.memory_space<semaphore_mem>> -> memref<1x1x!tpu.dma_semaphore, #tpu.memory_space<semaphore_mem>>
    %dma_start3A_38 = tpu.memref_squeeze %dma_start3A_37 : memref<1x1x!tpu.dma_semaphore, #tpu.memory_space<semaphore_mem>> -> memref<!tpu.dma_semaphore, #tpu.memory_space<semaphore_mem>>
    tpu.enqueue_indirect_dma source(%dma_start3A_36 : memref<10016x64xf32, #tpu.memory_space<hbm>>) target(%dma_start3A_30 : memref<64x64xf32, #tpu.memory_space<vmem>>) offsets(%dma_start3A_33 : memref<64xi32, #tpu.memory_space<vmem>>) semaphore(%dma_start3A_38 : memref<!tpu.dma_semaphore, #tpu.memory_space<semaphore_mem>>)
    %dma_start3A_39 = arith.constant 1 : i32
    %dma_start3A_40 = arith.constant 1 : i32
    %dma_start3A_41 = arith.constant 1 : i32
    %dma_start3A_42 = arith.constant 0 : i32
    %dma_start3A_43 = arith.constant 0 : i32
    %dma_start3A_44 = arith.constant 0 : i32
    %dma_start3A_45 = tpu.memref_slice %arg10[%dma_start3A_40, %dma_start3A_43, %dma_start3A_44] : memref<2x64x128xf32, #tpu.memory_space<vmem>> -> memref<1x64x128xf32, #tpu.memory_space<vmem>>
    %dma_start3A_46 = tpu.memref_squeeze %dma_start3A_45 : memref<1x64x128xf32, #tpu.memory_space<vmem>> -> memref<64x128xf32, #tpu.memory_space<vmem>>
    %dma_start3A_47 = arith.constant 0 : i32
    %dma_start3A_48 = tpu.memref_slice %arg8[%dma_start3A_39, %dma_start3A_47] : memref<2x64xi32, #tpu.memory_space<vmem>> -> memref<1x64xi32, #tpu.memory_space<vmem>>
    %dma_start3A_49 = tpu.memref_squeeze %dma_start3A_48 : memref<1x64xi32, #tpu.memory_space<vmem>> -> memref<64xi32, #tpu.memory_space<vmem>>
    %dma_start3A_50 = arith.constant 0 : i32
    %dma_start3A_51 = arith.constant 0 : i32
    %dma_start3A_52 = tpu.memref_slice %arg2[%dma_start3A_50, %dma_start3A_51] : memref<10000x128xf32, #tpu.memory_space<hbm>> -> memref<10000x128xf32, #tpu.memory_space<hbm>>
    %dma_start3A_53 = tpu.memref_slice %arg15[%dma_start3A_41, %dma_start3A_42] : memref<2x2x!tpu.dma_semaphore, #tpu.memory_space<semaphore_mem>> -> memref<1x1x!tpu.dma_semaphore, #tpu.memory_space<semaphore_mem>>
    %dma_start3A_54 = tpu.memref_squeeze %dma_start3A_53 : memref<1x1x!tpu.dma_semaphore, #tpu.memory_space<semaphore_mem>> -> memref<!tpu.dma_semaphore, #tpu.memory_space<semaphore_mem>>
    tpu.enqueue_indirect_dma source(%dma_start3A_52 : memref<10000x128xf32, #tpu.memory_space<hbm>>) target(%dma_start3A_46 : memref<64x128xf32, #tpu.memory_space<vmem>>) offsets(%dma_start3A_49 : memref<64xi32, #tpu.memory_space<vmem>>) semaphore(%dma_start3A_54 : memref<!tpu.dma_semaphore, #tpu.memory_space<semaphore_mem>>)
    %dma_start3A_55 = arith.constant 1 : i32
    %dma_start3A_56 = arith.constant 1 : i32
    %dma_start3A_57 = arith.constant 1 : i32
    %dma_start3A_58 = arith.constant 1 : i32
    %dma_start3A_59 = arith.constant 0 : i32
    %dma_start3A_60 = arith.constant 0 : i32
    %dma_start3A_61 = tpu.memref_slice %arg11[%dma_start3A_56, %dma_start3A_59, %dma_start3A_60] : memref<2x64x64xf32, #tpu.memory_space<vmem>> -> memref<1x64x64xf32, #tpu.memory_space<vmem>>
    %dma_start3A_62 = tpu.memref_squeeze %dma_start3A_61 : memref<1x64x64xf32, #tpu.memory_space<vmem>> -> memref<64x64xf32, #tpu.memory_space<vmem>>
    %dma_start3A_63 = arith.constant 0 : i32
    %dma_start3A_64 = tpu.memref_slice %arg9[%dma_start3A_55, %dma_start3A_63] : memref<164x64xi32, #tpu.memory_space<vmem>> -> memref<1x64xi32, #tpu.memory_space<vmem>>
    %dma_start3A_65 = tpu.memref_squeeze %dma_start3A_64 : memref<1x64xi32, #tpu.memory_space<vmem>> -> memref<64xi32, #tpu.memory_space<vmem>>
    %dma_start3A_66 = arith.constant 0 : i32
    %dma_start3A_67 = arith.constant 0 : i32
    %dma_start3A_68 = tpu.memref_slice %arg3[%dma_start3A_66, %dma_start3A_67] : memref<10016x64xf32, #tpu.memory_space<hbm>> -> memref<10016x64xf32, #tpu.memory_space<hbm>>
    %dma_start3A_69 = tpu.memref_slice %arg15[%dma_start3A_57, %dma_start3A_58] : memref<2x2x!tpu.dma_semaphore, #tpu.memory_space<semaphore_mem>> -> memref<1x1x!tpu.dma_semaphore, #tpu.memory_space<semaphore_mem>>
    %dma_start3A_70 = tpu.memref_squeeze %dma_start3A_69 : memref<1x1x!tpu.dma_semaphore, #tpu.memory_space<semaphore_mem>> -> memref<!tpu.dma_semaphore, #tpu.memory_space<semaphore_mem>>
    tpu.enqueue_indirect_dma source(%dma_start3A_68 : memref<10016x64xf32, #tpu.memory_space<hbm>>) target(%dma_start3A_62 : memref<64x64xf32, #tpu.memory_space<vmem>>) offsets(%dma_start3A_65 : memref<64xi32, #tpu.memory_space<vmem>>) semaphore(%dma_start3A_70 : memref<!tpu.dma_semaphore, #tpu.memory_space<semaphore_mem>>)
    %scan3A = arith.constant 0 : i32
    %scan3A_71 = arith.constant 0 : i32
    %scan3A_72 = arith.constant 81 : i32
    %scan3A_73 = arith.addi %scan3A_71, %scan3A_72 : i32
    %scan3A_74 = arith.constant 1 : i32
    scf.for %scan3A_163 = %scan3A_71 to %scan3A_73 step %scan3A_74  : i32 {
      %mul3A_164 = arith.constant 2 : i32
      %mul3A_165 = arith.muli %mul3A_164, %scan3A_163 : i32
      %dma_wait3A_166 = arith.constant 0 : i32
      %dma_wait3A_167 = arith.constant 0 : i32
      %dma_wait3A_168 = arith.constant 0 : i32
      %dma_wait3A_169 = arith.constant 0 : i32
      %dma_wait3A_170 = arith.constant 0 : i32
      %dma_wait3A_171 = tpu.memref_slice %arg10[%dma_wait3A_166, %dma_wait3A_169, %dma_wait3A_170] : memref<2x64x128xf32, #tpu.memory_space<vmem>> -> memref<1x64x128xf32, #tpu.memory_space<vmem>>
      %dma_wait3A_172 = tpu.memref_squeeze %dma_wait3A_171 : memref<1x64x128xf32, #tpu.memory_space<vmem>> -> memref<64x128xf32, #tpu.memory_space<vmem>>
      %dma_wait3A_173 = arith.constant 0 : i32
      %dma_wait3A_174 = arith.constant 0 : i32
      %dma_wait3A_175 = tpu.memref_slice %arg2[%dma_wait3A_173, %dma_wait3A_174] : memref<10000x128xf32, #tpu.memory_space<hbm>> -> memref<64x128xf32, #tpu.memory_space<hbm>>
      %dma_wait3A_176 = tpu.memref_slice %arg15[%dma_wait3A_167, %dma_wait3A_168] : memref<2x2x!tpu.dma_semaphore, #tpu.memory_space<semaphore_mem>> -> memref<1x1x!tpu.dma_semaphore, #tpu.memory_space<semaphore_mem>>
      %dma_wait3A_177 = tpu.memref_squeeze %dma_wait3A_176 : memref<1x1x!tpu.dma_semaphore, #tpu.memory_space<semaphore_mem>> -> memref<!tpu.dma_semaphore, #tpu.memory_space<semaphore_mem>>
      %dma_wait3A_178 = arith.constant 0 : i32
      %dma_wait3A_179 = arith.constant 0 : i32
      %dma_wait3A_180 = tpu.memref_slice %arg10[%dma_wait3A_166, %dma_wait3A_178, %dma_wait3A_179] : memref<2x64x128xf32, #tpu.memory_space<vmem>> -> memref<1x64x128xf32, #tpu.memory_space<vmem>>
      %dma_wait3A_181 = tpu.memref_squeeze %dma_wait3A_180 : memref<1x64x128xf32, #tpu.memory_space<vmem>> -> memref<64x128xf32, #tpu.memory_space<vmem>>
      %dma_wait3A_182 = arith.constant 0 : i32
      %dma_wait3A_183 = arith.constant 0 : i32
      %dma_wait3A_184 = tpu.memref_slice %arg2[%dma_wait3A_182, %dma_wait3A_183] : memref<10000x128xf32, #tpu.memory_space<hbm>> -> memref<64x128xf32, #tpu.memory_space<hbm>>
      tpu.wait_dma2 semaphore(%dma_wait3A_177 : memref<!tpu.dma_semaphore, #tpu.memory_space<semaphore_mem>>) src(%dma_wait3A_184 : memref<64x128xf32, #tpu.memory_space<hbm>>) dst(%dma_wait3A_181 : memref<64x128xf32, #tpu.memory_space<vmem>>)
      %dma_wait3A_185 = arith.constant 0 : i32
      %dma_wait3A_186 = arith.constant 0 : i32
      %dma_wait3A_187 = arith.constant 1 : i32
      %dma_wait3A_188 = arith.constant 0 : i32
      %dma_wait3A_189 = arith.constant 0 : i32
      %dma_wait3A_190 = tpu.memref_slice %arg11[%dma_wait3A_185, %dma_wait3A_188, %dma_wait3A_189] : memref<2x64x64xf32, #tpu.memory_space<vmem>> -> memref<1x64x64xf32, #tpu.memory_space<vmem>>
      %dma_wait3A_191 = tpu.memref_squeeze %dma_wait3A_190 : memref<1x64x64xf32, #tpu.memory_space<vmem>> -> memref<64x64xf32, #tpu.memory_space<vmem>>
      %dma_wait3A_192 = arith.constant 0 : i32
      %dma_wait3A_193 = arith.constant 0 : i32
      %dma_wait3A_194 = tpu.memref_slice %arg3[%dma_wait3A_192, %dma_wait3A_193] : memref<10016x64xf32, #tpu.memory_space<hbm>> -> memref<64x64xf32, #tpu.memory_space<hbm>>
      %dma_wait3A_195 = tpu.memref_slice %arg15[%dma_wait3A_186, %dma_wait3A_187] : memref<2x2x!tpu.dma_semaphore, #tpu.memory_space<semaphore_mem>> -> memref<1x1x!tpu.dma_semaphore, #tpu.memory_space<semaphore_mem>>
      %dma_wait3A_196 = tpu.memref_squeeze %dma_wait3A_195 : memref<1x1x!tpu.dma_semaphore, #tpu.memory_space<semaphore_mem>> -> memref<!tpu.dma_semaphore, #tpu.memory_space<semaphore_mem>>
      %dma_wait3A_197 = arith.constant 0 : i32
      %dma_wait3A_198 = arith.constant 0 : i32
      %dma_wait3A_199 = tpu.memref_slice %arg11[%dma_wait3A_185, %dma_wait3A_197, %dma_wait3A_198] : memref<2x64x64xf32, #tpu.memory_space<vmem>> -> memref<1x64x64xf32, #tpu.memory_space<vmem>>
      %dma_wait3A_200 = tpu.memref_squeeze %dma_wait3A_199 : memref<1x64x64xf32, #tpu.memory_space<vmem>> -> memref<64x64xf32, #tpu.memory_space<vmem>>
      %dma_wait3A_201 = arith.constant 0 : i32
      %dma_wait3A_202 = arith.constant 0 : i32
      %dma_wait3A_203 = tpu.memref_slice %arg3[%dma_wait3A_201, %dma_wait3A_202] : memref<10016x64xf32, #tpu.memory_space<hbm>> -> memref<64x64xf32, #tpu.memory_space<hbm>>
      tpu.wait_dma2 semaphore(%dma_wait3A_196 : memref<!tpu.dma_semaphore, #tpu.memory_space<semaphore_mem>>) src(%dma_wait3A_203 : memref<64x64xf32, #tpu.memory_space<hbm>>) dst(%dma_wait3A_200 : memref<64x64xf32, #tpu.memory_space<vmem>>)
      %add3A_204 = arith.constant 2 : i32
      %add3A_205 = arith.addi %mul3A_165, %add3A_204 : i32
      %add3A_206 = arith.addi %mul3A_2, %add3A_205 : i32
      %dma_start3A_207 = arith.constant 0 : i32
      %dma_start3A_208 = arith.constant 0 : i32
      %dma_start3A_209 = arith.constant 0 : i32
      %dma_start3A_210 = tpu.memref_slice %arg8[%dma_start3A_207, %dma_start3A_209] : memref<2x64xi32, #tpu.memory_space<vmem>> -> memref<1x64xi32, #tpu.memory_space<vmem>>
      %dma_start3A_211 = tpu.memref_squeeze %dma_start3A_210 : memref<1x64xi32, #tpu.memory_space<vmem>> -> memref<64xi32, #tpu.memory_space<vmem>>
      %dma_start3A_212 = arith.constant 0 : i32
      %dma_start3A_213 = tpu.memref_slice %arg4[%add3A_206, %dma_start3A_212] : memref<5412x64xi32, #tpu.memory_space<hbm>> -> memref<1x64xi32, #tpu.memory_space<hbm>>
      %dma_start3A_214 = tpu.memref_squeeze %dma_start3A_213 : memref<1x64xi32, #tpu.memory_space<hbm>> -> memref<64xi32, #tpu.memory_space<hbm>>
      %dma_start3A_215 = tpu.memref_slice %arg14[%dma_start3A_208] : memref<2x!tpu.dma_semaphore, #tpu.memory_space<semaphore_mem>> -> memref<1x!tpu.dma_semaphore, #tpu.memory_space<semaphore_mem>>
      %dma_start3A_216 = tpu.memref_squeeze %dma_start3A_215 : memref<1x!tpu.dma_semaphore, #tpu.memory_space<semaphore_mem>> -> memref<!tpu.dma_semaphore, #tpu.memory_space<semaphore_mem>>
      %dma_start3A_217 = arith.constant 0 : i32
      %dma_start3A_218 = tpu.memref_slice %arg8[%dma_start3A_207, %dma_start3A_217] : memref<2x64xi32, #tpu.memory_space<vmem>> -> memref<1x64xi32, #tpu.memory_space<vmem>>
      %dma_start3A_219 = tpu.memref_squeeze %dma_start3A_218 : memref<1x64xi32, #tpu.memory_space<vmem>> -> memref<64xi32, #tpu.memory_space<vmem>>
      %dma_start3A_220 = arith.constant 0 : i32
      %dma_start3A_221 = tpu.memref_slice %arg4[%add3A_206, %dma_start3A_220] : memref<5412x64xi32, #tpu.memory_space<hbm>> -> memref<1x64xi32, #tpu.memory_space<hbm>>
      %dma_start3A_222 = tpu.memref_squeeze %dma_start3A_221 : memref<1x64xi32, #tpu.memory_space<hbm>> -> memref<64xi32, #tpu.memory_space<hbm>>
      tpu.enqueue_dma source(%dma_start3A_222 : memref<64xi32, #tpu.memory_space<hbm>>) target(%dma_start3A_219 : memref<64xi32, #tpu.memory_space<vmem>>) target_semaphore(%dma_start3A_216 : memref<!tpu.dma_semaphore, #tpu.memory_space<semaphore_mem>>)
      %parallel_loop3A_223 = arith.constant 0 : i32
      %parallel_loop3A_224 = arith.constant 64 : i32
      %parallel_loop3A_225 = arith.constant 1 : i32
      scf.for %parallel_loop3A_388 = %parallel_loop3A_223 to %parallel_loop3A_224 step %parallel_loop3A_225  : i32 {
        %parallel_loop3A_389 = arith.constant 0 : i32
        %parallel_loop3A_390 = arith.index_cast %parallel_loop3A_389 : i32 to index
        %parallel_loop3A_391 = arith.index_cast %parallel_loop3A_388 : i32 to index
        %parallel_loop3A_392 = arith.constant 0 : index
        %parallel_loop3A_393 = tpu.vector_load %arg10[%parallel_loop3A_390, %parallel_loop3A_391, %parallel_loop3A_392] {strides = array<i32>} : memref<2x64x128xf32, #tpu.memory_space<vmem>>, vector<1x1x16xf32>,
        %parallel_loop3A_394 = vector.shape_cast %parallel_loop3A_393 : vector<1x1x16xf32> to vector<16xf32>
        %parallel_loop3A_395 = arith.constant 0 : i32
        %parallel_loop3A_396 = arith.index_cast %parallel_loop3A_395 : i32 to index
        %parallel_loop3A_397 = arith.index_cast %parallel_loop3A_388 : i32 to index
        %parallel_loop3A_398 = arith.constant 0 : index
        %parallel_loop3A_399 = tpu.vector_load %arg11[%parallel_loop3A_396, %parallel_loop3A_397, %parallel_loop3A_398] {strides = array<i32>} : memref<2x64x64xf32, #tpu.memory_space<vmem>>, vector<1x1x16xf32>,
        %parallel_loop3A_400 = vector.shape_cast %parallel_loop3A_399 : vector<1x1x16xf32> to vector<16xf32>
        %parallel_loop3A_401 = arith.addf %parallel_loop3A_394, %parallel_loop3A_400 : vector<16xf32>
        %parallel_loop3A_402 = arith.constant 2.000000e-01 : f32
        %parallel_loop3A_403 = vector.broadcast %parallel_loop3A_402 : f32 to vector<16xf32>
        %parallel_loop3A_404 = arith.mulf %parallel_loop3A_401, %parallel_loop3A_403 : vector<16xf32>
        %parallel_loop3A_405 = arith.maximumf %parallel_loop3A_401, %parallel_loop3A_404 : vector<16xf32>
        %parallel_loop3A_406 = math.exp %parallel_loop3A_405 : vector<16xf32>
        %parallel_loop3A_407 = arith.index_cast %parallel_loop3A_388 : i32 to index
        %parallel_loop3A_408 = arith.constant 0 : index
        %parallel_loop3A_409 = tpu.vector_load %arg12[%parallel_loop3A_407, %parallel_loop3A_408] {strides = array<i32>} : memref<64x128xf32, #tpu.memory_space<vmem>>, vector<1x16xf32>,
        %parallel_loop3A_410 = vector.shape_cast %parallel_loop3A_409 : vector<1x16xf32> to vector<16xf32>
        %parallel_loop3A_411 = vector.shape_cast %parallel_loop3A_406 : vector<16xf32> to vector<1x16xf32>
        tpu.vector_store %arg12[%parallel_loop3A_407, %parallel_loop3A_408], %parallel_loop3A_411 {strides = array<i32>} : memref<64x128xf32, #tpu.memory_space<vmem>>, vector<1x16xf32>,
        %parallel_loop3A_412 = arith.constant 0 : i32
        %parallel_loop3A_413 = arith.index_cast %parallel_loop3A_412 : i32 to index
        %parallel_loop3A_414 = arith.index_cast %parallel_loop3A_388 : i32 to index
        %parallel_loop3A_415 = arith.constant 64 : index
        %parallel_loop3A_416 = tpu.vector_load %arg10[%parallel_loop3A_413, %parallel_loop3A_414, %parallel_loop3A_415] {strides = array<i32>} : memref<2x64x128xf32, #tpu.memory_space<vmem>>, vector<1x1x16xf32>,
        %parallel_loop3A_417 = vector.shape_cast %parallel_loop3A_416 : vector<1x1x16xf32> to vector<16xf32>
        %parallel_loop3A_418 = arith.mulf %parallel_loop3A_417, %parallel_loop3A_406 : vector<16xf32>
        %parallel_loop3A_419 = arith.index_cast %parallel_loop3A_388 : i32 to index
        %parallel_loop3A_420 = arith.constant 64 : index
        %parallel_loop3A_421 = tpu.vector_load %arg12[%parallel_loop3A_419, %parallel_loop3A_420] {strides = array<i32>} : memref<64x128xf32, #tpu.memory_space<vmem>>, vector<1x16xf32>,
        %parallel_loop3A_422 = vector.shape_cast %parallel_loop3A_421 : vector<1x16xf32> to vector<16xf32>
        %parallel_loop3A_423 = vector.shape_cast %parallel_loop3A_418 : vector<16xf32> to vector<1x16xf32>
        tpu.vector_store %arg12[%parallel_loop3A_419, %parallel_loop3A_420], %parallel_loop3A_423 {strides = array<i32>} : memref<64x128xf32, #tpu.memory_space<vmem>>, vector<1x16xf32>,
        %parallel_loop3A_424 = arith.constant 0 : i32
        %parallel_loop3A_425 = arith.index_cast %parallel_loop3A_424 : i32 to index
        %parallel_loop3A_426 = arith.index_cast %parallel_loop3A_388 : i32 to index
        %parallel_loop3A_427 = arith.constant 16 : index
        %parallel_loop3A_428 = tpu.vector_load %arg10[%parallel_loop3A_425, %parallel_loop3A_426, %parallel_loop3A_427] {strides = array<i32>} : memref<2x64x128xf32, #tpu.memory_space<vmem>>, vector<1x1x16xf32>,
        %parallel_loop3A_429 = vector.shape_cast %parallel_loop3A_428 : vector<1x1x16xf32> to vector<16xf32>
        %parallel_loop3A_430 = arith.constant 0 : i32
        %parallel_loop3A_431 = arith.index_cast %parallel_loop3A_430 : i32 to index
        %parallel_loop3A_432 = arith.index_cast %parallel_loop3A_388 : i32 to index
        %parallel_loop3A_433 = arith.constant 16 : index
        %parallel_loop3A_434 = tpu.vector_load %arg11[%parallel_loop3A_431, %parallel_loop3A_432, %parallel_loop3A_433] {strides = array<i32>} : memref<2x64x64xf32, #tpu.memory_space<vmem>>, vector<1x1x16xf32>,
        %parallel_loop3A_435 = vector.shape_cast %parallel_loop3A_434 : vector<1x1x16xf32> to vector<16xf32>
        %parallel_loop3A_436 = arith.addf %parallel_loop3A_429, %parallel_loop3A_435 : vector<16xf32>
        %parallel_loop3A_437 = arith.constant 2.000000e-01 : f32
        %parallel_loop3A_438 = vector.broadcast %parallel_loop3A_437 : f32 to vector<16xf32>
        %parallel_loop3A_439 = arith.mulf %parallel_loop3A_436, %parallel_loop3A_438 : vector<16xf32>
        %parallel_loop3A_440 = arith.maximumf %parallel_loop3A_436, %parallel_loop3A_439 : vector<16xf32>
        %parallel_loop3A_441 = math.exp %parallel_loop3A_440 : vector<16xf32>
        %parallel_loop3A_442 = arith.index_cast %parallel_loop3A_388 : i32 to index
        %parallel_loop3A_443 = arith.constant 16 : index
        %parallel_loop3A_444 = tpu.vector_load %arg12[%parallel_loop3A_442, %parallel_loop3A_443] {strides = array<i32>} : memref<64x128xf32, #tpu.memory_space<vmem>>, vector<1x16xf32>,
        %parallel_loop3A_445 = vector.shape_cast %parallel_loop3A_444 : vector<1x16xf32> to vector<16xf32>
        %parallel_loop3A_446 = vector.shape_cast %parallel_loop3A_441 : vector<16xf32> to vector<1x16xf32>
        tpu.vector_store %arg12[%parallel_loop3A_442, %parallel_loop3A_443], %parallel_loop3A_446 {strides = array<i32>} : memref<64x128xf32, #tpu.memory_space<vmem>>, vector<1x16xf32>,
        %parallel_loop3A_447 = arith.constant 0 : i32
        %parallel_loop3A_448 = arith.index_cast %parallel_loop3A_447 : i32 to index
        %parallel_loop3A_449 = arith.index_cast %parallel_loop3A_388 : i32 to index
        %parallel_loop3A_450 = arith.constant 80 : index
        %parallel_loop3A_451 = tpu.vector_load %arg10[%parallel_loop3A_448, %parallel_loop3A_449, %parallel_loop3A_450] {strides = array<i32>} : memref<2x64x128xf32, #tpu.memory_space<vmem>>, vector<1x1x16xf32>,
        %parallel_loop3A_452 = vector.shape_cast %parallel_loop3A_451 : vector<1x1x16xf32> to vector<16xf32>
        %parallel_loop3A_453 = arith.mulf %parallel_loop3A_452, %parallel_loop3A_441 : vector<16xf32>
        %parallel_loop3A_454 = arith.index_cast %parallel_loop3A_388 : i32 to index
        %parallel_loop3A_455 = arith.constant 80 : index
        %parallel_loop3A_456 = tpu.vector_load %arg12[%parallel_loop3A_454, %parallel_loop3A_455] {strides = array<i32>} : memref<64x128xf32, #tpu.memory_space<vmem>>, vector<1x16xf32>,
        %parallel_loop3A_457 = vector.shape_cast %parallel_loop3A_456 : vector<1x16xf32> to vector<16xf32>
        %parallel_loop3A_458 = vector.shape_cast %parallel_loop3A_453 : vector<16xf32> to vector<1x16xf32>
        tpu.vector_store %arg12[%parallel_loop3A_454, %parallel_loop3A_455], %parallel_loop3A_458 {strides = array<i32>} : memref<64x128xf32, #tpu.memory_space<vmem>>, vector<1x16xf32>,
        %parallel_loop3A_459 = arith.constant 0 : i32
        %parallel_loop3A_460 = arith.index_cast %parallel_loop3A_459 : i32 to index
        %parallel_loop3A_461 = arith.index_cast %parallel_loop3A_388 : i32 to index
        %parallel_loop3A_462 = arith.constant 32 : index
        %parallel_loop3A_463 = tpu.vector_load %arg10[%parallel_loop3A_460, %parallel_loop3A_461, %parallel_loop3A_462] {strides = array<i32>} : memref<2x64x128xf32, #tpu.memory_space<vmem>>, vector<1x1x16xf32>,
        %parallel_loop3A_464 = vector.shape_cast %parallel_loop3A_463 : vector<1x1x16xf32> to vector<16xf32>
        %parallel_loop3A_465 = arith.constant 0 : i32
        %parallel_loop3A_466 = arith.index_cast %parallel_loop3A_465 : i32 to index
        %parallel_loop3A_467 = arith.index_cast %parallel_loop3A_388 : i32 to index
        %parallel_loop3A_468 = arith.constant 32 : index
        %parallel_loop3A_469 = tpu.vector_load %arg11[%parallel_loop3A_466, %parallel_loop3A_467, %parallel_loop3A_468] {strides = array<i32>} : memref<2x64x64xf32, #tpu.memory_space<vmem>>, vector<1x1x16xf32>,
        %parallel_loop3A_470 = vector.shape_cast %parallel_loop3A_469 : vector<1x1x16xf32> to vector<16xf32>
        %parallel_loop3A_471 = arith.addf %parallel_loop3A_464, %parallel_loop3A_470 : vector<16xf32>
        %parallel_loop3A_472 = arith.constant 2.000000e-01 : f32
        %parallel_loop3A_473 = vector.broadcast %parallel_loop3A_472 : f32 to vector<16xf32>
        %parallel_loop3A_474 = arith.mulf %parallel_loop3A_471, %parallel_loop3A_473 : vector<16xf32>
        %parallel_loop3A_475 = arith.maximumf %parallel_loop3A_471, %parallel_loop3A_474 : vector<16xf32>
        %parallel_loop3A_476 = math.exp %parallel_loop3A_475 : vector<16xf32>
        %parallel_loop3A_477 = arith.index_cast %parallel_loop3A_388 : i32 to index
        %parallel_loop3A_478 = arith.constant 32 : index
        %parallel_loop3A_479 = tpu.vector_load %arg12[%parallel_loop3A_477, %parallel_loop3A_478] {strides = array<i32>} : memref<64x128xf32, #tpu.memory_space<vmem>>, vector<1x16xf32>,
        %parallel_loop3A_480 = vector.shape_cast %parallel_loop3A_479 : vector<1x16xf32> to vector<16xf32>
        %parallel_loop3A_481 = vector.shape_cast %parallel_loop3A_476 : vector<16xf32> to vector<1x16xf32>
        tpu.vector_store %arg12[%parallel_loop3A_477, %parallel_loop3A_478], %parallel_loop3A_481 {strides = array<i32>} : memref<64x128xf32, #tpu.memory_space<vmem>>, vector<1x16xf32>,
        %parallel_loop3A_482 = arith.constant 0 : i32
        %parallel_loop3A_483 = arith.index_cast %parallel_loop3A_482 : i32 to index
        %parallel_loop3A_484 = arith.index_cast %parallel_loop3A_388 : i32 to index
        %parallel_loop3A_485 = arith.constant 96 : index
        %parallel_loop3A_486 = tpu.vector_load %arg10[%parallel_loop3A_483, %parallel_loop3A_484, %parallel_loop3A_485] {strides = array<i32>} : memref<2x64x128xf32, #tpu.memory_space<vmem>>, vector<1x1x16xf32>,
        %parallel_loop3A_487 = vector.shape_cast %parallel_loop3A_486 : vector<1x1x16xf32> to vector<16xf32>
        %parallel_loop3A_488 = arith.mulf %parallel_loop3A_487, %parallel_loop3A_476 : vector<16xf32>
        %parallel_loop3A_489 = arith.index_cast %parallel_loop3A_388 : i32 to index
        %parallel_loop3A_490 = arith.constant 96 : index
        %parallel_loop3A_491 = tpu.vector_load %arg12[%parallel_loop3A_489, %parallel_loop3A_490] {strides = array<i32>} : memref<64x128xf32, #tpu.memory_space<vmem>>, vector<1x16xf32>,
        %parallel_loop3A_492 = vector.shape_cast %parallel_loop3A_491 : vector<1x16xf32> to vector<16xf32>
        %parallel_loop3A_493 = vector.shape_cast %parallel_loop3A_488 : vector<16xf32> to vector<1x16xf32>
        tpu.vector_store %arg12[%parallel_loop3A_489, %parallel_loop3A_490], %parallel_loop3A_493 {strides = array<i32>} : memref<64x128xf32, #tpu.memory_space<vmem>>, vector<1x16xf32>,
        %parallel_loop3A_494 = arith.constant 0 : i32
        %parallel_loop3A_495 = arith.index_cast %parallel_loop3A_494 : i32 to index
        %parallel_loop3A_496 = arith.index_cast %parallel_loop3A_388 : i32 to index
        %parallel_loop3A_497 = arith.constant 48 : index
        %parallel_loop3A_498 = tpu.vector_load %arg10[%parallel_loop3A_495, %parallel_loop3A_496, %parallel_loop3A_497] {strides = array<i32>} : memref<2x64x128xf32, #tpu.memory_space<vmem>>, vector<1x1x16xf32>,
        %parallel_loop3A_499 = vector.shape_cast %parallel_loop3A_498 : vector<1x1x16xf32> to vector<16xf32>
        %parallel_loop3A_500 = arith.constant 0 : i32
        %parallel_loop3A_501 = arith.index_cast %parallel_loop3A_500 : i32 to index
        %parallel_loop3A_502 = arith.index_cast %parallel_loop3A_388 : i32 to index
        %parallel_loop3A_503 = arith.constant 48 : index
        %parallel_loop3A_504 = tpu.vector_load %arg11[%parallel_loop3A_501, %parallel_loop3A_502, %parallel_loop3A_503] {strides = array<i32>} : memref<2x64x64xf32, #tpu.memory_space<vmem>>, vector<1x1x16xf32>,
        %parallel_loop3A_505 = vector.shape_cast %parallel_loop3A_504 : vector<1x1x16xf32> to vector<16xf32>
        %parallel_loop3A_506 = arith.addf %parallel_loop3A_499, %parallel_loop3A_505 : vector<16xf32>
        %parallel_loop3A_507 = arith.constant 2.000000e-01 : f32
        %parallel_loop3A_508 = vector.broadcast %parallel_loop3A_507 : f32 to vector<16xf32>
        %parallel_loop3A_509 = arith.mulf %parallel_loop3A_506, %parallel_loop3A_508 : vector<16xf32>
        %parallel_loop3A_510 = arith.maximumf %parallel_loop3A_506, %parallel_loop3A_509 : vector<16xf32>
        %parallel_loop3A_511 = math.exp %parallel_loop3A_510 : vector<16xf32>
        %parallel_loop3A_512 = arith.index_cast %parallel_loop3A_388 : i32 to index
        %parallel_loop3A_513 = arith.constant 48 : index
        %parallel_loop3A_514 = tpu.vector_load %arg12[%parallel_loop3A_512, %parallel_loop3A_513] {strides = array<i32>} : memref<64x128xf32, #tpu.memory_space<vmem>>, vector<1x16xf32>,
        %parallel_loop3A_515 = vector.shape_cast %parallel_loop3A_514 : vector<1x16xf32> to vector<16xf32>
        %parallel_loop3A_516 = vector.shape_cast %parallel_loop3A_511 : vector<16xf32> to vector<1x16xf32>
        tpu.vector_store %arg12[%parallel_loop3A_512, %parallel_loop3A_513], %parallel_loop3A_516 {strides = array<i32>} : memref<64x128xf32, #tpu.memory_space<vmem>>, vector<1x16xf32>,
        %parallel_loop3A_517 = arith.constant 0 : i32
        %parallel_loop3A_518 = arith.index_cast %parallel_loop3A_517 : i32 to index
        %parallel_loop3A_519 = arith.index_cast %parallel_loop3A_388 : i32 to index
        %parallel_loop3A_520 = arith.constant 112 : index
        %parallel_loop3A_521 = tpu.vector_load %arg10[%parallel_loop3A_518, %parallel_loop3A_519, %parallel_loop3A_520] {strides = array<i32>} : memref<2x64x128xf32, #tpu.memory_space<vmem>>, vector<1x1x16xf32>,
        %parallel_loop3A_522 = vector.shape_cast %parallel_loop3A_521 : vector<1x1x16xf32> to vector<16xf32>
        %parallel_loop3A_523 = arith.mulf %parallel_loop3A_522, %parallel_loop3A_511 : vector<16xf32>
        %parallel_loop3A_524 = arith.index_cast %parallel_loop3A_388 : i32 to index
        %parallel_loop3A_525 = arith.constant 112 : index
        %parallel_loop3A_526 = tpu.vector_load %arg12[%parallel_loop3A_524, %parallel_loop3A_525] {strides = array<i32>} : memref<64x128xf32, #tpu.memory_space<vmem>>, vector<1x16xf32>,
        %parallel_loop3A_527 = vector.shape_cast %parallel_loop3A_526 : vector<1x16xf32> to vector<16xf32>
        %parallel_loop3A_528 = vector.shape_cast %parallel_loop3A_523 : vector<16xf32> to vector<1x16xf32>
        tpu.vector_store %arg12[%parallel_loop3A_524, %parallel_loop3A_525], %parallel_loop3A_528 {strides = array<i32>} : memref<64x128xf32, #tpu.memory_space<vmem>>, vector<1x16xf32>,
      } {sc.loop_unroll_factor = 2 : i64, sc.parallel_access}
      "tpu.region"() ({
        %run_scoped3A_388 = tpu.sem_alloc : memref<!tpu.dma_semaphore, #tpu.memory_space<semaphore_mem>>
        %dma_start3A_389 = arith.constant 0 : i32
        %dma_start3A_390 = tpu.memref_slice %arg9[%mul3A_165, %dma_start3A_389] : memref<164x64xi32, #tpu.memory_space<vmem>> -> memref<1x64xi32, #tpu.memory_space<vmem>>
        %dma_start3A_391 = tpu.memref_squeeze %dma_start3A_390 : memref<1x64xi32, #tpu.memory_space<vmem>> -> memref<64xi32, #tpu.memory_space<vmem>>
        %dma_start3A_392 = arith.constant 0 : i32
        %dma_start3A_393 = arith.constant 0 : i32
        %dma_start3A_394 = tpu.memref_slice %arg13[%dma_start3A_392, %dma_start3A_393] : memref<10112x128xf32, #tpu.memory_space<vmem_shared>> -> memref<10112x128xf32, #tpu.memory_space<vmem_shared>>
        tpu.enqueue_indirect_dma source(%arg12 : memref<64x128xf32, #tpu.memory_space<vmem>>) target(%dma_start3A_394 : memref<10112x128xf32, #tpu.memory_space<vmem_shared>>) offsets(%dma_start3A_391 : memref<64xi32, #tpu.memory_space<vmem>>) semaphore(%run_scoped3A_388 : memref<!tpu.dma_semaphore, #tpu.memory_space<semaphore_mem>>) {add = true}
        %dma_wait3A_395 = arith.constant 0 : i32
        %dma_wait3A_396 = tpu.memref_slice %arg9[%mul3A_165, %dma_wait3A_395] : memref<164x64xi32, #tpu.memory_space<vmem>> -> memref<1x64xi32, #tpu.memory_space<vmem>>
        %dma_wait3A_397 = tpu.memref_squeeze %dma_wait3A_396 : memref<1x64xi32, #tpu.memory_space<vmem>> -> memref<64xi32, #tpu.memory_space<vmem>>
        %dma_wait3A_398 = arith.constant 0 : i32
        %dma_wait3A_399 = arith.constant 0 : i32
        %dma_wait3A_400 = tpu.memref_slice %arg13[%dma_wait3A_398, %dma_wait3A_399] : memref<10112x128xf32, #tpu.memory_space<vmem_shared>> -> memref<10112x128xf32, #tpu.memory_space<vmem_shared>>
        tpu.wait_indirect_dma semaphore(%run_scoped3A_388 : memref<!tpu.dma_semaphore, #tpu.memory_space<semaphore_mem>>) src(%arg12 : memref<64x128xf32, #tpu.memory_space<vmem>>) dst(%dma_wait3A_400 : memref<10112x128xf32, #tpu.memory_space<vmem_shared>>)
        tpu.yield
      }) : () -> ()
      %dma_wait3A_226 = arith.constant 0 : i32
      %dma_wait3A_227 = arith.constant 0 : i32
      %dma_wait3A_228 = arith.constant 0 : i32
      %dma_wait3A_229 = arith.constant 0 : i32
      %dma_wait3A_230 = tpu.memref_slice %arg8[%dma_wait3A_227, %dma_wait3A_229] : memref<2x64xi32, #tpu.memory_space<vmem>> -> memref<1x64xi32, #tpu.memory_space<vmem>>
      %dma_wait3A_231 = tpu.memref_squeeze %dma_wait3A_230 : memref<1x64xi32, #tpu.memory_space<vmem>> -> memref<64xi32, #tpu.memory_space<vmem>>
      %dma_wait3A_232 = arith.constant 0 : i32
      %dma_wait3A_233 = tpu.memref_slice %arg4[%dma_wait3A_226, %dma_wait3A_232] : memref<5412x64xi32, #tpu.memory_space<hbm>> -> memref<1x64xi32, #tpu.memory_space<hbm>>
      %dma_wait3A_234 = tpu.memref_squeeze %dma_wait3A_233 : memref<1x64xi32, #tpu.memory_space<hbm>> -> memref<64xi32, #tpu.memory_space<hbm>>
      %dma_wait3A_235 = tpu.memref_slice %arg14[%dma_wait3A_228] : memref<2x!tpu.dma_semaphore, #tpu.memory_space<semaphore_mem>> -> memref<1x!tpu.dma_semaphore, #tpu.memory_space<semaphore_mem>>
      %dma_wait3A_236 = tpu.memref_squeeze %dma_wait3A_235 : memref<1x!tpu.dma_semaphore, #tpu.memory_space<semaphore_mem>> -> memref<!tpu.dma_semaphore, #tpu.memory_space<semaphore_mem>>
      %dma_wait3A_237 = arith.constant 0 : i32
      %dma_wait3A_238 = tpu.memref_slice %arg8[%dma_wait3A_227, %dma_wait3A_237] : memref<2x64xi32, #tpu.memory_space<vmem>> -> memref<1x64xi32, #tpu.memory_space<vmem>>
      %dma_wait3A_239 = tpu.memref_squeeze %dma_wait3A_238 : memref<1x64xi32, #tpu.memory_space<vmem>> -> memref<64xi32, #tpu.memory_space<vmem>>
      %dma_wait3A_240 = arith.constant 0 : i32
      %dma_wait3A_241 = tpu.memref_slice %arg4[%dma_wait3A_226, %dma_wait3A_240] : memref<5412x64xi32, #tpu.memory_space<hbm>> -> memref<1x64xi32, #tpu.memory_space<hbm>>
      %dma_wait3A_242 = tpu.memref_squeeze %dma_wait3A_241 : memref<1x64xi32, #tpu.memory_space<hbm>> -> memref<64xi32, #tpu.memory_space<hbm>>
      tpu.wait_dma2 semaphore(%dma_wait3A_236 : memref<!tpu.dma_semaphore, #tpu.memory_space<semaphore_mem>>) src(%dma_wait3A_242 : memref<64xi32, #tpu.memory_space<hbm>>) dst(%dma_wait3A_239 : memref<64xi32, #tpu.memory_space<vmem>>)
      %add3A_243 = arith.constant 2 : i32
      %add3A_244 = arith.addi %mul3A_165, %add3A_243 : i32
      %dma_start3A_245 = arith.constant 0 : i32
      %dma_start3A_246 = arith.constant 0 : i32
      %dma_start3A_247 = arith.constant 0 : i32
      %dma_start3A_248 = arith.constant 0 : i32
      %dma_start3A_249 = arith.constant 0 : i32
      %dma_start3A_250 = arith.constant 0 : i32
      %dma_start3A_251 = tpu.memref_slice %arg10[%dma_start3A_246, %dma_start3A_249, %dma_start3A_250] : memref<2x64x128xf32, #tpu.memory_space<vmem>> -> memref<1x64x128xf32, #tpu.memory_space<vmem>>
      %dma_start3A_252 = tpu.memref_squeeze %dma_start3A_251 : memref<1x64x128xf32, #tpu.memory_space<vmem>> -> memref<64x128xf32, #tpu.memory_space<vmem>>
      %dma_start3A_253 = arith.constant 0 : i32
      %dma_start3A_254 = tpu.memref_slice %arg8[%dma_start3A_245, %dma_start3A_253] : memref<2x64xi32, #tpu.memory_space<vmem>> -> memref<1x64xi32, #tpu.memory_space<vmem>>
      %dma_start3A_255 = tpu.memref_squeeze %dma_start3A_254 : memref<1x64xi32, #tpu.memory_space<vmem>> -> memref<64xi32, #tpu.memory_space<vmem>>
      %dma_start3A_256 = arith.constant 0 : i32
      %dma_start3A_257 = arith.constant 0 : i32
      %dma_start3A_258 = tpu.memref_slice %arg2[%dma_start3A_256, %dma_start3A_257] : memref<10000x128xf32, #tpu.memory_space<hbm>> -> memref<10000x128xf32, #tpu.memory_space<hbm>>
      %dma_start3A_259 = tpu.memref_slice %arg15[%dma_start3A_247, %dma_start3A_248] : memref<2x2x!tpu.dma_semaphore, #tpu.memory_space<semaphore_mem>> -> memref<1x1x!tpu.dma_semaphore, #tpu.memory_space<semaphore_mem>>
      %dma_start3A_260 = tpu.memref_squeeze %dma_start3A_259 : memref<1x1x!tpu.dma_semaphore, #tpu.memory_space<semaphore_mem>> -> memref<!tpu.dma_semaphore, #tpu.memory_space<semaphore_mem>>
      tpu.enqueue_indirect_dma source(%dma_start3A_258 : memref<10000x128xf32, #tpu.memory_space<hbm>>) target(%dma_start3A_252 : memref<64x128xf32, #tpu.memory_space<vmem>>) offsets(%dma_start3A_255 : memref<64xi32, #tpu.memory_space<vmem>>) semaphore(%dma_start3A_260 : memref<!tpu.dma_semaphore, #tpu.memory_space<semaphore_mem>>)
      %dma_start3A_261 = arith.constant 0 : i32
      %dma_start3A_262 = arith.constant 0 : i32
      %dma_start3A_263 = arith.constant 1 : i32
      %dma_start3A_264 = arith.constant 0 : i32
      %dma_start3A_265 = arith.constant 0 : i32
      %dma_start3A_266 = tpu.memref_slice %arg11[%dma_start3A_261, %dma_start3A_264, %dma_start3A_265] : memref<2x64x64xf32, #tpu.memory_space<vmem>> -> memref<1x64x64xf32, #tpu.memory_space<vmem>>
      %dma_start3A_267 = tpu.memref_squeeze %dma_start3A_266 : memref<1x64x64xf32, #tpu.memory_space<vmem>> -> memref<64x64xf32, #tpu.memory_space<vmem>>
      %dma_start3A_268 = arith.constant 0 : i32
      %dma_start3A_269 = tpu.memref_slice %arg9[%add3A_244, %dma_start3A_268] : memref<164x64xi32, #tpu.memory_space<vmem>> -> memref<1x64xi32, #tpu.memory_space<vmem>>
      %dma_start3A_270 = tpu.memref_squeeze %dma_start3A_269 : memref<1x64xi32, #tpu.memory_space<vmem>> -> memref<64xi32, #tpu.memory_space<vmem>>
      %dma_start3A_271 = arith.constant 0 : i32
      %dma_start3A_272 = arith.constant 0 : i32
      %dma_start3A_273 = tpu.memref_slice %arg3[%dma_start3A_271, %dma_start3A_272] : memref<10016x64xf32, #tpu.memory_space<hbm>> -> memref<10016x64xf32, #tpu.memory_space<hbm>>
      %dma_start3A_274 = tpu.memref_slice %arg15[%dma_start3A_262, %dma_start3A_263] : memref<2x2x!tpu.dma_semaphore, #tpu.memory_space<semaphore_mem>> -> memref<1x1x!tpu.dma_semaphore, #tpu.memory_space<semaphore_mem>>
      %dma_start3A_275 = tpu.memref_squeeze %dma_start3A_274 : memref<1x1x!tpu.dma_semaphore, #tpu.memory_space<semaphore_mem>> -> memref<!tpu.dma_semaphore, #tpu.memory_space<semaphore_mem>>
      tpu.enqueue_indirect_dma source(%dma_start3A_273 : memref<10016x64xf32, #tpu.memory_space<hbm>>) target(%dma_start3A_267 : memref<64x64xf32, #tpu.memory_space<vmem>>) offsets(%dma_start3A_270 : memref<64xi32, #tpu.memory_space<vmem>>) semaphore(%dma_start3A_275 : memref<!tpu.dma_semaphore, #tpu.memory_space<semaphore_mem>>)
      %dma_wait3A_276 = arith.constant 1 : i32
      %dma_wait3A_277 = arith.constant 1 : i32
      %dma_wait3A_278 = arith.constant 0 : i32
      %dma_wait3A_279 = arith.constant 0 : i32
      %dma_wait3A_280 = arith.constant 0 : i32
      %dma_wait3A_281 = tpu.memref_slice %arg10[%dma_wait3A_276, %dma_wait3A_279, %dma_wait3A_280] : memref<2x64x128xf32, #tpu.memory_space<vmem>> -> memref<1x64x128xf32, #tpu.memory_space<vmem>>
      %dma_wait3A_282 = tpu.memref_squeeze %dma_wait3A_281 : memref<1x64x128xf32, #tpu.memory_space<vmem>> -> memref<64x128xf32, #tpu.memory_space<vmem>>
      %dma_wait3A_283 = arith.constant 0 : i32
      %dma_wait3A_284 = arith.constant 0 : i32
      %dma_wait3A_285 = tpu.memref_slice %arg2[%dma_wait3A_283, %dma_wait3A_284] : memref<10000x128xf32, #tpu.memory_space<hbm>> -> memref<64x128xf32, #tpu.memory_space<hbm>>
      %dma_wait3A_286 = tpu.memref_slice %arg15[%dma_wait3A_277, %dma_wait3A_278] : memref<2x2x!tpu.dma_semaphore, #tpu.memory_space<semaphore_mem>> -> memref<1x1x!tpu.dma_semaphore, #tpu.memory_space<semaphore_mem>>
      %dma_wait3A_287 = tpu.memref_squeeze %dma_wait3A_286 : memref<1x1x!tpu.dma_semaphore, #tpu.memory_space<semaphore_mem>> -> memref<!tpu.dma_semaphore, #tpu.memory_space<semaphore_mem>>
      %dma_wait3A_288 = arith.constant 0 : i32
      %dma_wait3A_289 = arith.constant 0 : i32
      %dma_wait3A_290 = tpu.memref_slice %arg10[%dma_wait3A_276, %dma_wait3A_288, %dma_wait3A_289] : memref<2x64x128xf32, #tpu.memory_space<vmem>> -> memref<1x64x128xf32, #tpu.memory_space<vmem>>
      %dma_wait3A_291 = tpu.memref_squeeze %dma_wait3A_290 : memref<1x64x128xf32, #tpu.memory_space<vmem>> -> memref<64x128xf32, #tpu.memory_space<vmem>>
      %dma_wait3A_292 = arith.constant 0 : i32
      %dma_wait3A_293 = arith.constant 0 : i32
      %dma_wait3A_294 = tpu.memref_slice %arg2[%dma_wait3A_292, %dma_wait3A_293] : memref<10000x128xf32, #tpu.memory_space<hbm>> -> memref<64x128xf32, #tpu.memory_space<hbm>>
      tpu.wait_dma2 semaphore(%dma_wait3A_287 : memref<!tpu.dma_semaphore, #tpu.memory_space<semaphore_mem>>) src(%dma_wait3A_294 : memref<64x128xf32, #tpu.memory_space<hbm>>) dst(%dma_wait3A_291 : memref<64x128xf32, #tpu.memory_space<vmem>>)
      %dma_wait3A_295 = arith.constant 1 : i32
      %dma_wait3A_296 = arith.constant 1 : i32
      %dma_wait3A_297 = arith.constant 1 : i32
      %dma_wait3A_298 = arith.constant 0 : i32
      %dma_wait3A_299 = arith.constant 0 : i32
      %dma_wait3A_300 = tpu.memref_slice %arg11[%dma_wait3A_295, %dma_wait3A_298, %dma_wait3A_299] : memref<2x64x64xf32, #tpu.memory_space<vmem>> -> memref<1x64x64xf32, #tpu.memory_space<vmem>>
      %dma_wait3A_301 = tpu.memref_squeeze %dma_wait3A_300 : memref<1x64x64xf32, #tpu.memory_space<vmem>> -> memref<64x64xf32, #tpu.memory_space<vmem>>
      %dma_wait3A_302 = arith.constant 0 : i32
      %dma_wait3A_303 = arith.constant 0 : i32
      %dma_wait3A_304 = tpu.memref_slice %arg3[%dma_wait3A_302, %dma_wait3A_303] : memref<10016x64xf32, #tpu.memory_space<hbm>> -> memref<64x64xf32, #tpu.memory_space<hbm>>
      %dma_wait3A_305 = tpu.memref_slice %arg15[%dma_wait3A_296, %dma_wait3A_297] : memref<2x2x!tpu.dma_semaphore, #tpu.memory_space<semaphore_mem>> -> memref<1x1x!tpu.dma_semaphore, #tpu.memory_space<semaphore_mem>>
      %dma_wait3A_306 = tpu.memref_squeeze %dma_wait3A_305 : memref<1x1x!tpu.dma_semaphore, #tpu.memory_space<semaphore_mem>> -> memref<!tpu.dma_semaphore, #tpu.memory_space<semaphore_mem>>
      %dma_wait3A_307 = arith.constant 0 : i32
      %dma_wait3A_308 = arith.constant 0 : i32
      %dma_wait3A_309 = tpu.memref_slice %arg11[%dma_wait3A_295, %dma_wait3A_307, %dma_wait3A_308] : memref<2x64x64xf32, #tpu.memory_space<vmem>> -> memref<1x64x64xf32, #tpu.memory_space<vmem>>
      %dma_wait3A_310 = tpu.memref_squeeze %dma_wait3A_309 : memref<1x64x64xf32, #tpu.memory_space<vmem>> -> memref<64x64xf32, #tpu.memory_space<vmem>>
      %dma_wait3A_311 = arith.constant 0 : i32
      %dma_wait3A_312 = arith.constant 0 : i32
      %dma_wait3A_313 = tpu.memref_slice %arg3[%dma_wait3A_311, %dma_wait3A_312] : memref<10016x64xf32, #tpu.memory_space<hbm>> -> memref<64x64xf32, #tpu.memory_space<hbm>>
      tpu.wait_dma2 semaphore(%dma_wait3A_306 : memref<!tpu.dma_semaphore, #tpu.memory_space<semaphore_mem>>) src(%dma_wait3A_313 : memref<64x64xf32, #tpu.memory_space<hbm>>) dst(%dma_wait3A_310 : memref<64x64xf32, #tpu.memory_space<vmem>>)
      %add3A_314 = arith.constant 3 : i32
      %add3A_315 = arith.addi %mul3A_165, %add3A_314 : i32
      %add3A_316 = arith.addi %mul3A_2, %add3A_315 : i32
      %dma_start3A_317 = arith.constant 1 : i32
      %dma_start3A_318 = arith.constant 1 : i32
      %dma_start3A_319 = arith.constant 0 : i32
      %dma_start3A_320 = tpu.memref_slice %arg8[%dma_start3A_317, %dma_start3A_319] : memref<2x64xi32, #tpu.memory_space<vmem>> -> memref<1x64xi32, #tpu.memory_space<vmem>>
      %dma_start3A_321 = tpu.memref_squeeze %dma_start3A_320 : memref<1x64xi32, #tpu.memory_space<vmem>> -> memref<64xi32, #tpu.memory_space<vmem>>
      %dma_start3A_322 = arith.constant 0 : i32
      %dma_start3A_323 = tpu.memref_slice %arg4[%add3A_316, %dma_start3A_322] : memref<5412x64xi32, #tpu.memory_space<hbm>> -> memref<1x64xi32, #tpu.memory_space<hbm>>
      %dma_start3A_324 = tpu.memref_squeeze %dma_start3A_323 : memref<1x64xi32, #tpu.memory_space<hbm>> -> memref<64xi32, #tpu.memory_space<hbm>>
      %dma_start3A_325 = tpu.memref_slice %arg14[%dma_start3A_318] : memref<2x!tpu.dma_semaphore, #tpu.memory_space<semaphore_mem>> -> memref<1x!tpu.dma_semaphore, #tpu.memory_space<semaphore_mem>>
      %dma_start3A_326 = tpu.memref_squeeze %dma_start3A_325 : memref<1x!tpu.dma_semaphore, #tpu.memory_space<semaphore_mem>> -> memref<!tpu.dma_semaphore, #tpu.memory_space<semaphore_mem>>
      %dma_start3A_327 = arith.constant 0 : i32
      %dma_start3A_328 = tpu.memref_slice %arg8[%dma_start3A_317, %dma_start3A_327] : memref<2x64xi32, #tpu.memory_space<vmem>> -> memref<1x64xi32, #tpu.memory_space<vmem>>
      %dma_start3A_329 = tpu.memref_squeeze %dma_start3A_328 : memref<1x64xi32, #tpu.memory_space<vmem>> -> memref<64xi32, #tpu.memory_space<vmem>>
      %dma_start3A_330 = arith.constant 0 : i32
      %dma_start3A_331 = tpu.memref_slice %arg4[%add3A_316, %dma_start3A_330] : memref<5412x64xi32, #tpu.memory_space<hbm>> -> memref<1x64xi32, #tpu.memory_space<hbm>>
      %dma_start3A_332 = tpu.memref_squeeze %dma_start3A_331 : memref<1x64xi32, #tpu.memory_space<hbm>> -> memref<64xi32, #tpu.memory_space<hbm>>
      tpu.enqueue_dma source(%dma_start3A_332 : memref<64xi32, #tpu.memory_space<hbm>>) target(%dma_start3A_329 : memref<64xi32, #tpu.memory_space<vmem>>) target_semaphore(%dma_start3A_326 : memref<!tpu.dma_semaphore, #tpu.memory_space<semaphore_mem>>)
      %add3A_333 = arith.constant 1 : i32
      %add3A_334 = arith.addi %mul3A_165, %add3A_333 : i32
      %parallel_loop3A_335 = arith.constant 0 : i32
      %parallel_loop3A_336 = arith.constant 64 : i32
      %parallel_loop3A_337 = arith.constant 1 : i32
      scf.for %parallel_loop3A_388 = %parallel_loop3A_335 to %parallel_loop3A_336 step %parallel_loop3A_337  : i32 {
        %parallel_loop3A_389 = arith.constant 1 : i32
        %parallel_loop3A_390 = arith.index_cast %parallel_loop3A_389 : i32 to index
        %parallel_loop3A_391 = arith.index_cast %parallel_loop3A_388 : i32 to index
        %parallel_loop3A_392 = arith.constant 0 : index
        %parallel_loop3A_393 = tpu.vector_load %arg10[%parallel_loop3A_390, %parallel_loop3A_391, %parallel_loop3A_392] {strides = array<i32>} : memref<2x64x128xf32, #tpu.memory_space<vmem>>, vector<1x1x16xf32>,
        %parallel_loop3A_394 = vector.shape_cast %parallel_loop3A_393 : vector<1x1x16xf32> to vector<16xf32>
        %parallel_loop3A_395 = arith.constant 1 : i32
        %parallel_loop3A_396 = arith.index_cast %parallel_loop3A_395 : i32 to index
        %parallel_loop3A_397 = arith.index_cast %parallel_loop3A_388 : i32 to index
        %parallel_loop3A_398 = arith.constant 0 : index
        %parallel_loop3A_399 = tpu.vector_load %arg11[%parallel_loop3A_396, %parallel_loop3A_397, %parallel_loop3A_398] {strides = array<i32>} : memref<2x64x64xf32, #tpu.memory_space<vmem>>, vector<1x1x16xf32>,
        %parallel_loop3A_400 = vector.shape_cast %parallel_loop3A_399 : vector<1x1x16xf32> to vector<16xf32>
        %parallel_loop3A_401 = arith.addf %parallel_loop3A_394, %parallel_loop3A_400 : vector<16xf32>
        %parallel_loop3A_402 = arith.constant 2.000000e-01 : f32
        %parallel_loop3A_403 = vector.broadcast %parallel_loop3A_402 : f32 to vector<16xf32>
        %parallel_loop3A_404 = arith.mulf %parallel_loop3A_401, %parallel_loop3A_403 : vector<16xf32>
        %parallel_loop3A_405 = arith.maximumf %parallel_loop3A_401, %parallel_loop3A_404 : vector<16xf32>
        %parallel_loop3A_406 = math.exp %parallel_loop3A_405 : vector<16xf32>
        %parallel_loop3A_407 = arith.index_cast %parallel_loop3A_388 : i32 to index
        %parallel_loop3A_408 = arith.constant 0 : index
        %parallel_loop3A_409 = tpu.vector_load %arg12[%parallel_loop3A_407, %parallel_loop3A_408] {strides = array<i32>} : memref<64x128xf32, #tpu.memory_space<vmem>>, vector<1x16xf32>,
        %parallel_loop3A_410 = vector.shape_cast %parallel_loop3A_409 : vector<1x16xf32> to vector<16xf32>
        %parallel_loop3A_411 = vector.shape_cast %parallel_loop3A_406 : vector<16xf32> to vector<1x16xf32>
        tpu.vector_store %arg12[%parallel_loop3A_407, %parallel_loop3A_408], %parallel_loop3A_411 {strides = array<i32>} : memref<64x128xf32, #tpu.memory_space<vmem>>, vector<1x16xf32>,
        %parallel_loop3A_412 = arith.constant 1 : i32
        %parallel_loop3A_413 = arith.index_cast %parallel_loop3A_412 : i32 to index
        %parallel_loop3A_414 = arith.index_cast %parallel_loop3A_388 : i32 to index
        %parallel_loop3A_415 = arith.constant 64 : index
        %parallel_loop3A_416 = tpu.vector_load %arg10[%parallel_loop3A_413, %parallel_loop3A_414, %parallel_loop3A_415] {strides = array<i32>} : memref<2x64x128xf32, #tpu.memory_space<vmem>>, vector<1x1x16xf32>,
        %parallel_loop3A_417 = vector.shape_cast %parallel_loop3A_416 : vector<1x1x16xf32> to vector<16xf32>
        %parallel_loop3A_418 = arith.mulf %parallel_loop3A_417, %parallel_loop3A_406 : vector<16xf32>
        %parallel_loop3A_419 = arith.index_cast %parallel_loop3A_388 : i32 to index
        %parallel_loop3A_420 = arith.constant 64 : index
        %parallel_loop3A_421 = tpu.vector_load %arg12[%parallel_loop3A_419, %parallel_loop3A_420] {strides = array<i32>} : memref<64x128xf32, #tpu.memory_space<vmem>>, vector<1x16xf32>,
        %parallel_loop3A_422 = vector.shape_cast %parallel_loop3A_421 : vector<1x16xf32> to vector<16xf32>
        %parallel_loop3A_423 = vector.shape_cast %parallel_loop3A_418 : vector<16xf32> to vector<1x16xf32>
        tpu.vector_store %arg12[%parallel_loop3A_419, %parallel_loop3A_420], %parallel_loop3A_423 {strides = array<i32>} : memref<64x128xf32, #tpu.memory_space<vmem>>, vector<1x16xf32>,
        %parallel_loop3A_424 = arith.constant 1 : i32
        %parallel_loop3A_425 = arith.index_cast %parallel_loop3A_424 : i32 to index
        %parallel_loop3A_426 = arith.index_cast %parallel_loop3A_388 : i32 to index
        %parallel_loop3A_427 = arith.constant 16 : index
        %parallel_loop3A_428 = tpu.vector_load %arg10[%parallel_loop3A_425, %parallel_loop3A_426, %parallel_loop3A_427] {strides = array<i32>} : memref<2x64x128xf32, #tpu.memory_space<vmem>>, vector<1x1x16xf32>,
        %parallel_loop3A_429 = vector.shape_cast %parallel_loop3A_428 : vector<1x1x16xf32> to vector<16xf32>
        %parallel_loop3A_430 = arith.constant 1 : i32
        %parallel_loop3A_431 = arith.index_cast %parallel_loop3A_430 : i32 to index
        %parallel_loop3A_432 = arith.index_cast %parallel_loop3A_388 : i32 to index
        %parallel_loop3A_433 = arith.constant 16 : index
        %parallel_loop3A_434 = tpu.vector_load %arg11[%parallel_loop3A_431, %parallel_loop3A_432, %parallel_loop3A_433] {strides = array<i32>} : memref<2x64x64xf32, #tpu.memory_space<vmem>>, vector<1x1x16xf32>,
        %parallel_loop3A_435 = vector.shape_cast %parallel_loop3A_434 : vector<1x1x16xf32> to vector<16xf32>
        %parallel_loop3A_436 = arith.addf %parallel_loop3A_429, %parallel_loop3A_435 : vector<16xf32>
        %parallel_loop3A_437 = arith.constant 2.000000e-01 : f32
        %parallel_loop3A_438 = vector.broadcast %parallel_loop3A_437 : f32 to vector<16xf32>
        %parallel_loop3A_439 = arith.mulf %parallel_loop3A_436, %parallel_loop3A_438 : vector<16xf32>
        %parallel_loop3A_440 = arith.maximumf %parallel_loop3A_436, %parallel_loop3A_439 : vector<16xf32>
        %parallel_loop3A_441 = math.exp %parallel_loop3A_440 : vector<16xf32>
        %parallel_loop3A_442 = arith.index_cast %parallel_loop3A_388 : i32 to index
        %parallel_loop3A_443 = arith.constant 16 : index
        %parallel_loop3A_444 = tpu.vector_load %arg12[%parallel_loop3A_442, %parallel_loop3A_443] {strides = array<i32>} : memref<64x128xf32, #tpu.memory_space<vmem>>, vector<1x16xf32>,
        %parallel_loop3A_445 = vector.shape_cast %parallel_loop3A_444 : vector<1x16xf32> to vector<16xf32>
        %parallel_loop3A_446 = vector.shape_cast %parallel_loop3A_441 : vector<16xf32> to vector<1x16xf32>
        tpu.vector_store %arg12[%parallel_loop3A_442, %parallel_loop3A_443], %parallel_loop3A_446 {strides = array<i32>} : memref<64x128xf32, #tpu.memory_space<vmem>>, vector<1x16xf32>,
        %parallel_loop3A_447 = arith.constant 1 : i32
        %parallel_loop3A_448 = arith.index_cast %parallel_loop3A_447 : i32 to index
        %parallel_loop3A_449 = arith.index_cast %parallel_loop3A_388 : i32 to index
        %parallel_loop3A_450 = arith.constant 80 : index
        %parallel_loop3A_451 = tpu.vector_load %arg10[%parallel_loop3A_448, %parallel_loop3A_449, %parallel_loop3A_450] {strides = array<i32>} : memref<2x64x128xf32, #tpu.memory_space<vmem>>, vector<1x1x16xf32>,
        %parallel_loop3A_452 = vector.shape_cast %parallel_loop3A_451 : vector<1x1x16xf32> to vector<16xf32>
        %parallel_loop3A_453 = arith.mulf %parallel_loop3A_452, %parallel_loop3A_441 : vector<16xf32>
        %parallel_loop3A_454 = arith.index_cast %parallel_loop3A_388 : i32 to index
        %parallel_loop3A_455 = arith.constant 80 : index
        %parallel_loop3A_456 = tpu.vector_load %arg12[%parallel_loop3A_454, %parallel_loop3A_455] {strides = array<i32>} : memref<64x128xf32, #tpu.memory_space<vmem>>, vector<1x16xf32>,
        %parallel_loop3A_457 = vector.shape_cast %parallel_loop3A_456 : vector<1x16xf32> to vector<16xf32>
        %parallel_loop3A_458 = vector.shape_cast %parallel_loop3A_453 : vector<16xf32> to vector<1x16xf32>
        tpu.vector_store %arg12[%parallel_loop3A_454, %parallel_loop3A_455], %parallel_loop3A_458 {strides = array<i32>} : memref<64x128xf32, #tpu.memory_space<vmem>>, vector<1x16xf32>,
        %parallel_loop3A_459 = arith.constant 1 : i32
        %parallel_loop3A_460 = arith.index_cast %parallel_loop3A_459 : i32 to index
        %parallel_loop3A_461 = arith.index_cast %parallel_loop3A_388 : i32 to index
        %parallel_loop3A_462 = arith.constant 32 : index
        %parallel_loop3A_463 = tpu.vector_load %arg10[%parallel_loop3A_460, %parallel_loop3A_461, %parallel_loop3A_462] {strides = array<i32>} : memref<2x64x128xf32, #tpu.memory_space<vmem>>, vector<1x1x16xf32>,
        %parallel_loop3A_464 = vector.shape_cast %parallel_loop3A_463 : vector<1x1x16xf32> to vector<16xf32>
        %parallel_loop3A_465 = arith.constant 1 : i32
        %parallel_loop3A_466 = arith.index_cast %parallel_loop3A_465 : i32 to index
        %parallel_loop3A_467 = arith.index_cast %parallel_loop3A_388 : i32 to index
        %parallel_loop3A_468 = arith.constant 32 : index
        %parallel_loop3A_469 = tpu.vector_load %arg11[%parallel_loop3A_466, %parallel_loop3A_467, %parallel_loop3A_468] {strides = array<i32>} : memref<2x64x64xf32, #tpu.memory_space<vmem>>, vector<1x1x16xf32>,
        %parallel_loop3A_470 = vector.shape_cast %parallel_loop3A_469 : vector<1x1x16xf32> to vector<16xf32>
        %parallel_loop3A_471 = arith.addf %parallel_loop3A_464, %parallel_loop3A_470 : vector<16xf32>
        %parallel_loop3A_472 = arith.constant 2.000000e-01 : f32
        %parallel_loop3A_473 = vector.broadcast %parallel_loop3A_472 : f32 to vector<16xf32>
        %parallel_loop3A_474 = arith.mulf %parallel_loop3A_471, %parallel_loop3A_473 : vector<16xf32>
        %parallel_loop3A_475 = arith.maximumf %parallel_loop3A_471, %parallel_loop3A_474 : vector<16xf32>
        %parallel_loop3A_476 = math.exp %parallel_loop3A_475 : vector<16xf32>
        %parallel_loop3A_477 = arith.index_cast %parallel_loop3A_388 : i32 to index
        %parallel_loop3A_478 = arith.constant 32 : index
        %parallel_loop3A_479 = tpu.vector_load %arg12[%parallel_loop3A_477, %parallel_loop3A_478] {strides = array<i32>} : memref<64x128xf32, #tpu.memory_space<vmem>>, vector<1x16xf32>,
        %parallel_loop3A_480 = vector.shape_cast %parallel_loop3A_479 : vector<1x16xf32> to vector<16xf32>
        %parallel_loop3A_481 = vector.shape_cast %parallel_loop3A_476 : vector<16xf32> to vector<1x16xf32>
        tpu.vector_store %arg12[%parallel_loop3A_477, %parallel_loop3A_478], %parallel_loop3A_481 {strides = array<i32>} : memref<64x128xf32, #tpu.memory_space<vmem>>, vector<1x16xf32>,
        %parallel_loop3A_482 = arith.constant 1 : i32
        %parallel_loop3A_483 = arith.index_cast %parallel_loop3A_482 : i32 to index
        %parallel_loop3A_484 = arith.index_cast %parallel_loop3A_388 : i32 to index
        %parallel_loop3A_485 = arith.constant 96 : index
        %parallel_loop3A_486 = tpu.vector_load %arg10[%parallel_loop3A_483, %parallel_loop3A_484, %parallel_loop3A_485] {strides = array<i32>} : memref<2x64x128xf32, #tpu.memory_space<vmem>>, vector<1x1x16xf32>,
        %parallel_loop3A_487 = vector.shape_cast %parallel_loop3A_486 : vector<1x1x16xf32> to vector<16xf32>
        %parallel_loop3A_488 = arith.mulf %parallel_loop3A_487, %parallel_loop3A_476 : vector<16xf32>
        %parallel_loop3A_489 = arith.index_cast %parallel_loop3A_388 : i32 to index
        %parallel_loop3A_490 = arith.constant 96 : index
        %parallel_loop3A_491 = tpu.vector_load %arg12[%parallel_loop3A_489, %parallel_loop3A_490] {strides = array<i32>} : memref<64x128xf32, #tpu.memory_space<vmem>>, vector<1x16xf32>,
        %parallel_loop3A_492 = vector.shape_cast %parallel_loop3A_491 : vector<1x16xf32> to vector<16xf32>
        %parallel_loop3A_493 = vector.shape_cast %parallel_loop3A_488 : vector<16xf32> to vector<1x16xf32>
        tpu.vector_store %arg12[%parallel_loop3A_489, %parallel_loop3A_490], %parallel_loop3A_493 {strides = array<i32>} : memref<64x128xf32, #tpu.memory_space<vmem>>, vector<1x16xf32>,
        %parallel_loop3A_494 = arith.constant 1 : i32
        %parallel_loop3A_495 = arith.index_cast %parallel_loop3A_494 : i32 to index
        %parallel_loop3A_496 = arith.index_cast %parallel_loop3A_388 : i32 to index
        %parallel_loop3A_497 = arith.constant 48 : index
        %parallel_loop3A_498 = tpu.vector_load %arg10[%parallel_loop3A_495, %parallel_loop3A_496, %parallel_loop3A_497] {strides = array<i32>} : memref<2x64x128xf32, #tpu.memory_space<vmem>>, vector<1x1x16xf32>,
        %parallel_loop3A_499 = vector.shape_cast %parallel_loop3A_498 : vector<1x1x16xf32> to vector<16xf32>
        %parallel_loop3A_500 = arith.constant 1 : i32
        %parallel_loop3A_501 = arith.index_cast %parallel_loop3A_500 : i32 to index
        %parallel_loop3A_502 = arith.index_cast %parallel_loop3A_388 : i32 to index
        %parallel_loop3A_503 = arith.constant 48 : index
        %parallel_loop3A_504 = tpu.vector_load %arg11[%parallel_loop3A_501, %parallel_loop3A_502, %parallel_loop3A_503] {strides = array<i32>} : memref<2x64x64xf32, #tpu.memory_space<vmem>>, vector<1x1x16xf32>,
        %parallel_loop3A_505 = vector.shape_cast %parallel_loop3A_504 : vector<1x1x16xf32> to vector<16xf32>
        %parallel_loop3A_506 = arith.addf %parallel_loop3A_499, %parallel_loop3A_505 : vector<16xf32>
        %parallel_loop3A_507 = arith.constant 2.000000e-01 : f32
        %parallel_loop3A_508 = vector.broadcast %parallel_loop3A_507 : f32 to vector<16xf32>
        %parallel_loop3A_509 = arith.mulf %parallel_loop3A_506, %parallel_loop3A_508 : vector<16xf32>
        %parallel_loop3A_510 = arith.maximumf %parallel_loop3A_506, %parallel_loop3A_509 : vector<16xf32>
        %parallel_loop3A_511 = math.exp %parallel_loop3A_510 : vector<16xf32>
        %parallel_loop3A_512 = arith.index_cast %parallel_loop3A_388 : i32 to index
        %parallel_loop3A_513 = arith.constant 48 : index
        %parallel_loop3A_514 = tpu.vector_load %arg12[%parallel_loop3A_512, %parallel_loop3A_513] {strides = array<i32>} : memref<64x128xf32, #tpu.memory_space<vmem>>, vector<1x16xf32>,
        %parallel_loop3A_515 = vector.shape_cast %parallel_loop3A_514 : vector<1x16xf32> to vector<16xf32>
        %parallel_loop3A_516 = vector.shape_cast %parallel_loop3A_511 : vector<16xf32> to vector<1x16xf32>
        tpu.vector_store %arg12[%parallel_loop3A_512, %parallel_loop3A_513], %parallel_loop3A_516 {strides = array<i32>} : memref<64x128xf32, #tpu.memory_space<vmem>>, vector<1x16xf32>,
        %parallel_loop3A_517 = arith.constant 1 : i32
        %parallel_loop3A_518 = arith.index_cast %parallel_loop3A_517 : i32 to index
        %parallel_loop3A_519 = arith.index_cast %parallel_loop3A_388 : i32 to index
        %parallel_loop3A_520 = arith.constant 112 : index
        %parallel_loop3A_521 = tpu.vector_load %arg10[%parallel_loop3A_518, %parallel_loop3A_519, %parallel_loop3A_520] {strides = array<i32>} : memref<2x64x128xf32, #tpu.memory_space<vmem>>, vector<1x1x16xf32>,
        %parallel_loop3A_522 = vector.shape_cast %parallel_loop3A_521 : vector<1x1x16xf32> to vector<16xf32>
        %parallel_loop3A_523 = arith.mulf %parallel_loop3A_522, %parallel_loop3A_511 : vector<16xf32>
        %parallel_loop3A_524 = arith.index_cast %parallel_loop3A_388 : i32 to index
        %parallel_loop3A_525 = arith.constant 112 : index
        %parallel_loop3A_526 = tpu.vector_load %arg12[%parallel_loop3A_524, %parallel_loop3A_525] {strides = array<i32>} : memref<64x128xf32, #tpu.memory_space<vmem>>, vector<1x16xf32>,
        %parallel_loop3A_527 = vector.shape_cast %parallel_loop3A_526 : vector<1x16xf32> to vector<16xf32>
        %parallel_loop3A_528 = vector.shape_cast %parallel_loop3A_523 : vector<16xf32> to vector<1x16xf32>
        tpu.vector_store %arg12[%parallel_loop3A_524, %parallel_loop3A_525], %parallel_loop3A_528 {strides = array<i32>} : memref<64x128xf32, #tpu.memory_space<vmem>>, vector<1x16xf32>,
      } {sc.loop_unroll_factor = 2 : i64, sc.parallel_access}
      "tpu.region"() ({
        %run_scoped3A_388 = tpu.sem_alloc : memref<!tpu.dma_semaphore, #tpu.memory_space<semaphore_mem>>
        %dma_start3A_389 = arith.constant 0 : i32
        %dma_start3A_390 = tpu.memref_slice %arg9[%add3A_334, %dma_start3A_389] : memref<164x64xi32, #tpu.memory_space<vmem>> -> memref<1x64xi32, #tpu.memory_space<vmem>>
        %dma_start3A_391 = tpu.memref_squeeze %dma_start3A_390 : memref<1x64xi32, #tpu.memory_space<vmem>> -> memref<64xi32, #tpu.memory_space<vmem>>
        %dma_start3A_392 = arith.constant 0 : i32
        %dma_start3A_393 = arith.constant 0 : i32
        %dma_start3A_394 = tpu.memref_slice %arg13[%dma_start3A_392, %dma_start3A_393] : memref<10112x128xf32, #tpu.memory_space<vmem_shared>> -> memref<10112x128xf32, #tpu.memory_space<vmem_shared>>
        tpu.enqueue_indirect_dma source(%arg12 : memref<64x128xf32, #tpu.memory_space<vmem>>) target(%dma_start3A_394 : memref<10112x128xf32, #tpu.memory_space<vmem_shared>>) offsets(%dma_start3A_391 : memref<64xi32, #tpu.memory_space<vmem>>) semaphore(%run_scoped3A_388 : memref<!tpu.dma_semaphore, #tpu.memory_space<semaphore_mem>>) {add = true}
        %dma_wait3A_395 = arith.constant 0 : i32
        %dma_wait3A_396 = tpu.memref_slice %arg9[%add3A_334, %dma_wait3A_395] : memref<164x64xi32, #tpu.memory_space<vmem>> -> memref<1x64xi32, #tpu.memory_space<vmem>>
        %dma_wait3A_397 = tpu.memref_squeeze %dma_wait3A_396 : memref<1x64xi32, #tpu.memory_space<vmem>> -> memref<64xi32, #tpu.memory_space<vmem>>
        %dma_wait3A_398 = arith.constant 0 : i32
        %dma_wait3A_399 = arith.constant 0 : i32
        %dma_wait3A_400 = tpu.memref_slice %arg13[%dma_wait3A_398, %dma_wait3A_399] : memref<10112x128xf32, #tpu.memory_space<vmem_shared>> -> memref<10112x128xf32, #tpu.memory_space<vmem_shared>>
        tpu.wait_indirect_dma semaphore(%run_scoped3A_388 : memref<!tpu.dma_semaphore, #tpu.memory_space<semaphore_mem>>) src(%arg12 : memref<64x128xf32, #tpu.memory_space<vmem>>) dst(%dma_wait3A_400 : memref<10112x128xf32, #tpu.memory_space<vmem_shared>>)
        tpu.yield
      }) : () -> ()
      %dma_wait3A_338 = arith.constant 0 : i32
      %dma_wait3A_339 = arith.constant 1 : i32
      %dma_wait3A_340 = arith.constant 1 : i32
      %dma_wait3A_341 = arith.constant 0 : i32
      %dma_wait3A_342 = tpu.memref_slice %arg8[%dma_wait3A_339, %dma_wait3A_341] : memref<2x64xi32, #tpu.memory_space<vmem>> -> memref<1x64xi32, #tpu.memory_space<vmem>>
      %dma_wait3A_343 = tpu.memref_squeeze %dma_wait3A_342 : memref<1x64xi32, #tpu.memory_space<vmem>> -> memref<64xi32, #tpu.memory_space<vmem>>
      %dma_wait3A_344 = arith.constant 0 : i32
      %dma_wait3A_345 = tpu.memref_slice %arg4[%dma_wait3A_338, %dma_wait3A_344] : memref<5412x64xi32, #tpu.memory_space<hbm>> -> memref<1x64xi32, #tpu.memory_space<hbm>>
      %dma_wait3A_346 = tpu.memref_squeeze %dma_wait3A_345 : memref<1x64xi32, #tpu.memory_space<hbm>> -> memref<64xi32, #tpu.memory_space<hbm>>
      %dma_wait3A_347 = tpu.memref_slice %arg14[%dma_wait3A_340] : memref<2x!tpu.dma_semaphore, #tpu.memory_space<semaphore_mem>> -> memref<1x!tpu.dma_semaphore, #tpu.memory_space<semaphore_mem>>
      %dma_wait3A_348 = tpu.memref_squeeze %dma_wait3A_347 : memref<1x!tpu.dma_semaphore, #tpu.memory_space<semaphore_mem>> -> memref<!tpu.dma_semaphore, #tpu.memory_space<semaphore_mem>>
      %dma_wait3A_349 = arith.constant 0 : i32
      %dma_wait3A_350 = tpu.memref_slice %arg8[%dma_wait3A_339, %dma_wait3A_349] : memref<2x64xi32, #tpu.memory_space<vmem>> -> memref<1x64xi32, #tpu.memory_space<vmem>>
      %dma_wait3A_351 = tpu.memref_squeeze %dma_wait3A_350 : memref<1x64xi32, #tpu.memory_space<vmem>> -> memref<64xi32, #tpu.memory_space<vmem>>
      %dma_wait3A_352 = arith.constant 0 : i32
      %dma_wait3A_353 = tpu.memref_slice %arg4[%dma_wait3A_338, %dma_wait3A_352] : memref<5412x64xi32, #tpu.memory_space<hbm>> -> memref<1x64xi32, #tpu.memory_space<hbm>>
      %dma_wait3A_354 = tpu.memref_squeeze %dma_wait3A_353 : memref<1x64xi32, #tpu.memory_space<hbm>> -> memref<64xi32, #tpu.memory_space<hbm>>
      tpu.wait_dma2 semaphore(%dma_wait3A_348 : memref<!tpu.dma_semaphore, #tpu.memory_space<semaphore_mem>>) src(%dma_wait3A_354 : memref<64xi32, #tpu.memory_space<hbm>>) dst(%dma_wait3A_351 : memref<64xi32, #tpu.memory_space<vmem>>)
      %add3A_355 = arith.constant 3 : i32
      %add3A_356 = arith.addi %mul3A_165, %add3A_355 : i32
      %dma_start3A_357 = arith.constant 1 : i32
      %dma_start3A_358 = arith.constant 1 : i32
      %dma_start3A_359 = arith.constant 1 : i32
      %dma_start3A_360 = arith.constant 0 : i32
      %dma_start3A_361 = arith.constant 0 : i32
      %dma_start3A_362 = arith.constant 0 : i32
      %dma_start3A_363 = tpu.memref_slice %arg10[%dma_start3A_358, %dma_start3A_361, %dma_start3A_362] : memref<2x64x128xf32, #tpu.memory_space<vmem>> -> memref<1x64x128xf32, #tpu.memory_space<vmem>>
      %dma_start3A_364 = tpu.memref_squeeze %dma_start3A_363 : memref<1x64x128xf32, #tpu.memory_space<vmem>> -> memref<64x128xf32, #tpu.memory_space<vmem>>
      %dma_start3A_365 = arith.constant 0 : i32
      %dma_start3A_366 = tpu.memref_slice %arg8[%dma_start3A_357, %dma_start3A_365] : memref<2x64xi32, #tpu.memory_space<vmem>> -> memref<1x64xi32, #tpu.memory_space<vmem>>
      %dma_start3A_367 = tpu.memref_squeeze %dma_start3A_366 : memref<1x64xi32, #tpu.memory_space<vmem>> -> memref<64xi32, #tpu.memory_space<vmem>>
      %dma_start3A_368 = arith.constant 0 : i32
      %dma_start3A_369 = arith.constant 0 : i32
      %dma_start3A_370 = tpu.memref_slice %arg2[%dma_start3A_368, %dma_start3A_369] : memref<10000x128xf32, #tpu.memory_space<hbm>> -> memref<10000x128xf32, #tpu.memory_space<hbm>>
      %dma_start3A_371 = tpu.memref_slice %arg15[%dma_start3A_359, %dma_start3A_360] : memref<2x2x!tpu.dma_semaphore, #tpu.memory_space<semaphore_mem>> -> memref<1x1x!tpu.dma_semaphore, #tpu.memory_space<semaphore_mem>>
      %dma_start3A_372 = tpu.memref_squeeze %dma_start3A_371 : memref<1x1x!tpu.dma_semaphore, #tpu.memory_space<semaphore_mem>> -> memref<!tpu.dma_semaphore, #tpu.memory_space<semaphore_mem>>
      tpu.enqueue_indirect_dma source(%dma_start3A_370 : memref<10000x128xf32, #tpu.memory_space<hbm>>) target(%dma_start3A_364 : memref<64x128xf32, #tpu.memory_space<vmem>>) offsets(%dma_start3A_367 : memref<64xi32, #tpu.memory_space<vmem>>) semaphore(%dma_start3A_372 : memref<!tpu.dma_semaphore, #tpu.memory_space<semaphore_mem>>)
      %dma_start3A_373 = arith.constant 1 : i32
      %dma_start3A_374 = arith.constant 1 : i32
      %dma_start3A_375 = arith.constant 1 : i32
      %dma_start3A_376 = arith.constant 0 : i32
      %dma_start3A_377 = arith.constant 0 : i32
      %dma_start3A_378 = tpu.memref_slice %arg11[%dma_start3A_373, %dma_start3A_376, %dma_start3A_377] : memref<2x64x64xf32, #tpu.memory_space<vmem>> -> memref<1x64x64xf32, #tpu.memory_space<vmem>>
      %dma_start3A_379 = tpu.memref_squeeze %dma_start3A_378 : memref<1x64x64xf32, #tpu.memory_space<vmem>> -> memref<64x64xf32, #tpu.memory_space<vmem>>
      %dma_start3A_380 = arith.constant 0 : i32
      %dma_start3A_381 = tpu.memref_slice %arg9[%add3A_356, %dma_start3A_380] : memref<164x64xi32, #tpu.memory_space<vmem>> -> memref<1x64xi32, #tpu.memory_space<vmem>>
      %dma_start3A_382 = tpu.memref_squeeze %dma_start3A_381 : memref<1x64xi32, #tpu.memory_space<vmem>> -> memref<64xi32, #tpu.memory_space<vmem>>
      %dma_start3A_383 = arith.constant 0 : i32
      %dma_start3A_384 = arith.constant 0 : i32
      %dma_start3A_385 = tpu.memref_slice %arg3[%dma_start3A_383, %dma_start3A_384] : memref<10016x64xf32, #tpu.memory_space<hbm>> -> memref<10016x64xf32, #tpu.memory_space<hbm>>
      %dma_start3A_386 = tpu.memref_slice %arg15[%dma_start3A_374, %dma_start3A_375] : memref<2x2x!tpu.dma_semaphore, #tpu.memory_space<semaphore_mem>> -> memref<1x1x!tpu.dma_semaphore, #tpu.memory_space<semaphore_mem>>
      %dma_start3A_387 = tpu.memref_squeeze %dma_start3A_386 : memref<1x1x!tpu.dma_semaphore, #tpu.memory_space<semaphore_mem>> -> memref<!tpu.dma_semaphore, #tpu.memory_space<semaphore_mem>>
      tpu.enqueue_indirect_dma source(%dma_start3A_385 : memref<10016x64xf32, #tpu.memory_space<hbm>>) target(%dma_start3A_379 : memref<64x64xf32, #tpu.memory_space<vmem>>) offsets(%dma_start3A_382 : memref<64xi32, #tpu.memory_space<vmem>>) semaphore(%dma_start3A_387 : memref<!tpu.dma_semaphore, #tpu.memory_space<semaphore_mem>>)
    }
    %scan3A_75 = arith.constant 81 : i32
    %dma_wait3A = arith.constant 0 : i32
    %dma_wait3A_76 = arith.constant 0 : i32
    %dma_wait3A_77 = arith.constant 0 : i32
    %dma_wait3A_78 = arith.constant 0 : i32
    %dma_wait3A_79 = arith.constant 0 : i32
    %dma_wait3A_80 = tpu.memref_slice %arg10[%dma_wait3A, %dma_wait3A_78, %dma_wait3A_79] : memref<2x64x128xf32, #tpu.memory_space<vmem>> -> memref<1x64x128xf32, #tpu.memory_space<vmem>>
    %dma_wait3A_81 = tpu.memref_squeeze %dma_wait3A_80 : memref<1x64x128xf32, #tpu.memory_space<vmem>> -> memref<64x128xf32, #tpu.memory_space<vmem>>
    %dma_wait3A_82 = arith.constant 0 : i32
    %dma_wait3A_83 = arith.constant 0 : i32
    %dma_wait3A_84 = tpu.memref_slice %arg2[%dma_wait3A_82, %dma_wait3A_83] : memref<10000x128xf32, #tpu.memory_space<hbm>> -> memref<64x128xf32, #tpu.memory_space<hbm>>
    %dma_wait3A_85 = tpu.memref_slice %arg15[%dma_wait3A_76, %dma_wait3A_77] : memref<2x2x!tpu.dma_semaphore, #tpu.memory_space<semaphore_mem>> -> memref<1x1x!tpu.dma_semaphore, #tpu.memory_space<semaphore_mem>>
    %dma_wait3A_86 = tpu.memref_squeeze %dma_wait3A_85 : memref<1x1x!tpu.dma_semaphore, #tpu.memory_space<semaphore_mem>> -> memref<!tpu.dma_semaphore, #tpu.memory_space<semaphore_mem>>
    %dma_wait3A_87 = arith.constant 0 : i32
    %dma_wait3A_88 = arith.constant 0 : i32
    %dma_wait3A_89 = tpu.memref_slice %arg10[%dma_wait3A, %dma_wait3A_87, %dma_wait3A_88] : memref<2x64x128xf32, #tpu.memory_space<vmem>> -> memref<1x64x128xf32, #tpu.memory_space<vmem>>
    %dma_wait3A_90 = tpu.memref_squeeze %dma_wait3A_89 : memref<1x64x128xf32, #tpu.memory_space<vmem>> -> memref<64x128xf32, #tpu.memory_space<vmem>>
    %dma_wait3A_91 = arith.constant 0 : i32
    %dma_wait3A_92 = arith.constant 0 : i32
    %dma_wait3A_93 = tpu.memref_slice %arg2[%dma_wait3A_91, %dma_wait3A_92] : memref<10000x128xf32, #tpu.memory_space<hbm>> -> memref<64x128xf32, #tpu.memory_space<hbm>>
    tpu.wait_dma2 semaphore(%dma_wait3A_86 : memref<!tpu.dma_semaphore, #tpu.memory_space<semaphore_mem>>) src(%dma_wait3A_93 : memref<64x128xf32, #tpu.memory_space<hbm>>) dst(%dma_wait3A_90 : memref<64x128xf32, #tpu.memory_space<vmem>>)
    %dma_wait3A_94 = arith.constant 0 : i32
    %dma_wait3A_95 = arith.constant 0 : i32
    %dma_wait3A_96 = arith.constant 1 : i32
    %dma_wait3A_97 = arith.constant 0 : i32
    %dma_wait3A_98 = arith.constant 0 : i32
    %dma_wait3A_99 = tpu.memref_slice %arg11[%dma_wait3A_94, %dma_wait3A_97, %dma_wait3A_98] : memref<2x64x64xf32, #tpu.memory_space<vmem>> -> memref<1x64x64xf32, #tpu.memory_space<vmem>>
    %dma_wait3A_100 = tpu.memref_squeeze %dma_wait3A_99 : memref<1x64x64xf32, #tpu.memory_space<vmem>> -> memref<64x64xf32, #tpu.memory_space<vmem>>
    %dma_wait3A_101 = arith.constant 0 : i32
    %dma_wait3A_102 = arith.constant 0 : i32
    %dma_wait3A_103 = tpu.memref_slice %arg3[%dma_wait3A_101, %dma_wait3A_102] : memref<10016x64xf32, #tpu.memory_space<hbm>> -> memref<64x64xf32, #tpu.memory_space<hbm>>
    %dma_wait3A_104 = tpu.memref_slice %arg15[%dma_wait3A_95, %dma_wait3A_96] : memref<2x2x!tpu.dma_semaphore, #tpu.memory_space<semaphore_mem>> -> memref<1x1x!tpu.dma_semaphore, #tpu.memory_space<semaphore_mem>>
    %dma_wait3A_105 = tpu.memref_squeeze %dma_wait3A_104 : memref<1x1x!tpu.dma_semaphore, #tpu.memory_space<semaphore_mem>> -> memref<!tpu.dma_semaphore, #tpu.memory_space<semaphore_mem>>
    %dma_wait3A_106 = arith.constant 0 : i32
    %dma_wait3A_107 = arith.constant 0 : i32
    %dma_wait3A_108 = tpu.memref_slice %arg11[%dma_wait3A_94, %dma_wait3A_106, %dma_wait3A_107] : memref<2x64x64xf32, #tpu.memory_space<vmem>> -> memref<1x64x64xf32, #tpu.memory_space<vmem>>
    %dma_wait3A_109 = tpu.memref_squeeze %dma_wait3A_108 : memref<1x64x64xf32, #tpu.memory_space<vmem>> -> memref<64x64xf32, #tpu.memory_space<vmem>>
    %dma_wait3A_110 = arith.constant 0 : i32
    %dma_wait3A_111 = arith.constant 0 : i32
    %dma_wait3A_112 = tpu.memref_slice %arg3[%dma_wait3A_110, %dma_wait3A_111] : memref<10016x64xf32, #tpu.memory_space<hbm>> -> memref<64x64xf32, #tpu.memory_space<hbm>>
    tpu.wait_dma2 semaphore(%dma_wait3A_105 : memref<!tpu.dma_semaphore, #tpu.memory_space<semaphore_mem>>) src(%dma_wait3A_112 : memref<64x64xf32, #tpu.memory_space<hbm>>) dst(%dma_wait3A_109 : memref<64x64xf32, #tpu.memory_space<vmem>>)
    %parallel_loop3A = arith.constant 0 : i32
    %parallel_loop3A_113 = arith.constant 64 : i32
    %parallel_loop3A_114 = arith.constant 1 : i32
    scf.for %parallel_loop3A_163 = %parallel_loop3A to %parallel_loop3A_113 step %parallel_loop3A_114  : i32 {
      %parallel_loop3A_164 = arith.constant 0 : i32
      %parallel_loop3A_165 = arith.index_cast %parallel_loop3A_164 : i32 to index
      %parallel_loop3A_166 = arith.index_cast %parallel_loop3A_163 : i32 to index
      %parallel_loop3A_167 = arith.constant 0 : index
      %parallel_loop3A_168 = tpu.vector_load %arg10[%parallel_loop3A_165, %parallel_loop3A_166, %parallel_loop3A_167] {strides = array<i32>} : memref<2x64x128xf32, #tpu.memory_space<vmem>>, vector<1x1x16xf32>,
      %parallel_loop3A_169 = vector.shape_cast %parallel_loop3A_168 : vector<1x1x16xf32> to vector<16xf32>
      %parallel_loop3A_170 = arith.constant 0 : i32
      %parallel_loop3A_171 = arith.index_cast %parallel_loop3A_170 : i32 to index
      %parallel_loop3A_172 = arith.index_cast %parallel_loop3A_163 : i32 to index
      %parallel_loop3A_173 = arith.constant 0 : index
      %parallel_loop3A_174 = tpu.vector_load %arg11[%parallel_loop3A_171, %parallel_loop3A_172, %parallel_loop3A_173] {strides = array<i32>} : memref<2x64x64xf32, #tpu.memory_space<vmem>>, vector<1x1x16xf32>,
      %parallel_loop3A_175 = vector.shape_cast %parallel_loop3A_174 : vector<1x1x16xf32> to vector<16xf32>
      %parallel_loop3A_176 = arith.addf %parallel_loop3A_169, %parallel_loop3A_175 : vector<16xf32>
      %parallel_loop3A_177 = arith.constant 2.000000e-01 : f32
      %parallel_loop3A_178 = vector.broadcast %parallel_loop3A_177 : f32 to vector<16xf32>
      %parallel_loop3A_179 = arith.mulf %parallel_loop3A_176, %parallel_loop3A_178 : vector<16xf32>
      %parallel_loop3A_180 = arith.maximumf %parallel_loop3A_176, %parallel_loop3A_179 : vector<16xf32>
      %parallel_loop3A_181 = math.exp %parallel_loop3A_180 : vector<16xf32>
      %parallel_loop3A_182 = arith.index_cast %parallel_loop3A_163 : i32 to index
      %parallel_loop3A_183 = arith.constant 0 : index
      %parallel_loop3A_184 = tpu.vector_load %arg12[%parallel_loop3A_182, %parallel_loop3A_183] {strides = array<i32>} : memref<64x128xf32, #tpu.memory_space<vmem>>, vector<1x16xf32>,
      %parallel_loop3A_185 = vector.shape_cast %parallel_loop3A_184 : vector<1x16xf32> to vector<16xf32>
      %parallel_loop3A_186 = vector.shape_cast %parallel_loop3A_181 : vector<16xf32> to vector<1x16xf32>
      tpu.vector_store %arg12[%parallel_loop3A_182, %parallel_loop3A_183], %parallel_loop3A_186 {strides = array<i32>} : memref<64x128xf32, #tpu.memory_space<vmem>>, vector<1x16xf32>,
      %parallel_loop3A_187 = arith.constant 0 : i32
      %parallel_loop3A_188 = arith.index_cast %parallel_loop3A_187 : i32 to index
      %parallel_loop3A_189 = arith.index_cast %parallel_loop3A_163 : i32 to index
      %parallel_loop3A_190 = arith.constant 64 : index
      %parallel_loop3A_191 = tpu.vector_load %arg10[%parallel_loop3A_188, %parallel_loop3A_189, %parallel_loop3A_190] {strides = array<i32>} : memref<2x64x128xf32, #tpu.memory_space<vmem>>, vector<1x1x16xf32>,
      %parallel_loop3A_192 = vector.shape_cast %parallel_loop3A_191 : vector<1x1x16xf32> to vector<16xf32>
      %parallel_loop3A_193 = arith.mulf %parallel_loop3A_192, %parallel_loop3A_181 : vector<16xf32>
      %parallel_loop3A_194 = arith.index_cast %parallel_loop3A_163 : i32 to index
      %parallel_loop3A_195 = arith.constant 64 : index
      %parallel_loop3A_196 = tpu.vector_load %arg12[%parallel_loop3A_194, %parallel_loop3A_195] {strides = array<i32>} : memref<64x128xf32, #tpu.memory_space<vmem>>, vector<1x16xf32>,
      %parallel_loop3A_197 = vector.shape_cast %parallel_loop3A_196 : vector<1x16xf32> to vector<16xf32>
      %parallel_loop3A_198 = vector.shape_cast %parallel_loop3A_193 : vector<16xf32> to vector<1x16xf32>
      tpu.vector_store %arg12[%parallel_loop3A_194, %parallel_loop3A_195], %parallel_loop3A_198 {strides = array<i32>} : memref<64x128xf32, #tpu.memory_space<vmem>>, vector<1x16xf32>,
      %parallel_loop3A_199 = arith.constant 0 : i32
      %parallel_loop3A_200 = arith.index_cast %parallel_loop3A_199 : i32 to index
      %parallel_loop3A_201 = arith.index_cast %parallel_loop3A_163 : i32 to index
      %parallel_loop3A_202 = arith.constant 16 : index
      %parallel_loop3A_203 = tpu.vector_load %arg10[%parallel_loop3A_200, %parallel_loop3A_201, %parallel_loop3A_202] {strides = array<i32>} : memref<2x64x128xf32, #tpu.memory_space<vmem>>, vector<1x1x16xf32>,
      %parallel_loop3A_204 = vector.shape_cast %parallel_loop3A_203 : vector<1x1x16xf32> to vector<16xf32>
      %parallel_loop3A_205 = arith.constant 0 : i32
      %parallel_loop3A_206 = arith.index_cast %parallel_loop3A_205 : i32 to index
      %parallel_loop3A_207 = arith.index_cast %parallel_loop3A_163 : i32 to index
      %parallel_loop3A_208 = arith.constant 16 : index
      %parallel_loop3A_209 = tpu.vector_load %arg11[%parallel_loop3A_206, %parallel_loop3A_207, %parallel_loop3A_208] {strides = array<i32>} : memref<2x64x64xf32, #tpu.memory_space<vmem>>, vector<1x1x16xf32>,
      %parallel_loop3A_210 = vector.shape_cast %parallel_loop3A_209 : vector<1x1x16xf32> to vector<16xf32>
      %parallel_loop3A_211 = arith.addf %parallel_loop3A_204, %parallel_loop3A_210 : vector<16xf32>
      %parallel_loop3A_212 = arith.constant 2.000000e-01 : f32
      %parallel_loop3A_213 = vector.broadcast %parallel_loop3A_212 : f32 to vector<16xf32>
      %parallel_loop3A_214 = arith.mulf %parallel_loop3A_211, %parallel_loop3A_213 : vector<16xf32>
      %parallel_loop3A_215 = arith.maximumf %parallel_loop3A_211, %parallel_loop3A_214 : vector<16xf32>
      %parallel_loop3A_216 = math.exp %parallel_loop3A_215 : vector<16xf32>
      %parallel_loop3A_217 = arith.index_cast %parallel_loop3A_163 : i32 to index
      %parallel_loop3A_218 = arith.constant 16 : index
      %parallel_loop3A_219 = tpu.vector_load %arg12[%parallel_loop3A_217, %parallel_loop3A_218] {strides = array<i32>} : memref<64x128xf32, #tpu.memory_space<vmem>>, vector<1x16xf32>,
      %parallel_loop3A_220 = vector.shape_cast %parallel_loop3A_219 : vector<1x16xf32> to vector<16xf32>
      %parallel_loop3A_221 = vector.shape_cast %parallel_loop3A_216 : vector<16xf32> to vector<1x16xf32>
      tpu.vector_store %arg12[%parallel_loop3A_217, %parallel_loop3A_218], %parallel_loop3A_221 {strides = array<i32>} : memref<64x128xf32, #tpu.memory_space<vmem>>, vector<1x16xf32>,
      %parallel_loop3A_222 = arith.constant 0 : i32
      %parallel_loop3A_223 = arith.index_cast %parallel_loop3A_222 : i32 to index
      %parallel_loop3A_224 = arith.index_cast %parallel_loop3A_163 : i32 to index
      %parallel_loop3A_225 = arith.constant 80 : index
      %parallel_loop3A_226 = tpu.vector_load %arg10[%parallel_loop3A_223, %parallel_loop3A_224, %parallel_loop3A_225] {strides = array<i32>} : memref<2x64x128xf32, #tpu.memory_space<vmem>>, vector<1x1x16xf32>,
      %parallel_loop3A_227 = vector.shape_cast %parallel_loop3A_226 : vector<1x1x16xf32> to vector<16xf32>
      %parallel_loop3A_228 = arith.mulf %parallel_loop3A_227, %parallel_loop3A_216 : vector<16xf32>
      %parallel_loop3A_229 = arith.index_cast %parallel_loop3A_163 : i32 to index
      %parallel_loop3A_230 = arith.constant 80 : index
      %parallel_loop3A_231 = tpu.vector_load %arg12[%parallel_loop3A_229, %parallel_loop3A_230] {strides = array<i32>} : memref<64x128xf32, #tpu.memory_space<vmem>>, vector<1x16xf32>,
      %parallel_loop3A_232 = vector.shape_cast %parallel_loop3A_231 : vector<1x16xf32> to vector<16xf32>
      %parallel_loop3A_233 = vector.shape_cast %parallel_loop3A_228 : vector<16xf32> to vector<1x16xf32>
      tpu.vector_store %arg12[%parallel_loop3A_229, %parallel_loop3A_230], %parallel_loop3A_233 {strides = array<i32>} : memref<64x128xf32, #tpu.memory_space<vmem>>, vector<1x16xf32>,
      %parallel_loop3A_234 = arith.constant 0 : i32
      %parallel_loop3A_235 = arith.index_cast %parallel_loop3A_234 : i32 to index
      %parallel_loop3A_236 = arith.index_cast %parallel_loop3A_163 : i32 to index
      %parallel_loop3A_237 = arith.constant 32 : index
      %parallel_loop3A_238 = tpu.vector_load %arg10[%parallel_loop3A_235, %parallel_loop3A_236, %parallel_loop3A_237] {strides = array<i32>} : memref<2x64x128xf32, #tpu.memory_space<vmem>>, vector<1x1x16xf32>,
      %parallel_loop3A_239 = vector.shape_cast %parallel_loop3A_238 : vector<1x1x16xf32> to vector<16xf32>
      %parallel_loop3A_240 = arith.constant 0 : i32
      %parallel_loop3A_241 = arith.index_cast %parallel_loop3A_240 : i32 to index
      %parallel_loop3A_242 = arith.index_cast %parallel_loop3A_163 : i32 to index
      %parallel_loop3A_243 = arith.constant 32 : index
      %parallel_loop3A_244 = tpu.vector_load %arg11[%parallel_loop3A_241, %parallel_loop3A_242, %parallel_loop3A_243] {strides = array<i32>} : memref<2x64x64xf32, #tpu.memory_space<vmem>>, vector<1x1x16xf32>,
      %parallel_loop3A_245 = vector.shape_cast %parallel_loop3A_244 : vector<1x1x16xf32> to vector<16xf32>
      %parallel_loop3A_246 = arith.addf %parallel_loop3A_239, %parallel_loop3A_245 : vector<16xf32>
      %parallel_loop3A_247 = arith.constant 2.000000e-01 : f32
      %parallel_loop3A_248 = vector.broadcast %parallel_loop3A_247 : f32 to vector<16xf32>
      %parallel_loop3A_249 = arith.mulf %parallel_loop3A_246, %parallel_loop3A_248 : vector<16xf32>
      %parallel_loop3A_250 = arith.maximumf %parallel_loop3A_246, %parallel_loop3A_249 : vector<16xf32>
      %parallel_loop3A_251 = math.exp %parallel_loop3A_250 : vector<16xf32>
      %parallel_loop3A_252 = arith.index_cast %parallel_loop3A_163 : i32 to index
      %parallel_loop3A_253 = arith.constant 32 : index
      %parallel_loop3A_254 = tpu.vector_load %arg12[%parallel_loop3A_252, %parallel_loop3A_253] {strides = array<i32>} : memref<64x128xf32, #tpu.memory_space<vmem>>, vector<1x16xf32>,
      %parallel_loop3A_255 = vector.shape_cast %parallel_loop3A_254 : vector<1x16xf32> to vector<16xf32>
      %parallel_loop3A_256 = vector.shape_cast %parallel_loop3A_251 : vector<16xf32> to vector<1x16xf32>
      tpu.vector_store %arg12[%parallel_loop3A_252, %parallel_loop3A_253], %parallel_loop3A_256 {strides = array<i32>} : memref<64x128xf32, #tpu.memory_space<vmem>>, vector<1x16xf32>,
      %parallel_loop3A_257 = arith.constant 0 : i32
      %parallel_loop3A_258 = arith.index_cast %parallel_loop3A_257 : i32 to index
      %parallel_loop3A_259 = arith.index_cast %parallel_loop3A_163 : i32 to index
      %parallel_loop3A_260 = arith.constant 96 : index
      %parallel_loop3A_261 = tpu.vector_load %arg10[%parallel_loop3A_258, %parallel_loop3A_259, %parallel_loop3A_260] {strides = array<i32>} : memref<2x64x128xf32, #tpu.memory_space<vmem>>, vector<1x1x16xf32>,
      %parallel_loop3A_262 = vector.shape_cast %parallel_loop3A_261 : vector<1x1x16xf32> to vector<16xf32>
      %parallel_loop3A_263 = arith.mulf %parallel_loop3A_262, %parallel_loop3A_251 : vector<16xf32>
      %parallel_loop3A_264 = arith.index_cast %parallel_loop3A_163 : i32 to index
      %parallel_loop3A_265 = arith.constant 96 : index
      %parallel_loop3A_266 = tpu.vector_load %arg12[%parallel_loop3A_264, %parallel_loop3A_265] {strides = array<i32>} : memref<64x128xf32, #tpu.memory_space<vmem>>, vector<1x16xf32>,
      %parallel_loop3A_267 = vector.shape_cast %parallel_loop3A_266 : vector<1x16xf32> to vector<16xf32>
      %parallel_loop3A_268 = vector.shape_cast %parallel_loop3A_263 : vector<16xf32> to vector<1x16xf32>
      tpu.vector_store %arg12[%parallel_loop3A_264, %parallel_loop3A_265], %parallel_loop3A_268 {strides = array<i32>} : memref<64x128xf32, #tpu.memory_space<vmem>>, vector<1x16xf32>,
      %parallel_loop3A_269 = arith.constant 0 : i32
      %parallel_loop3A_270 = arith.index_cast %parallel_loop3A_269 : i32 to index
      %parallel_loop3A_271 = arith.index_cast %parallel_loop3A_163 : i32 to index
      %parallel_loop3A_272 = arith.constant 48 : index
      %parallel_loop3A_273 = tpu.vector_load %arg10[%parallel_loop3A_270, %parallel_loop3A_271, %parallel_loop3A_272] {strides = array<i32>} : memref<2x64x128xf32, #tpu.memory_space<vmem>>, vector<1x1x16xf32>,
      %parallel_loop3A_274 = vector.shape_cast %parallel_loop3A_273 : vector<1x1x16xf32> to vector<16xf32>
      %parallel_loop3A_275 = arith.constant 0 : i32
      %parallel_loop3A_276 = arith.index_cast %parallel_loop3A_275 : i32 to index
      %parallel_loop3A_277 = arith.index_cast %parallel_loop3A_163 : i32 to index
      %parallel_loop3A_278 = arith.constant 48 : index
      %parallel_loop3A_279 = tpu.vector_load %arg11[%parallel_loop3A_276, %parallel_loop3A_277, %parallel_loop3A_278] {strides = array<i32>} : memref<2x64x64xf32, #tpu.memory_space<vmem>>, vector<1x1x16xf32>,
      %parallel_loop3A_280 = vector.shape_cast %parallel_loop3A_279 : vector<1x1x16xf32> to vector<16xf32>
      %parallel_loop3A_281 = arith.addf %parallel_loop3A_274, %parallel_loop3A_280 : vector<16xf32>
      %parallel_loop3A_282 = arith.constant 2.000000e-01 : f32
      %parallel_loop3A_283 = vector.broadcast %parallel_loop3A_282 : f32 to vector<16xf32>
      %parallel_loop3A_284 = arith.mulf %parallel_loop3A_281, %parallel_loop3A_283 : vector<16xf32>
      %parallel_loop3A_285 = arith.maximumf %parallel_loop3A_281, %parallel_loop3A_284 : vector<16xf32>
      %parallel_loop3A_286 = math.exp %parallel_loop3A_285 : vector<16xf32>
      %parallel_loop3A_287 = arith.index_cast %parallel_loop3A_163 : i32 to index
      %parallel_loop3A_288 = arith.constant 48 : index
      %parallel_loop3A_289 = tpu.vector_load %arg12[%parallel_loop3A_287, %parallel_loop3A_288] {strides = array<i32>} : memref<64x128xf32, #tpu.memory_space<vmem>>, vector<1x16xf32>,
      %parallel_loop3A_290 = vector.shape_cast %parallel_loop3A_289 : vector<1x16xf32> to vector<16xf32>
      %parallel_loop3A_291 = vector.shape_cast %parallel_loop3A_286 : vector<16xf32> to vector<1x16xf32>
      tpu.vector_store %arg12[%parallel_loop3A_287, %parallel_loop3A_288], %parallel_loop3A_291 {strides = array<i32>} : memref<64x128xf32, #tpu.memory_space<vmem>>, vector<1x16xf32>,
      %parallel_loop3A_292 = arith.constant 0 : i32
      %parallel_loop3A_293 = arith.index_cast %parallel_loop3A_292 : i32 to index
      %parallel_loop3A_294 = arith.index_cast %parallel_loop3A_163 : i32 to index
      %parallel_loop3A_295 = arith.constant 112 : index
      %parallel_loop3A_296 = tpu.vector_load %arg10[%parallel_loop3A_293, %parallel_loop3A_294, %parallel_loop3A_295] {strides = array<i32>} : memref<2x64x128xf32, #tpu.memory_space<vmem>>, vector<1x1x16xf32>,
      %parallel_loop3A_297 = vector.shape_cast %parallel_loop3A_296 : vector<1x1x16xf32> to vector<16xf32>
      %parallel_loop3A_298 = arith.mulf %parallel_loop3A_297, %parallel_loop3A_286 : vector<16xf32>
      %parallel_loop3A_299 = arith.index_cast %parallel_loop3A_163 : i32 to index
      %parallel_loop3A_300 = arith.constant 112 : index
      %parallel_loop3A_301 = tpu.vector_load %arg12[%parallel_loop3A_299, %parallel_loop3A_300] {strides = array<i32>} : memref<64x128xf32, #tpu.memory_space<vmem>>, vector<1x16xf32>,
      %parallel_loop3A_302 = vector.shape_cast %parallel_loop3A_301 : vector<1x16xf32> to vector<16xf32>
      %parallel_loop3A_303 = vector.shape_cast %parallel_loop3A_298 : vector<16xf32> to vector<1x16xf32>
      tpu.vector_store %arg12[%parallel_loop3A_299, %parallel_loop3A_300], %parallel_loop3A_303 {strides = array<i32>} : memref<64x128xf32, #tpu.memory_space<vmem>>, vector<1x16xf32>,
    } {sc.loop_unroll_factor = 2 : i64, sc.parallel_access}
    %run_scoped3A_115 = arith.constant 162 : i32
    "tpu.region"() ({
      %run_scoped3A_163 = tpu.sem_alloc : memref<!tpu.dma_semaphore, #tpu.memory_space<semaphore_mem>>
      %dma_start3A_164 = arith.constant 0 : i32
      %dma_start3A_165 = tpu.memref_slice %arg9[%run_scoped3A_115, %dma_start3A_164] : memref<164x64xi32, #tpu.memory_space<vmem>> -> memref<1x64xi32, #tpu.memory_space<vmem>>
      %dma_start3A_166 = tpu.memref_squeeze %dma_start3A_165 : memref<1x64xi32, #tpu.memory_space<vmem>> -> memref<64xi32, #tpu.memory_space<vmem>>
      %dma_start3A_167 = arith.constant 0 : i32
      %dma_start3A_168 = arith.constant 0 : i32
      %dma_start3A_169 = tpu.memref_slice %arg13[%dma_start3A_167, %dma_start3A_168] : memref<10112x128xf32, #tpu.memory_space<vmem_shared>> -> memref<10112x128xf32, #tpu.memory_space<vmem_shared>>
      tpu.enqueue_indirect_dma source(%arg12 : memref<64x128xf32, #tpu.memory_space<vmem>>) target(%dma_start3A_169 : memref<10112x128xf32, #tpu.memory_space<vmem_shared>>) offsets(%dma_start3A_166 : memref<64xi32, #tpu.memory_space<vmem>>) semaphore(%run_scoped3A_163 : memref<!tpu.dma_semaphore, #tpu.memory_space<semaphore_mem>>) {add = true}
      %dma_wait3A_170 = arith.constant 0 : i32
      %dma_wait3A_171 = tpu.memref_slice %arg9[%run_scoped3A_115, %dma_wait3A_170] : memref<164x64xi32, #tpu.memory_space<vmem>> -> memref<1x64xi32, #tpu.memory_space<vmem>>
      %dma_wait3A_172 = tpu.memref_squeeze %dma_wait3A_171 : memref<1x64xi32, #tpu.memory_space<vmem>> -> memref<64xi32, #tpu.memory_space<vmem>>
      %dma_wait3A_173 = arith.constant 0 : i32
      %dma_wait3A_174 = arith.constant 0 : i32
      %dma_wait3A_175 = tpu.memref_slice %arg13[%dma_wait3A_173, %dma_wait3A_174] : memref<10112x128xf32, #tpu.memory_space<vmem_shared>> -> memref<10112x128xf32, #tpu.memory_space<vmem_shared>>
      tpu.wait_indirect_dma semaphore(%run_scoped3A_163 : memref<!tpu.dma_semaphore, #tpu.memory_space<semaphore_mem>>) src(%arg12 : memref<64x128xf32, #tpu.memory_space<vmem>>) dst(%dma_wait3A_175 : memref<10112x128xf32, #tpu.memory_space<vmem_shared>>)
      tpu.yield
    }) : () -> ()
    %dma_wait3A_116 = arith.constant 1 : i32
    %dma_wait3A_117 = arith.constant 1 : i32
    %dma_wait3A_118 = arith.constant 0 : i32
    %dma_wait3A_119 = arith.constant 0 : i32
    %dma_wait3A_120 = arith.constant 0 : i32
    %dma_wait3A_121 = tpu.memref_slice %arg10[%dma_wait3A_116, %dma_wait3A_119, %dma_wait3A_120] : memref<2x64x128xf32, #tpu.memory_space<vmem>> -> memref<1x64x128xf32, #tpu.memory_space<vmem>>
    %dma_wait3A_122 = tpu.memref_squeeze %dma_wait3A_121 : memref<1x64x128xf32, #tpu.memory_space<vmem>> -> memref<64x128xf32, #tpu.memory_space<vmem>>
    %dma_wait3A_123 = arith.constant 0 : i32
    %dma_wait3A_124 = arith.constant 0 : i32
    %dma_wait3A_125 = tpu.memref_slice %arg2[%dma_wait3A_123, %dma_wait3A_124] : memref<10000x128xf32, #tpu.memory_space<hbm>> -> memref<64x128xf32, #tpu.memory_space<hbm>>
    %dma_wait3A_126 = tpu.memref_slice %arg15[%dma_wait3A_117, %dma_wait3A_118] : memref<2x2x!tpu.dma_semaphore, #tpu.memory_space<semaphore_mem>> -> memref<1x1x!tpu.dma_semaphore, #tpu.memory_space<semaphore_mem>>
    %dma_wait3A_127 = tpu.memref_squeeze %dma_wait3A_126 : memref<1x1x!tpu.dma_semaphore, #tpu.memory_space<semaphore_mem>> -> memref<!tpu.dma_semaphore, #tpu.memory_space<semaphore_mem>>
    %dma_wait3A_128 = arith.constant 0 : i32
    %dma_wait3A_129 = arith.constant 0 : i32
    %dma_wait3A_130 = tpu.memref_slice %arg10[%dma_wait3A_116, %dma_wait3A_128, %dma_wait3A_129] : memref<2x64x128xf32, #tpu.memory_space<vmem>> -> memref<1x64x128xf32, #tpu.memory_space<vmem>>
    %dma_wait3A_131 = tpu.memref_squeeze %dma_wait3A_130 : memref<1x64x128xf32, #tpu.memory_space<vmem>> -> memref<64x128xf32, #tpu.memory_space<vmem>>
    %dma_wait3A_132 = arith.constant 0 : i32
    %dma_wait3A_133 = arith.constant 0 : i32
    %dma_wait3A_134 = tpu.memref_slice %arg2[%dma_wait3A_132, %dma_wait3A_133] : memref<10000x128xf32, #tpu.memory_space<hbm>> -> memref<64x128xf32, #tpu.memory_space<hbm>>
    tpu.wait_dma2 semaphore(%dma_wait3A_127 : memref<!tpu.dma_semaphore, #tpu.memory_space<semaphore_mem>>) src(%dma_wait3A_134 : memref<64x128xf32, #tpu.memory_space<hbm>>) dst(%dma_wait3A_131 : memref<64x128xf32, #tpu.memory_space<vmem>>)
    %dma_wait3A_135 = arith.constant 1 : i32
    %dma_wait3A_136 = arith.constant 1 : i32
    %dma_wait3A_137 = arith.constant 1 : i32
    %dma_wait3A_138 = arith.constant 0 : i32
    %dma_wait3A_139 = arith.constant 0 : i32
    %dma_wait3A_140 = tpu.memref_slice %arg11[%dma_wait3A_135, %dma_wait3A_138, %dma_wait3A_139] : memref<2x64x64xf32, #tpu.memory_space<vmem>> -> memref<1x64x64xf32, #tpu.memory_space<vmem>>
    %dma_wait3A_141 = tpu.memref_squeeze %dma_wait3A_140 : memref<1x64x64xf32, #tpu.memory_space<vmem>> -> memref<64x64xf32, #tpu.memory_space<vmem>>
    %dma_wait3A_142 = arith.constant 0 : i32
    %dma_wait3A_143 = arith.constant 0 : i32
    %dma_wait3A_144 = tpu.memref_slice %arg3[%dma_wait3A_142, %dma_wait3A_143] : memref<10016x64xf32, #tpu.memory_space<hbm>> -> memref<64x64xf32, #tpu.memory_space<hbm>>
    %dma_wait3A_145 = tpu.memref_slice %arg15[%dma_wait3A_136, %dma_wait3A_137] : memref<2x2x!tpu.dma_semaphore, #tpu.memory_space<semaphore_mem>> -> memref<1x1x!tpu.dma_semaphore, #tpu.memory_space<semaphore_mem>>
    %dma_wait3A_146 = tpu.memref_squeeze %dma_wait3A_145 : memref<1x1x!tpu.dma_semaphore, #tpu.memory_space<semaphore_mem>> -> memref<!tpu.dma_semaphore, #tpu.memory_space<semaphore_mem>>
    %dma_wait3A_147 = arith.constant 0 : i32
    %dma_wait3A_148 = arith.constant 0 : i32
    %dma_wait3A_149 = tpu.memref_slice %arg11[%dma_wait3A_135, %dma_wait3A_147, %dma_wait3A_148] : memref<2x64x64xf32, #tpu.memory_space<vmem>> -> memref<1x64x64xf32, #tpu.memory_space<vmem>>
    %dma_wait3A_150 = tpu.memref_squeeze %dma_wait3A_149 : memref<1x64x64xf32, #tpu.memory_space<vmem>> -> memref<64x64xf32, #tpu.memory_space<vmem>>
    %dma_wait3A_151 = arith.constant 0 : i32
    %dma_wait3A_152 = arith.constant 0 : i32
    %dma_wait3A_153 = tpu.memref_slice %arg3[%dma_wait3A_151, %dma_wait3A_152] : memref<10016x64xf32, #tpu.memory_space<hbm>> -> memref<64x64xf32, #tpu.memory_space<hbm>>
    tpu.wait_dma2 semaphore(%dma_wait3A_146 : memref<!tpu.dma_semaphore, #tpu.memory_space<semaphore_mem>>) src(%dma_wait3A_153 : memref<64x64xf32, #tpu.memory_space<hbm>>) dst(%dma_wait3A_150 : memref<64x64xf32, #tpu.memory_space<vmem>>)
    %parallel_loop3A_154 = arith.constant 0 : i32
    %parallel_loop3A_155 = arith.constant 64 : i32
    %parallel_loop3A_156 = arith.constant 1 : i32
    scf.for %parallel_loop3A_163 = %parallel_loop3A_154 to %parallel_loop3A_155 step %parallel_loop3A_156  : i32 {
      %parallel_loop3A_164 = arith.constant 1 : i32
      %parallel_loop3A_165 = arith.index_cast %parallel_loop3A_164 : i32 to index
      %parallel_loop3A_166 = arith.index_cast %parallel_loop3A_163 : i32 to index
      %parallel_loop3A_167 = arith.constant 0 : index
      %parallel_loop3A_168 = tpu.vector_load %arg10[%parallel_loop3A_165, %parallel_loop3A_166, %parallel_loop3A_167] {strides = array<i32>} : memref<2x64x128xf32, #tpu.memory_space<vmem>>, vector<1x1x16xf32>,
      %parallel_loop3A_169 = vector.shape_cast %parallel_loop3A_168 : vector<1x1x16xf32> to vector<16xf32>
      %parallel_loop3A_170 = arith.constant 1 : i32
      %parallel_loop3A_171 = arith.index_cast %parallel_loop3A_170 : i32 to index
      %parallel_loop3A_172 = arith.index_cast %parallel_loop3A_163 : i32 to index
      %parallel_loop3A_173 = arith.constant 0 : index
      %parallel_loop3A_174 = tpu.vector_load %arg11[%parallel_loop3A_171, %parallel_loop3A_172, %parallel_loop3A_173] {strides = array<i32>} : memref<2x64x64xf32, #tpu.memory_space<vmem>>, vector<1x1x16xf32>,
      %parallel_loop3A_175 = vector.shape_cast %parallel_loop3A_174 : vector<1x1x16xf32> to vector<16xf32>
      %parallel_loop3A_176 = arith.addf %parallel_loop3A_169, %parallel_loop3A_175 : vector<16xf32>
      %parallel_loop3A_177 = arith.constant 2.000000e-01 : f32
      %parallel_loop3A_178 = vector.broadcast %parallel_loop3A_177 : f32 to vector<16xf32>
      %parallel_loop3A_179 = arith.mulf %parallel_loop3A_176, %parallel_loop3A_178 : vector<16xf32>
      %parallel_loop3A_180 = arith.maximumf %parallel_loop3A_176, %parallel_loop3A_179 : vector<16xf32>
      %parallel_loop3A_181 = math.exp %parallel_loop3A_180 : vector<16xf32>
      %parallel_loop3A_182 = arith.index_cast %parallel_loop3A_163 : i32 to index
      %parallel_loop3A_183 = arith.constant 0 : index
      %parallel_loop3A_184 = tpu.vector_load %arg12[%parallel_loop3A_182, %parallel_loop3A_183] {strides = array<i32>} : memref<64x128xf32, #tpu.memory_space<vmem>>, vector<1x16xf32>,
      %parallel_loop3A_185 = vector.shape_cast %parallel_loop3A_184 : vector<1x16xf32> to vector<16xf32>
      %parallel_loop3A_186 = vector.shape_cast %parallel_loop3A_181 : vector<16xf32> to vector<1x16xf32>
      tpu.vector_store %arg12[%parallel_loop3A_182, %parallel_loop3A_183], %parallel_loop3A_186 {strides = array<i32>} : memref<64x128xf32, #tpu.memory_space<vmem>>, vector<1x16xf32>,
      %parallel_loop3A_187 = arith.constant 1 : i32
      %parallel_loop3A_188 = arith.index_cast %parallel_loop3A_187 : i32 to index
      %parallel_loop3A_189 = arith.index_cast %parallel_loop3A_163 : i32 to index
      %parallel_loop3A_190 = arith.constant 64 : index
      %parallel_loop3A_191 = tpu.vector_load %arg10[%parallel_loop3A_188, %parallel_loop3A_189, %parallel_loop3A_190] {strides = array<i32>} : memref<2x64x128xf32, #tpu.memory_space<vmem>>, vector<1x1x16xf32>,
      %parallel_loop3A_192 = vector.shape_cast %parallel_loop3A_191 : vector<1x1x16xf32> to vector<16xf32>
      %parallel_loop3A_193 = arith.mulf %parallel_loop3A_192, %parallel_loop3A_181 : vector<16xf32>
      %parallel_loop3A_194 = arith.index_cast %parallel_loop3A_163 : i32 to index
      %parallel_loop3A_195 = arith.constant 64 : index
      %parallel_loop3A_196 = tpu.vector_load %arg12[%parallel_loop3A_194, %parallel_loop3A_195] {strides = array<i32>} : memref<64x128xf32, #tpu.memory_space<vmem>>, vector<1x16xf32>,
      %parallel_loop3A_197 = vector.shape_cast %parallel_loop3A_196 : vector<1x16xf32> to vector<16xf32>
      %parallel_loop3A_198 = vector.shape_cast %parallel_loop3A_193 : vector<16xf32> to vector<1x16xf32>
      tpu.vector_store %arg12[%parallel_loop3A_194, %parallel_loop3A_195], %parallel_loop3A_198 {strides = array<i32>} : memref<64x128xf32, #tpu.memory_space<vmem>>, vector<1x16xf32>,
      %parallel_loop3A_199 = arith.constant 1 : i32
      %parallel_loop3A_200 = arith.index_cast %parallel_loop3A_199 : i32 to index
      %parallel_loop3A_201 = arith.index_cast %parallel_loop3A_163 : i32 to index
      %parallel_loop3A_202 = arith.constant 16 : index
      %parallel_loop3A_203 = tpu.vector_load %arg10[%parallel_loop3A_200, %parallel_loop3A_201, %parallel_loop3A_202] {strides = array<i32>} : memref<2x64x128xf32, #tpu.memory_space<vmem>>, vector<1x1x16xf32>,
      %parallel_loop3A_204 = vector.shape_cast %parallel_loop3A_203 : vector<1x1x16xf32> to vector<16xf32>
      %parallel_loop3A_205 = arith.constant 1 : i32
      %parallel_loop3A_206 = arith.index_cast %parallel_loop3A_205 : i32 to index
      %parallel_loop3A_207 = arith.index_cast %parallel_loop3A_163 : i32 to index
      %parallel_loop3A_208 = arith.constant 16 : index
      %parallel_loop3A_209 = tpu.vector_load %arg11[%parallel_loop3A_206, %parallel_loop3A_207, %parallel_loop3A_208] {strides = array<i32>} : memref<2x64x64xf32, #tpu.memory_space<vmem>>, vector<1x1x16xf32>,
      %parallel_loop3A_210 = vector.shape_cast %parallel_loop3A_209 : vector<1x1x16xf32> to vector<16xf32>
      %parallel_loop3A_211 = arith.addf %parallel_loop3A_204, %parallel_loop3A_210 : vector<16xf32>
      %parallel_loop3A_212 = arith.constant 2.000000e-01 : f32
      %parallel_loop3A_213 = vector.broadcast %parallel_loop3A_212 : f32 to vector<16xf32>
      %parallel_loop3A_214 = arith.mulf %parallel_loop3A_211, %parallel_loop3A_213 : vector<16xf32>
      %parallel_loop3A_215 = arith.maximumf %parallel_loop3A_211, %parallel_loop3A_214 : vector<16xf32>
      %parallel_loop3A_216 = math.exp %parallel_loop3A_215 : vector<16xf32>
      %parallel_loop3A_217 = arith.index_cast %parallel_loop3A_163 : i32 to index
      %parallel_loop3A_218 = arith.constant 16 : index
      %parallel_loop3A_219 = tpu.vector_load %arg12[%parallel_loop3A_217, %parallel_loop3A_218] {strides = array<i32>} : memref<64x128xf32, #tpu.memory_space<vmem>>, vector<1x16xf32>,
      %parallel_loop3A_220 = vector.shape_cast %parallel_loop3A_219 : vector<1x16xf32> to vector<16xf32>
      %parallel_loop3A_221 = vector.shape_cast %parallel_loop3A_216 : vector<16xf32> to vector<1x16xf32>
      tpu.vector_store %arg12[%parallel_loop3A_217, %parallel_loop3A_218], %parallel_loop3A_221 {strides = array<i32>} : memref<64x128xf32, #tpu.memory_space<vmem>>, vector<1x16xf32>,
      %parallel_loop3A_222 = arith.constant 1 : i32
      %parallel_loop3A_223 = arith.index_cast %parallel_loop3A_222 : i32 to index
      %parallel_loop3A_224 = arith.index_cast %parallel_loop3A_163 : i32 to index
      %parallel_loop3A_225 = arith.constant 80 : index
      %parallel_loop3A_226 = tpu.vector_load %arg10[%parallel_loop3A_223, %parallel_loop3A_224, %parallel_loop3A_225] {strides = array<i32>} : memref<2x64x128xf32, #tpu.memory_space<vmem>>, vector<1x1x16xf32>,
      %parallel_loop3A_227 = vector.shape_cast %parallel_loop3A_226 : vector<1x1x16xf32> to vector<16xf32>
      %parallel_loop3A_228 = arith.mulf %parallel_loop3A_227, %parallel_loop3A_216 : vector<16xf32>
      %parallel_loop3A_229 = arith.index_cast %parallel_loop3A_163 : i32 to index
      %parallel_loop3A_230 = arith.constant 80 : index
      %parallel_loop3A_231 = tpu.vector_load %arg12[%parallel_loop3A_229, %parallel_loop3A_230] {strides = array<i32>} : memref<64x128xf32, #tpu.memory_space<vmem>>, vector<1x16xf32>,
      %parallel_loop3A_232 = vector.shape_cast %parallel_loop3A_231 : vector<1x16xf32> to vector<16xf32>
      %parallel_loop3A_233 = vector.shape_cast %parallel_loop3A_228 : vector<16xf32> to vector<1x16xf32>
      tpu.vector_store %arg12[%parallel_loop3A_229, %parallel_loop3A_230], %parallel_loop3A_233 {strides = array<i32>} : memref<64x128xf32, #tpu.memory_space<vmem>>, vector<1x16xf32>,
      %parallel_loop3A_234 = arith.constant 1 : i32
      %parallel_loop3A_235 = arith.index_cast %parallel_loop3A_234 : i32 to index
      %parallel_loop3A_236 = arith.index_cast %parallel_loop3A_163 : i32 to index
      %parallel_loop3A_237 = arith.constant 32 : index
      %parallel_loop3A_238 = tpu.vector_load %arg10[%parallel_loop3A_235, %parallel_loop3A_236, %parallel_loop3A_237] {strides = array<i32>} : memref<2x64x128xf32, #tpu.memory_space<vmem>>, vector<1x1x16xf32>,
      %parallel_loop3A_239 = vector.shape_cast %parallel_loop3A_238 : vector<1x1x16xf32> to vector<16xf32>
      %parallel_loop3A_240 = arith.constant 1 : i32
      %parallel_loop3A_241 = arith.index_cast %parallel_loop3A_240 : i32 to index
      %parallel_loop3A_242 = arith.index_cast %parallel_loop3A_163 : i32 to index
      %parallel_loop3A_243 = arith.constant 32 : index
      %parallel_loop3A_244 = tpu.vector_load %arg11[%parallel_loop3A_241, %parallel_loop3A_242, %parallel_loop3A_243] {strides = array<i32>} : memref<2x64x64xf32, #tpu.memory_space<vmem>>, vector<1x1x16xf32>,
      %parallel_loop3A_245 = vector.shape_cast %parallel_loop3A_244 : vector<1x1x16xf32> to vector<16xf32>
      %parallel_loop3A_246 = arith.addf %parallel_loop3A_239, %parallel_loop3A_245 : vector<16xf32>
      %parallel_loop3A_247 = arith.constant 2.000000e-01 : f32
      %parallel_loop3A_248 = vector.broadcast %parallel_loop3A_247 : f32 to vector<16xf32>
      %parallel_loop3A_249 = arith.mulf %parallel_loop3A_246, %parallel_loop3A_248 : vector<16xf32>
      %parallel_loop3A_250 = arith.maximumf %parallel_loop3A_246, %parallel_loop3A_249 : vector<16xf32>
      %parallel_loop3A_251 = math.exp %parallel_loop3A_250 : vector<16xf32>
      %parallel_loop3A_252 = arith.index_cast %parallel_loop3A_163 : i32 to index
      %parallel_loop3A_253 = arith.constant 32 : index
      %parallel_loop3A_254 = tpu.vector_load %arg12[%parallel_loop3A_252, %parallel_loop3A_253] {strides = array<i32>} : memref<64x128xf32, #tpu.memory_space<vmem>>, vector<1x16xf32>,
      %parallel_loop3A_255 = vector.shape_cast %parallel_loop3A_254 : vector<1x16xf32> to vector<16xf32>
      %parallel_loop3A_256 = vector.shape_cast %parallel_loop3A_251 : vector<16xf32> to vector<1x16xf32>
      tpu.vector_store %arg12[%parallel_loop3A_252, %parallel_loop3A_253], %parallel_loop3A_256 {strides = array<i32>} : memref<64x128xf32, #tpu.memory_space<vmem>>, vector<1x16xf32>,
      %parallel_loop3A_257 = arith.constant 1 : i32
      %parallel_loop3A_258 = arith.index_cast %parallel_loop3A_257 : i32 to index
      %parallel_loop3A_259 = arith.index_cast %parallel_loop3A_163 : i32 to index
      %parallel_loop3A_260 = arith.constant 96 : index
      %parallel_loop3A_261 = tpu.vector_load %arg10[%parallel_loop3A_258, %parallel_loop3A_259, %parallel_loop3A_260] {strides = array<i32>} : memref<2x64x128xf32, #tpu.memory_space<vmem>>, vector<1x1x16xf32>,
      %parallel_loop3A_262 = vector.shape_cast %parallel_loop3A_261 : vector<1x1x16xf32> to vector<16xf32>
      %parallel_loop3A_263 = arith.mulf %parallel_loop3A_262, %parallel_loop3A_251 : vector<16xf32>
      %parallel_loop3A_264 = arith.index_cast %parallel_loop3A_163 : i32 to index
      %parallel_loop3A_265 = arith.constant 96 : index
      %parallel_loop3A_266 = tpu.vector_load %arg12[%parallel_loop3A_264, %parallel_loop3A_265] {strides = array<i32>} : memref<64x128xf32, #tpu.memory_space<vmem>>, vector<1x16xf32>,
      %parallel_loop3A_267 = vector.shape_cast %parallel_loop3A_266 : vector<1x16xf32> to vector<16xf32>
      %parallel_loop3A_268 = vector.shape_cast %parallel_loop3A_263 : vector<16xf32> to vector<1x16xf32>
      tpu.vector_store %arg12[%parallel_loop3A_264, %parallel_loop3A_265], %parallel_loop3A_268 {strides = array<i32>} : memref<64x128xf32, #tpu.memory_space<vmem>>, vector<1x16xf32>,
      %parallel_loop3A_269 = arith.constant 1 : i32
      %parallel_loop3A_270 = arith.index_cast %parallel_loop3A_269 : i32 to index
      %parallel_loop3A_271 = arith.index_cast %parallel_loop3A_163 : i32 to index
      %parallel_loop3A_272 = arith.constant 48 : index
      %parallel_loop3A_273 = tpu.vector_load %arg10[%parallel_loop3A_270, %parallel_loop3A_271, %parallel_loop3A_272] {strides = array<i32>} : memref<2x64x128xf32, #tpu.memory_space<vmem>>, vector<1x1x16xf32>,
      %parallel_loop3A_274 = vector.shape_cast %parallel_loop3A_273 : vector<1x1x16xf32> to vector<16xf32>
      %parallel_loop3A_275 = arith.constant 1 : i32
      %parallel_loop3A_276 = arith.index_cast %parallel_loop3A_275 : i32 to index
      %parallel_loop3A_277 = arith.index_cast %parallel_loop3A_163 : i32 to index
      %parallel_loop3A_278 = arith.constant 48 : index
      %parallel_loop3A_279 = tpu.vector_load %arg11[%parallel_loop3A_276, %parallel_loop3A_277, %parallel_loop3A_278] {strides = array<i32>} : memref<2x64x64xf32, #tpu.memory_space<vmem>>, vector<1x1x16xf32>,
      %parallel_loop3A_280 = vector.shape_cast %parallel_loop3A_279 : vector<1x1x16xf32> to vector<16xf32>
      %parallel_loop3A_281 = arith.addf %parallel_loop3A_274, %parallel_loop3A_280 : vector<16xf32>
      %parallel_loop3A_282 = arith.constant 2.000000e-01 : f32
      %parallel_loop3A_283 = vector.broadcast %parallel_loop3A_282 : f32 to vector<16xf32>
      %parallel_loop3A_284 = arith.mulf %parallel_loop3A_281, %parallel_loop3A_283 : vector<16xf32>
      %parallel_loop3A_285 = arith.maximumf %parallel_loop3A_281, %parallel_loop3A_284 : vector<16xf32>
      %parallel_loop3A_286 = math.exp %parallel_loop3A_285 : vector<16xf32>
      %parallel_loop3A_287 = arith.index_cast %parallel_loop3A_163 : i32 to index
      %parallel_loop3A_288 = arith.constant 48 : index
      %parallel_loop3A_289 = tpu.vector_load %arg12[%parallel_loop3A_287, %parallel_loop3A_288] {strides = array<i32>} : memref<64x128xf32, #tpu.memory_space<vmem>>, vector<1x16xf32>,
      %parallel_loop3A_290 = vector.shape_cast %parallel_loop3A_289 : vector<1x16xf32> to vector<16xf32>
      %parallel_loop3A_291 = vector.shape_cast %parallel_loop3A_286 : vector<16xf32> to vector<1x16xf32>
      tpu.vector_store %arg12[%parallel_loop3A_287, %parallel_loop3A_288], %parallel_loop3A_291 {strides = array<i32>} : memref<64x128xf32, #tpu.memory_space<vmem>>, vector<1x16xf32>,
      %parallel_loop3A_292 = arith.constant 1 : i32
      %parallel_loop3A_293 = arith.index_cast %parallel_loop3A_292 : i32 to index
      %parallel_loop3A_294 = arith.index_cast %parallel_loop3A_163 : i32 to index
      %parallel_loop3A_295 = arith.constant 112 : index
      %parallel_loop3A_296 = tpu.vector_load %arg10[%parallel_loop3A_293, %parallel_loop3A_294, %parallel_loop3A_295] {strides = array<i32>} : memref<2x64x128xf32, #tpu.memory_space<vmem>>, vector<1x1x16xf32>,
      %parallel_loop3A_297 = vector.shape_cast %parallel_loop3A_296 : vector<1x1x16xf32> to vector<16xf32>
      %parallel_loop3A_298 = arith.mulf %parallel_loop3A_297, %parallel_loop3A_286 : vector<16xf32>
      %parallel_loop3A_299 = arith.index_cast %parallel_loop3A_163 : i32 to index
      %parallel_loop3A_300 = arith.constant 112 : index
      %parallel_loop3A_301 = tpu.vector_load %arg12[%parallel_loop3A_299, %parallel_loop3A_300] {strides = array<i32>} : memref<64x128xf32, #tpu.memory_space<vmem>>, vector<1x16xf32>,
      %parallel_loop3A_302 = vector.shape_cast %parallel_loop3A_301 : vector<1x16xf32> to vector<16xf32>
      %parallel_loop3A_303 = vector.shape_cast %parallel_loop3A_298 : vector<16xf32> to vector<1x16xf32>
      tpu.vector_store %arg12[%parallel_loop3A_299, %parallel_loop3A_300], %parallel_loop3A_303 {strides = array<i32>} : memref<64x128xf32, #tpu.memory_space<vmem>>, vector<1x16xf32>,
    } {sc.loop_unroll_factor = 2 : i64, sc.parallel_access}
    %run_scoped3A_157 = arith.constant 163 : i32
    "tpu.region"() ({
      %run_scoped3A_163 = tpu.sem_alloc : memref<!tpu.dma_semaphore, #tpu.memory_space<semaphore_mem>>
      %dma_start3A_164 = arith.constant 0 : i32
      %dma_start3A_165 = tpu.memref_slice %arg9[%run_scoped3A_157, %dma_start3A_164] : memref<164x64xi32, #tpu.memory_space<vmem>> -> memref<1x64xi32, #tpu.memory_space<vmem>>
      %dma_start3A_166 = tpu.memref_squeeze %dma_start3A_165 : memref<1x64xi32, #tpu.memory_space<vmem>> -> memref<64xi32, #tpu.memory_space<vmem>>
      %dma_start3A_167 = arith.constant 0 : i32
      %dma_start3A_168 = arith.constant 0 : i32
      %dma_start3A_169 = tpu.memref_slice %arg13[%dma_start3A_167, %dma_start3A_168] : memref<10112x128xf32, #tpu.memory_space<vmem_shared>> -> memref<10112x128xf32, #tpu.memory_space<vmem_shared>>
      tpu.enqueue_indirect_dma source(%arg12 : memref<64x128xf32, #tpu.memory_space<vmem>>) target(%dma_start3A_169 : memref<10112x128xf32, #tpu.memory_space<vmem_shared>>) offsets(%dma_start3A_166 : memref<64xi32, #tpu.memory_space<vmem>>) semaphore(%run_scoped3A_163 : memref<!tpu.dma_semaphore, #tpu.memory_space<semaphore_mem>>) {add = true}
      %dma_wait3A_170 = arith.constant 0 : i32
      %dma_wait3A_171 = tpu.memref_slice %arg9[%run_scoped3A_157, %dma_wait3A_170] : memref<164x64xi32, #tpu.memory_space<vmem>> -> memref<1x64xi32, #tpu.memory_space<vmem>>
      %dma_wait3A_172 = tpu.memref_squeeze %dma_wait3A_171 : memref<1x64xi32, #tpu.memory_space<vmem>> -> memref<64xi32, #tpu.memory_space<vmem>>
      %dma_wait3A_173 = arith.constant 0 : i32
      %dma_wait3A_174 = arith.constant 0 : i32
      %dma_wait3A_175 = tpu.memref_slice %arg13[%dma_wait3A_173, %dma_wait3A_174] : memref<10112x128xf32, #tpu.memory_space<vmem_shared>> -> memref<10112x128xf32, #tpu.memory_space<vmem_shared>>
      tpu.wait_indirect_dma semaphore(%run_scoped3A_163 : memref<!tpu.dma_semaphore, #tpu.memory_space<semaphore_mem>>) src(%arg12 : memref<64x128xf32, #tpu.memory_space<vmem>>) dst(%dma_wait3A_175 : memref<10112x128xf32, #tpu.memory_space<vmem_shared>>)
      tpu.yield
    }) : () -> ()
    %barrier3A_158 = arith.constant 0 : index
    tpu.barrier barrier_id(%barrier3A_158)
    %mul3A_159 = arith.constant 632 : i32
    %mul3A_160 = arith.muli %arg1, %mul3A_159 : i32
    %mul3A_161 = arith.constant 632 : i32
    %mul3A_162 = arith.muli %arg1, %mul3A_161 : i32
    "tpu.region"() ({
      %run_scoped3A_163 = tpu.sem_alloc : memref<!tpu.dma_semaphore, #tpu.memory_space<semaphore_mem>>
      %dma_start3A_164 = arith.constant 0 : i32
      %dma_start3A_165 = tpu.memref_slice %arg7[%arg0, %mul3A_162, %dma_start3A_164] : memref<2x10112x128xf32, #tpu.memory_space<hbm>> -> memref<1x632x128xf32, #tpu.memory_space<hbm>>
      %dma_start3A_166 = tpu.memref_squeeze %dma_start3A_165 : memref<1x632x128xf32, #tpu.memory_space<hbm>> -> memref<632x128xf32, #tpu.memory_space<hbm>>
      %dma_start3A_167 = arith.constant 0 : i32
      %dma_start3A_168 = tpu.memref_slice %arg13[%mul3A_160, %dma_start3A_167] : memref<10112x128xf32, #tpu.memory_space<vmem_shared>> -> memref<632x128xf32, #tpu.memory_space<vmem_shared>>
      tpu.enqueue_dma source(%dma_start3A_168 : memref<632x128xf32, #tpu.memory_space<vmem_shared>>) target(%dma_start3A_166 : memref<632x128xf32, #tpu.memory_space<hbm>>) target_semaphore(%run_scoped3A_163 : memref<!tpu.dma_semaphore, #tpu.memory_space<semaphore_mem>>)
      %dma_wait3A_169 = arith.constant 0 : i32
      %dma_wait3A_170 = tpu.memref_slice %arg7[%arg0, %mul3A_162, %dma_wait3A_169] : memref<2x10112x128xf32, #tpu.memory_space<hbm>> -> memref<1x632x128xf32, #tpu.memory_space<hbm>>
      %dma_wait3A_171 = tpu.memref_squeeze %dma_wait3A_170 : memref<1x632x128xf32, #tpu.memory_space<hbm>> -> memref<632x128xf32, #tpu.memory_space<hbm>>
      %dma_wait3A_172 = arith.constant 0 : i32
      %dma_wait3A_173 = tpu.memref_slice %arg13[%mul3A_160, %dma_wait3A_172] : memref<10112x128xf32, #tpu.memory_space<vmem_shared>> -> memref<632x128xf32, #tpu.memory_space<vmem_shared>>
      tpu.wait_dma2 semaphore(%run_scoped3A_163 : memref<!tpu.dma_semaphore, #tpu.memory_space<semaphore_mem>>) src(%dma_wait3A_173 : memref<632x128xf32, #tpu.memory_space<vmem_shared>>) dst(%dma_wait3A_171 : memref<632x128xf32, #tpu.memory_space<hbm>>)
      tpu.yield
    }) : () -> ()
    return
  }
}

module attributes {stable_mosaic.version = 14 : i64} {
  func.func @_tc1_body(%arg0: memref<10000x128xf32, #tpu.memory_space<vmem>>, %arg1: memref<128x64xf32, #tpu.memory_space<vmem>>, %arg2: memref<64x8xf32, #tpu.memory_space<vmem>>, %arg3: memref<64x8xf32, #tpu.memory_space<vmem>>, %arg4: memref<8x64xf32, #tpu.memory_space<vmem>>, %arg5: memref<10000x128xf32, #tpu.memory_space<vmem>>, %arg6: memref<10000x64xf32, #tpu.memory_space<vmem>>) attributes {dimension_semantics = [], scalar_prefetch = 0 : i64, scratch_operands = 0 : i64, tpu.core_type = #tpu.core_type<tc>} {
    %get3A = arith.constant 0 : index
    %get3A_0 = arith.constant 0 : index
    %get3A_1 = vector.load %arg0[%get3A, %get3A_0] : memref<10000x128xf32, #tpu.memory_space<vmem>>, vector<10000x128xf32>
    %get3A_2 = arith.constant 0 : index
    %get3A_3 = arith.constant 0 : index
    %get3A_4 = vector.load %arg1[%get3A_2, %get3A_3] : memref<128x64xf32, #tpu.memory_space<vmem>>, vector<128x64xf32>
    %dot_general3A = arith.constant dense<0.000000e+00> : vector<10000x64xf32>
    %dot_general3A_5 = tpu.matmul %get3A_1, %get3A_4, %dot_general3A {dimension_numbers = #tpu.dot_dimension_numbers<[1], [0], [0], [1], [0, 0, 1, 1], [], []>, transpose_lhs_hint = false} : vector<10000x128xf32>, vector<128x64xf32>, vector<10000x64xf32> -> vector<10000x64xf32>
    %get3A_6 = arith.constant 0 : index
    %get3A_7 = arith.constant 0 : index
    %get3A_8 = vector.load %arg2[%get3A_6, %get3A_7] : memref<64x8xf32, #tpu.memory_space<vmem>>, vector<64x8xf32>
    %dot_general3A_9 = arith.constant dense<0.000000e+00> : vector<10000x8xf32>
    %dot_general3A_10 = tpu.matmul %dot_general3A_5, %get3A_8, %dot_general3A_9 {dimension_numbers = #tpu.dot_dimension_numbers<[1], [0], [0], [1], [0, 0, 1, 1], [], []>, transpose_lhs_hint = false} : vector<10000x64xf32>, vector<64x8xf32>, vector<10000x8xf32> -> vector<10000x8xf32>
    %get3A_11 = arith.constant 0 : index
    %get3A_12 = arith.constant 0 : index
    %get3A_13 = vector.load %arg3[%get3A_11, %get3A_12] : memref<64x8xf32, #tpu.memory_space<vmem>>, vector<64x8xf32>
    %dot_general3A_14 = arith.constant dense<0.000000e+00> : vector<10000x8xf32>
    %dot_general3A_15 = tpu.matmul %dot_general3A_5, %get3A_13, %dot_general3A_14 {dimension_numbers = #tpu.dot_dimension_numbers<[1], [0], [0], [1], [0, 0, 1, 1], [], []>, transpose_lhs_hint = false} : vector<10000x64xf32>, vector<64x8xf32>, vector<10000x8xf32> -> vector<10000x8xf32>
    %get3A_16 = arith.constant 0 : index
    %get3A_17 = arith.constant 0 : index
    %get3A_18 = vector.load %arg4[%get3A_16, %get3A_17] : memref<8x64xf32, #tpu.memory_space<vmem>>, vector<8x64xf32>
    %dot_general3A_19 = arith.constant dense<0.000000e+00> : vector<10000x64xf32>
    %dot_general3A_20 = tpu.matmul %dot_general3A_10, %get3A_18, %dot_general3A_19 {dimension_numbers = #tpu.dot_dimension_numbers<[1], [0], [0], [1], [0, 0, 1, 1], [], []>, transpose_lhs_hint = false} : vector<10000x8xf32>, vector<8x64xf32>, vector<10000x64xf32> -> vector<10000x64xf32>
    %get3A_21 = arith.constant 0 : index
    %get3A_22 = arith.constant 0 : index
    %get3A_23 = vector.load %arg4[%get3A_21, %get3A_22] : memref<8x64xf32, #tpu.memory_space<vmem>>, vector<8x64xf32>
    %dot_general3A_24 = arith.constant dense<0.000000e+00> : vector<10000x64xf32>
    %dot_general3A_25 = tpu.matmul %dot_general3A_15, %get3A_23, %dot_general3A_24 {dimension_numbers = #tpu.dot_dimension_numbers<[1], [0], [0], [1], [0, 0, 1, 1], [], []>, transpose_lhs_hint = false} : vector<10000x8xf32>, vector<8x64xf32>, vector<10000x64xf32> -> vector<10000x64xf32>
    %concatenate3A = tpu.concatenate %dot_general3A_20, %dot_general3A_5 in 1 : vector<10000x64xf32>, vector<10000x64xf32> -> vector<10000x128xf32>
    %swap3A = arith.constant 0 : index
    %swap3A_26 = arith.constant 0 : index
    %swap3A_27 = vector.load %arg5[%swap3A, %swap3A_26] : memref<10000x128xf32, #tpu.memory_space<vmem>>, vector<10000x128xf32>
    tpu.vector_store %arg5[%swap3A, %swap3A_26], %concatenate3A {strides = array<i32>} : memref<10000x128xf32, #tpu.memory_space<vmem>>, vector<10000x128xf32>,
    %swap3A_28 = arith.constant 0 : index
    %swap3A_29 = arith.constant 0 : index
    %swap3A_30 = vector.load %arg6[%swap3A_28, %swap3A_29] : memref<10000x64xf32, #tpu.memory_space<vmem>>, vector<10000x64xf32>
    tpu.vector_store %arg6[%swap3A_28, %swap3A_29], %dot_general3A_25 {strides = array<i32>} : memref<10000x64xf32, #tpu.memory_space<vmem>>, vector<10000x64xf32>,
    return
  }
}

module attributes {stable_mosaic.version = 14 : i64} {
  func.func @_tc2_body(%arg0: memref<2x10112x128xf32, #tpu.memory_space<vmem>>, %arg1: memref<1x64xf32, #tpu.memory_space<vmem>>, %arg2: memref<1x64xf32, #tpu.memory_space<vmem>>, %arg3: memref<1x64xf32, #tpu.memory_space<vmem>>, %arg4: memref<64x16xf32, #tpu.memory_space<vmem>>, %arg5: memref<16x16xf32, #tpu.memory_space<vmem>>, %arg6: memref<16x16xf32, #tpu.memory_space<vmem>>, %arg7: memref<10000x32xf32, #tpu.memory_space<vmem>>, %arg8: memref<10000x16xf32, #tpu.memory_space<vmem>>) attributes {dimension_semantics = [], scalar_prefetch = 0 : i64, scratch_operands = 0 : i64, tpu.core_type = #tpu.core_type<tc>} {
    %get3A = arith.constant 0 : index
    %get3A_0 = arith.constant 0 : index
    %get3A_1 = arith.constant 0 : index
    %get3A_2 = vector.load %arg0[%get3A, %get3A_0, %get3A_1] : memref<2x10112x128xf32, #tpu.memory_space<vmem>>, vector<1x10000x128xf32>
    %get3A_3 = vector.shape_cast %get3A_2 : vector<1x10000x128xf32> to vector<10000x128xf32>
    %get3A_4 = arith.constant 1 : index
    %get3A_5 = arith.constant 0 : index
    %get3A_6 = arith.constant 0 : index
    %get3A_7 = vector.load %arg0[%get3A_4, %get3A_5, %get3A_6] : memref<2x10112x128xf32, #tpu.memory_space<vmem>>, vector<1x10000x128xf32>
    %get3A_8 = vector.shape_cast %get3A_7 : vector<1x10000x128xf32> to vector<10000x128xf32>
    %add3A = arith.addf %get3A_3, %get3A_8 : vector<10000x128xf32>
    %slice3A = vector.extract_strided_slice %add3A {offsets = [0, 0], sizes = [10000, 64], strides = [1, 1]} : vector<10000x128xf32> to vector<10000x64xf32>
    %slice3A_9 = vector.extract_strided_slice %add3A {offsets = [0, 64], sizes = [10000, 64], strides = [1, 1]} : vector<10000x128xf32> to vector<10000x64xf32>
    %add3A_10 = arith.constant 1.000000e-16 : f32
    %add3A_11 = vector.broadcast %add3A_10 : f32 to vector<10000x64xf32>
    %add3A_12 = arith.addf %slice3A, %add3A_11 : vector<10000x64xf32>
    %div3A = arith.divf %slice3A_9, %add3A_12 : vector<10000x64xf32>
    %get3A_13 = arith.constant 0 : index
    %get3A_14 = arith.constant 0 : index
    %get3A_15 = vector.load %arg1[%get3A_13, %get3A_14] : memref<1x64xf32, #tpu.memory_space<vmem>>, vector<1x64xf32>
    %add3A_16 = vector.broadcast %get3A_15 : vector<1x64xf32> to vector<10000x64xf32>
    %add3A_17 = arith.addf %div3A, %add3A_16 : vector<10000x64xf32>
    %max3A = arith.constant 0.000000e+00 : f32
    %max3A_18 = vector.broadcast %max3A : f32 to vector<10000x64xf32>
    %max3A_19 = arith.maximumf %add3A_17, %max3A_18 : vector<10000x64xf32>
    %reduce_sum3A = arith.constant dense<0.000000e+00> : vector<64xf32>
    %reduce_sum3A_20 = vector.multi_reduction <add>, %max3A_19, %reduce_sum3A [0] : vector<10000x64xf32> to vector<64xf32>
    %broadcast_in_dim3A = vector.shape_cast %reduce_sum3A_20 : vector<64xf32> to vector<1x64xf32>
    %div3A_21 = arith.constant 1.000000e+04 : f32
    %div3A_22 = vector.broadcast %div3A_21 : f32 to vector<1x64xf32>
    %div3A_23 = arith.divf %broadcast_in_dim3A, %div3A_22 : vector<1x64xf32>
    %sub3A = vector.broadcast %div3A_23 : vector<1x64xf32> to vector<10000x64xf32>
    %sub3A_24 = arith.subf %max3A_19, %sub3A : vector<10000x64xf32>
    %sub3A_25 = vector.broadcast %div3A_23 : vector<1x64xf32> to vector<10000x64xf32>
    %sub3A_26 = arith.subf %max3A_19, %sub3A_25 : vector<10000x64xf32>
    %mul3A = arith.mulf %sub3A_24, %sub3A_26 : vector<10000x64xf32>
    %reduce_sum3A_27 = arith.constant dense<0.000000e+00> : vector<64xf32>
    %reduce_sum3A_28 = vector.multi_reduction <add>, %mul3A, %reduce_sum3A_27 [0] : vector<10000x64xf32> to vector<64xf32>
    %broadcast_in_dim3A_29 = vector.shape_cast %reduce_sum3A_28 : vector<64xf32> to vector<1x64xf32>
    %div3A_30 = arith.constant 1.000000e+04 : f32
    %div3A_31 = vector.broadcast %div3A_30 : f32 to vector<1x64xf32>
    %div3A_32 = arith.divf %broadcast_in_dim3A_29, %div3A_31 : vector<1x64xf32>
    %sub3A_33 = vector.broadcast %div3A_23 : vector<1x64xf32> to vector<10000x64xf32>
    %sub3A_34 = arith.subf %max3A_19, %sub3A_33 : vector<10000x64xf32>
    %add3A_35 = arith.constant 9.99999974E-6 : f32
    %add3A_36 = vector.broadcast %add3A_35 : f32 to vector<1x64xf32>
    %add3A_37 = arith.addf %div3A_32, %add3A_36 : vector<1x64xf32>
    %rsqrt3A = math.rsqrt %add3A_37 : vector<1x64xf32>
    %mul3A_38 = vector.broadcast %rsqrt3A : vector<1x64xf32> to vector<10000x64xf32>
    %mul3A_39 = arith.mulf %sub3A_34, %mul3A_38 : vector<10000x64xf32>
    %get3A_40 = arith.constant 0 : index
    %get3A_41 = arith.constant 0 : index
    %get3A_42 = vector.load %arg2[%get3A_40, %get3A_41] : memref<1x64xf32, #tpu.memory_space<vmem>>, vector<1x64xf32>
    %mul3A_43 = vector.broadcast %get3A_42 : vector<1x64xf32> to vector<10000x64xf32>
    %mul3A_44 = arith.mulf %mul3A_39, %mul3A_43 : vector<10000x64xf32>
    %get3A_45 = arith.constant 0 : index
    %get3A_46 = arith.constant 0 : index
    %get3A_47 = vector.load %arg3[%get3A_45, %get3A_46] : memref<1x64xf32, #tpu.memory_space<vmem>>, vector<1x64xf32>
    %add3A_48 = vector.broadcast %get3A_47 : vector<1x64xf32> to vector<10000x64xf32>
    %add3A_49 = arith.addf %mul3A_44, %add3A_48 : vector<10000x64xf32>
    %get3A_50 = arith.constant 0 : index
    %get3A_51 = arith.constant 0 : index
    %get3A_52 = vector.load %arg4[%get3A_50, %get3A_51] : memref<64x16xf32, #tpu.memory_space<vmem>>, vector<64x16xf32>
    %dot_general3A = arith.constant dense<0.000000e+00> : vector<10000x16xf32>
    %dot_general3A_53 = tpu.matmul %add3A_49, %get3A_52, %dot_general3A {dimension_numbers = #tpu.dot_dimension_numbers<[1], [0], [0], [1], [0, 0, 1, 1], [], []>, transpose_lhs_hint = false} : vector<10000x64xf32>, vector<64x16xf32>, vector<10000x16xf32> -> vector<10000x16xf32>
    %get3A_54 = arith.constant 0 : index
    %get3A_55 = arith.constant 0 : index
    %get3A_56 = vector.load %arg5[%get3A_54, %get3A_55] : memref<16x16xf32, #tpu.memory_space<vmem>>, vector<16x16xf32>
    %dot_general3A_57 = arith.constant dense<0.000000e+00> : vector<10000x16xf32>
    %dot_general3A_58 = tpu.matmul %dot_general3A_53, %get3A_56, %dot_general3A_57 {dimension_numbers = #tpu.dot_dimension_numbers<[1], [0], [0], [1], [0, 0, 1, 1], [], []>, transpose_lhs_hint = false} : vector<10000x16xf32>, vector<16x16xf32>, vector<10000x16xf32> -> vector<10000x16xf32>
    %get3A_59 = arith.constant 0 : index
    %get3A_60 = arith.constant 0 : index
    %get3A_61 = vector.load %arg6[%get3A_59, %get3A_60] : memref<16x16xf32, #tpu.memory_space<vmem>>, vector<16x16xf32>
    %dot_general3A_62 = arith.constant dense<0.000000e+00> : vector<10000x16xf32>
    %dot_general3A_63 = tpu.matmul %dot_general3A_53, %get3A_61, %dot_general3A_62 {dimension_numbers = #tpu.dot_dimension_numbers<[1], [0], [0], [1], [0, 0, 1, 1], [], []>, transpose_lhs_hint = false} : vector<10000x16xf32>, vector<16x16xf32>, vector<10000x16xf32> -> vector<10000x16xf32>
    %concatenate3A = tpu.concatenate %dot_general3A_58, %dot_general3A_53 in 1 : vector<10000x16xf32>, vector<10000x16xf32> -> vector<10000x32xf32>
    %swap3A = arith.constant 0 : index
    %swap3A_64 = arith.constant 0 : index
    %swap3A_65 = vector.load %arg7[%swap3A, %swap3A_64] : memref<10000x32xf32, #tpu.memory_space<vmem>>, vector<10000x32xf32>
    tpu.vector_store %arg7[%swap3A, %swap3A_64], %concatenate3A {strides = array<i32>} : memref<10000x32xf32, #tpu.memory_space<vmem>>, vector<10000x32xf32>,
    %swap3A_66 = arith.constant 0 : index
    %swap3A_67 = arith.constant 0 : index
    %swap3A_68 = vector.load %arg8[%swap3A_66, %swap3A_67] : memref<10000x16xf32, #tpu.memory_space<vmem>>, vector<10000x16xf32>
    tpu.vector_store %arg8[%swap3A_66, %swap3A_67], %dot_general3A_63 {strides = array<i32>} : memref<10000x16xf32, #tpu.memory_space<vmem>>, vector<10000x16xf32>,
    return
  }
}

module attributes {stable_mosaic.version = 14 : i64} {
  func.func @_tc3_body(%arg0: memref<2x10112x32xf32, #tpu.memory_space<vmem>>, %arg1: memref<1x16xf32, #tpu.memory_space<vmem>>, %arg2: memref<10000x16xf32, #tpu.memory_space<vmem>>) attributes {dimension_semantics = [], scalar_prefetch = 0 : i64, scratch_operands = 0 : i64, tpu.core_type = #tpu.core_type<tc>} {
    %get3A = arith.constant 0 : index
    %get3A_0 = arith.constant 0 : index
    %get3A_1 = arith.constant 0 : index
    %get3A_2 = vector.load %arg0[%get3A, %get3A_0, %get3A_1] : memref<2x10112x32xf32, #tpu.memory_space<vmem>>, vector<1x10000x32xf32>
    %get3A_3 = vector.shape_cast %get3A_2 : vector<1x10000x32xf32> to vector<10000x32xf32>
    %get3A_4 = arith.constant 1 : index
    %get3A_5 = arith.constant 0 : index
    %get3A_6 = arith.constant 0 : index
    %get3A_7 = vector.load %arg0[%get3A_4, %get3A_5, %get3A_6] : memref<2x10112x32xf32, #tpu.memory_space<vmem>>, vector<1x10000x32xf32>
    %get3A_8 = vector.shape_cast %get3A_7 : vector<1x10000x32xf32> to vector<10000x32xf32>
    %add3A = arith.addf %get3A_3, %get3A_8 : vector<10000x32xf32>
    %slice3A = vector.extract_strided_slice %add3A {offsets = [0, 16], sizes = [10000, 16], strides = [1, 1]} : vector<10000x32xf32> to vector<10000x16xf32>
    %slice3A_9 = vector.extract_strided_slice %add3A {offsets = [0, 0], sizes = [10000, 16], strides = [1, 1]} : vector<10000x32xf32> to vector<10000x16xf32>
    %add3A_10 = arith.constant 1.000000e-16 : f32
    %add3A_11 = vector.broadcast %add3A_10 : f32 to vector<10000x16xf32>
    %add3A_12 = arith.addf %slice3A_9, %add3A_11 : vector<10000x16xf32>
    %div3A = arith.divf %slice3A, %add3A_12 : vector<10000x16xf32>
    %get3A_13 = arith.constant 0 : index
    %get3A_14 = arith.constant 0 : index
    %get3A_15 = vector.load %arg1[%get3A_13, %get3A_14] : memref<1x16xf32, #tpu.memory_space<vmem>>, vector<1x16xf32>
    %add3A_16 = vector.broadcast %get3A_15 : vector<1x16xf32> to vector<10000x16xf32>
    %add3A_17 = arith.addf %div3A, %add3A_16 : vector<10000x16xf32>
    %swap3A = arith.constant 0 : index
    %swap3A_18 = arith.constant 0 : index
    %swap3A_19 = vector.load %arg2[%swap3A, %swap3A_18] : memref<10000x16xf32, #tpu.memory_space<vmem>>, vector<10000x16xf32>
    tpu.vector_store %arg2[%swap3A, %swap3A_18], %add3A_17 {strides = array<i32>} : memref<10000x16xf32, #tpu.memory_space<vmem>>, vector<10000x16xf32>,
    return
  }
}

</mosaic_0001>

<sc_bundles>
// kernel: kernel.10.cloned.1.call-start
scs
__scs_entry_jumppad:
0x0: {  	(pc) =	sbr.rel $0x88, $3  }
0x1: {  	(tag) =	ssettag $0x0;
	lr =	simm.s32 $0x1  }
0x2: {  	[smem:$0x3F95] =	sst lr;
	_ =	strace $0xD0000000  }
0x3: {  	_ = 	snop  }
0x4: {  	_ = 	snop  }
0x5: {  	_ = 	snop  }
0x6: {  	_ = 	snop  }
0x7: {  	_ = 	snop  }
__scs_overlays_trampoline_lowered:
0x8: {  	[smem:$0x3FA4] =	sst s0  }
0x9: {  	[smem:$0x3FA5] =	sst s1  }
0xa: {  	[smem:$0x3FA6] =	sst s2  }
0xb: {  	[smem:$0x3FA7] =	sst s3  }
0xc: {  	[smem:$0x3FA8] =	sst s4  }
0xd: {  	[smem:$0x3FA9] =	sst s5  }
0xe: {  	[smem:$0x3FAA] =	sst s6  }
0xf: {  	[smem:$0x3FAB] =	sst s7  }
0x10: {  	[smem:$0x3FAC] =	sst s8  }
0x11: {  	[smem:$0x3FAD] =	sst s9;
	s0 =	simm.s32 @!p0 $0x0  }
0x12: {  	s1 =	sld [smem:$0x3F93];
	s0 =	simm.s32 @p0 $0x1  }
0x13: {  	[smem:$0x3FAE] =	sst s0;
	s0 =	simm.s32 @!p1 $0x0  }
0x14: {  	s2 =	sld [smem:$0x3F92];
	s0 =	simm.s32 @p1 $0x1  }
0x15: {  	[smem:$0x3FAF] =	sst s0;
	s0 =	simm.s32 @!p2 $0x0  }
0x16: {  	s3 =	sld [smem:$0x3FDB];
	s0 =	simm.s32 @p2 $0x1  }
0x17: {  	s4 =	simm.s32 $0x1BF5;
	[smem:$0x3FB1] =	sst s0  }
0x18: {  	s0 =	sld [smem:$0x3F94];
	_ =	swait.ge [sflag:s4], $0x0  }
0x19: {  	s7 =	sld [smem:$0x3F95]  }
0x1a: {  	s8 =	sadd.s32 $0xFFFFE003, lr  }
0x1b: {  	s9 =	sadd.s32 $0xFFFFFEF7, lr;
	s5 =	simm.s32 $0xFFFFFFFF;
	p2 =	slt.u32 s8, $0xFFFFF086  }
0x1c: {  	p1 =	slt.u32 s9, $0xF7A;
	s5 =	simm.s32 @!p2 $0x0  }
0x1d: {  	s5 =	simm.s32 @p1 $0x1;
	p0 =	seq.s32 s7, s2  }
0x1e: {  	s7 =	smul.u32 @!p0 $0xF7A, s2;
	p2 =	seq.s32 @!p0 s5, $0x0  }
0x1f: {  	s9 =	smul.u32 $0xF7A, s1;
	s8 =	simm.s32 @!p0 $0x1BF5;
	p2 =	por !p2, p0  }
0x20: {  	[sflag:s8] =	ssyncset.s32 @!p0 $0xFFFFF086;
	s6 =	sadd.s32 @!p0 s3, s7;
	s7 =	simm.s32 @!p0 $0x108  }
0x21: {  	s3 =	sadd.s32 s3, s9;
	s6 =	sadd.s32 @!p0 $0x88, s6;
	s7 =	simm.s32 @p2 $0x1082  }
0x22: {  	[simem:s7], [sflag:s8] =	dma.local @!p0 [hbm:s6], $0xF7A  }
0x23: {  	s9 =	sor.u32 $0xD0000000, s2;
	s6 =	simm.s32 $0x108;
	_ =	swait.ge @!p0 [sflag:s8], $0x0  }
0x24: {  	s3 =	sadd.s32 $0x88, s3;
	s6 =	simm.s32 @!p1 $0x1082;
	[sflag:s4] =	ssyncset.s32 $0xFFFFF086  }
0x25: {  	[simem:s6], [sflag:s4] =	dma.local [hbm:s3], $0xF7A  }
0x26: {  	[smem:$0x3F95] =	sst s1;
	(tag) =	ssettag s2;
	_ =	strace s9  }
0x27: {  	s1 =	sld [smem:$0x3FA5]  }
0x28: {  	s2 =	sld [smem:$0x3FA6]  }
0x29: {  	s4 =	sld [smem:$0x3FA8]  }
0x2a: {  	p0 =	seq.s32 s5, $0x0;
	s5 =	sld [smem:$0x3FA9]  }
0x2b: {  	s6 =	sld [smem:$0x3FAA]  }
0x2c: {  	s7 =	sld [smem:$0x3FAB]  }
0x2d: {  	s3 =	simm.s32 $0x108;
	s8 =	sld [smem:$0x3FAC]  }
0x2e: {  	s3 =	simm.s32 @!p0 $0x1082;
	s9 =	sld [smem:$0x3FAD]  }
0x2f: {  	lr =	sadd.s32 s0, s3;
	s0 =	sld [smem:$0x3FA4]  }
0x30: {  	s3 =	sld [smem:$0x3FA7]  }
0x31: {  	[smem:$0x3FB0] =	sst s10  }
0x32: {  	s10 =	sld [smem:$0x3FAE];
	_ =	sdelay $0x3  }
0x33: {  	p0 =	seq.s32 s10, $0x1;
	s10 =	sld [smem:$0x3FB0];
	_ =	sdelay $0x3  }
0x34: {  	[smem:$0x3FB0] =	sst s10  }
0x35: {  	s10 =	sld [smem:$0x3FAF];
	_ =	sdelay $0x3  }
0x36: {  	p1 =	seq.s32 s10, $0x1;
	s10 =	sld [smem:$0x3FB0];
	_ =	sdelay $0x3  }
0x37: {  	[smem:$0x3FB0] =	sst s10  }
0x38: {  	s10 =	sld [smem:$0x3FB1]  }
0x39: {  	_ = 	snop;
	(pc) =	sbr.ind lr, $3  }
0x3a: {  	_ = 	snop  }
0x3b: {  	_ = 	snop  }
0x3c: {  	p2 =	seq.s32 s10, $0x1;
	s10 =	sld [smem:$0x3FB0]  }
0x3d: {  	_ =	shalt  }
0x3e: {  	_ =	shalt  }
0x3f: {  	_ =	shalt  }
0x40: {  	_ =	shalt  }
0x41: {  	_ =	shalt  }
0x42: {  	_ =	shalt  }
0x43: {  	_ =	shalt  }
0x44: {  	_ =	shalt  }
0x45: {  	_ =	shalt  }
0x46: {  	_ =	shalt  }
0x47: {  	_ =	shalt  }
0x48: {  	_ =	shalt  }
0x49: {  	_ =	shalt  }
0x4a: {  	_ =	shalt  }
0x4b: {  	_ =	shalt  }
0x4c: {  	_ =	shalt  }
0x4d: {  	_ =	shalt  }
0x4e: {  	_ =	shalt  }
0x4f: {  	_ =	shalt  }
0x50: {  	_ =	shalt  }
0x51: {  	_ =	shalt  }
0x52: {  	_ =	shalt  }
0x53: {  	_ =	shalt  }
0x54: {  	_ =	shalt  }
0x55: {  	_ =	shalt  }
0x56: {  	_ =	shalt  }
0x57: {  	_ =	shalt  }
0x58: {  	_ =	shalt  }
0x59: {  	_ =	shalt  }
0x5a: {  	_ =	shalt  }
0x5b: {  	_ =	shalt  }
0x5c: {  	_ =	shalt  }
0x5d: {  	_ =	shalt  }
0x5e: {  	_ =	shalt  }
0x5f: {  	_ =	shalt  }
0x60: {  	_ =	shalt  }
0x61: {  	_ =	shalt  }
0x62: {  	_ =	shalt  }
0x63: {  	_ =	shalt  }
0x64: {  	_ =	shalt  }
0x65: {  	_ =	shalt  }
0x66: {  	_ =	shalt  }
0x67: {  	_ =	shalt  }
0x68: {  	_ =	shalt  }
0x69: {  	_ =	shalt  }
0x6a: {  	_ =	shalt  }
0x6b: {  	_ =	shalt  }
0x6c: {  	_ =	shalt  }
0x6d: {  	_ =	shalt  }
0x6e: {  	_ =	shalt  }
0x6f: {  	_ =	shalt  }
0x70: {  	_ =	shalt  }
0x71: {  	_ =	shalt  }
0x72: {  	_ =	shalt  }
0x73: {  	_ =	shalt  }
0x74: {  	_ =	shalt  }
0x75: {  	_ =	shalt  }
0x76: {  	_ =	shalt  }
0x77: {  	_ =	shalt  }
0x78: {  	_ =	shalt  }
0x79: {  	_ =	shalt  }
0x7a: {  	_ =	shalt  }
0x7b: {  	_ =	shalt  }
0x7c: {  	_ =	shalt  }
0x7d: {  	_ =	shalt  }
0x7e: {  	_ =	shalt  }
0x7f: {  	_ =	shalt  }
0x80: {  	_ =	shalt  }
0x81: {  	_ =	shalt  }
0x82: {  	_ =	shalt  }
0x83: {  	_ =	shalt  }
0x84: {  	_ =	shalt  }
0x85: {  	_ =	shalt  }
0x86: {  	_ =	shalt  }
0x87: {  	_ =	shalt  }
.Lfunc_end0:
.L_simem_size_0:
called_computation.1_lowered:
.L_overlay_start_0:
0x88: {  	s2 =	sld [smem:$0x3FD9]  }
0x89: {  	s3 =	sld [smem:$0x3FFE];
	_ =	sdelay $0x1  }
0x8a: {  	s1 =	srdreg.scid  }
0x8b: {  	s0 =	sand.u32 $0x1, s1  }
0x8c: {  	s17 =	sshll.u32 s0, $0xA;
	s2 =	sadd.s32 s3, s2  }
0x8d: {  	s2 =	sadd.s32 s2, s17  }
0x8e: {  	[smem:$0x3FBC] =	sst s2  }
0x8f: {  	_ = 	snop  }
0x90: {  	s2 =	sld [smem:$0x3FD0];
	(tm) =	ssettm $0x1  }
0x91: {  	s18 =	sld [smem:$0x3FFB];
	_ =	sdelay $0x3  }
0x92: {  	_ =	strace s18  }
0x93: {  	s3 =	sld [smem:$0x3FFC];
	_ =	sdelay $0x3  }
0x94: {  	_ =	strace s3  }
0x95: {  	s3 =	sld [smem:$0x3FFD];
	_ =	sdelay $0x3  }
0x96: {  	_ =	strace s3  }
0x97: {  	_ =	strace $0x8FFFFFFF  }
0x98: {  	s19 =	sld [smem:$0x3FDB];
	_ =	sdelay $0x1  }
0x99: {  	s4 =	simm.s32 $_scs_section_size  }
0x9a: {  	s5 =	simm.s32 $_size__tile_overlayer_lowered;
	s6 =	simm.s32 $_tile_overlayer_lowered  }
0x9b: {  	s22 =	simm.s32 $0x1BFF;
	s21 =	sshll.u32 s6, $0x1;
	s3 =	sadd.s32 s4, s19  }
0x9c: {  	s7 =	simm.s32 $0x0;
	s20 =	sshll.u32 s5, $0x1;
	s5 =	sadd.s32 s21, s3  }
0x9d: {  	[timem:s7], [sflag:s22] =	dma.local [hbm:s5], s20  }
0x9e: {  	_ =	swait.ge [sflag:s22], s20  }
0x9f: {  	s4 =	ssub.s32 $0x0, s20;
	[sflag:s22] =	ssyncset.done $0x0  }
0xa0: {  	[sflag:s22] =	ssyncadd.s32 s4;
	_ =	sdelay $0x1  }
0xa1: {  	s23 =	simm.s32 $0x1B8B  }
0xa2: {  	_ =	swait.ge [sflag:s23], $0x1  }
0xa3: {  	[sflag:s23] =	ssyncset.done $0x0  }
0xa4: {  	s25 =	simm.s32 $0x1B8E;
	s24 =	sld [smem:$0x3FFE];
	[sflag:s23] =	ssyncadd.s32 $0xFFFFFFFF  }
0xa5: {  	s26 =	simm.s32 $execute0_lowered;
	[smem:$0x3FD2] =	sst s25  }
0xa6: {  	s5 =	sshll.u32 s26, $0x1;
	_ =	strace $0x80000049;
	[dreg:$0x1] =	wrdreg $0xFFFFFFFF  }
0xa7: {  	s28 =	simm.s32 $_size_execute0_lowered;
	s3 =	sadd.s32 s3, s5;
	[dreg:$0x0] =	wrdreg $0x0  }
0xa8: {  	s5 =	sshll.u32 s28, $0x1;
	[dreg:$0x2] =	wrdreg s3  }
0xa9: {  	[dreg:$0x3] =	wrdreg s5  }
0xaa: {  	[dreg:$0x4] =	wrdreg $0xC0  }
0xab: {  	_ =	task [dreg:s7], $0x5FFFF  }
0xac: {  	[dreg:$0x1] =	wrdreg $0xFFFFFFFF  }
0xad: {  	[dreg:$0x0] =	wrdreg $0x60  }
0xae: {  	[dreg:$0x2] =	wrdreg s24  }
0xaf: {  	[dreg:$0x3] =	wrdreg s2  }
0xb0: {  	[dreg:$0x4] =	wrdreg $0x6A000  }
0xb1: {  	[dreg:$0x5] =	wrdreg $0x9  }
0xb2: {  	_ =	task.clear_ibuf [dreg:s7], $0x6FFFF;
	_ =	strace $0x90000049  }
0xb3: {  	s29 =	simm.s32 $0x9;
	_ =	strace $0x8000004B  }
0xb4: {  	_ =	swait.ge [sflag:s29], $0x1  }
0xb5: {  	[sflag:s29] =	ssyncadd.s32 $0xFFFFFFFF  }
0xb6: {  	_ =	strace $0x9000004B  }
0xb7: {  	_ =	sfence  }
0xb8: {  	s30 =	sld [smem:$0x0];
	_ =	sdelay $0x2  }
0xb9: {  	s31 =	sshll.u32 s1, $0xD;
	s1 =	sshrl.u32 s1, $0x2  }
0xba: {  	s3 =	sand.u32 $0x4000, s31;
	s1 =	sadd.s32 s1, s30  }
0xbb: {  	s0 =	sor.u32 s3, s0;
	s1 =	sshll.u32 s1, $0x11  }
0xbc: {  	s0 =	sor.u32 s1, s0  }
0xbd: {  	s0 =	sadd.s32 $0x8F2B, s0  }
0xbe: {  	[sflag:s0] =	ssyncadd.remote.s32 $0x1  }
0xbf: {  	_ =	sfence.sel $0xFFFF  }
0xc0: {  	[dreg:$0x0] =	wrdreg $0xFFFFFFFF;
	(pc) =	sbr.abs _section_cstart, $3  }
0xc1: {  	[dreg:$0x1] =	wrdreg $0xFFFFFFFF  }
0xc2: {  	_ =	task.clear_ibuf [dreg:s7], $0x2FFFF;
	_ =	strace $0x9FFFFFFF  }
0xc3: {  	(tm) =	ssettm $0x7FFFFFFF  }
tec
execute0_lowered:
.L_overlay_start_1:
0x0: {  	(tag) =	ssettag $0x1  }
0x1: {  	s0 =	srdreg.scid  }
0x2: {  	s1 =	rddreg [dreg:$0x0];
	s13 =	stileid.u32  }
0x3: {  	s2 =	rddreg [dreg:$0x1];
	s4 =	simm.s32 $0x0;
	s15 =	simm.s32 $0x7  }
0x4: {  	s16 =	simm.s32 $0x80;
	s21 =	simm.s32 $0x3A00;
	s28 =	simm.s32 $0x1  }
0x5: {  	s29 =	simm.s32 $0x5;
	s30 =	simm.s32 $0x6;
	s31 =	simm.s32 $0x2  }
0x6: {  	s0 =	sand.u32 $0x1, s0;
	s10 =	smul.u32 $0x4F00, s13;
	[smem:$0x7FF] =	sst s4  }
0x7: {  	s5 =	sadd.s32 $0x1C00, s1;
	s6 =	sadd.s32 $0xAB600, s1;
	s12 =	sadd.s32 $0xBA00, s1  }
0x8: {  	s3 =	sshll.u32 s0, $0x4;
	s9 =	smul.u32 $0x4F000, s0;
	s0 =	ssub.s32 $0x2, s0  }
0x9: {  	s7 =	sor.u32 s13, s3;
	s3 =	rddreg [dreg:$0x2];
	_ =	strace $0x8000004A  }
0xa: {  	[dreg:$0x4] =	wrdreg s12;
	s22 =	sshrl.u32 s0, $0x1;
	s8 =	smul.u32 $0x520, s7  }
0xb: {  	s9 =	sadd.s32 s10, s9;
	s0 =	ssub.s32 s0, s22;
	s25 =	sadd.s32 s10, s3  }
0xc: {  	s9 =	sshrl.u32 s9, $0x3;
	s0 =	smax.u32 s0, $0x1;
	s11 =	sadd.s32 s8, s1  }
0xd: {  	s1 =	sadd.s32 s9, s1;
	s8 =	sadd.s32 s6, s8;
	[dreg:$0x9] =	wrdreg s0  }
0xe: {  	s9 =	smul.u32 $0x52, s7;
	s7 =	sshrl.u32 s25, $0x3;
	[dreg:$0x5] =	wrdreg s8  }
0xf: {  	s26 =	sshll.u32 s13, $0x6;
	s23 =	sadd.s32 $0xA0C00, s11;
	[dreg:$0xb] =	wrdreg s7  }
0x10: {  	s25 =	simm.s32 $0x4;
	s24 =	sadd.s32 $0x10, s8;
	[dreg:$0x6] =	wrdreg s23  }
0x11: {  	s1 =	sadd.s32 $0xC400, s1;
	s8 =	sor.u32 $0x1C07, s26;
	[dreg:$0x7] =	wrdreg s24  }
0x12: {  	s26 =	simm.s32 $0x5A00;
	[dreg:$0x8] =	wrdreg s1;
	s23 =	simm.s32 $0x5200  }
0x13: {  	s24 =	simm.s32 $0x3;
	s1 =	simm.s32 $0x0;
	[dreg:$0xa] =	wrdreg s8  }
.LBB2_1:
0x14: {  	[dreg:$0xc] =	wrdreg s1  }
0x15: {  	s0 =	rddreg [dreg:$0x6];
	s13 =	simm.s32 $0x100  }
0x16: {  	[tilespmem:s13], [sflag:$0x7] =	stream.linear.gather [hbm4b:s0+s4], $0x2900, $0x38;
	[tilespmem:$0xB900] =	vst v63  }
0x17: {  	_ =	swait.ge [sflag:s15], $0x2900  }
0x18: {  	[sflag:s15] =	ssyncset.done $0x0  }
0x19: {  	s14 =	rddreg [dreg:$0x5];
	[sflag:s15] =	ssyncadd.s32 $0xFFFFD700  }
0x1a: {  	[tilespmem:s4], [sflag:$0x7] =	stream.linear.gather [hbm4b:s14+s4], $0x80, $0x38;
	[tilespmem:$0xB900] =	vst v63  }
0x1b: {  	_ =	swait.ge [sflag:s15], $0x80  }
0x1c: {  	[sflag:s15] =	ssyncset.done $0x0  }
0x1d: {  	s17 =	rddreg [dreg:$0x7];
	[sflag:s15] =	ssyncadd.s32 $0xFFFFFF80  }
0x1e: {  	[tilespmem:s16], [sflag:$0x7] =	stream.linear.gather [hbm4b:s17+s4], $0x80, $0x38;
	[tilespmem:$0xB900] =	vst v63  }
0x1f: {  	_ =	swait.ge [sflag:s15], $0x80  }
0x20: {  	[sflag:s15] =	ssyncset.done $0x0  }
0x21: {  	s18 =	rddreg [dreg:$0x4];
	[sflag:s15] =	ssyncadd.s32 $0xFFFFFF80  }
0x22: {  	[spmem:s7], [sflag:s8] =	dma.local [hbm:s18], $0x9E0  }
0x23: {  	_ =	swait.ge [sflag:s15], $0x9E0  }
0x24: {  	[sflag:s15] =	ssyncset.done $0x0  }
0x25: {  	[sflag:s15] =	ssyncadd.s32 $0xFFFFF620  }
0x26: {  	s19 =	simm.s32 $0x2A00;
	[bflag:$0x0] =	sbarrier.arrive $0xFFFF  }
0x27: {  	[tilespmem:s19], [sflag:$0x3] =	stream.indirect.gather [hbm4b:s5+s16], $0x20, s4, s16, $0xb8;
	[tilespmem:$0xB900] =	vst v63  }
0x28: {  	s20 =	simm.s32 $0x4A00  }
0x29: {  	[tilespmem:s20], [sflag:$0x4] =	stream.indirect.gather [hbm4b:s2+s16], $0x10, s13, s16, $0xb8;
	[tilespmem:$0xB900] =	vst v63  }
0x2a: {  	_ = 	snop  }
0x2b: {  	[tilespmem:s21], [sflag:$0x5] =	stream.indirect.gather [hbm4b:s5+s16], $0x20, s16, s16, $0xb8;
	[tilespmem:$0xB900] =	vst v63  }
0x2c: {  	s22 =	simm.s32 $0x180;
	s1 =	simm.s32 $0x0  }
0x2d: {  	[tilespmem:s23], [sflag:$0x6] =	stream.indirect.gather [hbm4b:s2+s16], $0x10, s22, s16, $0xb8;
	[tilespmem:$0xB900] =	vst v63  }
.LBB2_2:
0x2e: {  	s0 =	sshll.u32 s1, $0x1;
	_ =	swait.ge [sflag:s24], $0x1000  }
0x2f: {  	[sflag:s24] =	ssyncset.done $0x0;
	s7 =	sadd.s32 $0x2, s0  }
0x30: {  	[sflag:s24] =	ssyncadd.s32 $0xFFFFF000;
	s8 =	sadd.s32 s9, s7  }
0x31: {  	_ =	swait.ge [sflag:s25], $0x800;
	s8 =	sshll.u32 s8, $0x4  }
0x32: {  	[sflag:s25] =	ssyncset.done $0x0;
	s8 =	sand.u32 $0x1FFFFFE0, s8  }
0x33: {  	s13 =	simm.s32 $0x2A20;
	[sflag:s25] =	ssyncadd.s32 $0xFFFFF800;
	s8 =	sadd.s32 s6, s8  }
0x34: {  	[tilespmem:s4], [sflag:$0x1] =	stream.linear.gather [hbm4b:s8+s4], $0x80, $0x38;
	[tilespmem:$0xB900] =	vst v63  }
0x35: {  	s18 =	simm.s32 $0x4A10;
	v0 =	vld [tilespmem:s13+$0xFFFFFFE0]  }
0x36: {  	v1 =	vld [tilespmem:s18+$0xFFFFFFF0]  }
0x37: {  	v2 =	vld [tilespmem:s13+$0x0]  }
0x38: {  	v3 =	vld [tilespmem:s18+$0x0]  }
0x39: {  	s11 =	simm.s32 $0x2A60  }
0x3a: {  	v4 =	vld [tilespmem:s11+$0xFFFFFFE0]  }
0x3b: {  	s19 =	simm.s32 $0x4A30;
	v5 =	vld [tilespmem:s11+$0x0]  }
0x3c: {  	v0 =	vadd.f32 v1, v0;
	v1 =	vld [tilespmem:s19+$0xFFFFFFF0]  }
0x3d: {  	v6 =	vld [tilespmem:s19+$0x0];
	v2 =	vadd.f32 v3, v2  }
0x3e: {  	v3 =	vmul.f32 $2.000000030e-01, v0  }
0x3f: {  	s14 =	simm.s32 $0x2AA0;
	v7 =	vmul.f32 $2.000000030e-01, v2  }
0x40: {  	s20 =	simm.s32 $0x4A50;
	v0 =	vmax.f32 v0, v3;
	v3 =	vld [tilespmem:s14+$0xFFFFFFE0]  }
0x41: {  	v2 =	vmax.f32 v2, v7;
	v7 =	vld [tilespmem:s20+$0xFFFFFFF0];
	v0 =	vmul.f32 $1.442695020e+00, v0;
	v1 =	vadd.f32 v1, v4  }
0x42: {  	v5 =	vadd.f32 v6, v5;
	v4 =	vld [tilespmem:s14+$0x0];
	v2 =	vmul.f32 $1.442695020e+00, v2  }
0x43: {  	(erf) = vpow2.f32 v0;
	v0 =	vld [tilespmem:s20+$0x0];
	v6 =	vmul.f32 $2.000000030e-01, v1  }
0x44: {  	s10 =	simm.s32 $0x2AE0;
	(erf) = vpow2.f32 v2;
	v2 =	vmul.f32 $2.000000030e-01, v5  }
0x45: {  	s22 =	simm.s32 $0x4A70;
	v8 =	vld [tilespmem:s10+$0x0];
	v1 =	vmax.f32 v1, v6  }
0x46: {  	v9 =	vld [tilespmem:s22+$0x0];
	v1 =	vmul.f32 $1.442695020e+00, v1;
	v2 =	vmax.f32 v5, v2  }
0x47: {  	v6 =	vld [tilespmem:s10+$0xFFFFFFE0];
	v2 =	vmul.f32 $1.442695020e+00, v2  }
0x48: {  	v5 =	vld [tilespmem:s22+$0xFFFFFFF0];
	(erf) = vpow2.f32 v1;
	v0 =	vadd.f32 v0, v4;
	v1 =	vadd.f32 v7, v3  }
0x49: {  	s12 =	simm.s32 $0x2B20;
	(erf) = vpow2.f32 v2  }
0x4a: {  	s17 =	simm.s32 $0x4A90;
	v10 =	vld [tilespmem:s12+$0xFFFFFFE0];
	v2 =	vmul.f32 $2.000000030e-01, v1;
	v3 =	vmul.f32 $2.000000030e-01, v0  }
0x4b: {  	v12 =	vld [tilespmem:s17+$0x0]  }
0x4c: {  	s8 =	simm.s32 $0x5A20;
	v8 =	vadd.f32 v9, v8;
	v9 =	vld [tilespmem:s17+$0xFFFFFFF0];
	v11 =	vpop (erf);
	v2 =	vmax.f32 v1, v2;
	v0 =	vmax.f32 v0, v3  }
0x4d: {  	v7 =	vld [tilespmem:s12+$0x0];
	v6 =	vadd.f32 v5, v6;
	[tilespmem:s8+$0xFFFFFFE0] =	vst v11;
	v2 =	vmul.f32 $1.442695020e+00, v2;
	v0 =	vmul.f32 $1.442695020e+00, v0  }
0x4e: {  	s22 =	simm.s32 $0x2B60;
	v1 =	vpop (erf);
	v13 =	vld [tilespmem:s13+$0xFFFFFFF0]  }
0x4f: {  	v4 =	vld [tilespmem:s22+$0xFFFFFFE0];
	v14 =	vmul.f32 $2.000000030e-01, v6;
	[tilespmem:s8+$0x0] =	vst v1;
	(erf) = vpow2.f32 v2  }
0x50: {  	v3 =	vld [tilespmem:s13+$0x10];
	v2 =	vmul.f32 $2.000000030e-01, v8  }
0x51: {  	s19 =	simm.s32 $0x4AB0;
	s17 =	simm.s32 $0x5A60;
	v5 =	vld [tilespmem:s22+$0x0];
	v14 =	vmax.f32 v6, v14;
	(erf) = vpow2.f32 v0;
	v0 =	vpop (erf)  }
0x52: {  	s18 =	simm.s32 $0x5A60;
	v7 =	vadd.f32 v12, v7;
	v6 =	vld [tilespmem:s19+$0x0];
	v12 =	vmul.f32 $1.442695020e+00, v14;
	v2 =	vmax.f32 v8, v2;
	[tilespmem:s17+$0xFFFFFFE0] =	vst v0  }
0x53: {  	v9 =	vadd.f32 v9, v10;
	s20 =	simm.s32 $0xA;
	s13 =	simm.s32 $0x2B60;
	v10 =	vpop (erf);
	v8 =	vmul.f32 v11, v13;
	v11 =	vmul.f32 $1.442695020e+00, v2;
	v2 =	vld [tilespmem:s11+$0xFFFFFFF0]  }
.LBB2_3:
0x54: {  	s20 =	sadd.s32 $0x2, s20  }
0x55: {  	v13 =	vld [tilespmem:s19+$0xFFFFFFF0];
	(erf) = vpow2.f32 v12;
	[tilespmem:s17+$0x0] =	vst v10;
	v12 =	vmul.f32 v1, v3;
	v1 =	vmov v10;
	p0 =	slt.u32 s20, $0x7E  }
.Ltmp0:
0x56: {  	s22 =	sadd.s32 $0x40, s22;
	v14 =	vmul.f32 $2.000000030e-01, v7;
	v10 =	vmul.f32 $2.000000030e-01, v9;
	v3 =	vld [tilespmem:s11+$0x10];
	[tilespmem:s8+$0xFFFFFFF0] =	vst v8;
	v15 =	vmov v4;
	(pc) =	sbr.rel @p0 .LBB2_3-.Ltmp0, $4  }
0x57: {  	s11 =	smov.u32 s14;
	s14 =	smov.u32 s10;
	s10 =	smov.u32 s12;
	v4 =	vld [tilespmem:s22+$0xFFFFFFE0];
	(erf) = vpow2.f32 v11;
	[tilespmem:s8+$0x10] =	vst v12;
	v8 =	vmov v5  }
0x58: {  	s19 =	sadd.s32 $0x20, s19;
	s17 =	sadd.s32 $0x40, s17;
	s12 =	smov.u32 s13;
	v14 =	vmax.f32 v7, v14;
	v5 =	vld [tilespmem:s22+$0x0];
	v9 =	vmax.f32 v9, v10;
	v11 =	vpop (erf)  }
0x59: {  	s13 =	smov.u32 s22;
	s8 =	smov.u32 s18;
	s18 =	smov.u32 s17;
	v7 =	vadd.f32 v6, v8;
	v6 =	vld [tilespmem:s19+$0x0];
	v12 =	vmul.f32 $1.442695020e+00, v9;
	[tilespmem:s17+$0xFFFFFFE0] =	vst v11;
	v8 =	vmul.f32 v0, v2;
	v0 =	vmovc v11  }
0x5a: {  	v11 =	vmul.f32 $1.442695020e+00, v14;
	v9 =	vadd.f32 v13, v15;
	v2 =	vld [tilespmem:s11+$0xFFFFFFF0];
	v10 =	vpop (erf)  }
0x5b: {  	v13 =	vld [tilespmem:s19+$0xFFFFFFF0];
	_ =	sdelay $0x4  }
0x5c: {  	v14 =	vmul.f32 $2.000000030e-01, v9;
	v4 =	vadd.f32 v13, v4  }
0x5d: {  	(erf) = vpow2.f32 v12;
	v12 =	vmul.f32 $2.000000030e-01, v7;
	v5 =	vadd.f32 v6, v5  }
0x5e: {  	v1 =	vmul.f32 v1, v3;
	v3 =	vmax.f32 v9, v14;
	v6 =	vmul.f32 $2.000000030e-01, v4  }
0x5f: {  	[tilespmem:s17+$0x0] =	vst v10;
	v7 =	vmax.f32 v7, v12;
	v3 =	vmul.f32 $1.442695020e+00, v3;
	v9 =	vmul.f32 $2.000000030e-01, v5  }
0x60: {  	(erf) = vpow2.f32 v11;
	v7 =	vmul.f32 $1.442695020e+00, v7;
	v4 =	vmax.f32 v4, v6;
	v6 =	vld [tilespmem:s11+$0x10]  }
0x61: {  	(erf) = vpow2.f32 v3;
	v3 =	vmax.f32 v5, v9;
	v4 =	vmul.f32 $1.442695020e+00, v4  }
0x62: {  	(erf) = vpow2.f32 v7;
	v3 =	vmul.f32 $1.442695020e+00, v3  }
0x63: {  	[tilespmem:s8+$0xFFFFFFF0] =	vst v8;
	(erf) = vpow2.f32 v4  }
0x64: {  	s17 =	sadd.s32 $0x40, s17;
	[tilespmem:s8+$0x10] =	vst v1;
	v1 =	vpop (erf);
	v0 =	vmul.f32 v0, v2;
	(erf) = vpow2.f32 v3  }
0x65: {  	[tilespmem:s17+$0xFFFFFFE0] =	vst v1;
	v2 =	vmul.f32 v10, v6  }
0x66: {  	[tilespmem:s18+$0xFFFFFFF0] =	vst v0;
	v3 =	vpop (erf)  }
0x67: {  	[tilespmem:s17+$0x0] =	vst v3  }
0x68: {  	v4 =	vld [tilespmem:s14+$0xFFFFFFF0];
	v0 =	vpop (erf);
	[tilespmem:s18+$0x10] =	vst v2;
	s18 =	sadd.s32 $0x40, s17  }
0x69: {  	v5 =	vld [tilespmem:s14+$0x10];
	[tilespmem:s18+$0xFFFFFFE0] =	vst v0;
	v2 =	vpop (erf)  }
0x6a: {  	s19 =	sadd.s32 $0x40, s18;
	v6 =	vld [tilespmem:s10+$0xFFFFFFF0];
	[tilespmem:s18+$0x0] =	vst v2;
	v7 =	vpop (erf)  }
0x6b: {  	v8 =	vld [tilespmem:s10+$0x10];
	[tilespmem:s19+$0xFFFFFFE0] =	vst v7;
	v9 =	vpop (erf)  }
0x6c: {  	s20 =	sadd.s32 $0x40, s19;
	v10 =	vld [tilespmem:s12+$0xFFFFFFF0];
	[tilespmem:s19+$0x0] =	vst v9;
	v11 =	vpop (erf)  }
0x6d: {  	v1 =	vmul.f32 v1, v4;
	v4 =	vld [tilespmem:s12+$0x10];
	[tilespmem:s20+$0xFFFFFFE0] =	vst v11;
	v12 =	vpop (erf)  }
0x6e: {  	v3 =	vmul.f32 v3, v5;
	v5 =	vld [tilespmem:s13+$0xFFFFFFF0];
	[tilespmem:s20+$0x0] =	vst v12  }
0x6f: {  	[tilespmem:s17+$0xFFFFFFF0] =	vst v1;
	v0 =	vmul.f32 v0, v6;
	v1 =	vld [tilespmem:s13+$0x10]  }
0x70: {  	[tilespmem:s17+$0x10] =	vst v3;
	v2 =	vmul.f32 v2, v8  }
0x71: {  	[tilespmem:s18+$0xFFFFFFF0] =	vst v0;
	v0 =	vmul.f32 v7, v10  }
0x72: {  	[tilespmem:s18+$0x10] =	vst v2;
	v2 =	vmul.f32 v9, v4  }
0x73: {  	[tilespmem:s19+$0xFFFFFFF0] =	vst v0;
	v0 =	vmul.f32 v11, v5  }
0x74: {  	s22 =	sshll.u32 s1, $0x8;
	[tilespmem:s19+$0x10] =	vst v2;
	v1 =	vmul.f32 v12, v1  }
0x75: {  	s14 =	sand.u32 $0x3FFFFF00, s22;
	[tilespmem:s20+$0xFFFFFFF0] =	vst v0  }
0x76: {  	s8 =	sadd.s32 $0x100, s14;
	[tilespmem:s20+$0x10] =	vst v1  }
0x77: {  	[spmem:s3] =	stream.indirect.scatter.add.f32 [tilespmem:s26], [sflag:$0x7], $0x20, s8, s16, $0xb8;
	[tilespmem:$0xB900] =	vst v63  }
0x78: {  	_ =	swait.ge [sflag:s15], $0x1000  }
0x79: {  	[sflag:s15] =	ssyncset.done $0x0  }
0x7a: {  	[sflag:s15] =	ssyncadd.s32 $0xFFFFF000  }
0x7b: {  	_ =	swait.ge [sflag:s28], $0x80  }
0x7c: {  	s7 =	sshll.u32 s7, $0x7;
	[sflag:s28] =	ssyncset.done $0x0  }
0x7d: {  	s7 =	sand.u32 $0x3FFFFF80, s7;
	s11 =	simm.s32 $0x2A00;
	[sflag:s28] =	ssyncadd.s32 $0xFFFFFF80  }
0x7e: {  	[tilespmem:s11], [sflag:$0x3] =	stream.indirect.gather [hbm4b:s5+s16], $0x20, s4, s16, $0xb8;
	[tilespmem:$0xB900] =	vst v63  }
0x7f: {  	s7 =	sadd.s32 $0x100, s7;
	s12 =	simm.s32 $0x4A00  }
0x80: {  	[tilespmem:s12], [sflag:$0x4] =	stream.indirect.gather [hbm4b:s2+s16], $0x10, s7, s16, $0xb8;
	[tilespmem:$0xB900] =	vst v63  }
0x81: {  	_ =	swait.ge [sflag:s29], $0x1000  }
0x82: {  	s0 =	sadd.s32 $0x3, s0;
	[sflag:s29] =	ssyncset.done $0x0  }
0x83: {  	s13 =	sadd.s32 s9, s0;
	[sflag:s29] =	ssyncadd.s32 $0xFFFFF000  }
0x84: {  	s7 =	sshll.u32 s13, $0x4;
	_ =	swait.ge [sflag:s30], $0x800  }
0x85: {  	s7 =	sand.u32 $0x1FFFFFF0, s7;
	[sflag:s30] =	ssyncset.done $0x0  }
0x86: {  	s13 =	simm.s32 $0x3A30;
	s7 =	sadd.s32 s6, s7;
	[sflag:s30] =	ssyncadd.s32 $0xFFFFF800  }
0x87: {  	[tilespmem:s16], [sflag:$0x2] =	stream.linear.gather [hbm4b:s7+s4], $0x80, $0x38;
	[tilespmem:$0xB900] =	vst v63  }
0x88: {  	s17 =	simm.s32 $0x5210;
	v0 =	vld [tilespmem:s13+$0xFFFFFFD0]  }
0x89: {  	v1 =	vld [tilespmem:s17+$0xFFFFFFF0]  }
0x8a: {  	v2 =	vld [tilespmem:s13+$0xFFFFFFF0]  }
0x8b: {  	v3 =	vld [tilespmem:s17+$0x0]  }
0x8c: {  	s11 =	simm.s32 $0x3A70  }
0x8d: {  	v4 =	vld [tilespmem:s11+$0xFFFFFFD0]  }
0x8e: {  	s18 =	simm.s32 $0x5230;
	v5 =	vld [tilespmem:s11+$0xFFFFFFF0]  }
0x8f: {  	v6 =	vld [tilespmem:s18+$0x0];
	v0 =	vadd.f32 v1, v0  }
0x90: {  	v1 =	vld [tilespmem:s18+$0xFFFFFFF0];
	v2 =	vadd.f32 v3, v2  }
0x91: {  	v3 =	vmul.f32 $2.000000030e-01, v0  }
0x92: {  	v7 =	vmul.f32 $2.000000030e-01, v2  }
0x93: {  	s7 =	simm.s32 $0x3AB0;
	v0 =	vmax.f32 v0, v3  }
0x94: {  	s19 =	simm.s32 $0x5250;
	v2 =	vmax.f32 v2, v7;
	v3 =	vld [tilespmem:s7+$0xFFFFFFD0];
	v0 =	vmul.f32 $1.442695020e+00, v0  }
0x95: {  	v1 =	vadd.f32 v1, v4;
	v2 =	vmul.f32 $1.442695020e+00, v2;
	v4 =	vadd.f32 v6, v5;
	v6 =	vld [tilespmem:s19+$0xFFFFFFF0]  }
0x96: {  	(erf) = vpow2.f32 v0;
	v0 =	vld [tilespmem:s7+$0xFFFFFFF0]  }
0x97: {  	v5 =	vmul.f32 $2.000000030e-01, v1;
	(erf) = vpow2.f32 v2;
	v2 =	vld [tilespmem:s19+$0x0]  }
0x98: {  	s10 =	simm.s32 $0x3AF0;
	v7 =	vmul.f32 $2.000000030e-01, v4  }
0x99: {  	v8 =	vld [tilespmem:s10+$0xFFFFFFF0];
	v1 =	vmax.f32 v1, v5  }
0x9a: {  	s20 =	simm.s32 $0x5270;
	v5 =	vld [tilespmem:s10+$0xFFFFFFD0];
	v4 =	vmax.f32 v4, v7;
	v1 =	vmul.f32 $1.442695020e+00, v1  }
0x9b: {  	v7 =	vld [tilespmem:s20+$0xFFFFFFF0];
	v4 =	vmul.f32 $1.442695020e+00, v4  }
0x9c: {  	v9 =	vld [tilespmem:s20+$0x0];
	(erf) = vpow2.f32 v1;
	v1 =	vadd.f32 v6, v3;
	v0 =	vadd.f32 v2, v0  }
0x9d: {  	s12 =	simm.s32 $0x3B30;
	(erf) = vpow2.f32 v4  }
0x9e: {  	s22 =	simm.s32 $0x5290;
	v10 =	vld [tilespmem:s12+$0xFFFFFFF0];
	v3 =	vmul.f32 $2.000000030e-01, v1;
	v4 =	vmul.f32 $2.000000030e-01, v0  }
0x9f: {  	v12 =	vld [tilespmem:s22+$0x0]  }
0xa0: {  	s8 =	simm.s32 $0x5A20;
	v2 =	vld [tilespmem:s12+$0xFFFFFFD0];
	v6 =	vadd.f32 v7, v5;
	v11 =	vpop (erf);
	v3 =	vmax.f32 v1, v3;
	v0 =	vmax.f32 v0, v4  }
0xa1: {  	v7 =	vadd.f32 v9, v8;
	v9 =	vld [tilespmem:s22+$0xFFFFFFF0];
	[tilespmem:s8+$0xFFFFFFE0] =	vst v11;
	v4 =	vmul.f32 $1.442695020e+00, v3;
	v0 =	vmul.f32 $1.442695020e+00, v0  }
0xa2: {  	s22 =	simm.s32 $0x3B70;
	v1 =	vpop (erf);
	v13 =	vld [tilespmem:s13+$0xFFFFFFE0]  }
0xa3: {  	v5 =	vld [tilespmem:s22+$0xFFFFFFF0];
	v8 =	vmul.f32 $2.000000030e-01, v6;
	[tilespmem:s8+$0x0] =	vst v1;
	(erf) = vpow2.f32 v4  }
0xa4: {  	v14 =	vmul.f32 $2.000000030e-01, v7;
	v3 =	vld [tilespmem:s13+$0x0]  }
0xa5: {  	s17 =	simm.s32 $0x5A60;
	s19 =	simm.s32 $0x52B0;
	v8 =	vmax.f32 v6, v8;
	v4 =	vld [tilespmem:s22+$0xFFFFFFD0];
	(erf) = vpow2.f32 v0;
	v0 =	vpop (erf)  }
0xa6: {  	s18 =	simm.s32 $0x5A60;
	v14 =	vmax.f32 v7, v14;
	v6 =	vld [tilespmem:s19+$0x0];
	v7 =	vadd.f32 v12, v10;
	v12 =	vmul.f32 $1.442695020e+00, v8;
	[tilespmem:s17+$0xFFFFFFE0] =	vst v0  }
0xa7: {  	s20 =	simm.s32 $0xA;
	v9 =	vadd.f32 v9, v2;
	s13 =	simm.s32 $0x3B70;
	v8 =	vmul.f32 v11, v13;
	v11 =	vmul.f32 $1.442695020e+00, v14;
	v10 =	vpop (erf);
	v2 =	vld [tilespmem:s11+$0xFFFFFFE0]  }
.LBB2_5:
0xa8: {  	s20 =	sadd.s32 $0x2, s20  }
0xa9: {  	v13 =	vld [tilespmem:s19+$0xFFFFFFF0];
	(erf) = vpow2.f32 v12;
	[tilespmem:s17+$0x0] =	vst v10;
	v12 =	vmul.f32 v1, v3;
	v1 =	vmov v10;
	p0 =	slt.u32 s20, $0x7E  }
.Ltmp1:
0xaa: {  	s22 =	sadd.s32 $0x40, s22;
	v14 =	vmul.f32 $2.000000030e-01, v7;
	v10 =	vmul.f32 $2.000000030e-01, v9;
	v3 =	vld [tilespmem:s11+$0x0];
	[tilespmem:s8+$0xFFFFFFF0] =	vst v8;
	v15 =	vmov v4;
	(pc) =	sbr.rel @p0 .LBB2_5-.Ltmp1, $4  }
0xab: {  	s11 =	smov.u32 s7;
	s7 =	smov.u32 s10;
	s10 =	smov.u32 s12;
	v4 =	vld [tilespmem:s22+$0xFFFFFFD0];
	(erf) = vpow2.f32 v11;
	[tilespmem:s8+$0x10] =	vst v12;
	v8 =	vmov v5  }
0xac: {  	s19 =	sadd.s32 $0x20, s19;
	s17 =	sadd.s32 $0x40, s17;
	s12 =	smov.u32 s13;
	v14 =	vmax.f32 v7, v14;
	v5 =	vld [tilespmem:s22+$0xFFFFFFF0];
	v9 =	vmax.f32 v9, v10;
	v11 =	vpop (erf)  }
0xad: {  	s13 =	smov.u32 s22;
	s8 =	smov.u32 s18;
	s18 =	smov.u32 s17;
	v7 =	vadd.f32 v6, v8;
	v6 =	vld [tilespmem:s19+$0x0];
	v12 =	vmul.f32 $1.442695020e+00, v9;
	[tilespmem:s17+$0xFFFFFFE0] =	vst v11;
	v8 =	vmul.f32 v0, v2;
	v0 =	vmovc v11  }
0xae: {  	v11 =	vmul.f32 $1.442695020e+00, v14;
	v9 =	vadd.f32 v13, v15;
	v2 =	vld [tilespmem:s11+$0xFFFFFFE0];
	v10 =	vpop (erf)  }
0xaf: {  	v13 =	vld [tilespmem:s19+$0xFFFFFFF0];
	_ =	sdelay $0x4  }
0xb0: {  	v14 =	vmul.f32 $2.000000030e-01, v9;
	v4 =	vadd.f32 v13, v4  }
0xb1: {  	(erf) = vpow2.f32 v12;
	v38 =	vmul.f32 $2.000000030e-01, v7;
	v5 =	vadd.f32 v6, v5  }
0xb2: {  	v1 =	vmul.f32 v1, v3;
	v39 =	vmax.f32 v9, v14;
	v40 =	vmul.f32 $2.000000030e-01, v4  }
0xb3: {  	v7 =	vmax.f32 v7, v38;
	v3 =	vmul.f32 $1.442695020e+00, v39;
	v41 =	vmul.f32 $2.000000030e-01, v5  }
0xb4: {  	[tilespmem:s17+$0x0] =	vst v10;
	(erf) = vpow2.f32 v11;
	v7 =	vmul.f32 $1.442695020e+00, v7;
	v4 =	vmax.f32 v4, v40  }
0xb5: {  	v42 =	vld [tilespmem:s11+$0x0];
	(erf) = vpow2.f32 v3;
	v43 =	vmax.f32 v5, v41;
	v4 =	vmul.f32 $1.442695020e+00, v4  }
0xb6: {  	(erf) = vpow2.f32 v7;
	v3 =	vmul.f32 $1.442695020e+00, v43  }
0xb7: {  	[tilespmem:s8+$0xFFFFFFF0] =	vst v8;
	(erf) = vpow2.f32 v4  }
0xb8: {  	s17 =	sadd.s32 $0x40, s17;
	[tilespmem:s8+$0x10] =	vst v1;
	v44 =	vpop (erf);
	(erf) = vpow2.f32 v3  }
0xb9: {  	[tilespmem:s17+$0xFFFFFFE0] =	vst v44;
	v0 =	vmul.f32 v0, v2;
	v45 =	vpop (erf)  }
0xba: {  	[tilespmem:s17+$0x0] =	vst v45;
	v46 =	vmul.f32 v10, v42  }
0xbb: {  	[tilespmem:s18+$0xFFFFFFF0] =	vst v0  }
0xbc: {  	v48 =	vld [tilespmem:s7+$0xFFFFFFE0];
	[tilespmem:s18+$0x10] =	vst v46;
	s18 =	sadd.s32 $0x40, s17;
	v47 =	vpop (erf)  }
0xbd: {  	v50 =	vld [tilespmem:s7+$0x0];
	v49 =	vpop (erf);
	[tilespmem:s18+$0xFFFFFFE0] =	vst v47  }
0xbe: {  	s19 =	sadd.s32 $0x40, s18;
	v51 =	vld [tilespmem:s10+$0xFFFFFFE0];
	[tilespmem:s18+$0x0] =	vst v49;
	v52 =	vpop (erf)  }
0xbf: {  	v53 =	vld [tilespmem:s10+$0x0];
	[tilespmem:s19+$0xFFFFFFE0] =	vst v52;
	v54 =	vpop (erf)  }
0xc0: {  	s20 =	sadd.s32 $0x40, s19;
	v55 =	vld [tilespmem:s12+$0xFFFFFFE0];
	[tilespmem:s19+$0x0] =	vst v54;
	v56 =	vpop (erf)  }
0xc1: {  	v1 =	vmul.f32 v44, v48;
	v57 =	vld [tilespmem:s12+$0x0];
	[tilespmem:s20+$0xFFFFFFE0] =	vst v56;
	v58 =	vpop (erf)  }
0xc2: {  	v3 =	vmul.f32 v45, v50;
	v59 =	vld [tilespmem:s13+$0xFFFFFFE0];
	[tilespmem:s20+$0x0] =	vst v58  }
0xc3: {  	[tilespmem:s17+$0xFFFFFFF0] =	vst v1;
	v0 =	vmul.f32 v47, v51;
	v60 =	vld [tilespmem:s13+$0x0]  }
0xc4: {  	[tilespmem:s17+$0x10] =	vst v3;
	v2 =	vmul.f32 v49, v53  }
0xc5: {  	[tilespmem:s18+$0xFFFFFFF0] =	vst v0;
	v61 =	vmul.f32 v52, v55  }
0xc6: {  	[tilespmem:s18+$0x10] =	vst v2;
	v62 =	vmul.f32 v54, v57  }
0xc7: {  	[tilespmem:s19+$0xFFFFFFF0] =	vst v61;
	v63 =	vmul.f32 v56, v59  }
0xc8: {  	[tilespmem:s19+$0x10] =	vst v62;
	v1 =	vmul.f32 v58, v60  }
0xc9: {  	[tilespmem:s20+$0xFFFFFFF0] =	vst v63  }
0xca: {  	s22 =	sadd.s32 $0x180, s14;
	[tilespmem:s20+$0x10] =	vst v1  }
0xcb: {  	[spmem:s3] =	stream.indirect.scatter.add.f32 [tilespmem:s26], [sflag:$0x7], $0x20, s22, s16, $0xb8;
	[tilespmem:$0xB900] =	vst v63  }
0xcc: {  	_ =	swait.ge [sflag:s15], $0x1000  }
0xcd: {  	[sflag:s15] =	ssyncset.done $0x0  }
0xce: {  	s1 =	sadd.s32 $0x1, s1;
	[sflag:s15] =	ssyncadd.s32 $0xFFFFF000  }
0xcf: {  	p0 =	sne.s32 s1, $0x28;
	_ =	swait.ge [sflag:s31], $0x80  }
.Ltmp2:
0xd0: {  	s0 =	sshll.u32 s0, $0x7;
	[sflag:s31] =	ssyncset.done $0x0;
	(pc) =	sbr.rel @p0 .LBB2_2-.Ltmp2, $4  }
0xd1: {  	s0 =	sand.u32 $0x3FFFFF80, s0;
	[sflag:s31] =	ssyncadd.s32 $0xFFFFFF80  }
0xd2: {  	[tilespmem:s21], [sflag:$0x5] =	stream.indirect.gather [hbm4b:s5+s16], $0x20, s16, s16, $0xb8;
	[tilespmem:$0xB900] =	vst v63  }
0xd3: {  	s0 =	sadd.s32 $0x100, s0  }
0xd4: {  	[tilespmem:s23], [sflag:$0x6] =	stream.indirect.gather [hbm4b:s2+s16], $0x10, s0, s16, $0xb8;
	[tilespmem:$0xB900] =	vst v63  }
0xd5: {  	_ =	swait.ge [sflag:s24], $0x1000  }
0xd6: {  	[sflag:s24] =	ssyncset.done $0x0  }
0xd7: {  	[sflag:s24] =	ssyncadd.s32 $0xFFFFF000  }
0xd8: {  	_ =	swait.ge [sflag:s25], $0x800  }
0xd9: {  	[sflag:s25] =	ssyncset.done $0x0  }
0xda: {  	s11 =	simm.s32 $0x2A20;
	[sflag:s25] =	ssyncadd.s32 $0xFFFFF800  }
0xdb: {  	s0 =	simm.s32 $0x4A10;
	v0 =	vld [tilespmem:s11+$0xFFFFFFE0]  }
0xdc: {  	v1 =	vld [tilespmem:s0+$0xFFFFFFF0]  }
0xdd: {  	v2 =	vld [tilespmem:s11+$0x0]  }
0xde: {  	v3 =	vld [tilespmem:s0+$0x0]  }
0xdf: {  	s7 =	simm.s32 $0x2A60  }
0xe0: {  	v4 =	vld [tilespmem:s7+$0xFFFFFFE0]  }
0xe1: {  	s22 =	simm.s32 $0x4A30;
	v5 =	vld [tilespmem:s7+$0x0]  }
0xe2: {  	v0 =	vadd.f32 v1, v0;
	v1 =	vld [tilespmem:s22+$0xFFFFFFF0]  }
0xe3: {  	v6 =	vld [tilespmem:s22+$0x0];
	v2 =	vadd.f32 v3, v2  }
0xe4: {  	v3 =	vmul.f32 $2.000000030e-01, v0  }
0xe5: {  	s0 =	simm.s32 $0x2AA0;
	v7 =	vmul.f32 $2.000000030e-01, v2  }
0xe6: {  	s1 =	simm.s32 $0x4A50;
	v0 =	vmax.f32 v0, v3;
	v3 =	vld [tilespmem:s0+$0xFFFFFFE0]  }
0xe7: {  	v2 =	vmax.f32 v2, v7;
	v7 =	vld [tilespmem:s1+$0xFFFFFFF0];
	v0 =	vmul.f32 $1.442695020e+00, v0;
	v1 =	vadd.f32 v1, v4  }
0xe8: {  	v5 =	vadd.f32 v6, v5;
	v4 =	vld [tilespmem:s0+$0x0];
	v2 =	vmul.f32 $1.442695020e+00, v2  }
0xe9: {  	(erf) = vpow2.f32 v0;
	v0 =	vld [tilespmem:s1+$0x0];
	v6 =	vmul.f32 $2.000000030e-01, v1  }
0xea: {  	s8 =	simm.s32 $0x4A70;
	(erf) = vpow2.f32 v2;
	v2 =	vmul.f32 $2.000000030e-01, v5  }
0xeb: {  	v9 =	vld [tilespmem:s8+$0x0];
	s1 =	simm.s32 $0x2AE0;
	v1 =	vmax.f32 v1, v6  }
0xec: {  	v8 =	vld [tilespmem:s1+$0x0];
	v1 =	vmul.f32 $1.442695020e+00, v1;
	v2 =	vmax.f32 v5, v2  }
0xed: {  	v6 =	vld [tilespmem:s1+$0xFFFFFFE0];
	v2 =	vmul.f32 $1.442695020e+00, v2  }
0xee: {  	v5 =	vld [tilespmem:s8+$0xFFFFFFF0];
	(erf) = vpow2.f32 v1;
	v0 =	vadd.f32 v0, v4;
	v1 =	vadd.f32 v7, v3  }
0xef: {  	s10 =	simm.s32 $0x2B20;
	(erf) = vpow2.f32 v2  }
0xf0: {  	s12 =	simm.s32 $0x4A90;
	v10 =	vld [tilespmem:s10+$0xFFFFFFE0];
	v2 =	vmul.f32 $2.000000030e-01, v1;
	v3 =	vmul.f32 $2.000000030e-01, v0  }
0xf1: {  	v12 =	vld [tilespmem:s12+$0x0]  }
0xf2: {  	s8 =	simm.s32 $0x5A20;
	v7 =	vld [tilespmem:s10+$0x0];
	v8 =	vadd.f32 v9, v8;
	v11 =	vpop (erf);
	v2 =	vmax.f32 v1, v2;
	v0 =	vmax.f32 v0, v3  }
0xf3: {  	v9 =	vld [tilespmem:s12+$0xFFFFFFF0];
	v6 =	vadd.f32 v5, v6;
	[tilespmem:s8+$0xFFFFFFE0] =	vst v11;
	v2 =	vmul.f32 $1.442695020e+00, v2;
	v0 =	vmul.f32 $1.442695020e+00, v0  }
0xf4: {  	s14 =	simm.s32 $0x2B60;
	v1 =	vpop (erf);
	v13 =	vld [tilespmem:s11+$0xFFFFFFF0]  }
0xf5: {  	v4 =	vld [tilespmem:s14+$0xFFFFFFE0];
	v14 =	vmul.f32 $2.000000030e-01, v6;
	[tilespmem:s8+$0x0] =	vst v1;
	(erf) = vpow2.f32 v2  }
0xf6: {  	v3 =	vld [tilespmem:s11+$0x10];
	v2 =	vmul.f32 $2.000000030e-01, v8  }
0xf7: {  	s17 =	simm.s32 $0x4AB0;
	s12 =	simm.s32 $0x5A60;
	v5 =	vld [tilespmem:s14+$0x0];
	v14 =	vmax.f32 v6, v14;
	(erf) = vpow2.f32 v0;
	v0 =	vpop (erf)  }
0xf8: {  	s18 =	simm.s32 $0xA;
	v7 =	vadd.f32 v12, v7;
	v6 =	vld [tilespmem:s17+$0x0];
	v12 =	vmul.f32 $1.442695020e+00, v14;
	v2 =	vmax.f32 v8, v2;
	[tilespmem:s12+$0xFFFFFFE0] =	vst v0  }
0xf9: {  	s13 =	simm.s32 $0x5A60;
	v9 =	vadd.f32 v9, v10;
	s11 =	simm.s32 $0x2B60;
	v10 =	vpop (erf);
	v8 =	vmul.f32 v11, v13;
	v11 =	vmul.f32 $1.442695020e+00, v2;
	v2 =	vld [tilespmem:s7+$0xFFFFFFF0]  }
.LBB2_8:
0xfa: {  	s18 =	sadd.s32 $0x2, s18  }
0xfb: {  	v13 =	vld [tilespmem:s17+$0xFFFFFFF0];
	(erf) = vpow2.f32 v12;
	[tilespmem:s12+$0x0] =	vst v10;
	v12 =	vmul.f32 v1, v3;
	v1 =	vmov v10;
	p0 =	slt.u32 s18, $0x7E  }
.Ltmp3:
0xfc: {  	s14 =	sadd.s32 $0x40, s14;
	v14 =	vmul.f32 $2.000000030e-01, v7;
	v10 =	vmul.f32 $2.000000030e-01, v9;
	v3 =	vld [tilespmem:s7+$0x10];
	[tilespmem:s8+$0xFFFFFFF0] =	vst v8;
	v15 =	vmov v4;
	(pc) =	sbr.rel @p0 .LBB2_8-.Ltmp3, $4  }
0xfd: {  	s7 =	smov.u32 s0;
	s0 =	smov.u32 s1;
	s1 =	smov.u32 s10;
	v4 =	vld [tilespmem:s14+$0xFFFFFFE0];
	(erf) = vpow2.f32 v11;
	[tilespmem:s8+$0x10] =	vst v12;
	v8 =	vmov v5  }
0xfe: {  	s17 =	sadd.s32 $0x20, s17;
	s12 =	sadd.s32 $0x40, s12;
	s10 =	smov.u32 s11;
	v14 =	vmax.f32 v7, v14;
	v5 =	vld [tilespmem:s14+$0x0];
	v9 =	vmax.f32 v9, v10;
	v11 =	vpop (erf)  }
0xff: {  	s11 =	smov.u32 s14;
	s8 =	smov.u32 s13;
	s13 =	smov.u32 s12;
	v7 =	vadd.f32 v6, v8;
	v6 =	vld [tilespmem:s17+$0x0];
	v12 =	vmul.f32 $1.442695020e+00, v9;
	[tilespmem:s12+$0xFFFFFFE0] =	vst v11;
	v8 =	vmul.f32 v0, v2;
	v0 =	vmovc v11  }
0x100: {  	v11 =	vmul.f32 $1.442695020e+00, v14;
	v9 =	vadd.f32 v13, v15;
	v2 =	vld [tilespmem:s7+$0xFFFFFFF0];
	v10 =	vpop (erf)  }
0x101: {  	v13 =	vld [tilespmem:s17+$0xFFFFFFF0];
	_ =	sdelay $0x4  }
0x102: {  	v14 =	vmul.f32 $2.000000030e-01, v9;
	v4 =	vadd.f32 v13, v4  }
0x103: {  	(erf) = vpow2.f32 v12;
	v12 =	vmul.f32 $2.000000030e-01, v7;
	v5 =	vadd.f32 v6, v5  }
0x104: {  	v1 =	vmul.f32 v1, v3;
	v3 =	vmax.f32 v9, v14;
	v6 =	vmul.f32 $2.000000030e-01, v4  }
0x105: {  	[tilespmem:s12+$0x0] =	vst v10;
	v7 =	vmax.f32 v7, v12;
	v3 =	vmul.f32 $1.442695020e+00, v3;
	v9 =	vmul.f32 $2.000000030e-01, v5  }
0x106: {  	(erf) = vpow2.f32 v11;
	v7 =	vmul.f32 $1.442695020e+00, v7;
	v4 =	vmax.f32 v4, v6;
	v6 =	vld [tilespmem:s7+$0x10]  }
0x107: {  	(erf) = vpow2.f32 v3;
	v3 =	vmax.f32 v5, v9;
	v4 =	vmul.f32 $1.442695020e+00, v4  }
0x108: {  	(erf) = vpow2.f32 v7;
	v3 =	vmul.f32 $1.442695020e+00, v3  }
0x109: {  	[tilespmem:s8+$0xFFFFFFF0] =	vst v8;
	v0 =	vmul.f32 v0, v2;
	(erf) = vpow2.f32 v4  }
0x10a: {  	s18 =	sadd.s32 $0x40, s12;
	[tilespmem:s8+$0x10] =	vst v1;
	v1 =	vpop (erf);
	(erf) = vpow2.f32 v3  }
0x10b: {  	[tilespmem:s18+$0xFFFFFFE0] =	vst v1;
	v2 =	vmul.f32 v10, v6  }
0x10c: {  	[tilespmem:s13+$0xFFFFFFF0] =	vst v0;
	v3 =	vpop (erf)  }
0x10d: {  	s19 =	sadd.s32 $0x40, s18;
	[tilespmem:s18+$0x0] =	vst v3;
	v0 =	vpop (erf)  }
0x10e: {  	v4 =	vld [tilespmem:s0+$0xFFFFFFF0];
	[tilespmem:s19+$0xFFFFFFE0] =	vst v0  }
0x10f: {  	v5 =	vld [tilespmem:s0+$0x10];
	[tilespmem:s13+$0x10] =	vst v2;
	v2 =	vpop (erf)  }
0x110: {  	s20 =	sadd.s32 $0x40, s19;
	v6 =	vld [tilespmem:s1+$0xFFFFFFF0];
	[tilespmem:s19+$0x0] =	vst v2;
	v7 =	vpop (erf)  }
0x111: {  	v8 =	vld [tilespmem:s1+$0x10];
	[tilespmem:s20+$0xFFFFFFE0] =	vst v7;
	v9 =	vpop (erf)  }
0x112: {  	s22 =	sadd.s32 $0x40, s20;
	v10 =	vld [tilespmem:s10+$0xFFFFFFF0];
	[tilespmem:s20+$0x0] =	vst v9;
	v11 =	vpop (erf)  }
0x113: {  	v1 =	vmul.f32 v1, v4;
	v4 =	vld [tilespmem:s10+$0x10];
	[tilespmem:s22+$0xFFFFFFE0] =	vst v11;
	v12 =	vpop (erf)  }
0x114: {  	v3 =	vmul.f32 v3, v5;
	v5 =	vld [tilespmem:s11+$0xFFFFFFF0];
	[tilespmem:s22+$0x0] =	vst v12  }
0x115: {  	[tilespmem:s18+$0xFFFFFFF0] =	vst v1;
	v0 =	vmul.f32 v0, v6;
	v1 =	vld [tilespmem:s11+$0x10]  }
0x116: {  	[tilespmem:s18+$0x10] =	vst v3;
	v2 =	vmul.f32 v2, v8  }
0x117: {  	[tilespmem:s19+$0xFFFFFFF0] =	vst v0;
	v0 =	vmul.f32 v7, v10  }
0x118: {  	[tilespmem:s19+$0x10] =	vst v2;
	v2 =	vmul.f32 v9, v4  }
0x119: {  	[tilespmem:s20+$0xFFFFFFF0] =	vst v0;
	v0 =	vmul.f32 v11, v5  }
0x11a: {  	[tilespmem:s20+$0x10] =	vst v2;
	v1 =	vmul.f32 v12, v1  }
0x11b: {  	[tilespmem:s22+$0xFFFFFFF0] =	vst v0  }
0x11c: {  	s12 =	simm.s32 $0x2900;
	[tilespmem:s22+$0x10] =	vst v1  }
0x11d: {  	[spmem:s3] =	stream.indirect.scatter.add.f32 [tilespmem:s26], [sflag:$0x7], $0x20, s12, s16, $0xb8;
	[tilespmem:$0xB900] =	vst v63  }
0x11e: {  	_ =	swait.ge [sflag:s15], $0x1000  }
0x11f: {  	[sflag:s15] =	ssyncset.done $0x0  }
0x120: {  	[sflag:s15] =	ssyncadd.s32 $0xFFFFF000  }
0x121: {  	_ =	swait.ge [sflag:s29], $0x1000  }
0x122: {  	[sflag:s29] =	ssyncset.done $0x0  }
0x123: {  	[sflag:s29] =	ssyncadd.s32 $0xFFFFF000  }
0x124: {  	_ =	swait.ge [sflag:s30], $0x800  }
0x125: {  	[sflag:s30] =	ssyncset.done $0x0  }
0x126: {  	s13 =	simm.s32 $0x3A30;
	[sflag:s30] =	ssyncadd.s32 $0xFFFFF800  }
0x127: {  	s17 =	simm.s32 $0x5210;
	v0 =	vld [tilespmem:s13+$0xFFFFFFD0]  }
0x128: {  	v1 =	vld [tilespmem:s17+$0xFFFFFFF0]  }
0x129: {  	v2 =	vld [tilespmem:s13+$0xFFFFFFF0]  }
0x12a: {  	v3 =	vld [tilespmem:s17+$0x0]  }
0x12b: {  	s7 =	simm.s32 $0x3A70  }
0x12c: {  	v4 =	vld [tilespmem:s7+$0xFFFFFFD0]  }
0x12d: {  	s18 =	simm.s32 $0x5230;
	v5 =	vld [tilespmem:s7+$0xFFFFFFF0]  }
0x12e: {  	v6 =	vld [tilespmem:s18+$0x0];
	v0 =	vadd.f32 v1, v0  }
0x12f: {  	v1 =	vld [tilespmem:s18+$0xFFFFFFF0];
	v2 =	vadd.f32 v3, v2  }
0x130: {  	v3 =	vmul.f32 $2.000000030e-01, v0  }
0x131: {  	v7 =	vmul.f32 $2.000000030e-01, v2  }
0x132: {  	s0 =	simm.s32 $0x3AB0;
	v0 =	vmax.f32 v0, v3  }
0x133: {  	s19 =	simm.s32 $0x5250;
	v2 =	vmax.f32 v2, v7;
	v3 =	vld [tilespmem:s0+$0xFFFFFFD0];
	v0 =	vmul.f32 $1.442695020e+00, v0  }
0x134: {  	v1 =	vadd.f32 v1, v4;
	v2 =	vmul.f32 $1.442695020e+00, v2;
	v4 =	vadd.f32 v6, v5;
	v6 =	vld [tilespmem:s19+$0xFFFFFFF0]  }
0x135: {  	(erf) = vpow2.f32 v0;
	v0 =	vld [tilespmem:s0+$0xFFFFFFF0]  }
0x136: {  	v5 =	vmul.f32 $2.000000030e-01, v1;
	(erf) = vpow2.f32 v2;
	v2 =	vld [tilespmem:s19+$0x0]  }
0x137: {  	s1 =	simm.s32 $0x3AF0;
	v7 =	vmul.f32 $2.000000030e-01, v4  }
0x138: {  	v8 =	vld [tilespmem:s1+$0xFFFFFFF0];
	v1 =	vmax.f32 v1, v5  }
0x139: {  	s20 =	simm.s32 $0x5270;
	v5 =	vld [tilespmem:s1+$0xFFFFFFD0];
	v4 =	vmax.f32 v4, v7;
	v1 =	vmul.f32 $1.442695020e+00, v1  }
0x13a: {  	v7 =	vld [tilespmem:s20+$0xFFFFFFF0];
	v4 =	vmul.f32 $1.442695020e+00, v4  }
0x13b: {  	v9 =	vld [tilespmem:s20+$0x0];
	(erf) = vpow2.f32 v1;
	v1 =	vadd.f32 v6, v3;
	v0 =	vadd.f32 v2, v0  }
0x13c: {  	s10 =	simm.s32 $0x3B30;
	(erf) = vpow2.f32 v4  }
0x13d: {  	s22 =	simm.s32 $0x5290;
	v10 =	vld [tilespmem:s10+$0xFFFFFFF0];
	v3 =	vmul.f32 $2.000000030e-01, v1;
	v4 =	vmul.f32 $2.000000030e-01, v0  }
0x13e: {  	v12 =	vld [tilespmem:s22+$0x0]  }
0x13f: {  	s8 =	simm.s32 $0x5A20;
	v2 =	vld [tilespmem:s10+$0xFFFFFFD0];
	v6 =	vadd.f32 v7, v5;
	v11 =	vpop (erf);
	v3 =	vmax.f32 v1, v3;
	v0 =	vmax.f32 v0, v4  }
0x140: {  	v7 =	vadd.f32 v9, v8;
	v9 =	vld [tilespmem:s22+$0xFFFFFFF0];
	[tilespmem:s8+$0xFFFFFFE0] =	vst v11;
	v4 =	vmul.f32 $1.442695020e+00, v3;
	v0 =	vmul.f32 $1.442695020e+00, v0  }
0x141: {  	s14 =	simm.s32 $0x3B70;
	v1 =	vpop (erf);
	v13 =	vld [tilespmem:s13+$0xFFFFFFE0]  }
0x142: {  	v5 =	vld [tilespmem:s14+$0xFFFFFFF0];
	v8 =	vmul.f32 $2.000000030e-01, v6;
	[tilespmem:s8+$0x0] =	vst v1;
	(erf) = vpow2.f32 v4  }
0x143: {  	v14 =	vmul.f32 $2.000000030e-01, v7;
	v3 =	vld [tilespmem:s13+$0x0]  }
0x144: {  	s12 =	simm.s32 $0x5A60;
	s17 =	simm.s32 $0x52B0;
	v8 =	vmax.f32 v6, v8;
	v4 =	vld [tilespmem:s14+$0xFFFFFFD0];
	(erf) = vpow2.f32 v0;
	v0 =	vpop (erf)  }
0x145: {  	s11 =	simm.s32 $0x3B70;
	v14 =	vmax.f32 v7, v14;
	v6 =	vld [tilespmem:s17+$0x0];
	v7 =	vadd.f32 v12, v10;
	v12 =	vmul.f32 $1.442695020e+00, v8;
	[tilespmem:s12+$0xFFFFFFE0] =	vst v0  }
0x146: {  	s18 =	simm.s32 $0xA;
	v9 =	vadd.f32 v9, v2;
	s13 =	simm.s32 $0x5A60;
	v8 =	vmul.f32 v11, v13;
	v11 =	vmul.f32 $1.442695020e+00, v14;
	v10 =	vpop (erf);
	v2 =	vld [tilespmem:s7+$0xFFFFFFE0]  }
.LBB2_10:
0x147: {  	s18 =	sadd.s32 $0x2, s18  }
0x148: {  	v13 =	vld [tilespmem:s17+$0xFFFFFFF0];
	(erf) = vpow2.f32 v12;
	[tilespmem:s12+$0x0] =	vst v10;
	v12 =	vmul.f32 v1, v3;
	v1 =	vmov v10;
	p0 =	slt.u32 s18, $0x7E  }
.Ltmp4:
0x149: {  	s14 =	sadd.s32 $0x40, s14;
	v14 =	vmul.f32 $2.000000030e-01, v7;
	v10 =	vmul.f32 $2.000000030e-01, v9;
	v3 =	vld [tilespmem:s7+$0x0];
	[tilespmem:s8+$0xFFFFFFF0] =	vst v8;
	v15 =	vmov v4;
	(pc) =	sbr.rel @p0 .LBB2_10-.Ltmp4, $4  }
0x14a: {  	s7 =	smov.u32 s0;
	s0 =	smov.u32 s1;
	s1 =	smov.u32 s10;
	v4 =	vld [tilespmem:s14+$0xFFFFFFD0];
	(erf) = vpow2.f32 v11;
	[tilespmem:s8+$0x10] =	vst v12;
	v8 =	vmov v5  }
0x14b: {  	s17 =	sadd.s32 $0x20, s17;
	s12 =	sadd.s32 $0x40, s12;
	s10 =	smov.u32 s11;
	v14 =	vmax.f32 v7, v14;
	v5 =	vld [tilespmem:s14+$0xFFFFFFF0];
	v9 =	vmax.f32 v9, v10;
	v11 =	vpop (erf)  }
0x14c: {  	s11 =	smov.u32 s14;
	s8 =	smov.u32 s13;
	s13 =	smov.u32 s12;
	v7 =	vadd.f32 v6, v8;
	v6 =	vld [tilespmem:s17+$0x0];
	v12 =	vmul.f32 $1.442695020e+00, v9;
	[tilespmem:s12+$0xFFFFFFE0] =	vst v11;
	v8 =	vmul.f32 v0, v2;
	v0 =	vmovc v11  }
0x14d: {  	v11 =	vmul.f32 $1.442695020e+00, v14;
	v9 =	vadd.f32 v13, v15;
	v2 =	vld [tilespmem:s7+$0xFFFFFFE0];
	v10 =	vpop (erf)  }
0x14e: {  	v13 =	vld [tilespmem:s17+$0xFFFFFFF0];
	_ =	sdelay $0x4  }
0x14f: {  	v14 =	vmul.f32 $2.000000030e-01, v9;
	v4 =	vadd.f32 v13, v4  }
0x150: {  	(erf) = vpow2.f32 v12;
	v38 =	vmul.f32 $2.000000030e-01, v7;
	v5 =	vadd.f32 v6, v5  }
0x151: {  	v1 =	vmul.f32 v1, v3;
	v39 =	vmax.f32 v9, v14;
	v40 =	vmul.f32 $2.000000030e-01, v4  }
0x152: {  	v7 =	vmax.f32 v7, v38;
	v3 =	vmul.f32 $1.442695020e+00, v39;
	v41 =	vmul.f32 $2.000000030e-01, v5  }
0x153: {  	[tilespmem:s12+$0x0] =	vst v10;
	(erf) = vpow2.f32 v11;
	v7 =	vmul.f32 $1.442695020e+00, v7;
	v4 =	vmax.f32 v4, v40  }
0x154: {  	v42 =	vld [tilespmem:s7+$0x0];
	(erf) = vpow2.f32 v3;
	v43 =	vmax.f32 v5, v41;
	v4 =	vmul.f32 $1.442695020e+00, v4  }
0x155: {  	(erf) = vpow2.f32 v7;
	v3 =	vmul.f32 $1.442695020e+00, v43  }
0x156: {  	[tilespmem:s8+$0xFFFFFFF0] =	vst v8;
	(erf) = vpow2.f32 v4  }
0x157: {  	s12 =	sadd.s32 $0x40, s12;
	[tilespmem:s8+$0x10] =	vst v1;
	v44 =	vpop (erf);
	(erf) = vpow2.f32 v3  }
0x158: {  	[tilespmem:s12+$0xFFFFFFE0] =	vst v44;
	v0 =	vmul.f32 v0, v2;
	v45 =	vpop (erf)  }
0x159: {  	[tilespmem:s12+$0x0] =	vst v45;
	v46 =	vmul.f32 v10, v42  }
0x15a: {  	[tilespmem:s13+$0xFFFFFFF0] =	vst v0  }
0x15b: {  	v48 =	vld [tilespmem:s0+$0xFFFFFFE0];
	[tilespmem:s13+$0x10] =	vst v46;
	s13 =	sadd.s32 $0x40, s12;
	v47 =	vpop (erf)  }
0x15c: {  	v50 =	vld [tilespmem:s0+$0x0];
	v49 =	vpop (erf);
	[tilespmem:s13+$0xFFFFFFE0] =	vst v47  }
0x15d: {  	s14 =	sadd.s32 $0x40, s13;
	v51 =	vld [tilespmem:s1+$0xFFFFFFE0];
	[tilespmem:s13+$0x0] =	vst v49;
	v52 =	vpop (erf)  }
0x15e: {  	v53 =	vld [tilespmem:s1+$0x0];
	[tilespmem:s14+$0xFFFFFFE0] =	vst v52;
	v54 =	vpop (erf)  }
0x15f: {  	s17 =	sadd.s32 $0x40, s14;
	v55 =	vld [tilespmem:s10+$0xFFFFFFE0];
	[tilespmem:s14+$0x0] =	vst v54;
	v56 =	vpop (erf)  }
0x160: {  	v1 =	vmul.f32 v44, v48;
	v57 =	vld [tilespmem:s10+$0x0];
	[tilespmem:s17+$0xFFFFFFE0] =	vst v56;
	v58 =	vpop (erf)  }
0x161: {  	v3 =	vmul.f32 v45, v50;
	v59 =	vld [tilespmem:s11+$0xFFFFFFE0];
	[tilespmem:s17+$0x0] =	vst v58  }
0x162: {  	[tilespmem:s12+$0xFFFFFFF0] =	vst v1;
	v0 =	vmul.f32 v47, v51;
	v60 =	vld [tilespmem:s11+$0x0]  }
0x163: {  	[tilespmem:s12+$0x10] =	vst v3;
	v2 =	vmul.f32 v49, v53  }
0x164: {  	[tilespmem:s13+$0xFFFFFFF0] =	vst v0;
	v61 =	vmul.f32 v52, v55  }
0x165: {  	[tilespmem:s13+$0x10] =	vst v2;
	v62 =	vmul.f32 v54, v57  }
0x166: {  	[tilespmem:s14+$0xFFFFFFF0] =	vst v61;
	v63 =	vmul.f32 v56, v59  }
0x167: {  	[tilespmem:s14+$0x10] =	vst v62;
	v1 =	vmul.f32 v58, v60  }
0x168: {  	[tilespmem:s17+$0xFFFFFFF0] =	vst v63  }
0x169: {  	s18 =	simm.s32 $0x2980;
	[tilespmem:s17+$0x10] =	vst v1  }
0x16a: {  	[spmem:s3] =	stream.indirect.scatter.add.f32 [tilespmem:s26], [sflag:$0x7], $0x20, s18, s16, $0xb8;
	[tilespmem:$0xB900] =	vst v63  }
0x16b: {  	_ =	swait.ge [sflag:s15], $0x1000  }
0x16c: {  	[sflag:s15] =	ssyncset.done $0x0  }
0x16d: {  	[sflag:s15] =	ssyncadd.s32 $0xFFFFF000  }
0x16e: {  	[bflag:$0x0] =	sbarrier.arrive $0xFFFF  }
0x16f: {  	s19 =	rddreg [dreg:$0x8]  }
0x170: {  	s8 =	rddreg [dreg:$0xa]  }
0x171: {  	s7 =	rddreg [dreg:$0xb]  }
0x172: {  	[hbm:s19], [sflag:s8] =	dma.local [spmem:s7], $0x9E0  }
0x173: {  	_ =	swait.ge [sflag:s15], $0x9E0  }
0x174: {  	s20 =	rddreg [dreg:$0xc]  }
0x175: {  	s22 =	rddreg [dreg:$0x9];
	s1 =	sadd.s32 $0x1, s20  }
0x176: {  	p0 =	sne.s32 s1, s22  }
.Ltmp5:
0x177: {  	_ = 	snop;
	(pc) =	sbr.rel @p0 .LBB2_1-.Ltmp5, $3  }
0x178: {  	_ =	sdelay $0x1  }
0x179: {  	[sflag:s15] =	ssyncset.done $0x0  }
0x17a: {  	[sflag:s15] =	ssyncadd.s32 $0xFFFFF620  }
0x17b: {  	_ =	sfence.sel $0x180000  }
0x17c: {  	[bflag:$0x0] =	sbarrier.arrive $0xFFFF  }
0x17d: {  	_ =	strace $0x9000004A  }
0x17e: {  	s0 =	stileid.u32;
	[bflag:$0x2] =	sbarrier.arrive $0xFFFF  }
0x17f: {  	p0 =	sne.s32 s0, $0x0;
	s0 =	rddreg [dreg:$0x3]  }
0x180: {  	s0 =	sadd.s32 @!p0 $0x100000, s0  }
0x181: {  	[sflag:s0] =	ssyncadd.tile.s32 @!p0 $0x1;
	_ =	shalt  }
.Lfunc_end2:
_tile_overlayer_lowered:
.L_overlay_start_2:
0x182: {  	(tag) =	ssettag $0x2  }
0x183: {  	s0 =	rddreg [dreg:$0x0];
	s2 =	stileid.u32  }
0x184: {  	s1 =	rddreg [dreg:$0x1];
	p0 =	sne.s32 s2, $0x0  }
0x185: {  	s3 =	rddreg [dreg:$0x2];
	[bflag:$0x3] =	sbarrier.arrive $0xFFFF;
	s2 =	simm.s32 @!p0 $0x1C07  }
0x186: {  	[timem:s3], [sflag:s2] =	dma.local @!p0 [hbm:s0], s1  }
0x187: {  	s0 =	simm.s32 @!p0 $0x7  }
0x188: {  	_ =	swait.ge @!p0 [sflag:s0], s1  }
0x189: {  	s1 =	ssub.s32 @!p0 $0x0, s1;
	[sflag:s0] =	ssyncset.done @!p0 $0x0  }
0x18a: {  	[sflag:s0] =	ssyncadd.s32 @!p0 s1  }
0x18b: {  	[bflag:$0x3] =	sbarrier.arrive $0xFFFF  }
0x18c: {  	_ =	shalt  }

// kernel: kernel.7.cloned.1.call-start
scs
__scs_entry_jumppad:
0x0: {  	(pc) =	sbr.rel $0x88, $3  }
0x1: {  	(tag) =	ssettag $0x0;
	lr =	simm.s32 $0x1  }
0x2: {  	[smem:$0x3F95] =	sst lr;
	_ =	strace $0xD0000000  }
0x3: {  	_ = 	snop  }
0x4: {  	_ = 	snop  }
0x5: {  	_ = 	snop  }
0x6: {  	_ = 	snop  }
0x7: {  	_ = 	snop  }
__scs_overlays_trampoline_lowered:
0x8: {  	[smem:$0x3FA4] =	sst s0  }
0x9: {  	[smem:$0x3FA5] =	sst s1  }
0xa: {  	[smem:$0x3FA6] =	sst s2  }
0xb: {  	[smem:$0x3FA7] =	sst s3  }
0xc: {  	[smem:$0x3FA8] =	sst s4  }
0xd: {  	[smem:$0x3FA9] =	sst s5  }
0xe: {  	[smem:$0x3FAA] =	sst s6  }
0xf: {  	[smem:$0x3FAB] =	sst s7  }
0x10: {  	[smem:$0x3FAC] =	sst s8  }
0x11: {  	[smem:$0x3FAD] =	sst s9;
	s0 =	simm.s32 @!p0 $0x0  }
0x12: {  	s1 =	sld [smem:$0x3F93];
	s0 =	simm.s32 @p0 $0x1  }
0x13: {  	[smem:$0x3FAE] =	sst s0;
	s0 =	simm.s32 @!p1 $0x0  }
0x14: {  	s2 =	sld [smem:$0x3F92];
	s0 =	simm.s32 @p1 $0x1  }
0x15: {  	[smem:$0x3FAF] =	sst s0;
	s0 =	simm.s32 @!p2 $0x0  }
0x16: {  	s3 =	sld [smem:$0x3FDB];
	s0 =	simm.s32 @p2 $0x1  }
0x17: {  	s4 =	simm.s32 $0x1BF5;
	[smem:$0x3FB1] =	sst s0  }
0x18: {  	s0 =	sld [smem:$0x3F94];
	_ =	swait.ge [sflag:s4], $0x0  }
0x19: {  	s7 =	sld [smem:$0x3F95]  }
0x1a: {  	s8 =	sadd.s32 $0xFFFFE003, lr  }
0x1b: {  	s9 =	sadd.s32 $0xFFFFFEF7, lr;
	s5 =	simm.s32 $0xFFFFFFFF;
	p2 =	slt.u32 s8, $0xFFFFF086  }
0x1c: {  	p1 =	slt.u32 s9, $0xF7A;
	s5 =	simm.s32 @!p2 $0x0  }
0x1d: {  	s5 =	simm.s32 @p1 $0x1;
	p0 =	seq.s32 s7, s2  }
0x1e: {  	s7 =	smul.u32 @!p0 $0xF7A, s2;
	p2 =	seq.s32 @!p0 s5, $0x0  }
0x1f: {  	s9 =	smul.u32 $0xF7A, s1;
	s8 =	simm.s32 @!p0 $0x1BF5;
	p2 =	por !p2, p0  }
0x20: {  	[sflag:s8] =	ssyncset.s32 @!p0 $0xFFFFF086;
	s6 =	sadd.s32 @!p0 s3, s7;
	s7 =	simm.s32 @!p0 $0x108  }
0x21: {  	s3 =	sadd.s32 s3, s9;
	s6 =	sadd.s32 @!p0 $0x88, s6;
	s7 =	simm.s32 @p2 $0x1082  }
0x22: {  	[simem:s7], [sflag:s8] =	dma.local @!p0 [hbm:s6], $0xF7A  }
0x23: {  	s9 =	sor.u32 $0xD0000000, s2;
	s6 =	simm.s32 $0x108;
	_ =	swait.ge @!p0 [sflag:s8], $0x0  }
0x24: {  	s3 =	sadd.s32 $0x88, s3;
	s6 =	simm.s32 @!p1 $0x1082;
	[sflag:s4] =	ssyncset.s32 $0xFFFFF086  }
0x25: {  	[simem:s6], [sflag:s4] =	dma.local [hbm:s3], $0xF7A  }
0x26: {  	[smem:$0x3F95] =	sst s1;
	(tag) =	ssettag s2;
	_ =	strace s9  }
0x27: {  	s1 =	sld [smem:$0x3FA5]  }
0x28: {  	s2 =	sld [smem:$0x3FA6]  }
0x29: {  	s4 =	sld [smem:$0x3FA8]  }
0x2a: {  	p0 =	seq.s32 s5, $0x0;
	s5 =	sld [smem:$0x3FA9]  }
0x2b: {  	s6 =	sld [smem:$0x3FAA]  }
0x2c: {  	s7 =	sld [smem:$0x3FAB]  }
0x2d: {  	s3 =	simm.s32 $0x108;
	s8 =	sld [smem:$0x3FAC]  }
0x2e: {  	s3 =	simm.s32 @!p0 $0x1082;
	s9 =	sld [smem:$0x3FAD]  }
0x2f: {  	lr =	sadd.s32 s0, s3;
	s0 =	sld [smem:$0x3FA4]  }
0x30: {  	s3 =	sld [smem:$0x3FA7]  }
0x31: {  	[smem:$0x3FB0] =	sst s10  }
0x32: {  	s10 =	sld [smem:$0x3FAE];
	_ =	sdelay $0x3  }
0x33: {  	p0 =	seq.s32 s10, $0x1;
	s10 =	sld [smem:$0x3FB0];
	_ =	sdelay $0x3  }
0x34: {  	[smem:$0x3FB0] =	sst s10  }
0x35: {  	s10 =	sld [smem:$0x3FAF];
	_ =	sdelay $0x3  }
0x36: {  	p1 =	seq.s32 s10, $0x1;
	s10 =	sld [smem:$0x3FB0];
	_ =	sdelay $0x3  }
0x37: {  	[smem:$0x3FB0] =	sst s10  }
0x38: {  	s10 =	sld [smem:$0x3FB1]  }
0x39: {  	_ = 	snop;
	(pc) =	sbr.ind lr, $3  }
0x3a: {  	_ = 	snop  }
0x3b: {  	_ = 	snop  }
0x3c: {  	p2 =	seq.s32 s10, $0x1;
	s10 =	sld [smem:$0x3FB0]  }
0x3d: {  	_ =	shalt  }
0x3e: {  	_ =	shalt  }
0x3f: {  	_ =	shalt  }
0x40: {  	_ =	shalt  }
0x41: {  	_ =	shalt  }
0x42: {  	_ =	shalt  }
0x43: {  	_ =	shalt  }
0x44: {  	_ =	shalt  }
0x45: {  	_ =	shalt  }
0x46: {  	_ =	shalt  }
0x47: {  	_ =	shalt  }
0x48: {  	_ =	shalt  }
0x49: {  	_ =	shalt  }
0x4a: {  	_ =	shalt  }
0x4b: {  	_ =	shalt  }
0x4c: {  	_ =	shalt  }
0x4d: {  	_ =	shalt  }
0x4e: {  	_ =	shalt  }
0x4f: {  	_ =	shalt  }
0x50: {  	_ =	shalt  }
0x51: {  	_ =	shalt  }
0x52: {  	_ =	shalt  }
0x53: {  	_ =	shalt  }
0x54: {  	_ =	shalt  }
0x55: {  	_ =	shalt  }
0x56: {  	_ =	shalt  }
0x57: {  	_ =	shalt  }
0x58: {  	_ =	shalt  }
0x59: {  	_ =	shalt  }
0x5a: {  	_ =	shalt  }
0x5b: {  	_ =	shalt  }
0x5c: {  	_ =	shalt  }
0x5d: {  	_ =	shalt  }
0x5e: {  	_ =	shalt  }
0x5f: {  	_ =	shalt  }
0x60: {  	_ =	shalt  }
0x61: {  	_ =	shalt  }
0x62: {  	_ =	shalt  }
0x63: {  	_ =	shalt  }
0x64: {  	_ =	shalt  }
0x65: {  	_ =	shalt  }
0x66: {  	_ =	shalt  }
0x67: {  	_ =	shalt  }
0x68: {  	_ =	shalt  }
0x69: {  	_ =	shalt  }
0x6a: {  	_ =	shalt  }
0x6b: {  	_ =	shalt  }
0x6c: {  	_ =	shalt  }
0x6d: {  	_ =	shalt  }
0x6e: {  	_ =	shalt  }
0x6f: {  	_ =	shalt  }
0x70: {  	_ =	shalt  }
0x71: {  	_ =	shalt  }
0x72: {  	_ =	shalt  }
0x73: {  	_ =	shalt  }
0x74: {  	_ =	shalt  }
0x75: {  	_ =	shalt  }
0x76: {  	_ =	shalt  }
0x77: {  	_ =	shalt  }
0x78: {  	_ =	shalt  }
0x79: {  	_ =	shalt  }
0x7a: {  	_ =	shalt  }
0x7b: {  	_ =	shalt  }
0x7c: {  	_ =	shalt  }
0x7d: {  	_ =	shalt  }
0x7e: {  	_ =	shalt  }
0x7f: {  	_ =	shalt  }
0x80: {  	_ =	shalt  }
0x81: {  	_ =	shalt  }
0x82: {  	_ =	shalt  }
0x83: {  	_ =	shalt  }
0x84: {  	_ =	shalt  }
0x85: {  	_ =	shalt  }
0x86: {  	_ =	shalt  }
0x87: {  	_ =	shalt  }
.Lfunc_end0:
.L_simem_size_0:
called_computation_lowered:
.L_overlay_start_0:
0x88: {  	s2 =	sld [smem:$0x3FD9]  }
0x89: {  	s3 =	sld [smem:$0x3FFE];
	_ =	sdelay $0x1  }
0x8a: {  	s1 =	srdreg.scid  }
0x8b: {  	s0 =	sand.u32 $0x1, s1  }
0x8c: {  	s17 =	sshll.u32 s0, $0xA;
	s2 =	sadd.s32 s3, s2  }
0x8d: {  	s2 =	sadd.s32 s2, s17  }
0x8e: {  	[smem:$0x3FBC] =	sst s2  }
0x8f: {  	_ = 	snop  }
0x90: {  	s2 =	sld [smem:$0x3FD0];
	(tm) =	ssettm $0x1  }
0x91: {  	s18 =	sld [smem:$0x3FFB];
	_ =	sdelay $0x3  }
0x92: {  	_ =	strace s18  }
0x93: {  	s3 =	sld [smem:$0x3FFC];
	_ =	sdelay $0x3  }
0x94: {  	_ =	strace s3  }
0x95: {  	s3 =	sld [smem:$0x3FFD];
	_ =	sdelay $0x3  }
0x96: {  	_ =	strace s3  }
0x97: {  	_ =	strace $0x8FFFFFFF  }
0x98: {  	s19 =	sld [smem:$0x3FDB];
	_ =	sdelay $0x1  }
0x99: {  	s4 =	simm.s32 $_scs_section_size  }
0x9a: {  	s5 =	simm.s32 $_size__tile_overlayer_lowered;
	s6 =	simm.s32 $_tile_overlayer_lowered  }
0x9b: {  	s22 =	simm.s32 $0x1BFF;
	s21 =	sshll.u32 s6, $0x1;
	s3 =	sadd.s32 s4, s19  }
0x9c: {  	s7 =	simm.s32 $0x0;
	s20 =	sshll.u32 s5, $0x1;
	s5 =	sadd.s32 s21, s3  }
0x9d: {  	[timem:s7], [sflag:s22] =	dma.local [hbm:s5], s20  }
0x9e: {  	_ =	swait.ge [sflag:s22], s20  }
0x9f: {  	s4 =	ssub.s32 $0x0, s20;
	[sflag:s22] =	ssyncset.done $0x0  }
0xa0: {  	[sflag:s22] =	ssyncadd.s32 s4;
	_ =	sdelay $0x1  }
0xa1: {  	s23 =	simm.s32 $0x1B8B  }
0xa2: {  	_ =	swait.ge [sflag:s23], $0x1  }
0xa3: {  	[sflag:s23] =	ssyncset.done $0x0  }
0xa4: {  	s25 =	simm.s32 $0x1B8E;
	s24 =	sld [smem:$0x3FFE];
	[sflag:s23] =	ssyncadd.s32 $0xFFFFFFFF  }
0xa5: {  	s26 =	simm.s32 $execute0_lowered;
	[smem:$0x3FD2] =	sst s25  }
0xa6: {  	s5 =	sshll.u32 s26, $0x1;
	_ =	strace $0x80000046;
	[dreg:$0x1] =	wrdreg $0xFFFFFFFF  }
0xa7: {  	s28 =	simm.s32 $_size_execute0_lowered;
	s3 =	sadd.s32 s3, s5;
	[dreg:$0x0] =	wrdreg $0x0  }
0xa8: {  	s5 =	sshll.u32 s28, $0x1;
	[dreg:$0x2] =	wrdreg s3  }
0xa9: {  	[dreg:$0x3] =	wrdreg s5  }
0xaa: {  	[dreg:$0x4] =	wrdreg $0xC0  }
0xab: {  	_ =	task [dreg:s7], $0x5FFFF  }
0xac: {  	[dreg:$0x1] =	wrdreg $0xFFFFFFFF  }
0xad: {  	[dreg:$0x0] =	wrdreg $0x60  }
0xae: {  	[dreg:$0x2] =	wrdreg s24  }
0xaf: {  	[dreg:$0x3] =	wrdreg s2  }
0xb0: {  	[dreg:$0x4] =	wrdreg $0xA9800  }
0xb1: {  	[dreg:$0x5] =	wrdreg $0x9  }
0xb2: {  	_ =	task.clear_ibuf [dreg:s7], $0x6FFFF;
	_ =	strace $0x90000046  }
0xb3: {  	s29 =	simm.s32 $0x9;
	_ =	strace $0x80000048  }
0xb4: {  	_ =	swait.ge [sflag:s29], $0x1  }
0xb5: {  	[sflag:s29] =	ssyncadd.s32 $0xFFFFFFFF  }
0xb6: {  	_ =	strace $0x90000048  }
0xb7: {  	_ =	sfence  }
0xb8: {  	s30 =	sld [smem:$0x0];
	_ =	sdelay $0x2  }
0xb9: {  	s31 =	sshll.u32 s1, $0xD;
	s1 =	sshrl.u32 s1, $0x2  }
0xba: {  	s3 =	sand.u32 $0x4000, s31;
	s1 =	sadd.s32 s1, s30  }
0xbb: {  	s0 =	sor.u32 s3, s0;
	s1 =	sshll.u32 s1, $0x11  }
0xbc: {  	s0 =	sor.u32 s1, s0  }
0xbd: {  	s0 =	sadd.s32 $0x8F2B, s0  }
0xbe: {  	[sflag:s0] =	ssyncadd.remote.s32 $0x1  }
0xbf: {  	_ =	sfence.sel $0xFFFF  }
0xc0: {  	[dreg:$0x0] =	wrdreg $0xFFFFFFFF;
	(pc) =	sbr.abs _section_cstart, $3  }
0xc1: {  	[dreg:$0x1] =	wrdreg $0xFFFFFFFF  }
0xc2: {  	_ =	task.clear_ibuf [dreg:s7], $0x2FFFF;
	_ =	strace $0x9FFFFFFF  }
0xc3: {  	(tm) =	ssettm $0x7FFFFFFF  }
tec
execute0_lowered:
.L_overlay_start_1:
0x0: {  	(tag) =	ssettag $0x1  }
0x1: {  	s0 =	rddreg [dreg:$0x0]  }
0x2: {  	s12 =	rddreg [dreg:$0x2]  }
0x3: {  	s1 =	srdreg.scid;
	s2 =	simm.s32 $0x0;
	s11 =	stileid.u32  }
0x4: {  	s1 =	sand.u32 $0x1, s1;
	[smem:$0x7FF] =	sst s2;
	s3 =	smul.u32 $0x13C00, s11  }
0x5: {  	s5 =	sadd.s32 $0x1C00, s0;
	s6 =	sadd.s32 $0x28E00, s0;
	s7 =	sadd.s32 $0x47200, s0  }
0x6: {  	s31 =	sshll.u32 s11, $0x6;
	s23 =	sshll.u32 s1, $0x4;
	_ =	strace $0x80000047  }
0x7: {  	s4 =	smul.u32 $0x13C000, s1;
	s1 =	ssub.s32 $0x2, s1;
	s2 =	sor.u32 s11, s23  }
0x8: {  	s9 =	sshrl.u32 s1, $0x1;
	s28 =	sadd.s32 s3, s12;
	s8 =	smul.u32 $0x520, s2  }
0x9: {  	s4 =	sadd.s32 s3, s4;
	s1 =	ssub.s32 s1, s9;
	s3 =	sor.u32 $0x1C07, s31  }
0xa: {  	s4 =	sshrl.u32 s4, $0x3;
	s29 =	smax.u32 s1, $0x1;
	[dreg:$0x9] =	wrdreg s3  }
0xb: {  	s10 =	sadd.s32 s8, s0;
	s24 =	sadd.s32 s7, s8;
	[dreg:$0x8] =	wrdreg s29  }
0xc: {  	s0 =	sadd.s32 s4, s0;
	s4 =	sshrl.u32 s28, $0x3;
	[dreg:$0x4] =	wrdreg s24  }
0xd: {  	s15 =	simm.s32 $0x7;
	s25 =	sadd.s32 $0x3C800, s10;
	[dreg:$0xa] =	wrdreg s4  }
0xe: {  	s16 =	simm.s32 $0x40;
	s26 =	sadd.s32 $0x8, s24;
	[dreg:$0x5] =	wrdreg s25  }
0xf: {  	s30 =	simm.s32 $0x6;
	s0 =	sadd.s32 $0x51C00, s0;
	[dreg:$0x6] =	wrdreg s26  }
0x10: {  	s9 =	smul.u32 $0xA4, s2;
	s1 =	simm.s32 $0x0;
	[dreg:$0x7] =	wrdreg s0  }
.LBB2_1:
0x11: {  	[dreg:$0xb] =	wrdreg s1  }
0x12: {  	s20 =	simm.s32 $0x0;
	s0 =	rddreg [dreg:$0x5];
	s2 =	simm.s32 $0x80  }
0x13: {  	[tilespmem:s2], [sflag:$0x7] =	stream.linear.gather [hbm4b:s0+s20], $0x2900, $0x38;
	[tilespmem:$0x1E580] =	vst v63  }
0x14: {  	_ =	swait.ge [sflag:s15], $0x2900  }
0x15: {  	[sflag:s15] =	ssyncset.done $0x0  }
0x16: {  	s21 =	rddreg [dreg:$0x4];
	[sflag:s15] =	ssyncadd.s32 $0xFFFFD700  }
0x17: {  	[tilespmem:s20], [sflag:$0x7] =	stream.linear.gather [hbm4b:s21+s20], $0x40, $0x38;
	[tilespmem:$0x1E580] =	vst v63  }
0x18: {  	_ =	swait.ge [sflag:s15], $0x40  }
0x19: {  	[sflag:s15] =	ssyncset.done $0x0  }
0x1a: {  	s22 =	rddreg [dreg:$0x6];
	[sflag:s15] =	ssyncadd.s32 $0xFFFFFFC0  }
0x1b: {  	[tilespmem:s16], [sflag:$0x7] =	stream.linear.gather [hbm4b:s22+s20], $0x40, $0x38;
	[tilespmem:$0x1E580] =	vst v63  }
0x1c: {  	_ =	swait.ge [sflag:s15], $0x40  }
0x1d: {  	[sflag:s15] =	ssyncset.done $0x0  }
0x1e: {  	[sflag:s15] =	ssyncadd.s32 $0xFFFFFFC0  }
0x1f: {  	s23 =	rddreg [dreg:$0x1]  }
0x20: {  	[spmem:s4], [sflag:s3] =	dma.local [hbm:s23], $0x2780  }
0x21: {  	_ =	swait.ge [sflag:s15], $0x2780  }
0x22: {  	[sflag:s15] =	ssyncset.done $0x0  }
0x23: {  	[sflag:s15] =	ssyncadd.s32 $0xFFFFD880  }
0x24: {  	s24 =	simm.s32 $0x2980;
	[bflag:$0x0] =	sbarrier.arrive $0xFFFF  }
0x25: {  	[tilespmem:s24], [sflag:$0x3] =	stream.indirect.gather [hbm4b:s5+s16], $0x80, s20, s16, $0xb8;
	[tilespmem:$0x1E580] =	vst v63  }
0x26: {  	s25 =	simm.s32 $0x6980  }
0x27: {  	[tilespmem:s25], [sflag:$0x4] =	stream.indirect.gather [hbm4b:s6+s16], $0x40, s2, s16, $0xb8;
	[tilespmem:$0x1E580] =	vst v63  }
0x28: {  	s29 =	simm.s32 $0x0;
	s26 =	simm.s32 $0x4980  }
0x29: {  	[tilespmem:s26], [sflag:$0x5] =	stream.indirect.gather [hbm4b:s5+s16], $0x80, s16, s16, $0xb8;
	[tilespmem:$0x1E580] =	vst v63  }
0x2a: {  	s28 =	simm.s32 $0xC0;
	s31 =	simm.s32 $0x7980;
	s22 =	simm.s32 $0x0  }
0x2b: {  	[tilespmem:s31], [sflag:$0x6] =	stream.indirect.gather [hbm4b:s6+s16], $0x40, s28, s16, $0xb8;
	[tilespmem:$0x1E580] =	vst v63  }
.LBB2_2:
0x2c: {  	s1 =	simm.s32 $0x3  }
0x2d: {  	s0 =	sshll.u32 s22, $0x1;
	_ =	swait.ge [sflag:s1], $0x2000  }
0x2e: {  	s14 =	sadd.s32 $0x2, s0;
	[sflag:s1] =	ssyncset.done $0x0  }
0x2f: {  	s2 =	simm.s32 $0x4;
	s26 =	sadd.s32 s9, s14;
	[sflag:s1] =	ssyncadd.s32 $0xFFFFE000  }
0x30: {  	s1 =	sshll.u32 s26, $0x3;
	_ =	swait.ge [sflag:s2], $0x1000  }
0x31: {  	s1 =	sand.u32 $0x1FFFFFF0, s1;
	[sflag:s2] =	ssyncset.done $0x0  }
0x32: {  	s11 =	simm.s32 $0x2A00;
	s1 =	sadd.s32 s7, s1;
	[sflag:s2] =	ssyncadd.s32 $0xFFFFF000  }
0x33: {  	[tilespmem:s29], [sflag:$0x1] =	stream.linear.gather [hbm4b:s1+s29], $0x40, $0x38;
	[tilespmem:$0x1E580] =	vst v63  }
0x34: {  	s26 =	simm.s32 $0x69C0;
	v0 =	vld [tilespmem:s11+$0x0]  }
0x35: {  	v1 =	vld [tilespmem:s26+$0x0];
	_ =	sdelay $0x4  }
0x36: {  	v0 =	vadd.f32 v1, v0;
	_ =	sdelay $0x1  }
0x37: {  	v1 =	vmul.f32 $2.000000030e-01, v0;
	_ =	sdelay $0x1  }
0x38: {  	v0 =	vmax.f32 v0, v1  }
0x39: {  	v0 =	vmul.f32 $1.442695020e+00, v0  }
0x3a: {  	v1 =	vld [tilespmem:s26+$0xFFFFFFC0]  }
0x3b: {  	(erf) = vpow2.f32 v0;
	v0 =	vld [tilespmem:s11+$0xFFFFFF80];
	_ =	sdelay $0x4  }
0x3c: {  	v0 =	vadd.f32 v1, v0;
	_ =	sdelay $0x1  }
0x3d: {  	v1 =	vmul.f32 $2.000000030e-01, v0  }
0x3e: {  	s28 =	simm.s32 $0x6A40  }
0x3f: {  	s10 =	simm.s32 $0x8A00;
	s2 =	simm.s32 $0x2B00;
	v4 =	vld [tilespmem:s28+$0x0];
	v2 =	vpop (erf);
	v0 =	vmax.f32 v0, v1  }
0x40: {  	v1 =	vld [tilespmem:s2+$0x0];
	[tilespmem:s10+$0x0] =	vst v2;
	v0 =	vmul.f32 $1.442695020e+00, v0  }
0x41: {  	v3 =	vld [tilespmem:s11+$0x40]  }
0x42: {  	(erf) = vpow2.f32 v0;
	_ =	sdelay $0x3  }
0x43: {  	v1 =	vadd.f32 v4, v1;
	v0 =	vmul.f32 v2, v3;
	_ =	sdelay $0x1  }
0x44: {  	v2 =	vld [tilespmem:s28+$0xFFFFFFC0];
	[tilespmem:s10+$0x40] =	vst v0;
	v0 =	vmul.f32 $2.000000030e-01, v1  }
0x45: {  	v3 =	vld [tilespmem:s2+$0xFFFFFF80]  }
0x46: {  	v0 =	vmax.f32 v1, v0  }
0x47: {  	v4 =	vld [tilespmem:s11+$0x10];
	v5 =	vpop (erf);
	v0 =	vmul.f32 $1.442695020e+00, v0  }
0x48: {  	v1 =	vld [tilespmem:s26+$0x10];
	[tilespmem:s10+$0xFFFFFF80] =	vst v5  }
0x49: {  	v6 =	vld [tilespmem:s11+$0xFFFFFFC0];
	(erf) = vpow2.f32 v0  }
0x4a: {  	v2 =	vadd.f32 v2, v3;
	_ =	sdelay $0x1  }
0x4b: {  	v0 =	vmul.f32 $2.000000030e-01, v2  }
0x4c: {  	v1 =	vadd.f32 v1, v4  }
0x4d: {  	v0 =	vmax.f32 v2, v0;
	v3 =	vmul.f32 v5, v6  }
0x4e: {  	v0 =	vmul.f32 $1.442695020e+00, v0;
	v2 =	vmul.f32 $2.000000030e-01, v1  }
0x4f: {  	s19 =	simm.s32 $0x6AC0  }
0x50: {  	(erf) = vpow2.f32 v0;
	v5 =	vld [tilespmem:s19+$0x0];
	v1 =	vmax.f32 v1, v2;
	[tilespmem:s10+$0xFFFFFFC0] =	vst v3  }
0x51: {  	s12 =	simm.s32 $0x8B00;
	v0 =	vmul.f32 $1.442695020e+00, v1;
	v1 =	vld [tilespmem:s11+$0xFFFFFF90];
	v3 =	vpop (erf)  }
0x52: {  	v2 =	vld [tilespmem:s26+$0xFFFFFFD0];
	[tilespmem:s12+$0x0] =	vst v3  }
0x53: {  	s13 =	simm.s32 $0x2C00;
	(erf) = vpow2.f32 v0;
	v4 =	vld [tilespmem:s2+$0x40]  }
0x54: {  	v0 =	vld [tilespmem:s13+$0x0];
	_ =	sdelay $0x3  }
0x55: {  	v3 =	vmul.f32 v3, v4  }
0x56: {  	v6 =	vld [tilespmem:s19+$0xFFFFFFC0];
	v1 =	vadd.f32 v2, v1;
	v2 =	vpop (erf);
	v0 =	vadd.f32 v5, v0  }
0x57: {  	[tilespmem:s12+$0xFFFFFF80] =	vst v2;
	v4 =	vld [tilespmem:s13+$0xFFFFFF80]  }
0x58: {  	v7 =	vld [tilespmem:s2+$0xFFFFFFC0];
	v8 =	vmul.f32 $2.000000030e-01, v0;
	[tilespmem:s12+$0x40] =	vst v3  }
0x59: {  	v5 =	vmul.f32 $2.000000030e-01, v1;
	v9 =	vld [tilespmem:s2+$0x10];
	v3 =	vpop (erf)  }
0x5a: {  	v0 =	vmax.f32 v0, v8;
	v8 =	vld [tilespmem:s28+$0x10];
	[tilespmem:s10+$0x10] =	vst v3  }
0x5b: {  	v1 =	vmax.f32 v1, v5;
	v5 =	vld [tilespmem:s11+$0x50]  }
0x5c: {  	v1 =	vmul.f32 $1.442695020e+00, v1  }
0x5d: {  	v0 =	vmul.f32 $1.442695020e+00, v0  }
0x5e: {  	(erf) = vpow2.f32 v1;
	v2 =	vmul.f32 v2, v7  }
0x5f: {  	v1 =	vadd.f32 v6, v4;
	(erf) = vpow2.f32 v0  }
0x60: {  	[tilespmem:s12+$0xFFFFFFC0] =	vst v2;
	v2 =	vmul.f32 v3, v5;
	v3 =	vadd.f32 v8, v9  }
0x61: {  	v0 =	vmul.f32 $2.000000030e-01, v1  }
0x62: {  	v4 =	vld [tilespmem:s2+$0xFFFFFF90];
	[tilespmem:s10+$0x50] =	vst v2;
	v2 =	vmul.f32 $2.000000030e-01, v3  }
0x63: {  	v0 =	vmax.f32 v1, v0;
	v1 =	vld [tilespmem:s28+$0xFFFFFFD0]  }
0x64: {  	v5 =	vld [tilespmem:s11+$0x20];
	v2 =	vmax.f32 v3, v2  }
0x65: {  	v0 =	vmul.f32 $1.442695020e+00, v0;
	v3 =	vld [tilespmem:s26+$0x20];
	_ =	sdelay $0x1  }
0x66: {  	s20 =	simm.s32 $0x6B40;
	(erf) = vpow2.f32 v0;
	v0 =	vmul.f32 $1.442695020e+00, v2;
	v2 =	vpop (erf)  }
0x67: {  	s17 =	simm.s32 $0x2D00;
	s8 =	simm.s32 $0x8C00;
	v7 =	vld [tilespmem:s20+$0x0];
	v6 =	vpop (erf)  }
0x68: {  	(erf) = vpow2.f32 v0;
	v0 =	vadd.f32 v1, v4;
	v1 =	vld [tilespmem:s17+$0x0];
	[tilespmem:s8+$0x0] =	vst v6  }
0x69: {  	v3 =	vadd.f32 v3, v5;
	v4 =	vld [tilespmem:s13+$0x40]  }
0x6a: {  	v5 =	vmul.f32 $2.000000030e-01, v0  }
0x6b: {  	v8 =	vmul.f32 $2.000000030e-01, v3  }
0x6c: {  	v0 =	vmax.f32 v0, v5  }
0x6d: {  	v0 =	vmul.f32 $1.442695020e+00, v0;
	v3 =	vmax.f32 v3, v8  }
0x6e: {  	v9 =	vld [tilespmem:s20+$0xFFFFFFC0];
	[tilespmem:s10+$0xFFFFFF90] =	vst v2;
	v1 =	vadd.f32 v7, v1;
	v3 =	vmul.f32 $1.442695020e+00, v3;
	v4 =	vmul.f32 v6, v4  }
0x6f: {  	v5 =	vld [tilespmem:s11+$0xFFFFFFD0];
	v8 =	vpop (erf);
	(erf) = vpow2.f32 v0  }
0x70: {  	v0 =	vld [tilespmem:s17+$0xFFFFFF80];
	[tilespmem:s8+$0xFFFFFF80] =	vst v8;
	(erf) = vpow2.f32 v3;
	v3 =	vmul.f32 $2.000000030e-01, v1  }
0x71: {  	v6 =	vld [tilespmem:s13+$0xFFFFFFC0];
	[tilespmem:s8+$0x40] =	vst v4  }
0x72: {  	v7 =	vld [tilespmem:s13+$0x10];
	v1 =	vmax.f32 v1, v3;
	v4 =	vpop (erf)  }
0x73: {  	v3 =	vld [tilespmem:s19+$0x10];
	v1 =	vmul.f32 $1.442695020e+00, v1;
	[tilespmem:s12+$0x10] =	vst v4  }
0x74: {  	v2 =	vmul.f32 v2, v5;
	v10 =	vld [tilespmem:s2+$0x50]  }
0x75: {  	(erf) = vpow2.f32 v1  }
0x76: {  	[tilespmem:s10+$0xFFFFFFD0] =	vst v2  }
0x77: {  	v5 =	vld [tilespmem:s11+$0xFFFFFFA0];
	v0 =	vadd.f32 v9, v0;
	v2 =	vmul.f32 v8, v6  }
0x78: {  	v1 =	vld [tilespmem:s26+$0xFFFFFFE0]  }
0x79: {  	v3 =	vadd.f32 v3, v7;
	[tilespmem:s8+$0xFFFFFFC0] =	vst v2;
	v2 =	vmul.f32 v4, v10;
	v4 =	vmul.f32 $2.000000030e-01, v0  }
0x7a: {  	v8 =	vld [tilespmem:s13+$0xFFFFFF90]  }
0x7b: {  	v7 =	vld [tilespmem:s19+$0xFFFFFFD0];
	v0 =	vmax.f32 v0, v4;
	v4 =	vmul.f32 $2.000000030e-01, v3  }
0x7c: {  	v6 =	vpop (erf);
	[tilespmem:s12+$0x50] =	vst v2;
	v0 =	vmul.f32 $1.442695020e+00, v0  }
0x7d: {  	v1 =	vadd.f32 v1, v5;
	v9 =	vld [tilespmem:s2+$0x20];
	v2 =	vpop (erf);
	v3 =	vmax.f32 v3, v4  }
0x7e: {  	s18 =	simm.s32 $0x8D00;
	v4 =	vld [tilespmem:s28+$0x20];
	(erf) = vpow2.f32 v0;
	v0 =	vmul.f32 $1.442695020e+00, v3;
	v5 =	vpop (erf)  }
0x7f: {  	v3 =	vmul.f32 $2.000000030e-01, v1;
	[tilespmem:s18+$0x0] =	vst v5  }
0x80: {  	[tilespmem:s10+$0x20] =	vst v2;
	(erf) = vpow2.f32 v0;
	v0 =	vadd.f32 v7, v8;
	v7 =	vld [tilespmem:s17+$0x40]  }
0x81: {  	v10 =	vld [tilespmem:s11+$0x60];
	v1 =	vmax.f32 v1, v3  }
0x82: {  	s1 =	simm.s32 $0x2E00;
	v1 =	vmul.f32 $1.442695020e+00, v1  }
0x83: {  	s21 =	simm.s32 $0x6BC0;
	v3 =	vld [tilespmem:s1+$0x0];
	v4 =	vadd.f32 v4, v9  }
0x84: {  	v8 =	vmul.f32 $2.000000030e-01, v0;
	v9 =	vld [tilespmem:s21+$0x0];
	(erf) = vpow2.f32 v1  }
0x85: {  	[tilespmem:s12+$0xFFFFFF90] =	vst v6;
	v1 =	vmul.f32 $2.000000030e-01, v4;
	v5 =	vmul.f32 v5, v7  }
0x86: {  	v2 =	vmul.f32 v2, v10;
	v10 =	vld [tilespmem:s2+$0xFFFFFFD0];
	v0 =	vmax.f32 v0, v8  }
0x87: {  	v0 =	vmul.f32 $1.442695020e+00, v0;
	v1 =	vmax.f32 v4, v1  }
0x88: {  	v11 =	vld [tilespmem:s21+$0xFFFFFFC0];
	[tilespmem:s10+$0x60] =	vst v2;
	v8 =	vpop (erf);
	v1 =	vmul.f32 $1.442695020e+00, v1  }
0x89: {  	v2 =	vld [tilespmem:s11+$0x30];
	(erf) = vpow2.f32 v0;
	v3 =	vadd.f32 v9, v3;
	[tilespmem:s18+$0x40] =	vst v5;
	v5 =	vpop (erf)  }
0x8a: {  	v4 =	vld [tilespmem:s26+$0x30];
	(erf) = vpow2.f32 v1;
	[tilespmem:s8+$0x10] =	vst v5  }
0x8b: {  	[tilespmem:s18+$0xFFFFFF80] =	vst v8;
	v1 =	vmul.f32 $2.000000030e-01, v3;
	v6 =	vmul.f32 v6, v10;
	v10 =	vld [tilespmem:s13+$0x50]  }
0x8c: {  	v7 =	vld [tilespmem:s17+$0xFFFFFFC0]  }
0x8d: {  	v0 =	vld [tilespmem:s1+$0xFFFFFF80];
	v1 =	vmax.f32 v3, v1  }
0x8e: {  	v9 =	vld [tilespmem:s17+$0x10];
	v1 =	vmul.f32 $1.442695020e+00, v1  }
0x8f: {  	v3 =	vld [tilespmem:s20+$0x10];
	v2 =	vadd.f32 v4, v2  }
0x90: {  	[tilespmem:s12+$0xFFFFFFD0] =	vst v6;
	v4 =	vpop (erf);
	(erf) = vpow2.f32 v1;
	v5 =	vmul.f32 v5, v10  }
0x91: {  	v12 =	vld [tilespmem:s2+$0xFFFFFFA0];
	[tilespmem:s10+$0xFFFFFFA0] =	vst v4;
	v6 =	vmul.f32 $2.000000030e-01, v2;
	v7 =	vmul.f32 v8, v7  }
0x92: {  	v0 =	vadd.f32 v11, v0;
	v1 =	vld [tilespmem:s11+$0xFFFFFFE0]  }
0x93: {  	v2 =	vmax.f32 v2, v6;
	v6 =	vld [tilespmem:s28+$0xFFFFFFE0];
	[tilespmem:s18+$0xFFFFFFC0] =	vst v7;
	v8 =	vpop (erf)  }
0x94: {  	v7 =	vmul.f32 $2.000000030e-01, v0;
	v3 =	vadd.f32 v3, v9;
	v2 =	vmul.f32 $1.442695020e+00, v2;
	v10 =	vld [tilespmem:s17+$0xFFFFFF90];
	[tilespmem:s8+$0x50] =	vst v5;
	v5 =	vpop (erf)  }
0x95: {  	v9 =	vld [tilespmem:s20+$0xFFFFFFD0];
	[tilespmem:s12+$0x20] =	vst v5  }
0x96: {  	v0 =	vmax.f32 v0, v7;
	(erf) = vpow2.f32 v2;
	v2 =	vmul.f32 $2.000000030e-01, v3;
	v11 =	vld [tilespmem:s2+$0x60]  }
0x97: {  	v7 =	vld [tilespmem:s13+$0x20];
	v0 =	vmul.f32 $1.442695020e+00, v0;
	v1 =	vmul.f32 v4, v1  }
0x98: {  	v4 =	vadd.f32 v6, v12;
	v2 =	vmax.f32 v3, v2;
	v3 =	vld [tilespmem:s19+$0x20]  }
0x99: {  	s23 =	simm.s32 $0x8E00;
	(erf) = vpow2.f32 v0;
	[tilespmem:s10+$0xFFFFFFE0] =	vst v1;
	v0 =	vmul.f32 $1.442695020e+00, v2;
	v12 =	vpop (erf)  }
0x9a: {  	v6 =	vld [tilespmem:s11+$0xFFFFFFB0];
	v1 =	vmul.f32 $2.000000030e-01, v4;
	[tilespmem:s23+$0x0] =	vst v12  }
0x9b: {  	v9 =	vadd.f32 v9, v10;
	(erf) = vpow2.f32 v0;
	v10 =	vld [tilespmem:s1+$0x40];
	v5 =	vmul.f32 v5, v11  }
0x9c: {  	s3 =	simm.s32 $0x2F00;
	v0 =	vld [tilespmem:s26+$0xFFFFFFF0];
	v1 =	vmax.f32 v4, v1  }
0x9d: {  	v4 =	vld [tilespmem:s3+$0x0];
	s26 =	simm.s32 $0x6C40;
	v1 =	vmul.f32 $1.442695020e+00, v1;
	v3 =	vadd.f32 v3, v7;
	v7 =	vmul.f32 $2.000000030e-01, v9  }
0x9e: {  	[tilespmem:s8+$0xFFFFFF90] =	vst v8;
	v11 =	vld [tilespmem:s26+$0x0]  }
0x9f: {  	v2 =	vld [tilespmem:s13+$0xFFFFFFD0];
	[tilespmem:s12+$0x60] =	vst v5;
	v7 =	vmax.f32 v9, v7;
	v5 =	vpop (erf);
	(erf) = vpow2.f32 v1;
	v1 =	vmul.f32 $2.000000030e-01, v3  }
0xa0: {  	v13 =	vld [tilespmem:s2+$0x30];
	v7 =	vmul.f32 $1.442695020e+00, v7;
	v10 =	vmul.f32 v12, v10  }
0xa1: {  	v0 =	vadd.f32 v0, v6;
	v6 =	vld [tilespmem:s26+$0xFFFFFFC0];
	v1 =	vmax.f32 v3, v1  }
0xa2: {  	v14 =	vpop (erf);
	(erf) = vpow2.f32 v7;
	v7 =	vld [tilespmem:s3+$0xFFFFFF80];
	v1 =	vmul.f32 $1.442695020e+00, v1  }
0xa3: {  	v4 =	vadd.f32 v11, v4;
	v3 =	vld [tilespmem:s28+$0x30];
	[tilespmem:s23+$0xFFFFFF80] =	vst v14  }
0xa4: {  	v11 =	vmul.f32 $2.000000030e-01, v0;
	[tilespmem:s23+$0x40] =	vst v10;
	v12 =	vld [tilespmem:s1+$0xFFFFFFC0];
	v10 =	vpop (erf);
	(erf) = vpow2.f32 v1  }
0xa5: {  	[tilespmem:s18+$0x10] =	vst v10;
	v1 =	vmul.f32 v8, v2;
	v2 =	vmul.f32 $2.000000030e-01, v4;
	v8 =	vld [tilespmem:s1+$0x10]  }
0xa6: {  	[tilespmem:s10+$0x30] =	vst v5;
	v0 =	vmax.f32 v0, v11;
	v11 =	vld [tilespmem:s17+$0x50]  }
0xa7: {  	v0 =	vmul.f32 $1.442695020e+00, v0;
	[tilespmem:s8+$0xFFFFFFD0] =	vst v1;
	v1 =	vmax.f32 v4, v2;
	v4 =	vld [tilespmem:s21+$0x10]  }
0xa8: {  	v9 =	vld [tilespmem:s11+$0x70]  }
0xa9: {  	(erf) = vpow2.f32 v0;
	v3 =	vadd.f32 v3, v13  }
0xaa: {  	v1 =	vmul.f32 $1.442695020e+00, v1;
	v16 =	vld [tilespmem:s13+$0xFFFFFFA0];
	v2 =	vmul.f32 v14, v12;
	v15 =	vpop (erf)  }
0xab: {  	v6 =	vadd.f32 v6, v7;
	v0 =	vld [tilespmem:s19+$0xFFFFFFE0];
	[tilespmem:s12+$0xFFFFFFA0] =	vst v15;
	v7 =	vmul.f32 v10, v11;
	v10 =	vmul.f32 $2.000000030e-01, v3  }
0xac: {  	(erf) = vpow2.f32 v1;
	v1 =	vld [tilespmem:s2+$0xFFFFFFE0];
	v4 =	vadd.f32 v4, v8  }
0xad: {  	v8 =	vmul.f32 v5, v9;
	v9 =	vmul.f32 $2.000000030e-01, v6;
	[tilespmem:s18+$0x50] =	vst v7;
	v7 =	vmax.f32 v3, v10  }
0xae: {  	[tilespmem:s23+$0xFFFFFFC0] =	vst v2;
	v7 =	vmul.f32 $1.442695020e+00, v7  }
0xaf: {  	v12 =	vld [tilespmem:s1+$0xFFFFFF90];
	v2 =	vpop (erf);
	v10 =	vmul.f32 $2.000000030e-01, v4;
	v6 =	vmax.f32 v6, v9  }
0xb0: {  	v13 =	vld [tilespmem:s21+$0xFFFFFFD0];
	v0 =	vadd.f32 v0, v16;
	v5 =	vpop (erf);
	v9 =	vmul.f32 $1.442695020e+00, v6;
	(erf) = vpow2.f32 v7  }
0xb1: {  	v3 =	vld [tilespmem:s17+$0x20];
	[tilespmem:s8+$0x20] =	vst v5;
	v1 =	vmul.f32 v15, v1  }
0xb2: {  	v11 =	vld [tilespmem:s13+$0x60];
	v4 =	vmax.f32 v4, v10;
	v10 =	vmul.f32 $2.000000030e-01, v0;
	(erf) = vpow2.f32 v9  }
0xb3: {  	[tilespmem:s18+$0xFFFFFF90] =	vst v2;
	v6 =	vld [tilespmem:s20+$0x20]  }
0xb4: {  	v7 =	vld [tilespmem:s17+$0xFFFFFFD0];
	v14 =	vmul.f32 $1.442695020e+00, v4;
	[tilespmem:s12+$0xFFFFFFE0] =	vst v1  }
0xb5: {  	s31 =	simm.s32 $0xA;
	[tilespmem:s10+$0x70] =	vst v8;
	v9 =	vadd.f32 v13, v12;
	v1 =	vmax.f32 v0, v10;
	v0 =	vpop (erf);
	v4 =	vld [tilespmem:s2+$0xFFFFFFB0]  }
0xb6: {  	s4 =	simm.s32 $0x3000;
	v8 =	vld [tilespmem:s28+$0xFFFFFFF0];
	s28 =	simm.s32 $0x8F00;
	(erf) = vpow2.f32 v14;
	v12 =	vmul.f32 $1.442695020e+00, v1;
	[tilespmem:s10+$0xFFFFFFB0] =	vst v0;
	v10 =	vpop (erf)  }
.LBB2_3:
0xb7: {  	v1 =	vld [tilespmem:s4+$0x0];
	[tilespmem:s28+$0x0] =	vst v10;
	v13 =	vmul.f32 $2.000000030e-01, v9;
	v14 =	vmul.f32 v5, v11;
	s24 =	smov.u32 s20;
	s20 =	smov.u32 s21;
	s21 =	smov.u32 s26  }
0xb8: {  	s26 =	sadd.s32 $0x80, s26;
	s25 =	smov.u32 s18;
	s18 =	smov.u32 s23;
	v11 =	vld [tilespmem:s3+$0x40];
	v3 =	vadd.f32 v6, v3;
	(erf) = vpow2.f32 v12  }
0xb9: {  	s23 =	smov.u32 s28;
	v6 =	vld [tilespmem:s26+$0x0];
	v9 =	vmax.f32 v9, v13;
	v2 =	vmul.f32 v2, v7;
	[tilespmem:s8+$0x60] =	vst v14;
	v5 =	vpop (erf)  }
0xba: {  	v7 =	vmul.f32 $1.442695020e+00, v9;
	v9 =	vmul.f32 $2.000000030e-01, v3;
	v12 =	vld [tilespmem:s13+$0x30];
	[tilespmem:s12+$0x30] =	vst v5  }
0xbb: {  	v13 =	vpop (erf);
	[tilespmem:s25+$0xFFFFFFD0] =	vst v2;
	v2 =	vadd.f32 v8, v4;
	v4 =	vld [tilespmem:s2+$0x70]  }
0xbc: {  	[tilespmem:s28+$0xFFFFFF80] =	vst v13;
	(erf) = vpow2.f32 v7;
	v3 =	vmax.f32 v3, v9;
	v7 =	vld [tilespmem:s19+$0x30]  }
0xbd: {  	v8 =	vld [tilespmem:s26+$0xFFFFFFC0];
	v14 =	vmul.f32 v10, v11;
	v3 =	vmul.f32 $1.442695020e+00, v3  }
0xbe: {  	v10 =	vld [tilespmem:s4+$0xFFFFFF80];
	v1 =	vadd.f32 v6, v1;
	v6 =	vmul.f32 $2.000000030e-01, v2  }
0xbf: {  	s31 =	sadd.s32 $0x2, s31;
	v11 =	vld [tilespmem:s3+$0xFFFFFFC0];
	[tilespmem:s28+$0x40] =	vst v14;
	v9 =	vpop (erf);
	(erf) = vpow2.f32 v3  }
0xc0: {  	p0 =	slt.u32 s31, $0x3E;
	v3 =	vmul.f32 $2.000000030e-01, v1;
	v14 =	vld [tilespmem:s3+$0x10];
	[tilespmem:s18+$0x10] =	vst v9;
	v2 =	vmax.f32 v2, v6;
	v4 =	vmul.f32 v5, v4  }
0xc1: {  	v5 =	vld [tilespmem:s1+$0x50];
	v6 =	vadd.f32 v7, v12;
	v7 =	vpop (erf);
	v2 =	vmul.f32 $1.442695020e+00, v2  }
0xc2: {  	v1 =	vmax.f32 v1, v3;
	v3 =	vld [tilespmem:s21+$0x10];
	[tilespmem:s12+$0x70] =	vst v4  }
0xc3: {  	v4 =	vadd.f32 v8, v10;
	v1 =	vmul.f32 $1.442695020e+00, v1;
	v8 =	vld [tilespmem:s17+$0xFFFFFFA0];
	[tilespmem:s8+$0xFFFFFFA0] =	vst v7;
	v10 =	vmul.f32 $2.000000030e-01, v6  }
0xc4: {  	v11 =	vmul.f32 v13, v11;
	v12 =	vld [tilespmem:s24+$0xFFFFFFE0];
	(erf) = vpow2.f32 v2  }
0xc5: {  	v13 =	vmul.f32 $2.000000030e-01, v4;
	(erf) = vpow2.f32 v1;
	v2 =	vpop (erf);
	v1 =	vld [tilespmem:s13+$0xFFFFFFE0];
	v6 =	vmax.f32 v6, v10  }
0xc6: {  	[tilespmem:s28+$0xFFFFFFC0] =	vst v11;
	v11 =	vmul.f32 v9, v5;
	v6 =	vmul.f32 $1.442695020e+00, v6;
	v9 =	vld [tilespmem:s11+$0xFFFFFFF0];
	s11 =	smov.u32 s2;
	s2 =	smov.u32 s13;
	s13 =	smov.u32 s17  }
0xc7: {  	s17 =	smov.u32 s1;
	s1 =	smov.u32 s3;
	v4 =	vmax.f32 v4, v13;
	v10 =	vld [tilespmem:s3+$0xFFFFFF90];
	v13 =	vadd.f32 v3, v14;
	[tilespmem:s18+$0xFFFFFF90] =	vst v2;
	s3 =	smov.u32 s4  }
0xc8: {  	v4 =	vmul.f32 $1.442695020e+00, v4;
	v14 =	vld [tilespmem:s21+$0xFFFFFFD0];
	[tilespmem:s18+$0x50] =	vst v11;
	v5 =	vpop (erf);
	(erf) = vpow2.f32 v6  }
0xc9: {  	v6 =	vmul.f32 $2.000000030e-01, v13;
	v3 =	vld [tilespmem:s17+$0x20];
	v8 =	vadd.f32 v12, v8;
	[tilespmem:s25+$0x20] =	vst v5  }
.Ltmp0:
0xca: {  	(erf) = vpow2.f32 v4;
	v11 =	vld [tilespmem:s13+$0x60];
	v1 =	vmul.f32 v7, v1;
	(pc) =	sbr.rel @p0 .LBB2_3-.Ltmp0, $4  }
0xcb: {  	v4 =	vmax.f32 v13, v6;
	v6 =	vld [tilespmem:s20+$0x20];
	v12 =	vmul.f32 $2.000000030e-01, v8;
	v13 =	vmul.f32 v0, v9  }
0xcc: {  	v15 =	vmul.f32 $1.442695020e+00, v4;
	v7 =	vld [tilespmem:s17+$0xFFFFFFD0];
	[tilespmem:s8+$0xFFFFFFE0] =	vst v1  }
0xcd: {  	v9 =	vadd.f32 v14, v10;
	v1 =	vmax.f32 v8, v12;
	v4 =	vld [tilespmem:s2+$0xFFFFFFB0];
	v0 =	vpop (erf);
	[tilespmem:s10+$0xFFFFFFF0] =	vst v13;
	s10 =	smov.u32 s12;
	s12 =	smov.u32 s8;
	s8 =	smov.u32 s25  }
0xce: {  	s28 =	sadd.s32 $0x100, s28;
	s4 =	sadd.s32 $0x100, s4;
	v10 =	vpop (erf);
	(erf) = vpow2.f32 v15;
	v12 =	vmul.f32 $1.442695020e+00, v1;
	v8 =	vld [tilespmem:s19+$0xFFFFFFF0];
	[tilespmem:s10+$0xFFFFFFB0] =	vst v0;
	s19 =	smov.u32 s24  }
0xcf: {  	_ =	sdelay $0x3  }
0xd0: {  	[tilespmem:s28+$0x0] =	vst v10  }
0xd1: {  	v13 =	vld [tilespmem:s3+$0x40];
	v1 =	vpop (erf)  }
0xd2: {  	v5 =	vmul.f32 v5, v11;
	v11 =	vpop (erf)  }
0xd3: {  	[tilespmem:s28+$0xFFFFFF80] =	vst v11  }
0xd4: {  	[tilespmem:s8+$0x60] =	vst v5;
	v5 =	vld [tilespmem:s3+$0xFFFFFFC0];
	v14 =	vpop (erf)  }
0xd5: {  	v2 =	vmul.f32 v2, v7;
	v15 =	vld [tilespmem:s13+$0x30];
	[tilespmem:s23+$0x10] =	vst v14  }
0xd6: {  	v10 =	vmul.f32 v10, v13;
	v30 =	vld [tilespmem:s1+$0x50]  }
0xd7: {  	v7 =	vld [tilespmem:s19+$0x30];
	[tilespmem:s18+$0xFFFFFFD0] =	vst v2  }
0xd8: {  	v3 =	vadd.f32 v6, v3;
	v16 =	vld [tilespmem:s17+$0xFFFFFFA0];
	[tilespmem:s28+$0x40] =	vst v10  }
0xd9: {  	v10 =	vmul.f32 $2.000000030e-01, v9;
	v6 =	vld [tilespmem:s3+$0x10];
	v5 =	vmul.f32 v11, v5  }
0xda: {  	v2 =	vld [tilespmem:s26+$0x10];
	v11 =	vmul.f32 $2.000000030e-01, v3  }
0xdb: {  	(erf) = vpow2.f32 v12;
	v9 =	vmax.f32 v9, v10;
	v10 =	vld [tilespmem:s20+$0xFFFFFFE0];
	[tilespmem:s28+$0xFFFFFFC0] =	vst v5;
	v5 =	vmul.f32 v14, v30  }
0xdc: {  	v4 =	vadd.f32 v8, v4;
	v9 =	vmul.f32 $1.442695020e+00, v9;
	v3 =	vmax.f32 v3, v11;
	v8 =	vld [tilespmem:s3+$0xFFFFFF90]  }
0xdd: {  	v3 =	vmul.f32 $1.442695020e+00, v3;
	v11 =	vld [tilespmem:s26+$0xFFFFFFD0];
	[tilespmem:s23+$0x50] =	vst v5  }
0xde: {  	v7 =	vadd.f32 v7, v15;
	(erf) = vpow2.f32 v9;
	v5 =	vmul.f32 $2.000000030e-01, v4;
	v9 =	vld [tilespmem:s1+$0x20]  }
0xdf: {  	(erf) = vpow2.f32 v3;
	v3 =	vld [tilespmem:s21+$0x20]  }
0xe0: {  	v2 =	vadd.f32 v2, v6;
	v4 =	vmax.f32 v4, v5;
	v5 =	vmul.f32 $2.000000030e-01, v7  }
0xe1: {  	v4 =	vmul.f32 $1.442695020e+00, v4  }
0xe2: {  	v6 =	vmul.f32 $2.000000030e-01, v2;
	v5 =	vmax.f32 v7, v5;
	v7 =	vadd.f32 v10, v16  }
0xe3: {  	(erf) = vpow2.f32 v4;
	v4 =	vmul.f32 $1.442695020e+00, v5;
	v5 =	vadd.f32 v11, v8  }
0xe4: {  	v2 =	vmax.f32 v2, v6;
	v6 =	vmul.f32 $2.000000030e-01, v7;
	v3 =	vadd.f32 v3, v9;
	v9 =	vpop (erf)  }
0xe5: {  	v2 =	vmul.f32 $1.442695020e+00, v2;
	v8 =	vmul.f32 $2.000000030e-01, v5;
	[tilespmem:s8+$0xFFFFFFA0] =	vst v9  }
0xe6: {  	(erf) = vpow2.f32 v4;
	v4 =	vmax.f32 v7, v6;
	v6 =	vmul.f32 $2.000000030e-01, v3;
	v7 =	vld [tilespmem:s13+$0xFFFFFFE0];
	_ =	sdelay $0x1  }
0xe7: {  	(erf) = vpow2.f32 v2;
	v2 =	vmul.f32 $1.442695020e+00, v4;
	v4 =	vmax.f32 v5, v8  }
0xe8: {  	v5 =	vpop (erf);
	v4 =	vmul.f32 $1.442695020e+00, v4;
	v3 =	vmax.f32 v3, v6  }
0xe9: {  	[tilespmem:s23+$0xFFFFFF90] =	vst v5;
	(erf) = vpow2.f32 v2;
	v2 =	vmul.f32 $1.442695020e+00, v3;
	v6 =	vpop (erf)  }
0xea: {  	(erf) = vpow2.f32 v4;
	[tilespmem:s18+$0x20] =	vst v6;
	v4 =	vmul.f32 v9, v7;
	v7 =	vld [tilespmem:s1+$0xFFFFFFD0]  }
0xeb: {  	v3 =	vld [tilespmem:s17+$0x60]  }
0xec: {  	(erf) = vpow2.f32 v2;
	_ =	sdelay $0x1  }
0xed: {  	v2 =	vpop (erf)  }
0xee: {  	[tilespmem:s8+$0xFFFFFFE0] =	vst v4;
	v4 =	vpop (erf)  }
0xef: {  	v5 =	vmul.f32 v5, v7;
	v3 =	vmul.f32 v6, v3;
	v6 =	vpop (erf)  }
0xf0: {  	v8 =	vld [tilespmem:s13+$0xFFFFFFB0];
	[tilespmem:s28+$0x10] =	vst v6  }
0xf1: {  	v9 =	vld [tilespmem:s19+$0xFFFFFFF0];
	[tilespmem:s23+$0xFFFFFFD0] =	vst v5  }
0xf2: {  	v10 =	vpop (erf);
	[tilespmem:s18+$0x60] =	vst v3;
	v3 =	vld [tilespmem:s3+$0x50]  }
0xf3: {  	[tilespmem:s18+$0xFFFFFFA0] =	vst v10;
	v31 =	vpop (erf);
	v34 =	vld [tilespmem:s1+$0xFFFFFFA0]  }
0xf4: {  	v7 =	vld [tilespmem:s17+$0xFFFFFFE0];
	v32 =	vpop (erf)  }
0xf5: {  	v35 =	vld [tilespmem:s21+$0xFFFFFFE0];
	[tilespmem:s23+$0x20] =	vst v32  }
0xf6: {  	v5 =	vld [tilespmem:s1+$0x60]  }
0xf7: {  	v11 =	vld [tilespmem:s17+$0x30];
	[tilespmem:s28+$0xFFFFFF90] =	vst v31;
	v3 =	vmul.f32 v6, v3  }
0xf8: {  	v6 =	vld [tilespmem:s3+$0xFFFFFFD0]  }
0xf9: {  	v33 =	vld [tilespmem:s20+$0x30];
	[tilespmem:s28+$0x50] =	vst v3;
	v3 =	vmul.f32 v10, v7  }
0xfa: {  	v7 =	vld [tilespmem:s3+$0x20]  }
0xfb: {  	v10 =	vld [tilespmem:s26+$0x20];
	[tilespmem:s18+$0xFFFFFFE0] =	vst v3;
	v3 =	vmul.f32 v32, v5  }
0xfc: {  	v5 =	vld [tilespmem:s17+$0xFFFFFFB0]  }
0xfd: {  	v8 =	vadd.f32 v9, v8;
	v9 =	vld [tilespmem:s20+$0xFFFFFFF0];
	v6 =	vmul.f32 v31, v6;
	[tilespmem:s23+$0x60] =	vst v3  }
0xfe: {  	v3 =	vadd.f32 v33, v11;
	v11 =	vld [tilespmem:s1+$0x30]  }
0xff: {  	v36 =	vmul.f32 $2.000000030e-01, v8;
	[tilespmem:s28+$0xFFFFFFD0] =	vst v6;
	v6 =	vld [tilespmem:s21+$0x30]  }
0x100: {  	v37 =	vmul.f32 $2.000000030e-01, v3;
	v38 =	vld [tilespmem:s3+$0xFFFFFFA0]  }
0x101: {  	v8 =	vmax.f32 v8, v36;
	v39 =	vld [tilespmem:s26+$0xFFFFFFE0]  }
0x102: {  	v8 =	vmul.f32 $1.442695020e+00, v8;
	v40 =	vadd.f32 v35, v34;
	v3 =	vmax.f32 v3, v37  }
0x103: {  	v7 =	vadd.f32 v10, v7;
	v3 =	vmul.f32 $1.442695020e+00, v3  }
0x104: {  	(erf) = vpow2.f32 v8;
	v8 =	vmul.f32 $2.000000030e-01, v40;
	v5 =	vadd.f32 v9, v5  }
0x105: {  	v6 =	vadd.f32 v6, v11;
	(erf) = vpow2.f32 v3;
	v3 =	vmul.f32 $2.000000030e-01, v7  }
0x106: {  	v8 =	vmax.f32 v40, v8;
	v9 =	vmul.f32 $2.000000030e-01, v5;
	v10 =	vadd.f32 v39, v38  }
0x107: {  	v8 =	vmul.f32 $1.442695020e+00, v8;
	v3 =	vmax.f32 v7, v3;
	v7 =	vmul.f32 $2.000000030e-01, v6  }
0x108: {  	v5 =	vmax.f32 v5, v9;
	v9 =	vmul.f32 $2.000000030e-01, v10;
	v3 =	vmul.f32 $1.442695020e+00, v3  }
0x109: {  	(erf) = vpow2.f32 v8;
	v5 =	vmul.f32 $1.442695020e+00, v5;
	v6 =	vmax.f32 v6, v7  }
0x10a: {  	(erf) = vpow2.f32 v3;
	v3 =	vmul.f32 $1.442695020e+00, v6;
	v6 =	vmax.f32 v10, v9  }
0x10b: {  	(erf) = vpow2.f32 v5;
	v5 =	vmul.f32 $1.442695020e+00, v6  }
0x10c: {  	(erf) = vpow2.f32 v3  }
0x10d: {  	(erf) = vpow2.f32 v5;
	_ =	sdelay $0x2  }
0x10e: {  	v3 =	vpop (erf)  }
0x10f: {  	v5 =	vpop (erf)  }
0x110: {  	v6 =	vpop (erf)  }
0x111: {  	[tilespmem:s23+$0xFFFFFFA0] =	vst v6;
	v7 =	vpop (erf)  }
0x112: {  	v8 =	vld [tilespmem:s1+$0xFFFFFFE0];
	v9 =	vpop (erf)  }
0x113: {  	[tilespmem:s28+$0x20] =	vst v7;
	v10 =	vpop (erf)  }
0x114: {  	v11 =	vld [tilespmem:s3+$0x60];
	v41 =	vpop (erf)  }
0x115: {  	[tilespmem:s28+$0xFFFFFFA0] =	vst v41  }
0x116: {  	v42 =	vld [tilespmem:s3+$0xFFFFFFE0]  }
0x117: {  	v6 =	vmul.f32 v6, v8;
	_ =	sdelay $0x1  }
0x118: {  	[tilespmem:s23+$0xFFFFFFE0] =	vst v6;
	v6 =	vmul.f32 v7, v11  }
0x119: {  	v7 =	vld [tilespmem:s1+$0xFFFFFFB0]  }
0x11a: {  	v8 =	vld [tilespmem:s21+$0xFFFFFFF0];
	[tilespmem:s28+$0x60] =	vst v6;
	v6 =	vmul.f32 v41, v42  }
0x11b: {  	v11 =	vld [tilespmem:s3+$0x30]  }
0x11c: {  	v43 =	vld [tilespmem:s26+$0x30];
	[tilespmem:s28+$0xFFFFFFE0] =	vst v6  }
0x11d: {  	v6 =	vld [tilespmem:s3+$0xFFFFFFB0]  }
0x11e: {  	v44 =	vld [tilespmem:s26+$0xFFFFFFF0];
	_ =	sdelay $0x1  }
0x11f: {  	v7 =	vadd.f32 v8, v7  }
0x120: {  	v8 =	vadd.f32 v43, v11  }
0x121: {  	v47 =	vld [tilespmem:s11+$0xFFFFFFF0];
	v45 =	vmul.f32 $2.000000030e-01, v7  }
0x122: {  	v46 =	vmul.f32 $2.000000030e-01, v8;
	v6 =	vadd.f32 v44, v6  }
0x123: {  	[tilespmem:s8+$0x30] =	vst v4;
	v7 =	vmax.f32 v7, v45  }
0x124: {  	v49 =	vld [tilespmem:s13+$0x70];
	v7 =	vmul.f32 $1.442695020e+00, v7;
	v8 =	vmax.f32 v8, v46;
	v48 =	vmul.f32 $2.000000030e-01, v6  }
0x125: {  	v8 =	vmul.f32 $1.442695020e+00, v8  }
0x126: {  	[tilespmem:s12+$0x30] =	vst v1;
	v0 =	vmul.f32 v0, v47;
	(erf) = vpow2.f32 v7;
	v6 =	vmax.f32 v6, v48  }
0x127: {  	v11 =	vld [tilespmem:s2+$0x70];
	(erf) = vpow2.f32 v8;
	v6 =	vmul.f32 $1.442695020e+00, v6;
	_ =	sdelay $0x1  }
0x128: {  	[tilespmem:s10+$0xFFFFFFF0] =	vst v0;
	v0 =	vmul.f32 v4, v49;
	(erf) = vpow2.f32 v6  }
0x129: {  	[tilespmem:s12+$0xFFFFFFB0] =	vst v2  }
0x12a: {  	[tilespmem:s8+$0x70] =	vst v0  }
0x12b: {  	[tilespmem:s8+$0xFFFFFFB0] =	vst v3;
	v1 =	vmul.f32 v1, v11  }
0x12c: {  	v0 =	vld [tilespmem:s2+$0xFFFFFFF0];
	[tilespmem:s18+$0x30] =	vst v5  }
0x12d: {  	[tilespmem:s12+$0x70] =	vst v1;
	v1 =	vld [tilespmem:s17+$0x70]  }
0x12e: {  	v4 =	vld [tilespmem:s13+$0xFFFFFFF0];
	[tilespmem:s23+$0x30] =	vst v10;
	v6 =	vpop (erf)  }
0x12f: {  	[tilespmem:s18+$0xFFFFFFB0] =	vst v9;
	v7 =	vld [tilespmem:s1+$0x70];
	v8 =	vpop (erf)  }
0x130: {  	v11 =	vld [tilespmem:s17+$0xFFFFFFF0];
	[tilespmem:s28+$0x30] =	vst v8  }
0x131: {  	v0 =	vmul.f32 v2, v0;
	[tilespmem:s23+$0xFFFFFFB0] =	vst v6;
	v2 =	vld [tilespmem:s3+$0x70];
	v50 =	vpop (erf)  }
0x132: {  	v1 =	vmul.f32 v5, v1;
	v5 =	vld [tilespmem:s1+$0xFFFFFFF0];
	[tilespmem:s28+$0xFFFFFFB0] =	vst v50  }
0x133: {  	[tilespmem:s12+$0xFFFFFFF0] =	vst v0;
	v0 =	vmul.f32 v3, v4;
	v3 =	vld [tilespmem:s3+$0xFFFFFFF0]  }
0x134: {  	[tilespmem:s18+$0x70] =	vst v1;
	v1 =	vmul.f32 v10, v7  }
0x135: {  	[tilespmem:s8+$0xFFFFFFF0] =	vst v0;
	v0 =	vmul.f32 v9, v11  }
0x136: {  	[tilespmem:s23+$0x70] =	vst v1;
	v1 =	vmul.f32 v8, v2  }
0x137: {  	[tilespmem:s18+$0xFFFFFFF0] =	vst v0;
	v0 =	vmul.f32 v6, v5  }
0x138: {  	s12 =	sshll.u32 s22, $0x7;
	[tilespmem:s28+$0x70] =	vst v1;
	v1 =	vmul.f32 v50, v3  }
0x139: {  	s2 =	sand.u32 $0x3FFFFF80, s12;
	[tilespmem:s23+$0xFFFFFFF0] =	vst v0  }
0x13a: {  	s4 =	simm.s32 $0x8980;
	s13 =	rddreg [dreg:$0x2];
	s1 =	sadd.s32 $0x80, s2;
	[tilespmem:s28+$0xFFFFFFF0] =	vst v1  }
0x13b: {  	[spmem:s13] =	stream.indirect.scatter.add.f32 [tilespmem:s4], [sflag:$0x7], $0x80, s1, s16, $0xb8;
	[tilespmem:$0x1E580] =	vst v63  }
0x13c: {  	_ =	swait.ge [sflag:s15], $0x2000  }
0x13d: {  	[sflag:s15] =	ssyncset.done $0x0  }
0x13e: {  	s17 =	simm.s32 $0x1;
	[sflag:s15] =	ssyncadd.s32 $0xFFFFE000  }
0x13f: {  	_ =	swait.ge [sflag:s17], $0x40  }
0x140: {  	s19 =	simm.s32 $0x2980;
	s20 =	sshll.u32 s14, $0x6;
	[sflag:s17] =	ssyncset.done $0x0  }
0x141: {  	s18 =	simm.s32 $0x0;
	s1 =	sand.u32 $0x3FFFFFC0, s20;
	[sflag:s17] =	ssyncadd.s32 $0xFFFFFFC0  }
0x142: {  	[tilespmem:s19], [sflag:$0x3] =	stream.indirect.gather [hbm4b:s5+s16], $0x80, s18, s16, $0xb8;
	[tilespmem:$0x1E580] =	vst v63  }
0x143: {  	s21 =	simm.s32 $0x6980;
	s23 =	simm.s32 $0x5;
	s1 =	sadd.s32 $0x80, s1  }
0x144: {  	[tilespmem:s21], [sflag:$0x4] =	stream.indirect.gather [hbm4b:s6+s16], $0x40, s1, s16, $0xb8;
	[tilespmem:$0x1E580] =	vst v63  }
0x145: {  	_ =	swait.ge [sflag:s23], $0x2000  }
0x146: {  	s0 =	sadd.s32 $0x3, s0;
	[sflag:s23] =	ssyncset.done $0x0  }
0x147: {  	s24 =	sadd.s32 s9, s0;
	[sflag:s23] =	ssyncadd.s32 $0xFFFFE000  }
0x148: {  	s1 =	sshll.u32 s24, $0x3;
	_ =	swait.ge [sflag:s30], $0x1000  }
0x149: {  	s1 =	sand.u32 $0x1FFFFFF8, s1;
	[sflag:s30] =	ssyncset.done $0x0  }
0x14a: {  	s11 =	simm.s32 $0x4A70;
	s1 =	sadd.s32 s7, s1;
	[sflag:s30] =	ssyncadd.s32 $0xFFFFF000  }
0x14b: {  	[tilespmem:s16], [sflag:$0x2] =	stream.linear.gather [hbm4b:s1+s18], $0x40, $0x38;
	[tilespmem:$0x1E580] =	vst v63  }
0x14c: {  	s25 =	simm.s32 $0x79F0;
	v0 =	vld [tilespmem:s11+$0xFFFFFF90]  }
0x14d: {  	v1 =	vld [tilespmem:s25+$0xFFFFFFD0];
	_ =	sdelay $0x4  }
0x14e: {  	v0 =	vadd.f32 v1, v0;
	_ =	sdelay $0x1  }
0x14f: {  	v1 =	vmul.f32 $2.000000030e-01, v0;
	_ =	sdelay $0x1  }
0x150: {  	v0 =	vmax.f32 v0, v1  }
0x151: {  	v0 =	vmul.f32 $1.442695020e+00, v0  }
0x152: {  	v1 =	vld [tilespmem:s25+$0xFFFFFF90]  }
0x153: {  	(erf) = vpow2.f32 v0;
	v0 =	vld [tilespmem:s11+$0xFFFFFF10];
	_ =	sdelay $0x4  }
0x154: {  	v0 =	vadd.f32 v1, v0;
	_ =	sdelay $0x1  }
0x155: {  	v1 =	vmul.f32 $2.000000030e-01, v0  }
0x156: {  	s28 =	simm.s32 $0x7A70  }
0x157: {  	s10 =	simm.s32 $0x8A00;
	s14 =	simm.s32 $0x4B70;
	v4 =	vld [tilespmem:s28+$0xFFFFFFD0];
	v2 =	vpop (erf);
	v0 =	vmax.f32 v0, v1  }
0x158: {  	v1 =	vld [tilespmem:s14+$0xFFFFFF90];
	[tilespmem:s10+$0x0] =	vst v2;
	v0 =	vmul.f32 $1.442695020e+00, v0  }
0x159: {  	v3 =	vld [tilespmem:s11+$0xFFFFFFD0]  }
0x15a: {  	(erf) = vpow2.f32 v0;
	_ =	sdelay $0x3  }
0x15b: {  	v1 =	vadd.f32 v4, v1;
	v0 =	vmul.f32 v2, v3;
	_ =	sdelay $0x1  }
0x15c: {  	v2 =	vld [tilespmem:s28+$0xFFFFFF90];
	[tilespmem:s10+$0x40] =	vst v0;
	v0 =	vmul.f32 $2.000000030e-01, v1  }
0x15d: {  	v3 =	vld [tilespmem:s14+$0xFFFFFF10]  }
0x15e: {  	v0 =	vmax.f32 v1, v0  }
0x15f: {  	v4 =	vld [tilespmem:s11+$0xFFFFFFA0];
	v5 =	vpop (erf);
	v0 =	vmul.f32 $1.442695020e+00, v0  }
0x160: {  	v1 =	vld [tilespmem:s25+$0xFFFFFFE0];
	[tilespmem:s10+$0xFFFFFF80] =	vst v5  }
0x161: {  	v6 =	vld [tilespmem:s11+$0xFFFFFF50];
	(erf) = vpow2.f32 v0  }
0x162: {  	v2 =	vadd.f32 v2, v3;
	_ =	sdelay $0x1  }
0x163: {  	v0 =	vmul.f32 $2.000000030e-01, v2  }
0x164: {  	v1 =	vadd.f32 v1, v4  }
0x165: {  	v0 =	vmax.f32 v2, v0;
	v3 =	vmul.f32 v5, v6  }
0x166: {  	v0 =	vmul.f32 $1.442695020e+00, v0;
	v2 =	vmul.f32 $2.000000030e-01, v1  }
0x167: {  	s19 =	simm.s32 $0x7AF0  }
0x168: {  	(erf) = vpow2.f32 v0;
	v5 =	vld [tilespmem:s19+$0xFFFFFFD0];
	v1 =	vmax.f32 v1, v2;
	[tilespmem:s10+$0xFFFFFFC0] =	vst v3  }
0x169: {  	s13 =	simm.s32 $0x8B00;
	v0 =	vmul.f32 $1.442695020e+00, v1;
	v1 =	vld [tilespmem:s11+$0xFFFFFF20];
	v3 =	vpop (erf)  }
0x16a: {  	v2 =	vld [tilespmem:s25+$0xFFFFFFA0];
	[tilespmem:s13+$0x0] =	vst v3  }
0x16b: {  	s12 =	simm.s32 $0x4C70;
	(erf) = vpow2.f32 v0;
	v4 =	vld [tilespmem:s14+$0xFFFFFFD0]  }
0x16c: {  	v0 =	vld [tilespmem:s12+$0xFFFFFF90];
	_ =	sdelay $0x3  }
0x16d: {  	v3 =	vmul.f32 v3, v4  }
0x16e: {  	v6 =	vld [tilespmem:s19+$0xFFFFFF90];
	v1 =	vadd.f32 v2, v1;
	v2 =	vpop (erf);
	v0 =	vadd.f32 v5, v0  }
0x16f: {  	[tilespmem:s13+$0xFFFFFF80] =	vst v2;
	v4 =	vld [tilespmem:s12+$0xFFFFFF10]  }
0x170: {  	v7 =	vld [tilespmem:s14+$0xFFFFFF50];
	v8 =	vmul.f32 $2.000000030e-01, v0;
	[tilespmem:s13+$0x40] =	vst v3  }
0x171: {  	v5 =	vmul.f32 $2.000000030e-01, v1;
	v9 =	vld [tilespmem:s14+$0xFFFFFFA0];
	v3 =	vpop (erf)  }
0x172: {  	v0 =	vmax.f32 v0, v8;
	v8 =	vld [tilespmem:s28+$0xFFFFFFE0];
	[tilespmem:s10+$0x10] =	vst v3  }
0x173: {  	v1 =	vmax.f32 v1, v5;
	v5 =	vld [tilespmem:s11+$0xFFFFFFE0]  }
0x174: {  	v1 =	vmul.f32 $1.442695020e+00, v1  }
0x175: {  	v0 =	vmul.f32 $1.442695020e+00, v0  }
0x176: {  	(erf) = vpow2.f32 v1;
	v2 =	vmul.f32 v2, v7  }
0x177: {  	v1 =	vadd.f32 v6, v4;
	(erf) = vpow2.f32 v0  }
0x178: {  	[tilespmem:s13+$0xFFFFFFC0] =	vst v2;
	v2 =	vmul.f32 v3, v5;
	v3 =	vadd.f32 v8, v9  }
0x179: {  	v0 =	vmul.f32 $2.000000030e-01, v1  }
0x17a: {  	v4 =	vld [tilespmem:s14+$0xFFFFFF20];
	[tilespmem:s10+$0x50] =	vst v2;
	v2 =	vmul.f32 $2.000000030e-01, v3  }
0x17b: {  	v0 =	vmax.f32 v1, v0;
	v1 =	vld [tilespmem:s28+$0xFFFFFFA0]  }
0x17c: {  	v5 =	vld [tilespmem:s11+$0xFFFFFFB0];
	v2 =	vmax.f32 v3, v2  }
0x17d: {  	v0 =	vmul.f32 $1.442695020e+00, v0;
	v3 =	vld [tilespmem:s25+$0xFFFFFFF0];
	_ =	sdelay $0x1  }
0x17e: {  	s21 =	simm.s32 $0x7B70;
	(erf) = vpow2.f32 v0;
	v0 =	vmul.f32 $1.442695020e+00, v2;
	v2 =	vpop (erf)  }
0x17f: {  	s8 =	simm.s32 $0x8C00;
	s17 =	simm.s32 $0x4D70;
	v7 =	vld [tilespmem:s21+$0xFFFFFFD0];
	v6 =	vpop (erf)  }
0x180: {  	(erf) = vpow2.f32 v0;
	v0 =	vadd.f32 v1, v4;
	v1 =	vld [tilespmem:s17+$0xFFFFFF90];
	[tilespmem:s8+$0x0] =	vst v6  }
0x181: {  	v3 =	vadd.f32 v3, v5;
	v4 =	vld [tilespmem:s12+$0xFFFFFFD0]  }
0x182: {  	v5 =	vmul.f32 $2.000000030e-01, v0  }
0x183: {  	v8 =	vmul.f32 $2.000000030e-01, v3  }
0x184: {  	v0 =	vmax.f32 v0, v5  }
0x185: {  	v0 =	vmul.f32 $1.442695020e+00, v0;
	v3 =	vmax.f32 v3, v8  }
0x186: {  	v9 =	vld [tilespmem:s21+$0xFFFFFF90];
	[tilespmem:s10+$0xFFFFFF90] =	vst v2;
	v1 =	vadd.f32 v7, v1;
	v3 =	vmul.f32 $1.442695020e+00, v3;
	v4 =	vmul.f32 v6, v4  }
0x187: {  	v5 =	vld [tilespmem:s11+$0xFFFFFF60];
	(erf) = vpow2.f32 v0;
	v8 =	vpop (erf)  }
0x188: {  	v0 =	vld [tilespmem:s17+$0xFFFFFF10];
	[tilespmem:s8+$0xFFFFFF80] =	vst v8;
	(erf) = vpow2.f32 v3;
	v3 =	vmul.f32 $2.000000030e-01, v1  }
0x189: {  	v6 =	vld [tilespmem:s12+$0xFFFFFF50];
	[tilespmem:s8+$0x40] =	vst v4  }
0x18a: {  	v7 =	vld [tilespmem:s12+$0xFFFFFFA0];
	v1 =	vmax.f32 v1, v3;
	v4 =	vpop (erf)  }
0x18b: {  	v3 =	vld [tilespmem:s19+$0xFFFFFFE0];
	v1 =	vmul.f32 $1.442695020e+00, v1;
	[tilespmem:s13+$0x10] =	vst v4  }
0x18c: {  	v10 =	vld [tilespmem:s14+$0xFFFFFFE0]  }
0x18d: {  	v2 =	vmul.f32 v2, v5;
	(erf) = vpow2.f32 v1;
	_ =	sdelay $0x1  }
0x18e: {  	[tilespmem:s10+$0xFFFFFFD0] =	vst v2;
	v0 =	vadd.f32 v9, v0;
	v2 =	vmul.f32 v8, v6  }
0x18f: {  	v5 =	vld [tilespmem:s11+$0xFFFFFF30]  }
0x190: {  	v1 =	vld [tilespmem:s25+$0xFFFFFFB0];
	v3 =	vadd.f32 v3, v7;
	[tilespmem:s8+$0xFFFFFFC0] =	vst v2;
	v2 =	vmul.f32 v4, v10;
	v4 =	vmul.f32 $2.000000030e-01, v0  }
0x191: {  	v8 =	vld [tilespmem:s12+$0xFFFFFF20]  }
0x192: {  	v7 =	vld [tilespmem:s19+$0xFFFFFFA0];
	v0 =	vmax.f32 v0, v4;
	v4 =	vmul.f32 $2.000000030e-01, v3  }
0x193: {  	v6 =	vpop (erf);
	[tilespmem:s13+$0x50] =	vst v2;
	v0 =	vmul.f32 $1.442695020e+00, v0  }
0x194: {  	v9 =	vld [tilespmem:s14+$0xFFFFFFB0];
	v2 =	vpop (erf);
	v3 =	vmax.f32 v3, v4  }
0x195: {  	s18 =	simm.s32 $0x8D00;
	v1 =	vadd.f32 v1, v5;
	v4 =	vld [tilespmem:s28+$0xFFFFFFF0];
	[tilespmem:s10+$0x20] =	vst v2;
	(erf) = vpow2.f32 v0;
	v0 =	vmul.f32 $1.442695020e+00, v3;
	v5 =	vpop (erf)  }
0x196: {  	v10 =	vld [tilespmem:s11+$0xFFFFFFF0];
	[tilespmem:s18+$0x0] =	vst v5  }
0x197: {  	v3 =	vmul.f32 $2.000000030e-01, v1;
	(erf) = vpow2.f32 v0;
	v0 =	vadd.f32 v7, v8;
	v7 =	vld [tilespmem:s17+$0xFFFFFFD0];
	_ =	sdelay $0x1  }
0x198: {  	v1 =	vmax.f32 v1, v3  }
0x199: {  	s1 =	simm.s32 $0x4E70;
	v1 =	vmul.f32 $1.442695020e+00, v1  }
0x19a: {  	s20 =	simm.s32 $0x7BF0;
	v3 =	vld [tilespmem:s1+$0xFFFFFF90];
	v4 =	vadd.f32 v4, v9;
	v8 =	vmul.f32 $2.000000030e-01, v0;
	v2 =	vmul.f32 v2, v10  }
0x19b: {  	[tilespmem:s13+$0xFFFFFF90] =	vst v6;
	v9 =	vld [tilespmem:s20+$0xFFFFFFD0];
	v5 =	vmul.f32 v5, v7  }
0x19c: {  	(erf) = vpow2.f32 v1;
	v10 =	vld [tilespmem:s14+$0xFFFFFF60];
	v1 =	vmul.f32 $2.000000030e-01, v4;
	[tilespmem:s10+$0x60] =	vst v2  }
0x19d: {  	v0 =	vmax.f32 v0, v8;
	v2 =	vld [tilespmem:s11+$0xFFFFFFC0]  }
0x19e: {  	v0 =	vmul.f32 $1.442695020e+00, v0;
	v1 =	vmax.f32 v4, v1;
	v4 =	vld [tilespmem:s25+$0x0];
	v8 =	vpop (erf);
	[tilespmem:s18+$0x40] =	vst v5  }
0x19f: {  	v11 =	vld [tilespmem:s20+$0xFFFFFF90];
	v1 =	vmul.f32 $1.442695020e+00, v1;
	[tilespmem:s18+$0xFFFFFF80] =	vst v8;
	v5 =	vpop (erf)  }
0x1a0: {  	(erf) = vpow2.f32 v0;
	v3 =	vadd.f32 v9, v3;
	v7 =	vld [tilespmem:s17+$0xFFFFFF50];
	[tilespmem:s8+$0x10] =	vst v5  }
0x1a1: {  	(erf) = vpow2.f32 v1;
	v6 =	vmul.f32 v6, v10;
	v10 =	vld [tilespmem:s12+$0xFFFFFFE0]  }
0x1a2: {  	v0 =	vld [tilespmem:s1+$0xFFFFFF10];
	v1 =	vmul.f32 $2.000000030e-01, v3  }
0x1a3: {  	v9 =	vld [tilespmem:s17+$0xFFFFFFA0];
	v2 =	vadd.f32 v4, v2  }
0x1a4: {  	v1 =	vmax.f32 v3, v1;
	v3 =	vld [tilespmem:s21+$0xFFFFFFE0]  }
0x1a5: {  	[tilespmem:s13+$0xFFFFFFD0] =	vst v6;
	v4 =	vpop (erf);
	v1 =	vmul.f32 $1.442695020e+00, v1;
	v6 =	vmul.f32 $2.000000030e-01, v2  }
0x1a6: {  	v51 =	vld [tilespmem:s14+$0xFFFFFF30];
	[tilespmem:s10+$0xFFFFFFA0] =	vst v4;
	v7 =	vmul.f32 v8, v7;
	v5 =	vmul.f32 v5, v10  }
0x1a7: {  	v0 =	vadd.f32 v11, v0;
	(erf) = vpow2.f32 v1;
	v1 =	vld [tilespmem:s11+$0xFFFFFF70]  }
0x1a8: {  	v2 =	vmax.f32 v2, v6;
	v6 =	vld [tilespmem:s28+$0xFFFFFFB0];
	[tilespmem:s18+$0xFFFFFFC0] =	vst v7  }
0x1a9: {  	v7 =	vmul.f32 $2.000000030e-01, v0;
	v8 =	vpop (erf);
	v3 =	vadd.f32 v3, v9;
	v2 =	vmul.f32 $1.442695020e+00, v2;
	v10 =	vld [tilespmem:s17+$0xFFFFFF20]  }
0x1aa: {  	v9 =	vld [tilespmem:s21+$0xFFFFFFA0];
	[tilespmem:s8+$0x50] =	vst v5;
	v5 =	vpop (erf)  }
0x1ab: {  	v0 =	vmax.f32 v0, v7;
	v7 =	vld [tilespmem:s12+$0xFFFFFFB0];
	(erf) = vpow2.f32 v2;
	v2 =	vmul.f32 $2.000000030e-01, v3;
	[tilespmem:s13+$0x20] =	vst v5  }
0x1ac: {  	v11 =	vld [tilespmem:s14+$0xFFFFFFF0]  }
0x1ad: {  	v0 =	vmul.f32 $1.442695020e+00, v0;
	v1 =	vmul.f32 v4, v1;
	v2 =	vmax.f32 v3, v2;
	v3 =	vld [tilespmem:s19+$0xFFFFFFF0];
	_ =	sdelay $0x1  }
0x1ae: {  	v4 =	vadd.f32 v6, v51;
	(erf) = vpow2.f32 v0;
	[tilespmem:s10+$0xFFFFFFE0] =	vst v1;
	v0 =	vmul.f32 $1.442695020e+00, v2  }
0x1af: {  	s23 =	simm.s32 $0x8E00;
	v6 =	vld [tilespmem:s11+$0xFFFFFF40];
	v9 =	vadd.f32 v9, v10;
	v52 =	vpop (erf)  }
0x1b0: {  	v1 =	vmul.f32 $2.000000030e-01, v4;
	[tilespmem:s23+$0x0] =	vst v52;
	(erf) = vpow2.f32 v0;
	v0 =	vld [tilespmem:s25+$0xFFFFFFC0]  }
0x1b1: {  	[tilespmem:s8+$0xFFFFFF90] =	vst v8;
	v10 =	vld [tilespmem:s1+$0xFFFFFFD0];
	v5 =	vmul.f32 v5, v11;
	v3 =	vadd.f32 v3, v7;
	v7 =	vmul.f32 $2.000000030e-01, v9  }
0x1b2: {  	s3 =	simm.s32 $0x4F70;
	v2 =	vld [tilespmem:s12+$0xFFFFFF60];
	v1 =	vmax.f32 v4, v1  }
0x1b3: {  	s26 =	simm.s32 $0x7C70;
	v4 =	vld [tilespmem:s3+$0xFFFFFF90];
	v1 =	vmul.f32 $1.442695020e+00, v1;
	v7 =	vmax.f32 v9, v7  }
0x1b4: {  	v11 =	vld [tilespmem:s26+$0xFFFFFFD0];
	[tilespmem:s13+$0x60] =	vst v5;
	v7 =	vmul.f32 $1.442695020e+00, v7  }
0x1b5: {  	v53 =	vld [tilespmem:s14+$0xFFFFFFC0];
	v5 =	vpop (erf);
	(erf) = vpow2.f32 v1;
	v1 =	vmul.f32 $2.000000030e-01, v3  }
0x1b6: {  	v0 =	vadd.f32 v0, v6;
	v6 =	vld [tilespmem:s26+$0xFFFFFF90];
	v10 =	vmul.f32 v52, v10  }
0x1b7: {  	v54 =	vpop (erf);
	(erf) = vpow2.f32 v7;
	v7 =	vld [tilespmem:s3+$0xFFFFFF10];
	v1 =	vmax.f32 v3, v1  }
0x1b8: {  	[tilespmem:s10+$0x30] =	vst v5;
	v3 =	vld [tilespmem:s28+$0x0];
	v1 =	vmul.f32 $1.442695020e+00, v1  }
0x1b9: {  	v4 =	vadd.f32 v11, v4;
	v9 =	vld [tilespmem:s11+$0x0];
	[tilespmem:s23+$0xFFFFFF80] =	vst v54  }
0x1ba: {  	v11 =	vmul.f32 $2.000000030e-01, v0;
	[tilespmem:s23+$0x40] =	vst v10;
	v55 =	vld [tilespmem:s1+$0xFFFFFF50];
	v10 =	vpop (erf);
	(erf) = vpow2.f32 v1  }
0x1bb: {  	[tilespmem:s18+$0x10] =	vst v10;
	v1 =	vmul.f32 v8, v2;
	v2 =	vmul.f32 $2.000000030e-01, v4;
	v8 =	vld [tilespmem:s1+$0xFFFFFFA0]  }
0x1bc: {  	v0 =	vmax.f32 v0, v11;
	v11 =	vld [tilespmem:s17+$0xFFFFFFE0]  }
0x1bd: {  	[tilespmem:s8+$0xFFFFFFD0] =	vst v1;
	v1 =	vmax.f32 v4, v2;
	v4 =	vld [tilespmem:s20+$0xFFFFFFE0];
	v3 =	vadd.f32 v3, v53  }
0x1be: {  	v0 =	vmul.f32 $1.442695020e+00, v0  }
0x1bf: {  	v6 =	vadd.f32 v6, v7;
	v1 =	vmul.f32 $1.442695020e+00, v1;
	v7 =	vmul.f32 $2.000000030e-01, v3  }
0x1c0: {  	(erf) = vpow2.f32 v0;
	v57 =	vld [tilespmem:s12+$0xFFFFFF30];
	v2 =	vmul.f32 v54, v55;
	v56 =	vpop (erf)  }
0x1c1: {  	v0 =	vld [tilespmem:s19+$0xFFFFFFB0];
	[tilespmem:s13+$0xFFFFFFA0] =	vst v56;
	(erf) = vpow2.f32 v1;
	v1 =	vmul.f32 v10, v11;
	v7 =	vmax.f32 v3, v7  }
0x1c2: {  	v58 =	vld [tilespmem:s14+$0xFFFFFF70];
	v4 =	vadd.f32 v4, v8;
	v8 =	vmul.f32 v5, v9;
	v5 =	vmul.f32 $2.000000030e-01, v6  }
0x1c3: {  	[tilespmem:s23+$0xFFFFFFC0] =	vst v2;
	v7 =	vmul.f32 $1.442695020e+00, v7  }
0x1c4: {  	v10 =	vld [tilespmem:s1+$0xFFFFFF20];
	v2 =	vpop (erf);
	v5 =	vmax.f32 v6, v5  }
0x1c5: {  	v11 =	vld [tilespmem:s20+$0xFFFFFFA0];
	[tilespmem:s18+$0x50] =	vst v1;
	v1 =	vpop (erf);
	(erf) = vpow2.f32 v7;
	v60 =	vmul.f32 $1.442695020e+00, v5  }
0x1c6: {  	v0 =	vadd.f32 v0, v57;
	v3 =	vld [tilespmem:s17+$0xFFFFFFB0];
	v59 =	vmul.f32 $2.000000030e-01, v4;
	[tilespmem:s8+$0x20] =	vst v1  }
0x1c7: {  	v9 =	vld [tilespmem:s12+$0xFFFFFFF0];
	v6 =	vmul.f32 v56, v58;
	(erf) = vpow2.f32 v60  }
0x1c8: {  	[tilespmem:s18+$0xFFFFFF90] =	vst v2;
	v5 =	vld [tilespmem:s21+$0xFFFFFFF0];
	v61 =	vmul.f32 $2.000000030e-01, v0;
	v4 =	vmax.f32 v4, v59  }
0x1c9: {  	v7 =	vld [tilespmem:s17+$0xFFFFFF60];
	v62 =	vmul.f32 $1.442695020e+00, v4;
	[tilespmem:s13+$0xFFFFFFE0] =	vst v6  }
0x1ca: {  	s31 =	simm.s32 $0xA;
	[tilespmem:s10+$0x70] =	vst v8;
	v8 =	vadd.f32 v11, v10;
	v63 =	vmax.f32 v0, v61;
	v0 =	vpop (erf);
	v4 =	vld [tilespmem:s14+$0xFFFFFF40]  }
0x1cb: {  	s29 =	simm.s32 $0x0;
	s4 =	simm.s32 $0x5070;
	v11 =	vmul.f32 $1.442695020e+00, v63;
	[tilespmem:s10+$0xFFFFFFB0] =	vst v0;
	v10 =	vpop (erf);
	v6 =	vld [tilespmem:s28+$0xFFFFFFC0];
	s28 =	simm.s32 $0x8F00;
	(erf) = vpow2.f32 v62  }
.LBB2_5:
0x1cc: {  	v12 =	vld [tilespmem:s4+$0xFFFFFF90];
	[tilespmem:s28+$0x0] =	vst v10;
	v13 =	vmul.f32 $2.000000030e-01, v8;
	v14 =	vmul.f32 v1, v9;
	s24 =	smov.u32 s21;
	s21 =	smov.u32 s20;
	s20 =	smov.u32 s26  }
0x1cd: {  	s26 =	sadd.s32 $0x80, s26;
	s25 =	smov.u32 s18;
	s18 =	smov.u32 s23;
	v9 =	vld [tilespmem:s3+$0xFFFFFFD0];
	v3 =	vadd.f32 v5, v3;
	(erf) = vpow2.f32 v11  }
0x1ce: {  	s23 =	smov.u32 s28;
	v5 =	vld [tilespmem:s26+$0xFFFFFFD0];
	v8 =	vmax.f32 v8, v13;
	v2 =	vmul.f32 v2, v7;
	[tilespmem:s8+$0x60] =	vst v14;
	v1 =	vpop (erf)  }
0x1cf: {  	v7 =	vmul.f32 $1.442695020e+00, v8;
	v8 =	vmul.f32 $2.000000030e-01, v3;
	v11 =	vld [tilespmem:s12+$0xFFFFFFC0];
	[tilespmem:s13+$0x30] =	vst v1  }
0x1d0: {  	v13 =	vpop (erf);
	[tilespmem:s25+$0xFFFFFFD0] =	vst v2;
	v2 =	vadd.f32 v6, v4;
	v4 =	vld [tilespmem:s14+$0x0]  }
0x1d1: {  	[tilespmem:s28+$0xFFFFFF80] =	vst v13;
	(erf) = vpow2.f32 v7;
	v3 =	vmax.f32 v3, v8;
	v6 =	vld [tilespmem:s19+$0x0]  }
0x1d2: {  	v7 =	vld [tilespmem:s26+$0xFFFFFF90];
	v14 =	vmul.f32 v10, v9;
	v3 =	vmul.f32 $1.442695020e+00, v3  }
0x1d3: {  	v15 =	vmul.f32 $2.000000030e-01, v2;
	v9 =	vld [tilespmem:s4+$0xFFFFFF10];
	v5 =	vadd.f32 v5, v12  }
0x1d4: {  	s31 =	sadd.s32 $0x2, s31;
	v12 =	vld [tilespmem:s3+$0xFFFFFF50];
	[tilespmem:s28+$0x40] =	vst v14;
	v8 =	vpop (erf);
	(erf) = vpow2.f32 v3  }
0x1d5: {  	p0 =	slt.u32 s31, $0x3E;
	v2 =	vmax.f32 v2, v15;
	v3 =	vmul.f32 $2.000000030e-01, v5;
	v14 =	vld [tilespmem:s3+$0xFFFFFFA0];
	[tilespmem:s18+$0x10] =	vst v8;
	v1 =	vmul.f32 v1, v4  }
0x1d6: {  	v2 =	vmul.f32 $1.442695020e+00, v2;
	v4 =	vld [tilespmem:s1+$0xFFFFFFE0];
	v6 =	vadd.f32 v6, v11;
	v10 =	vpop (erf)  }
0x1d7: {  	v3 =	vmax.f32 v5, v3;
	v5 =	vld [tilespmem:s20+$0xFFFFFFE0];
	[tilespmem:s13+$0x70] =	vst v1  }
0x1d8: {  	v1 =	vadd.f32 v7, v9;
	v3 =	vmul.f32 $1.442695020e+00, v3;
	v7 =	vld [tilespmem:s17+$0xFFFFFF30];
	[tilespmem:s8+$0xFFFFFFA0] =	vst v10;
	v9 =	vmul.f32 $2.000000030e-01, v6  }
0x1d9: {  	v11 =	vmul.f32 v13, v12;
	v12 =	vld [tilespmem:s24+$0xFFFFFFB0];
	(erf) = vpow2.f32 v2  }
0x1da: {  	v13 =	vmul.f32 $2.000000030e-01, v1;
	(erf) = vpow2.f32 v3;
	v2 =	vpop (erf);
	v15 =	vld [tilespmem:s12+$0xFFFFFF70];
	v3 =	vmax.f32 v6, v9  }
0x1db: {  	[tilespmem:s28+$0xFFFFFFC0] =	vst v11;
	v4 =	vmul.f32 v8, v4;
	v3 =	vmul.f32 $1.442695020e+00, v3;
	v6 =	vld [tilespmem:s11+$0xFFFFFF80];
	s11 =	smov.u32 s14;
	s14 =	smov.u32 s12;
	s12 =	smov.u32 s17  }
0x1dc: {  	s17 =	smov.u32 s1;
	s1 =	smov.u32 s3;
	v13 =	vmax.f32 v1, v13;
	v8 =	vld [tilespmem:s3+$0xFFFFFF20];
	v5 =	vadd.f32 v5, v14;
	[tilespmem:s18+$0xFFFFFF90] =	vst v2;
	s3 =	smov.u32 s4  }
0x1dd: {  	v9 =	vmul.f32 $1.442695020e+00, v13;
	v11 =	vld [tilespmem:s20+$0xFFFFFFA0];
	[tilespmem:s18+$0x50] =	vst v4;
	v1 =	vpop (erf);
	(erf) = vpow2.f32 v3  }
0x1de: {  	v4 =	vmul.f32 $2.000000030e-01, v5;
	v3 =	vld [tilespmem:s17+$0xFFFFFFB0];
	v12 =	vadd.f32 v12, v7;
	[tilespmem:s25+$0x20] =	vst v1  }
.Ltmp1:
0x1df: {  	(erf) = vpow2.f32 v9;
	v9 =	vld [tilespmem:s12+$0xFFFFFFF0];
	v10 =	vmul.f32 v10, v15;
	(pc) =	sbr.rel @p0 .LBB2_5-.Ltmp1, $4  }
0x1e0: {  	v4 =	vmax.f32 v5, v4;
	v5 =	vld [tilespmem:s21+$0xFFFFFFF0];
	v13 =	vmul.f32 $2.000000030e-01, v12;
	v6 =	vmul.f32 v0, v6  }
0x1e1: {  	v14 =	vmul.f32 $1.442695020e+00, v4;
	v7 =	vld [tilespmem:s17+$0xFFFFFF60];
	[tilespmem:s8+$0xFFFFFFE0] =	vst v10  }
0x1e2: {  	v8 =	vadd.f32 v11, v8;
	v11 =	vmax.f32 v12, v13;
	v4 =	vld [tilespmem:s14+$0xFFFFFF40];
	v0 =	vpop (erf);
	[tilespmem:s10+$0xFFFFFFF0] =	vst v6;
	s10 =	smov.u32 s13;
	s13 =	smov.u32 s8;
	s8 =	smov.u32 s25  }
0x1e3: {  	s28 =	sadd.s32 $0x100, s28;
	s4 =	sadd.s32 $0x100, s4;
	v10 =	vpop (erf);
	(erf) = vpow2.f32 v14;
	v11 =	vmul.f32 $1.442695020e+00, v11;
	v6 =	vld [tilespmem:s19+$0xFFFFFFC0];
	[tilespmem:s10+$0xFFFFFFB0] =	vst v0;
	s19 =	smov.u32 s24  }
0x1e4: {  	[tilespmem:s28+$0x0] =	vst v10  }
0x1e5: {  	v1 =	vmul.f32 v1, v9;
	v12 =	vld [tilespmem:s3+$0xFFFFFFD0];
	_ =	sdelay $0x1  }
0x1e6: {  	[tilespmem:s8+$0x60] =	vst v1;
	v2 =	vmul.f32 v2, v7  }
0x1e7: {  	v60 =	vld [tilespmem:s12+$0xFFFFFFC0]  }
0x1e8: {  	v62 =	vld [tilespmem:s19+$0x0];
	v1 =	vpop (erf);
	[tilespmem:s18+$0xFFFFFFD0] =	vst v2  }
0x1e9: {  	v13 =	vpop (erf);
	v15 =	vld [tilespmem:s17+$0xFFFFFF30];
	v61 =	vmul.f32 v10, v12  }
0x1ea: {  	v22 =	vld [tilespmem:s21+$0xFFFFFFB0];
	[tilespmem:s28+$0xFFFFFF80] =	vst v13  }
0x1eb: {  	v63 =	vld [tilespmem:s3+$0xFFFFFF50];
	[tilespmem:s28+$0x40] =	vst v61  }
0x1ec: {  	v14 =	vmul.f32 $2.000000030e-01, v8;
	v21 =	vpop (erf);
	v10 =	vld [tilespmem:s3+$0xFFFFFFA0]  }
0x1ed: {  	v20 =	vld [tilespmem:s26+$0xFFFFFFE0];
	[tilespmem:s23+$0x10] =	vst v21  }
0x1ee: {  	v3 =	vadd.f32 v5, v3;
	v8 =	vmax.f32 v8, v14;
	v17 =	vld [tilespmem:s1+$0xFFFFFFE0]  }
0x1ef: {  	v8 =	vmul.f32 $1.442695020e+00, v8  }
0x1f0: {  	v16 =	vmul.f32 $2.000000030e-01, v3;
	(erf) = vpow2.f32 v11;
	v4 =	vadd.f32 v6, v4  }
0x1f1: {  	(erf) = vpow2.f32 v8;
	v23 =	vadd.f32 v62, v60;
	v7 =	vmul.f32 v13, v63  }
0x1f2: {  	v3 =	vmax.f32 v3, v16;
	v24 =	vmul.f32 $2.000000030e-01, v4;
	v2 =	vadd.f32 v20, v10  }
0x1f3: {  	v9 =	vmul.f32 $2.000000030e-01, v23;
	v25 =	vadd.f32 v22, v15;
	[tilespmem:s28+$0xFFFFFFC0] =	vst v7;
	v5 =	vmul.f32 v21, v17  }
0x1f4: {  	v3 =	vmul.f32 $1.442695020e+00, v3;
	v4 =	vmax.f32 v4, v24;
	v27 =	vld [tilespmem:s3+$0xFFFFFF20];
	v26 =	vmul.f32 $2.000000030e-01, v2  }
0x1f5: {  	v4 =	vmul.f32 $1.442695020e+00, v4;
	v6 =	vmax.f32 v23, v9;
	v28 =	vmul.f32 $2.000000030e-01, v25;
	v30 =	vld [tilespmem:s26+$0xFFFFFFA0];
	[tilespmem:s23+$0x50] =	vst v5  }
0x1f6: {  	(erf) = vpow2.f32 v3;
	v29 =	vmul.f32 $1.442695020e+00, v6;
	v2 =	vmax.f32 v2, v26;
	v31 =	vld [tilespmem:s1+$0xFFFFFFB0]  }
0x1f7: {  	(erf) = vpow2.f32 v4;
	v32 =	vmax.f32 v25, v28;
	v33 =	vld [tilespmem:s20+$0xFFFFFFF0];
	v2 =	vmul.f32 $1.442695020e+00, v2  }
0x1f8: {  	(erf) = vpow2.f32 v29;
	v5 =	vmul.f32 $1.442695020e+00, v32  }
0x1f9: {  	(erf) = vpow2.f32 v2  }
0x1fa: {  	(erf) = vpow2.f32 v5  }
0x1fb: {  	v34 =	vadd.f32 v30, v27  }
0x1fc: {  	v35 =	vpop (erf);
	v4 =	vadd.f32 v33, v31  }
0x1fd: {  	v36 =	vpop (erf);
	v37 =	vmul.f32 $2.000000030e-01, v34  }
0x1fe: {  	[tilespmem:s23+$0xFFFFFF90] =	vst v36;
	v39 =	vmul.f32 $2.000000030e-01, v4  }
0x1ff: {  	v47 =	vld [tilespmem:s1+$0xFFFFFF60];
	v38 =	vpop (erf);
	v7 =	vmax.f32 v34, v37  }
0x200: {  	v3 =	vpop (erf);
	v7 =	vmul.f32 $1.442695020e+00, v7;
	v4 =	vmax.f32 v4, v39  }
0x201: {  	[tilespmem:s8+$0xFFFFFFA0] =	vst v35;
	v2 =	vpop (erf);
	v4 =	vmul.f32 $1.442695020e+00, v4  }
0x202: {  	v40 =	vld [tilespmem:s12+$0xFFFFFF70];
	v41 =	vpop (erf);
	(erf) = vpow2.f32 v7  }
0x203: {  	v43 =	vpop (erf);
	(erf) = vpow2.f32 v4  }
0x204: {  	v6 =	vmul.f32 v36, v47  }
0x205: {  	[tilespmem:s18+$0x20] =	vst v38  }
0x206: {  	v42 =	vld [tilespmem:s17+$0xFFFFFFF0];
	[tilespmem:s23+$0xFFFFFFD0] =	vst v6  }
0x207: {  	v5 =	vmul.f32 v35, v40;
	v56 =	vld [tilespmem:s1+$0xFFFFFF30]  }
0x208: {  	v57 =	vld [tilespmem:s20+$0xFFFFFFB0];
	[tilespmem:s28+$0x10] =	vst v41  }
0x209: {  	[tilespmem:s8+$0xFFFFFFE0] =	vst v5;
	v48 =	vld [tilespmem:s3+$0xFFFFFFE0]  }
0x20a: {  	v46 =	vld [tilespmem:s19+$0xFFFFFFC0];
	[tilespmem:s18+$0xFFFFFFA0] =	vst v43  }
0x20b: {  	v44 =	vld [tilespmem:s17+$0xFFFFFF70];
	v49 =	vpop (erf)  }
0x20c: {  	v45 =	vmul.f32 v38, v42;
	v51 =	vld [tilespmem:s12+$0xFFFFFF40];
	v50 =	vpop (erf);
	[tilespmem:s28+$0xFFFFFF90] =	vst v49  }
0x20d: {  	[tilespmem:s23+$0x20] =	vst v50;
	v55 =	vld [tilespmem:s3+$0xFFFFFF60]  }
0x20e: {  	[tilespmem:s18+$0x60] =	vst v45;
	v54 =	vmul.f32 v41, v48;
	v52 =	vld [tilespmem:s1+$0xFFFFFFF0]  }
0x20f: {  	v5 =	vld [tilespmem:s21+$0x0]  }
0x210: {  	v53 =	vld [tilespmem:s17+$0xFFFFFFC0];
	v4 =	vmul.f32 v43, v44;
	[tilespmem:s28+$0x50] =	vst v54  }
0x211: {  	v6 =	vld [tilespmem:s3+$0xFFFFFFB0]  }
0x212: {  	[tilespmem:s18+$0xFFFFFFE0] =	vst v4;
	v58 =	vld [tilespmem:s26+$0xFFFFFFF0];
	v7 =	vmul.f32 v49, v55  }
0x213: {  	v4 =	vld [tilespmem:s21+$0xFFFFFFC0];
	v10 =	vmul.f32 v50, v52  }
0x214: {  	v8 =	vadd.f32 v46, v51;
	v59 =	vld [tilespmem:s17+$0xFFFFFF40];
	[tilespmem:s28+$0xFFFFFFD0] =	vst v7  }
0x215: {  	[tilespmem:s23+$0x60] =	vst v10;
	v62 =	vld [tilespmem:s3+$0xFFFFFF30]  }
0x216: {  	v5 =	vadd.f32 v5, v53;
	v60 =	vmul.f32 $2.000000030e-01, v8;
	v10 =	vld [tilespmem:s1+$0xFFFFFFC0]  }
0x217: {  	v61 =	vld [tilespmem:s20+$0x0]  }
0x218: {  	v9 =	vadd.f32 v57, v56;
	v14 =	vmul.f32 $2.000000030e-01, v5;
	v8 =	vmax.f32 v8, v60;
	v63 =	vld [tilespmem:s26+$0xFFFFFFB0]  }
0x219: {  	v8 =	vmul.f32 $1.442695020e+00, v8  }
0x21a: {  	v15 =	vmul.f32 $2.000000030e-01, v9;
	v5 =	vmax.f32 v5, v14;
	v6 =	vadd.f32 v58, v6  }
0x21b: {  	v5 =	vmul.f32 $1.442695020e+00, v5;
	(erf) = vpow2.f32 v8;
	v4 =	vadd.f32 v4, v59  }
0x21c: {  	v8 =	vmax.f32 v9, v15;
	v17 =	vmul.f32 $2.000000030e-01, v6;
	v7 =	vadd.f32 v61, v10  }
0x21d: {  	v8 =	vmul.f32 $1.442695020e+00, v8;
	v18 =	vmul.f32 $2.000000030e-01, v4;
	v19 =	vadd.f32 v63, v62  }
0x21e: {  	(erf) = vpow2.f32 v5;
	v5 =	vmax.f32 v6, v17;
	v20 =	vmul.f32 $2.000000030e-01, v7  }
0x21f: {  	v5 =	vmul.f32 $1.442695020e+00, v5;
	v4 =	vmax.f32 v4, v18;
	v21 =	vmul.f32 $2.000000030e-01, v19  }
0x220: {  	(erf) = vpow2.f32 v8;
	v4 =	vmul.f32 $1.442695020e+00, v4;
	v6 =	vmax.f32 v7, v20  }
0x221: {  	(erf) = vpow2.f32 v5;
	v23 =	vmax.f32 v19, v21;
	v22 =	vmul.f32 $1.442695020e+00, v6  }
0x222: {  	(erf) = vpow2.f32 v4;
	v24 =	vmul.f32 $1.442695020e+00, v23  }
0x223: {  	(erf) = vpow2.f32 v22  }
0x224: {  	(erf) = vpow2.f32 v24;
	_ =	sdelay $0x2  }
0x225: {  	v25 =	vpop (erf)  }
0x226: {  	v26 =	vpop (erf)  }
0x227: {  	v27 =	vpop (erf)  }
0x228: {  	[tilespmem:s23+$0xFFFFFFA0] =	vst v27;
	v28 =	vpop (erf)  }
0x229: {  	v31 =	vld [tilespmem:s1+$0xFFFFFF70];
	v29 =	vpop (erf)  }
0x22a: {  	[tilespmem:s28+$0x20] =	vst v28;
	v30 =	vpop (erf)  }
0x22b: {  	v33 =	vld [tilespmem:s3+$0xFFFFFFF0];
	v32 =	vpop (erf)  }
0x22c: {  	[tilespmem:s28+$0xFFFFFFA0] =	vst v32  }
0x22d: {  	v34 =	vld [tilespmem:s3+$0xFFFFFF70]  }
0x22e: {  	v6 =	vmul.f32 v27, v31;
	_ =	sdelay $0x1  }
0x22f: {  	[tilespmem:s23+$0xFFFFFFE0] =	vst v6;
	v7 =	vmul.f32 v28, v33  }
0x230: {  	v36 =	vld [tilespmem:s20+$0xFFFFFFC0]  }
0x231: {  	v37 =	vld [tilespmem:s1+$0xFFFFFF40];
	[tilespmem:s28+$0x60] =	vst v7;
	v35 =	vmul.f32 v32, v34  }
0x232: {  	v7 =	vld [tilespmem:s26+$0x0]  }
0x233: {  	v38 =	vld [tilespmem:s3+$0xFFFFFFC0];
	[tilespmem:s28+$0xFFFFFFE0] =	vst v35  }
0x234: {  	v6 =	vld [tilespmem:s26+$0xFFFFFFC0]  }
0x235: {  	v39 =	vld [tilespmem:s3+$0xFFFFFF40];
	_ =	sdelay $0x2  }
0x236: {  	v10 =	vadd.f32 v36, v37  }
0x237: {  	v7 =	vadd.f32 v7, v38  }
0x238: {  	v41 =	vmul.f32 $2.000000030e-01, v10;
	v6 =	vadd.f32 v6, v39  }
0x239: {  	[tilespmem:s13+$0x30] =	vst v1;
	v40 =	vld [tilespmem:s11+$0xFFFFFF80];
	v43 =	vmul.f32 $2.000000030e-01, v7  }
0x23a: {  	v42 =	vld [tilespmem:s14+$0x0];
	[tilespmem:s8+$0x30] =	vst v2;
	v10 =	vmax.f32 v10, v41;
	v45 =	vmul.f32 $2.000000030e-01, v6  }
0x23b: {  	v47 =	vld [tilespmem:s12+$0x0];
	v10 =	vmul.f32 $1.442695020e+00, v10;
	v7 =	vmax.f32 v7, v43  }
0x23c: {  	v7 =	vmul.f32 $1.442695020e+00, v7;
	v6 =	vmax.f32 v6, v45  }
0x23d: {  	(erf) = vpow2.f32 v10;
	v6 =	vmul.f32 $1.442695020e+00, v6  }
0x23e: {  	v0 =	vmul.f32 v0, v40;
	(erf) = vpow2.f32 v7  }
0x23f: {  	[tilespmem:s13+$0xFFFFFFB0] =	vst v3;
	v1 =	vmul.f32 v1, v42;
	(erf) = vpow2.f32 v6  }
0x240: {  	[tilespmem:s10+$0xFFFFFFF0] =	vst v0;
	v0 =	vmul.f32 v2, v47  }
0x241: {  	[tilespmem:s13+$0x70] =	vst v1  }
0x242: {  	[tilespmem:s8+$0x70] =	vst v0  }
0x243: {  	v44 =	vld [tilespmem:s14+$0xFFFFFF80];
	[tilespmem:s8+$0xFFFFFFB0] =	vst v25  }
0x244: {  	v48 =	vld [tilespmem:s12+$0xFFFFFF80];
	[tilespmem:s18+$0x30] =	vst v26  }
0x245: {  	v49 =	vld [tilespmem:s17+$0x0];
	[tilespmem:s18+$0xFFFFFFB0] =	vst v29  }
0x246: {  	v50 =	vld [tilespmem:s17+$0xFFFFFF80];
	[tilespmem:s23+$0x30] =	vst v30;
	v51 =	vpop (erf)  }
0x247: {  	v52 =	vld [tilespmem:s1+$0x0];
	[tilespmem:s23+$0xFFFFFFB0] =	vst v51;
	v53 =	vpop (erf)  }
0x248: {  	v46 =	vmul.f32 v3, v44;
	v54 =	vld [tilespmem:s1+$0xFFFFFF80];
	[tilespmem:s28+$0x30] =	vst v53;
	v55 =	vpop (erf)  }
0x249: {  	v1 =	vmul.f32 v25, v48;
	v56 =	vld [tilespmem:s3+$0x0];
	[tilespmem:s28+$0xFFFFFFB0] =	vst v55  }
0x24a: {  	[tilespmem:s13+$0xFFFFFFF0] =	vst v46;
	v58 =	vmul.f32 v26, v49;
	v57 =	vld [tilespmem:s3+$0xFFFFFF80]  }
0x24b: {  	[tilespmem:s8+$0xFFFFFFF0] =	vst v1;
	v59 =	vmul.f32 v29, v50  }
0x24c: {  	[tilespmem:s18+$0x70] =	vst v58;
	v60 =	vmul.f32 v30, v52  }
0x24d: {  	[tilespmem:s18+$0xFFFFFFF0] =	vst v59;
	v61 =	vmul.f32 v51, v54  }
0x24e: {  	[tilespmem:s23+$0x70] =	vst v60;
	v62 =	vmul.f32 v53, v56  }
0x24f: {  	[tilespmem:s23+$0xFFFFFFF0] =	vst v61;
	v63 =	vmul.f32 v55, v57  }
0x250: {  	[tilespmem:s28+$0x70] =	vst v62  }
0x251: {  	s24 =	rddreg [dreg:$0x2];
	s25 =	simm.s32 $0x8980;
	s23 =	sadd.s32 $0xC0, s2;
	[tilespmem:s28+$0xFFFFFFF0] =	vst v63  }
0x252: {  	[spmem:s24] =	stream.indirect.scatter.add.f32 [tilespmem:s25], [sflag:$0x7], $0x80, s23, s16, $0xb8;
	[tilespmem:$0x1E580] =	vst v63  }
0x253: {  	_ =	swait.ge [sflag:s15], $0x2000  }
0x254: {  	[sflag:s15] =	ssyncset.done $0x0  }
0x255: {  	s22 =	sadd.s32 $0x1, s22;
	s26 =	simm.s32 $0x2;
	[sflag:s15] =	ssyncadd.s32 $0xFFFFE000  }
0x256: {  	p0 =	sne.s32 s22, $0x51;
	_ =	swait.ge [sflag:s26], $0x40  }
.Ltmp2:
0x257: {  	s0 =	sshll.u32 s0, $0x6;
	[sflag:s26] =	ssyncset.done $0x0;
	(pc) =	sbr.rel @p0 .LBB2_2-.Ltmp2, $4  }
0x258: {  	s0 =	sand.u32 $0x3FFFFFC0, s0;
	s28 =	simm.s32 $0x4980;
	[sflag:s26] =	ssyncadd.s32 $0xFFFFFFC0  }
0x259: {  	[tilespmem:s28], [sflag:$0x5] =	stream.indirect.gather [hbm4b:s5+s16], $0x80, s16, s16, $0xb8;
	[tilespmem:$0x1E580] =	vst v63  }
0x25a: {  	s31 =	simm.s32 $0x7980;
	s0 =	sadd.s32 $0x80, s0  }
0x25b: {  	[tilespmem:s31], [sflag:$0x6] =	stream.indirect.gather [hbm4b:s6+s16], $0x40, s0, s16, $0xb8;
	[tilespmem:$0x1E580] =	vst v63  }
0x25c: {  	s0 =	simm.s32 $0x3  }
0x25d: {  	_ =	swait.ge [sflag:s0], $0x2000  }
0x25e: {  	[sflag:s0] =	ssyncset.done $0x0  }
0x25f: {  	s31 =	simm.s32 $0x4;
	[sflag:s0] =	ssyncadd.s32 $0xFFFFE000  }
0x260: {  	_ =	swait.ge [sflag:s31], $0x1000  }
0x261: {  	[sflag:s31] =	ssyncset.done $0x0  }
0x262: {  	s10 =	simm.s32 $0x2A00;
	[sflag:s31] =	ssyncadd.s32 $0xFFFFF000  }
0x263: {  	s21 =	simm.s32 $0x69C0;
	v0 =	vld [tilespmem:s10+$0x0]  }
0x264: {  	v1 =	vld [tilespmem:s21+$0x0];
	_ =	sdelay $0x4  }
0x265: {  	v0 =	vadd.f32 v1, v0;
	_ =	sdelay $0x1  }
0x266: {  	v1 =	vmul.f32 $2.000000030e-01, v0;
	_ =	sdelay $0x1  }
0x267: {  	v0 =	vmax.f32 v0, v1  }
0x268: {  	v0 =	vmul.f32 $1.442695020e+00, v0  }
0x269: {  	v1 =	vld [tilespmem:s21+$0xFFFFFFC0]  }
0x26a: {  	(erf) = vpow2.f32 v0;
	v0 =	vld [tilespmem:s10+$0xFFFFFF80];
	_ =	sdelay $0x4  }
0x26b: {  	v0 =	vadd.f32 v1, v0;
	_ =	sdelay $0x1  }
0x26c: {  	v1 =	vmul.f32 $2.000000030e-01, v0  }
0x26d: {  	s23 =	simm.s32 $0x6A40  }
0x26e: {  	s2 =	simm.s32 $0x8A00;
	s0 =	simm.s32 $0x2B00;
	v4 =	vld [tilespmem:s23+$0x0];
	v2 =	vpop (erf);
	v0 =	vmax.f32 v0, v1  }
0x26f: {  	v1 =	vld [tilespmem:s0+$0x0];
	[tilespmem:s2+$0x0] =	vst v2;
	v0 =	vmul.f32 $1.442695020e+00, v0  }
0x270: {  	v3 =	vld [tilespmem:s10+$0x40]  }
0x271: {  	(erf) = vpow2.f32 v0;
	_ =	sdelay $0x3  }
0x272: {  	v1 =	vadd.f32 v4, v1;
	v0 =	vmul.f32 v2, v3;
	_ =	sdelay $0x1  }
0x273: {  	v2 =	vld [tilespmem:s23+$0xFFFFFFC0];
	[tilespmem:s2+$0x40] =	vst v0;
	v0 =	vmul.f32 $2.000000030e-01, v1  }
0x274: {  	v3 =	vld [tilespmem:s0+$0xFFFFFF80]  }
0x275: {  	v0 =	vmax.f32 v1, v0  }
0x276: {  	v4 =	vld [tilespmem:s10+$0x10];
	v5 =	vpop (erf);
	v0 =	vmul.f32 $1.442695020e+00, v0  }
0x277: {  	v1 =	vld [tilespmem:s21+$0x10];
	[tilespmem:s2+$0xFFFFFF80] =	vst v5  }
0x278: {  	v6 =	vld [tilespmem:s10+$0xFFFFFFC0];
	(erf) = vpow2.f32 v0  }
0x279: {  	v2 =	vadd.f32 v2, v3;
	_ =	sdelay $0x1  }
0x27a: {  	v0 =	vmul.f32 $2.000000030e-01, v2  }
0x27b: {  	v1 =	vadd.f32 v1, v4  }
0x27c: {  	v0 =	vmax.f32 v2, v0;
	v3 =	vmul.f32 v5, v6  }
0x27d: {  	v0 =	vmul.f32 $1.442695020e+00, v0;
	v2 =	vmul.f32 $2.000000030e-01, v1  }
0x27e: {  	s17 =	simm.s32 $0x6AC0  }
0x27f: {  	(erf) = vpow2.f32 v0;
	v5 =	vld [tilespmem:s17+$0x0];
	v1 =	vmax.f32 v1, v2;
	[tilespmem:s2+$0xFFFFFFC0] =	vst v3  }
0x280: {  	s11 =	simm.s32 $0x8B00;
	v0 =	vmul.f32 $1.442695020e+00, v1;
	v1 =	vld [tilespmem:s10+$0xFFFFFF90];
	v3 =	vpop (erf)  }
0x281: {  	v2 =	vld [tilespmem:s21+$0xFFFFFFD0];
	[tilespmem:s11+$0x0] =	vst v3  }
0x282: {  	s12 =	simm.s32 $0x2C00;
	(erf) = vpow2.f32 v0;
	v4 =	vld [tilespmem:s0+$0x40]  }
0x283: {  	v0 =	vld [tilespmem:s12+$0x0];
	_ =	sdelay $0x3  }
0x284: {  	v3 =	vmul.f32 v3, v4  }
0x285: {  	v6 =	vld [tilespmem:s17+$0xFFFFFFC0];
	v1 =	vadd.f32 v2, v1;
	v2 =	vpop (erf);
	v0 =	vadd.f32 v5, v0  }
0x286: {  	[tilespmem:s11+$0xFFFFFF80] =	vst v2;
	v4 =	vld [tilespmem:s12+$0xFFFFFF80]  }
0x287: {  	v7 =	vld [tilespmem:s0+$0xFFFFFFC0];
	v8 =	vmul.f32 $2.000000030e-01, v0;
	[tilespmem:s11+$0x40] =	vst v3  }
0x288: {  	v5 =	vmul.f32 $2.000000030e-01, v1;
	v9 =	vld [tilespmem:s0+$0x10];
	v3 =	vpop (erf)  }
0x289: {  	v0 =	vmax.f32 v0, v8;
	v8 =	vld [tilespmem:s23+$0x10];
	[tilespmem:s2+$0x10] =	vst v3  }
0x28a: {  	v1 =	vmax.f32 v1, v5;
	v5 =	vld [tilespmem:s10+$0x50]  }
0x28b: {  	v1 =	vmul.f32 $1.442695020e+00, v1  }
0x28c: {  	v0 =	vmul.f32 $1.442695020e+00, v0  }
0x28d: {  	(erf) = vpow2.f32 v1;
	v2 =	vmul.f32 v2, v7  }
0x28e: {  	v1 =	vadd.f32 v6, v4;
	(erf) = vpow2.f32 v0  }
0x28f: {  	[tilespmem:s11+$0xFFFFFFC0] =	vst v2;
	v2 =	vmul.f32 v3, v5;
	v3 =	vadd.f32 v8, v9  }
0x290: {  	v0 =	vmul.f32 $2.000000030e-01, v1  }
0x291: {  	v4 =	vld [tilespmem:s0+$0xFFFFFF90];
	[tilespmem:s2+$0x50] =	vst v2;
	v2 =	vmul.f32 $2.000000030e-01, v3  }
0x292: {  	v0 =	vmax.f32 v1, v0;
	v1 =	vld [tilespmem:s23+$0xFFFFFFD0]  }
0x293: {  	v5 =	vld [tilespmem:s10+$0x20];
	v2 =	vmax.f32 v3, v2  }
0x294: {  	v0 =	vmul.f32 $1.442695020e+00, v0;
	v3 =	vld [tilespmem:s21+$0x20];
	_ =	sdelay $0x1  }
0x295: {  	s18 =	simm.s32 $0x6B40;
	(erf) = vpow2.f32 v0;
	v0 =	vmul.f32 $1.442695020e+00, v2;
	v2 =	vpop (erf)  }
0x296: {  	s13 =	simm.s32 $0x2D00;
	s8 =	simm.s32 $0x8C00;
	v7 =	vld [tilespmem:s18+$0x0];
	v6 =	vpop (erf)  }
0x297: {  	(erf) = vpow2.f32 v0;
	v0 =	vadd.f32 v1, v4;
	v1 =	vld [tilespmem:s13+$0x0];
	[tilespmem:s8+$0x0] =	vst v6  }
0x298: {  	v3 =	vadd.f32 v3, v5;
	v4 =	vld [tilespmem:s12+$0x40]  }
0x299: {  	v5 =	vmul.f32 $2.000000030e-01, v0  }
0x29a: {  	v8 =	vmul.f32 $2.000000030e-01, v3  }
0x29b: {  	v0 =	vmax.f32 v0, v5  }
0x29c: {  	v0 =	vmul.f32 $1.442695020e+00, v0;
	v3 =	vmax.f32 v3, v8  }
0x29d: {  	v9 =	vld [tilespmem:s18+$0xFFFFFFC0];
	[tilespmem:s2+$0xFFFFFF90] =	vst v2;
	v1 =	vadd.f32 v7, v1;
	v3 =	vmul.f32 $1.442695020e+00, v3;
	v4 =	vmul.f32 v6, v4  }
0x29e: {  	v5 =	vld [tilespmem:s10+$0xFFFFFFD0];
	v8 =	vpop (erf);
	(erf) = vpow2.f32 v0  }
0x29f: {  	v0 =	vld [tilespmem:s13+$0xFFFFFF80];
	[tilespmem:s8+$0xFFFFFF80] =	vst v8;
	(erf) = vpow2.f32 v3;
	v3 =	vmul.f32 $2.000000030e-01, v1  }
0x2a0: {  	v6 =	vld [tilespmem:s12+$0xFFFFFFC0];
	[tilespmem:s8+$0x40] =	vst v4  }
0x2a1: {  	v7 =	vld [tilespmem:s12+$0x10];
	v1 =	vmax.f32 v1, v3;
	v4 =	vpop (erf)  }
0x2a2: {  	v3 =	vld [tilespmem:s17+$0x10];
	v1 =	vmul.f32 $1.442695020e+00, v1;
	[tilespmem:s11+$0x10] =	vst v4  }
0x2a3: {  	v2 =	vmul.f32 v2, v5;
	v10 =	vld [tilespmem:s0+$0x50]  }
0x2a4: {  	(erf) = vpow2.f32 v1  }
0x2a5: {  	[tilespmem:s2+$0xFFFFFFD0] =	vst v2  }
0x2a6: {  	v5 =	vld [tilespmem:s10+$0xFFFFFFA0];
	v0 =	vadd.f32 v9, v0;
	v2 =	vmul.f32 v8, v6  }
0x2a7: {  	v1 =	vld [tilespmem:s21+$0xFFFFFFE0]  }
0x2a8: {  	v3 =	vadd.f32 v3, v7;
	[tilespmem:s8+$0xFFFFFFC0] =	vst v2;
	v2 =	vmul.f32 v4, v10;
	v4 =	vmul.f32 $2.000000030e-01, v0  }
0x2a9: {  	v8 =	vld [tilespmem:s12+$0xFFFFFF90]  }
0x2aa: {  	v7 =	vld [tilespmem:s17+$0xFFFFFFD0];
	v0 =	vmax.f32 v0, v4;
	v4 =	vmul.f32 $2.000000030e-01, v3  }
0x2ab: {  	v6 =	vpop (erf);
	[tilespmem:s11+$0x50] =	vst v2;
	v0 =	vmul.f32 $1.442695020e+00, v0  }
0x2ac: {  	v1 =	vadd.f32 v1, v5;
	v9 =	vld [tilespmem:s0+$0x20];
	v2 =	vpop (erf);
	v3 =	vmax.f32 v3, v4  }
0x2ad: {  	s14 =	simm.s32 $0x8D00;
	v4 =	vld [tilespmem:s23+$0x20];
	(erf) = vpow2.f32 v0;
	v0 =	vmul.f32 $1.442695020e+00, v3;
	v5 =	vpop (erf)  }
0x2ae: {  	v3 =	vmul.f32 $2.000000030e-01, v1;
	[tilespmem:s14+$0x0] =	vst v5  }
0x2af: {  	[tilespmem:s2+$0x20] =	vst v2;
	(erf) = vpow2.f32 v0;
	v0 =	vadd.f32 v7, v8;
	v7 =	vld [tilespmem:s13+$0x40]  }
0x2b0: {  	v10 =	vld [tilespmem:s10+$0x60];
	v1 =	vmax.f32 v1, v3  }
0x2b1: {  	s1 =	simm.s32 $0x2E00;
	v1 =	vmul.f32 $1.442695020e+00, v1  }
0x2b2: {  	s19 =	simm.s32 $0x6BC0;
	v3 =	vld [tilespmem:s1+$0x0];
	v4 =	vadd.f32 v4, v9  }
0x2b3: {  	v8 =	vmul.f32 $2.000000030e-01, v0;
	v9 =	vld [tilespmem:s19+$0x0];
	(erf) = vpow2.f32 v1  }
0x2b4: {  	[tilespmem:s11+$0xFFFFFF90] =	vst v6;
	v1 =	vmul.f32 $2.000000030e-01, v4;
	v5 =	vmul.f32 v5, v7  }
0x2b5: {  	v2 =	vmul.f32 v2, v10;
	v10 =	vld [tilespmem:s0+$0xFFFFFFD0];
	v0 =	vmax.f32 v0, v8  }
0x2b6: {  	v0 =	vmul.f32 $1.442695020e+00, v0;
	v1 =	vmax.f32 v4, v1  }
0x2b7: {  	v11 =	vld [tilespmem:s19+$0xFFFFFFC0];
	[tilespmem:s2+$0x60] =	vst v2;
	v8 =	vpop (erf);
	v1 =	vmul.f32 $1.442695020e+00, v1  }
0x2b8: {  	v2 =	vld [tilespmem:s10+$0x30];
	(erf) = vpow2.f32 v0;
	v3 =	vadd.f32 v9, v3;
	[tilespmem:s14+$0x40] =	vst v5;
	v5 =	vpop (erf)  }
0x2b9: {  	v4 =	vld [tilespmem:s21+$0x30];
	(erf) = vpow2.f32 v1;
	[tilespmem:s8+$0x10] =	vst v5  }
0x2ba: {  	[tilespmem:s14+$0xFFFFFF80] =	vst v8;
	v1 =	vmul.f32 $2.000000030e-01, v3;
	v6 =	vmul.f32 v6, v10;
	v10 =	vld [tilespmem:s12+$0x50]  }
0x2bb: {  	v7 =	vld [tilespmem:s13+$0xFFFFFFC0]  }
0x2bc: {  	v0 =	vld [tilespmem:s1+$0xFFFFFF80];
	v1 =	vmax.f32 v3, v1  }
0x2bd: {  	v9 =	vld [tilespmem:s13+$0x10];
	v1 =	vmul.f32 $1.442695020e+00, v1  }
0x2be: {  	v3 =	vld [tilespmem:s18+$0x10];
	v2 =	vadd.f32 v4, v2  }
0x2bf: {  	[tilespmem:s11+$0xFFFFFFD0] =	vst v6;
	v4 =	vpop (erf);
	(erf) = vpow2.f32 v1;
	v5 =	vmul.f32 v5, v10  }
0x2c0: {  	v12 =	vld [tilespmem:s0+$0xFFFFFFA0];
	[tilespmem:s2+$0xFFFFFFA0] =	vst v4;
	v6 =	vmul.f32 $2.000000030e-01, v2;
	v7 =	vmul.f32 v8, v7  }
0x2c1: {  	v0 =	vadd.f32 v11, v0;
	v1 =	vld [tilespmem:s10+$0xFFFFFFE0]  }
0x2c2: {  	v2 =	vmax.f32 v2, v6;
	v6 =	vld [tilespmem:s23+$0xFFFFFFE0];
	[tilespmem:s14+$0xFFFFFFC0] =	vst v7;
	v8 =	vpop (erf)  }
0x2c3: {  	v7 =	vmul.f32 $2.000000030e-01, v0;
	v3 =	vadd.f32 v3, v9;
	v2 =	vmul.f32 $1.442695020e+00, v2;
	v10 =	vld [tilespmem:s13+$0xFFFFFF90];
	[tilespmem:s8+$0x50] =	vst v5;
	v5 =	vpop (erf)  }
0x2c4: {  	v9 =	vld [tilespmem:s18+$0xFFFFFFD0];
	[tilespmem:s11+$0x20] =	vst v5  }
0x2c5: {  	v0 =	vmax.f32 v0, v7;
	(erf) = vpow2.f32 v2;
	v2 =	vmul.f32 $2.000000030e-01, v3;
	v11 =	vld [tilespmem:s0+$0x60]  }
0x2c6: {  	v7 =	vld [tilespmem:s12+$0x20];
	v0 =	vmul.f32 $1.442695020e+00, v0;
	v1 =	vmul.f32 v4, v1  }
0x2c7: {  	v4 =	vadd.f32 v6, v12;
	v2 =	vmax.f32 v3, v2;
	v3 =	vld [tilespmem:s17+$0x20]  }
0x2c8: {  	s20 =	simm.s32 $0x8E00;
	(erf) = vpow2.f32 v0;
	[tilespmem:s2+$0xFFFFFFE0] =	vst v1;
	v0 =	vmul.f32 $1.442695020e+00, v2;
	v12 =	vpop (erf)  }
0x2c9: {  	v6 =	vld [tilespmem:s10+$0xFFFFFFB0];
	v1 =	vmul.f32 $2.000000030e-01, v4;
	[tilespmem:s20+$0x0] =	vst v12  }
0x2ca: {  	v9 =	vadd.f32 v9, v10;
	(erf) = vpow2.f32 v0;
	v10 =	vld [tilespmem:s1+$0x40];
	v5 =	vmul.f32 v5, v11  }
0x2cb: {  	s3 =	simm.s32 $0x2F00;
	v0 =	vld [tilespmem:s21+$0xFFFFFFF0];
	v1 =	vmax.f32 v4, v1  }
0x2cc: {  	v4 =	vld [tilespmem:s3+$0x0];
	s21 =	simm.s32 $0x6C40;
	v1 =	vmul.f32 $1.442695020e+00, v1;
	v3 =	vadd.f32 v3, v7;
	v7 =	vmul.f32 $2.000000030e-01, v9  }
0x2cd: {  	[tilespmem:s8+$0xFFFFFF90] =	vst v8;
	v11 =	vld [tilespmem:s21+$0x0]  }
0x2ce: {  	v2 =	vld [tilespmem:s12+$0xFFFFFFD0];
	[tilespmem:s11+$0x60] =	vst v5;
	v7 =	vmax.f32 v9, v7;
	v5 =	vpop (erf);
	(erf) = vpow2.f32 v1;
	v1 =	vmul.f32 $2.000000030e-01, v3  }
0x2cf: {  	v13 =	vld [tilespmem:s0+$0x30];
	v7 =	vmul.f32 $1.442695020e+00, v7;
	v10 =	vmul.f32 v12, v10  }
0x2d0: {  	v0 =	vadd.f32 v0, v6;
	v6 =	vld [tilespmem:s21+$0xFFFFFFC0];
	v1 =	vmax.f32 v3, v1  }
0x2d1: {  	v14 =	vpop (erf);
	(erf) = vpow2.f32 v7;
	v7 =	vld [tilespmem:s3+$0xFFFFFF80];
	v1 =	vmul.f32 $1.442695020e+00, v1  }
0x2d2: {  	v4 =	vadd.f32 v11, v4;
	v3 =	vld [tilespmem:s23+$0x30];
	[tilespmem:s20+$0xFFFFFF80] =	vst v14  }
0x2d3: {  	v11 =	vmul.f32 $2.000000030e-01, v0;
	[tilespmem:s20+$0x40] =	vst v10;
	v12 =	vld [tilespmem:s1+$0xFFFFFFC0];
	v10 =	vpop (erf);
	(erf) = vpow2.f32 v1  }
0x2d4: {  	[tilespmem:s14+$0x10] =	vst v10;
	v1 =	vmul.f32 v8, v2;
	v2 =	vmul.f32 $2.000000030e-01, v4;
	v8 =	vld [tilespmem:s1+$0x10]  }
0x2d5: {  	[tilespmem:s2+$0x30] =	vst v5;
	v0 =	vmax.f32 v0, v11;
	v11 =	vld [tilespmem:s13+$0x50]  }
0x2d6: {  	v0 =	vmul.f32 $1.442695020e+00, v0;
	[tilespmem:s8+$0xFFFFFFD0] =	vst v1;
	v1 =	vmax.f32 v4, v2;
	v4 =	vld [tilespmem:s19+$0x10]  }
0x2d7: {  	v9 =	vld [tilespmem:s10+$0x70]  }
0x2d8: {  	(erf) = vpow2.f32 v0;
	v3 =	vadd.f32 v3, v13  }
0x2d9: {  	v1 =	vmul.f32 $1.442695020e+00, v1;
	v16 =	vld [tilespmem:s12+$0xFFFFFFA0];
	v2 =	vmul.f32 v14, v12;
	v15 =	vpop (erf)  }
0x2da: {  	v6 =	vadd.f32 v6, v7;
	v0 =	vld [tilespmem:s17+$0xFFFFFFE0];
	[tilespmem:s11+$0xFFFFFFA0] =	vst v15;
	v7 =	vmul.f32 v10, v11;
	v10 =	vmul.f32 $2.000000030e-01, v3  }
0x2db: {  	(erf) = vpow2.f32 v1;
	v1 =	vld [tilespmem:s0+$0xFFFFFFE0];
	v4 =	vadd.f32 v4, v8  }
0x2dc: {  	v8 =	vmul.f32 v5, v9;
	v9 =	vmul.f32 $2.000000030e-01, v6;
	[tilespmem:s14+$0x50] =	vst v7;
	v7 =	vmax.f32 v3, v10  }
0x2dd: {  	[tilespmem:s20+$0xFFFFFFC0] =	vst v2;
	v7 =	vmul.f32 $1.442695020e+00, v7  }
0x2de: {  	v12 =	vld [tilespmem:s1+$0xFFFFFF90];
	v2 =	vpop (erf);
	v10 =	vmul.f32 $2.000000030e-01, v4;
	v6 =	vmax.f32 v6, v9  }
0x2df: {  	v13 =	vld [tilespmem:s19+$0xFFFFFFD0];
	v0 =	vadd.f32 v0, v16;
	v5 =	vpop (erf);
	v9 =	vmul.f32 $1.442695020e+00, v6;
	(erf) = vpow2.f32 v7  }
0x2e0: {  	v3 =	vld [tilespmem:s13+$0x20];
	[tilespmem:s8+$0x20] =	vst v5;
	v1 =	vmul.f32 v15, v1  }
0x2e1: {  	v11 =	vld [tilespmem:s12+$0x60];
	v4 =	vmax.f32 v4, v10;
	v10 =	vmul.f32 $2.000000030e-01, v0;
	(erf) = vpow2.f32 v9  }
0x2e2: {  	[tilespmem:s14+$0xFFFFFF90] =	vst v2;
	v6 =	vld [tilespmem:s18+$0x20]  }
0x2e3: {  	v7 =	vld [tilespmem:s13+$0xFFFFFFD0];
	v14 =	vmul.f32 $1.442695020e+00, v4;
	[tilespmem:s11+$0xFFFFFFE0] =	vst v1  }
0x2e4: {  	s26 =	simm.s32 $0xA;
	[tilespmem:s2+$0x70] =	vst v8;
	v8 =	vadd.f32 v13, v12;
	v1 =	vmax.f32 v0, v10;
	v0 =	vpop (erf);
	v4 =	vld [tilespmem:s0+$0xFFFFFFB0]  }
0x2e5: {  	s4 =	simm.s32 $0x3000;
	s22 =	simm.s32 $0x8F00;
	(erf) = vpow2.f32 v14;
	v12 =	vmul.f32 $1.442695020e+00, v1;
	v9 =	vld [tilespmem:s23+$0xFFFFFFF0];
	[tilespmem:s2+$0xFFFFFFB0] =	vst v0;
	v10 =	vpop (erf)  }
.LBB2_8:
0x2e6: {  	v1 =	vld [tilespmem:s4+$0x0];
	[tilespmem:s22+$0x0] =	vst v10;
	v13 =	vmul.f32 $2.000000030e-01, v8;
	v14 =	vmul.f32 v5, v11;
	s23 =	smov.u32 s18;
	s18 =	smov.u32 s19;
	s19 =	smov.u32 s21  }
0x2e7: {  	s21 =	sadd.s32 $0x80, s21;
	s24 =	smov.u32 s14;
	s14 =	smov.u32 s20;
	v11 =	vld [tilespmem:s3+$0x40];
	v3 =	vadd.f32 v6, v3;
	(erf) = vpow2.f32 v12  }
0x2e8: {  	s20 =	smov.u32 s22;
	v6 =	vld [tilespmem:s21+$0x0];
	v8 =	vmax.f32 v8, v13;
	v2 =	vmul.f32 v2, v7;
	[tilespmem:s8+$0x60] =	vst v14;
	v5 =	vpop (erf)  }
0x2e9: {  	v7 =	vmul.f32 $1.442695020e+00, v8;
	v8 =	vmul.f32 $2.000000030e-01, v3;
	v12 =	vld [tilespmem:s12+$0x30];
	[tilespmem:s11+$0x30] =	vst v5  }
0x2ea: {  	v13 =	vpop (erf);
	[tilespmem:s24+$0xFFFFFFD0] =	vst v2;
	v2 =	vadd.f32 v9, v4;
	v4 =	vld [tilespmem:s0+$0x70]  }
0x2eb: {  	[tilespmem:s22+$0xFFFFFF80] =	vst v13;
	(erf) = vpow2.f32 v7;
	v3 =	vmax.f32 v3, v8;
	v7 =	vld [tilespmem:s17+$0x30]  }
0x2ec: {  	v8 =	vld [tilespmem:s21+$0xFFFFFFC0];
	v14 =	vmul.f32 v10, v11;
	v3 =	vmul.f32 $1.442695020e+00, v3  }
0x2ed: {  	v10 =	vld [tilespmem:s4+$0xFFFFFF80];
	v1 =	vadd.f32 v6, v1;
	v6 =	vmul.f32 $2.000000030e-01, v2  }
0x2ee: {  	s26 =	sadd.s32 $0x2, s26;
	v11 =	vld [tilespmem:s3+$0xFFFFFFC0];
	[tilespmem:s22+$0x40] =	vst v14;
	v9 =	vpop (erf);
	(erf) = vpow2.f32 v3  }
0x2ef: {  	p0 =	slt.u32 s26, $0x3E;
	v3 =	vmul.f32 $2.000000030e-01, v1;
	v14 =	vld [tilespmem:s3+$0x10];
	[tilespmem:s14+$0x10] =	vst v9;
	v2 =	vmax.f32 v2, v6;
	v4 =	vmul.f32 v5, v4  }
0x2f0: {  	v5 =	vld [tilespmem:s1+$0x50];
	v6 =	vadd.f32 v7, v12;
	v7 =	vpop (erf);
	v2 =	vmul.f32 $1.442695020e+00, v2  }
0x2f1: {  	v1 =	vmax.f32 v1, v3;
	v3 =	vld [tilespmem:s19+$0x10];
	[tilespmem:s11+$0x70] =	vst v4  }
0x2f2: {  	v4 =	vadd.f32 v8, v10;
	v1 =	vmul.f32 $1.442695020e+00, v1;
	v8 =	vld [tilespmem:s13+$0xFFFFFFA0];
	[tilespmem:s8+$0xFFFFFFA0] =	vst v7;
	v10 =	vmul.f32 $2.000000030e-01, v6  }
0x2f3: {  	v11 =	vmul.f32 v13, v11;
	v12 =	vld [tilespmem:s23+$0xFFFFFFE0];
	(erf) = vpow2.f32 v2  }
0x2f4: {  	v13 =	vmul.f32 $2.000000030e-01, v4;
	(erf) = vpow2.f32 v1;
	v2 =	vpop (erf);
	v1 =	vld [tilespmem:s12+$0xFFFFFFE0];
	v6 =	vmax.f32 v6, v10  }
0x2f5: {  	[tilespmem:s22+$0xFFFFFFC0] =	vst v11;
	v11 =	vmul.f32 v9, v5;
	v6 =	vmul.f32 $1.442695020e+00, v6;
	v9 =	vld [tilespmem:s10+$0xFFFFFFF0];
	s10 =	smov.u32 s0;
	s0 =	smov.u32 s12;
	s12 =	smov.u32 s13  }
0x2f6: {  	s13 =	smov.u32 s1;
	s1 =	smov.u32 s3;
	v4 =	vmax.f32 v4, v13;
	v10 =	vld [tilespmem:s3+$0xFFFFFF90];
	v13 =	vadd.f32 v3, v14;
	[tilespmem:s14+$0xFFFFFF90] =	vst v2;
	s3 =	smov.u32 s4  }
0x2f7: {  	v4 =	vmul.f32 $1.442695020e+00, v4;
	v14 =	vld [tilespmem:s19+$0xFFFFFFD0];
	[tilespmem:s14+$0x50] =	vst v11;
	v5 =	vpop (erf);
	(erf) = vpow2.f32 v6  }
0x2f8: {  	v6 =	vmul.f32 $2.000000030e-01, v13;
	v3 =	vld [tilespmem:s13+$0x20];
	v12 =	vadd.f32 v12, v8;
	[tilespmem:s24+$0x20] =	vst v5  }
.Ltmp3:
0x2f9: {  	(erf) = vpow2.f32 v4;
	v11 =	vld [tilespmem:s12+$0x60];
	v1 =	vmul.f32 v7, v1;
	(pc) =	sbr.rel @p0 .LBB2_8-.Ltmp3, $4  }
0x2fa: {  	v4 =	vmax.f32 v13, v6;
	v6 =	vld [tilespmem:s18+$0x20];
	v13 =	vmul.f32 $2.000000030e-01, v12;
	v9 =	vmul.f32 v0, v9  }
0x2fb: {  	v15 =	vmul.f32 $1.442695020e+00, v4;
	v7 =	vld [tilespmem:s13+$0xFFFFFFD0];
	[tilespmem:s8+$0xFFFFFFE0] =	vst v1  }
0x2fc: {  	v8 =	vadd.f32 v14, v10;
	v1 =	vmax.f32 v12, v13;
	v4 =	vld [tilespmem:s0+$0xFFFFFFB0];
	v0 =	vpop (erf);
	[tilespmem:s2+$0xFFFFFFF0] =	vst v9;
	s2 =	smov.u32 s11;
	s11 =	smov.u32 s8;
	s8 =	smov.u32 s24  }
0x2fd: {  	s22 =	sadd.s32 $0x100, s22;
	s4 =	sadd.s32 $0x100, s4;
	v10 =	vpop (erf);
	(erf) = vpow2.f32 v15;
	v12 =	vmul.f32 $1.442695020e+00, v1;
	v9 =	vld [tilespmem:s17+$0xFFFFFFF0];
	[tilespmem:s2+$0xFFFFFFB0] =	vst v0;
	s17 =	smov.u32 s23  }
0x2fe: {  	_ =	sdelay $0x3  }
0x2ff: {  	[tilespmem:s22+$0x0] =	vst v10  }
0x300: {  	v13 =	vld [tilespmem:s3+$0x40];
	v1 =	vpop (erf)  }
0x301: {  	v5 =	vmul.f32 v5, v11;
	v11 =	vpop (erf)  }
0x302: {  	[tilespmem:s22+$0xFFFFFF80] =	vst v11  }
0x303: {  	[tilespmem:s8+$0x60] =	vst v5;
	v5 =	vld [tilespmem:s3+$0xFFFFFFC0];
	v14 =	vpop (erf)  }
0x304: {  	v2 =	vmul.f32 v2, v7;
	v15 =	vld [tilespmem:s12+$0x30];
	[tilespmem:s20+$0x10] =	vst v14  }
0x305: {  	v10 =	vmul.f32 v10, v13;
	v13 =	vld [tilespmem:s1+$0x50]  }
0x306: {  	v7 =	vld [tilespmem:s17+$0x30];
	[tilespmem:s14+$0xFFFFFFD0] =	vst v2  }
0x307: {  	v3 =	vadd.f32 v6, v3;
	v16 =	vld [tilespmem:s13+$0xFFFFFFA0];
	[tilespmem:s22+$0x40] =	vst v10  }
0x308: {  	v10 =	vmul.f32 $2.000000030e-01, v8;
	v6 =	vld [tilespmem:s3+$0x10];
	v5 =	vmul.f32 v11, v5  }
0x309: {  	v2 =	vld [tilespmem:s21+$0x10];
	v11 =	vmul.f32 $2.000000030e-01, v3  }
0x30a: {  	(erf) = vpow2.f32 v12;
	v8 =	vmax.f32 v8, v10;
	v10 =	vld [tilespmem:s18+$0xFFFFFFE0];
	[tilespmem:s22+$0xFFFFFFC0] =	vst v5;
	v5 =	vmul.f32 v14, v13  }
0x30b: {  	v4 =	vadd.f32 v9, v4;
	v8 =	vmul.f32 $1.442695020e+00, v8;
	v3 =	vmax.f32 v3, v11;
	v9 =	vld [tilespmem:s3+$0xFFFFFF90]  }
0x30c: {  	v3 =	vmul.f32 $1.442695020e+00, v3;
	v11 =	vld [tilespmem:s21+$0xFFFFFFD0];
	[tilespmem:s20+$0x50] =	vst v5  }
0x30d: {  	v7 =	vadd.f32 v7, v15;
	(erf) = vpow2.f32 v8;
	v5 =	vmul.f32 $2.000000030e-01, v4;
	v8 =	vld [tilespmem:s1+$0x20]  }
0x30e: {  	(erf) = vpow2.f32 v3;
	v3 =	vld [tilespmem:s19+$0x20]  }
0x30f: {  	v2 =	vadd.f32 v2, v6;
	v4 =	vmax.f32 v4, v5;
	v5 =	vmul.f32 $2.000000030e-01, v7  }
0x310: {  	v4 =	vmul.f32 $1.442695020e+00, v4  }
0x311: {  	v6 =	vmul.f32 $2.000000030e-01, v2;
	v5 =	vmax.f32 v7, v5;
	v7 =	vadd.f32 v10, v16  }
0x312: {  	(erf) = vpow2.f32 v4;
	v4 =	vmul.f32 $1.442695020e+00, v5;
	v5 =	vadd.f32 v11, v9  }
0x313: {  	v2 =	vmax.f32 v2, v6;
	v9 =	vpop (erf);
	v6 =	vmul.f32 $2.000000030e-01, v7;
	v3 =	vadd.f32 v3, v8  }
0x314: {  	v2 =	vmul.f32 $1.442695020e+00, v2;
	[tilespmem:s8+$0xFFFFFFA0] =	vst v9;
	v8 =	vmul.f32 $2.000000030e-01, v5  }
0x315: {  	(erf) = vpow2.f32 v4;
	v4 =	vmax.f32 v7, v6;
	v6 =	vmul.f32 $2.000000030e-01, v3;
	v7 =	vld [tilespmem:s12+$0xFFFFFFE0];
	_ =	sdelay $0x1  }
0x316: {  	(erf) = vpow2.f32 v2;
	v2 =	vmul.f32 $1.442695020e+00, v4;
	v4 =	vmax.f32 v5, v8  }
0x317: {  	v5 =	vpop (erf);
	v4 =	vmul.f32 $1.442695020e+00, v4;
	v3 =	vmax.f32 v3, v6  }
0x318: {  	[tilespmem:s20+$0xFFFFFF90] =	vst v5;
	(erf) = vpow2.f32 v2;
	v2 =	vmul.f32 $1.442695020e+00, v3;
	v6 =	vpop (erf)  }
0x319: {  	(erf) = vpow2.f32 v4;
	[tilespmem:s14+$0x20] =	vst v6;
	v4 =	vmul.f32 v9, v7;
	v7 =	vld [tilespmem:s1+$0xFFFFFFD0]  }
0x31a: {  	v3 =	vld [tilespmem:s13+$0x60]  }
0x31b: {  	(erf) = vpow2.f32 v2;
	_ =	sdelay $0x1  }
0x31c: {  	v2 =	vpop (erf)  }
0x31d: {  	[tilespmem:s8+$0xFFFFFFE0] =	vst v4;
	v4 =	vpop (erf)  }
0x31e: {  	v5 =	vmul.f32 v5, v7;
	v3 =	vmul.f32 v6, v3;
	v6 =	vpop (erf)  }
0x31f: {  	v8 =	vld [tilespmem:s12+$0xFFFFFFB0];
	[tilespmem:s22+$0x10] =	vst v6  }
0x320: {  	v9 =	vld [tilespmem:s17+$0xFFFFFFF0];
	[tilespmem:s20+$0xFFFFFFD0] =	vst v5  }
0x321: {  	v10 =	vpop (erf);
	[tilespmem:s14+$0x60] =	vst v3;
	v3 =	vld [tilespmem:s3+$0x50]  }
0x322: {  	[tilespmem:s14+$0xFFFFFFA0] =	vst v10;
	v12 =	vpop (erf);
	v15 =	vld [tilespmem:s1+$0xFFFFFFA0]  }
0x323: {  	v7 =	vld [tilespmem:s13+$0xFFFFFFE0];
	v13 =	vpop (erf)  }
0x324: {  	v62 =	vld [tilespmem:s19+$0xFFFFFFE0];
	[tilespmem:s20+$0x20] =	vst v13  }
0x325: {  	v5 =	vld [tilespmem:s1+$0x60]  }
0x326: {  	v11 =	vld [tilespmem:s13+$0x30];
	[tilespmem:s22+$0xFFFFFF90] =	vst v12;
	v3 =	vmul.f32 v6, v3  }
0x327: {  	v6 =	vld [tilespmem:s3+$0xFFFFFFD0]  }
0x328: {  	v14 =	vld [tilespmem:s18+$0x30];
	[tilespmem:s22+$0x50] =	vst v3;
	v3 =	vmul.f32 v10, v7  }
0x329: {  	v7 =	vld [tilespmem:s3+$0x20]  }
0x32a: {  	v10 =	vld [tilespmem:s21+$0x20];
	[tilespmem:s14+$0xFFFFFFE0] =	vst v3;
	v3 =	vmul.f32 v13, v5  }
0x32b: {  	v5 =	vld [tilespmem:s13+$0xFFFFFFB0]  }
0x32c: {  	v8 =	vadd.f32 v9, v8;
	v9 =	vld [tilespmem:s18+$0xFFFFFFF0];
	v6 =	vmul.f32 v12, v6;
	[tilespmem:s20+$0x60] =	vst v3  }
0x32d: {  	v3 =	vadd.f32 v14, v11;
	v11 =	vld [tilespmem:s1+$0x30]  }
0x32e: {  	v12 =	vmul.f32 $2.000000030e-01, v8;
	[tilespmem:s22+$0xFFFFFFD0] =	vst v6;
	v6 =	vld [tilespmem:s19+$0x30]  }
0x32f: {  	v13 =	vmul.f32 $2.000000030e-01, v3;
	v14 =	vld [tilespmem:s3+$0xFFFFFFA0]  }
0x330: {  	v8 =	vmax.f32 v8, v12;
	v12 =	vld [tilespmem:s21+$0xFFFFFFE0]  }
0x331: {  	v8 =	vmul.f32 $1.442695020e+00, v8;
	v3 =	vmax.f32 v3, v13;
	v13 =	vadd.f32 v62, v15  }
0x332: {  	v7 =	vadd.f32 v10, v7;
	v3 =	vmul.f32 $1.442695020e+00, v3  }
0x333: {  	(erf) = vpow2.f32 v8;
	v5 =	vadd.f32 v9, v5;
	v8 =	vmul.f32 $2.000000030e-01, v13  }
0x334: {  	v6 =	vadd.f32 v6, v11;
	(erf) = vpow2.f32 v3;
	v3 =	vmul.f32 $2.000000030e-01, v7  }
0x335: {  	v9 =	vmul.f32 $2.000000030e-01, v5;
	v10 =	vadd.f32 v12, v14;
	v8 =	vmax.f32 v13, v8  }
0x336: {  	v8 =	vmul.f32 $1.442695020e+00, v8;
	v3 =	vmax.f32 v7, v3;
	v7 =	vmul.f32 $2.000000030e-01, v6  }
0x337: {  	v5 =	vmax.f32 v5, v9;
	v9 =	vmul.f32 $2.000000030e-01, v10;
	v3 =	vmul.f32 $1.442695020e+00, v3  }
0x338: {  	v5 =	vmul.f32 $1.442695020e+00, v5;
	(erf) = vpow2.f32 v8;
	v6 =	vmax.f32 v6, v7  }
0x339: {  	(erf) = vpow2.f32 v3;
	v3 =	vmul.f32 $1.442695020e+00, v6;
	v6 =	vmax.f32 v10, v9  }
0x33a: {  	(erf) = vpow2.f32 v5;
	v5 =	vmul.f32 $1.442695020e+00, v6  }
0x33b: {  	(erf) = vpow2.f32 v3  }
0x33c: {  	(erf) = vpow2.f32 v5;
	_ =	sdelay $0x2  }
0x33d: {  	v3 =	vpop (erf)  }
0x33e: {  	v5 =	vpop (erf)  }
0x33f: {  	v6 =	vpop (erf)  }
0x340: {  	[tilespmem:s20+$0xFFFFFFA0] =	vst v6;
	v7 =	vpop (erf)  }
0x341: {  	v8 =	vld [tilespmem:s1+$0xFFFFFFE0];
	v9 =	vpop (erf)  }
0x342: {  	[tilespmem:s22+$0x20] =	vst v7;
	v10 =	vpop (erf)  }
0x343: {  	v11 =	vld [tilespmem:s3+$0x60];
	v12 =	vpop (erf)  }
0x344: {  	[tilespmem:s22+$0xFFFFFFA0] =	vst v12  }
0x345: {  	v13 =	vld [tilespmem:s3+$0xFFFFFFE0]  }
0x346: {  	v6 =	vmul.f32 v6, v8;
	_ =	sdelay $0x1  }
0x347: {  	[tilespmem:s20+$0xFFFFFFE0] =	vst v6;
	v6 =	vmul.f32 v7, v11  }
0x348: {  	v7 =	vld [tilespmem:s1+$0xFFFFFFB0]  }
0x349: {  	v8 =	vld [tilespmem:s19+$0xFFFFFFF0];
	[tilespmem:s22+$0x60] =	vst v6;
	v6 =	vmul.f32 v12, v13  }
0x34a: {  	v11 =	vld [tilespmem:s3+$0x30]  }
0x34b: {  	v12 =	vld [tilespmem:s21+$0x30];
	[tilespmem:s22+$0xFFFFFFE0] =	vst v6  }
0x34c: {  	v6 =	vld [tilespmem:s3+$0xFFFFFFB0]  }
0x34d: {  	v13 =	vld [tilespmem:s21+$0xFFFFFFF0];
	_ =	sdelay $0x1  }
0x34e: {  	v7 =	vadd.f32 v8, v7  }
0x34f: {  	v8 =	vadd.f32 v12, v11  }
0x350: {  	v12 =	vmul.f32 $2.000000030e-01, v7  }
0x351: {  	v14 =	vmul.f32 $2.000000030e-01, v8;
	v6 =	vadd.f32 v13, v6  }
0x352: {  	v7 =	vmax.f32 v7, v12  }
0x353: {  	v13 =	vld [tilespmem:s10+$0xFFFFFFF0];
	v7 =	vmul.f32 $1.442695020e+00, v7;
	v8 =	vmax.f32 v8, v14;
	v12 =	vmul.f32 $2.000000030e-01, v6  }
0x354: {  	[tilespmem:s8+$0x30] =	vst v4;
	v8 =	vmul.f32 $1.442695020e+00, v8  }
0x355: {  	[tilespmem:s11+$0x30] =	vst v1;
	v14 =	vld [tilespmem:s12+$0x70];
	(erf) = vpow2.f32 v7;
	v6 =	vmax.f32 v6, v12  }
0x356: {  	v11 =	vld [tilespmem:s0+$0x70];
	(erf) = vpow2.f32 v8;
	v6 =	vmul.f32 $1.442695020e+00, v6;
	_ =	sdelay $0x1  }
0x357: {  	[tilespmem:s11+$0xFFFFFFB0] =	vst v2;
	v0 =	vmul.f32 v0, v13;
	(erf) = vpow2.f32 v6  }
0x358: {  	[tilespmem:s8+$0xFFFFFFB0] =	vst v3  }
0x359: {  	[tilespmem:s2+$0xFFFFFFF0] =	vst v0;
	v0 =	vmul.f32 v4, v14  }
0x35a: {  	[tilespmem:s14+$0x30] =	vst v5;
	v1 =	vmul.f32 v1, v11  }
0x35b: {  	[tilespmem:s8+$0x70] =	vst v0;
	v0 =	vld [tilespmem:s0+$0xFFFFFFF0]  }
0x35c: {  	[tilespmem:s11+$0x70] =	vst v1;
	v1 =	vld [tilespmem:s13+$0x70]  }
0x35d: {  	[tilespmem:s20+$0x30] =	vst v10;
	v4 =	vld [tilespmem:s12+$0xFFFFFFF0];
	v6 =	vpop (erf)  }
0x35e: {  	[tilespmem:s14+$0xFFFFFFB0] =	vst v9;
	v7 =	vld [tilespmem:s1+$0x70];
	v8 =	vpop (erf)  }
0x35f: {  	v11 =	vld [tilespmem:s13+$0xFFFFFFF0];
	[tilespmem:s22+$0x30] =	vst v8  }
0x360: {  	[tilespmem:s20+$0xFFFFFFB0] =	vst v6;
	v0 =	vmul.f32 v2, v0;
	v2 =	vld [tilespmem:s3+$0x70];
	v12 =	vpop (erf)  }
0x361: {  	v1 =	vmul.f32 v5, v1;
	v5 =	vld [tilespmem:s1+$0xFFFFFFF0];
	[tilespmem:s22+$0xFFFFFFB0] =	vst v12  }
0x362: {  	[tilespmem:s11+$0xFFFFFFF0] =	vst v0;
	v0 =	vmul.f32 v3, v4;
	v3 =	vld [tilespmem:s3+$0xFFFFFFF0]  }
0x363: {  	[tilespmem:s14+$0x70] =	vst v1;
	v1 =	vmul.f32 v10, v7  }
0x364: {  	[tilespmem:s8+$0xFFFFFFF0] =	vst v0;
	v0 =	vmul.f32 v9, v11  }
0x365: {  	[tilespmem:s20+$0x70] =	vst v1;
	v1 =	vmul.f32 v8, v2  }
0x366: {  	[tilespmem:s14+$0xFFFFFFF0] =	vst v0;
	v0 =	vmul.f32 v6, v5  }
0x367: {  	[tilespmem:s22+$0x70] =	vst v1;
	v1 =	vmul.f32 v12, v3  }
0x368: {  	[tilespmem:s20+$0xFFFFFFF0] =	vst v0  }
0x369: {  	s25 =	rddreg [dreg:$0x2];
	s26 =	simm.s32 $0x8980;
	s28 =	simm.s32 $0x2900;
	[tilespmem:s22+$0xFFFFFFF0] =	vst v1  }
0x36a: {  	[spmem:s25] =	stream.indirect.scatter.add.f32 [tilespmem:s26], [sflag:$0x7], $0x80, s28, s16, $0xb8;
	[tilespmem:$0x1E580] =	vst v63  }
0x36b: {  	_ =	swait.ge [sflag:s15], $0x2000  }
0x36c: {  	[sflag:s15] =	ssyncset.done $0x0  }
0x36d: {  	s29 =	simm.s32 $0x5;
	[sflag:s15] =	ssyncadd.s32 $0xFFFFE000  }
0x36e: {  	_ =	swait.ge [sflag:s29], $0x2000  }
0x36f: {  	[sflag:s29] =	ssyncset.done $0x0  }
0x370: {  	[sflag:s29] =	ssyncadd.s32 $0xFFFFE000  }
0x371: {  	_ =	swait.ge [sflag:s30], $0x1000  }
0x372: {  	[sflag:s30] =	ssyncset.done $0x0  }
0x373: {  	s10 =	simm.s32 $0x4A70;
	[sflag:s30] =	ssyncadd.s32 $0xFFFFF000  }
0x374: {  	s31 =	simm.s32 $0x79F0;
	v0 =	vld [tilespmem:s10+$0xFFFFFF90]  }
0x375: {  	v1 =	vld [tilespmem:s31+$0xFFFFFFD0];
	_ =	sdelay $0x4  }
0x376: {  	v0 =	vadd.f32 v1, v0;
	_ =	sdelay $0x1  }
0x377: {  	v1 =	vmul.f32 $2.000000030e-01, v0;
	_ =	sdelay $0x1  }
0x378: {  	v0 =	vmax.f32 v0, v1  }
0x379: {  	v0 =	vmul.f32 $1.442695020e+00, v0  }
0x37a: {  	v1 =	vld [tilespmem:s31+$0xFFFFFF90]  }
0x37b: {  	(erf) = vpow2.f32 v0;
	v0 =	vld [tilespmem:s10+$0xFFFFFF10];
	_ =	sdelay $0x4  }
0x37c: {  	v0 =	vadd.f32 v1, v0;
	_ =	sdelay $0x1  }
0x37d: {  	v1 =	vmul.f32 $2.000000030e-01, v0  }
0x37e: {  	s23 =	simm.s32 $0x7A70  }
0x37f: {  	s2 =	simm.s32 $0x8A00;
	s0 =	simm.s32 $0x4B70;
	v4 =	vld [tilespmem:s23+$0xFFFFFFD0];
	v2 =	vpop (erf);
	v0 =	vmax.f32 v0, v1  }
0x380: {  	v1 =	vld [tilespmem:s0+$0xFFFFFF90];
	[tilespmem:s2+$0x0] =	vst v2;
	v0 =	vmul.f32 $1.442695020e+00, v0  }
0x381: {  	v3 =	vld [tilespmem:s10+$0xFFFFFFD0]  }
0x382: {  	(erf) = vpow2.f32 v0;
	_ =	sdelay $0x3  }
0x383: {  	v1 =	vadd.f32 v4, v1;
	v0 =	vmul.f32 v2, v3;
	_ =	sdelay $0x1  }
0x384: {  	v2 =	vld [tilespmem:s23+$0xFFFFFF90];
	[tilespmem:s2+$0x40] =	vst v0;
	v0 =	vmul.f32 $2.000000030e-01, v1  }
0x385: {  	v3 =	vld [tilespmem:s0+$0xFFFFFF10]  }
0x386: {  	v0 =	vmax.f32 v1, v0  }
0x387: {  	v4 =	vld [tilespmem:s10+$0xFFFFFFA0];
	v5 =	vpop (erf);
	v0 =	vmul.f32 $1.442695020e+00, v0  }
0x388: {  	v1 =	vld [tilespmem:s31+$0xFFFFFFE0];
	[tilespmem:s2+$0xFFFFFF80] =	vst v5  }
0x389: {  	v6 =	vld [tilespmem:s10+$0xFFFFFF50];
	(erf) = vpow2.f32 v0  }
0x38a: {  	v2 =	vadd.f32 v2, v3;
	_ =	sdelay $0x1  }
0x38b: {  	v0 =	vmul.f32 $2.000000030e-01, v2  }
0x38c: {  	v1 =	vadd.f32 v1, v4  }
0x38d: {  	v0 =	vmax.f32 v2, v0;
	v3 =	vmul.f32 v5, v6  }
0x38e: {  	v0 =	vmul.f32 $1.442695020e+00, v0;
	v2 =	vmul.f32 $2.000000030e-01, v1  }
0x38f: {  	s17 =	simm.s32 $0x7AF0  }
0x390: {  	(erf) = vpow2.f32 v0;
	v5 =	vld [tilespmem:s17+$0xFFFFFFD0];
	v1 =	vmax.f32 v1, v2;
	[tilespmem:s2+$0xFFFFFFC0] =	vst v3  }
0x391: {  	s11 =	simm.s32 $0x8B00;
	v0 =	vmul.f32 $1.442695020e+00, v1;
	v1 =	vld [tilespmem:s10+$0xFFFFFF20];
	v3 =	vpop (erf)  }
0x392: {  	v2 =	vld [tilespmem:s31+$0xFFFFFFA0];
	[tilespmem:s11+$0x0] =	vst v3  }
0x393: {  	s12 =	simm.s32 $0x4C70;
	(erf) = vpow2.f32 v0;
	v4 =	vld [tilespmem:s0+$0xFFFFFFD0]  }
0x394: {  	v0 =	vld [tilespmem:s12+$0xFFFFFF90];
	_ =	sdelay $0x3  }
0x395: {  	v3 =	vmul.f32 v3, v4  }
0x396: {  	v6 =	vld [tilespmem:s17+$0xFFFFFF90];
	v1 =	vadd.f32 v2, v1;
	v2 =	vpop (erf);
	v0 =	vadd.f32 v5, v0  }
0x397: {  	[tilespmem:s11+$0xFFFFFF80] =	vst v2;
	v4 =	vld [tilespmem:s12+$0xFFFFFF10]  }
0x398: {  	v7 =	vld [tilespmem:s0+$0xFFFFFF50];
	v8 =	vmul.f32 $2.000000030e-01, v0;
	[tilespmem:s11+$0x40] =	vst v3  }
0x399: {  	v5 =	vmul.f32 $2.000000030e-01, v1;
	v9 =	vld [tilespmem:s0+$0xFFFFFFA0];
	v3 =	vpop (erf)  }
0x39a: {  	v0 =	vmax.f32 v0, v8;
	v8 =	vld [tilespmem:s23+$0xFFFFFFE0];
	[tilespmem:s2+$0x10] =	vst v3  }
0x39b: {  	v1 =	vmax.f32 v1, v5;
	v5 =	vld [tilespmem:s10+$0xFFFFFFE0]  }
0x39c: {  	v1 =	vmul.f32 $1.442695020e+00, v1  }
0x39d: {  	v0 =	vmul.f32 $1.442695020e+00, v0  }
0x39e: {  	(erf) = vpow2.f32 v1;
	v2 =	vmul.f32 v2, v7  }
0x39f: {  	v1 =	vadd.f32 v6, v4;
	(erf) = vpow2.f32 v0  }
0x3a0: {  	[tilespmem:s11+$0xFFFFFFC0] =	vst v2;
	v2 =	vmul.f32 v3, v5;
	v3 =	vadd.f32 v8, v9  }
0x3a1: {  	v0 =	vmul.f32 $2.000000030e-01, v1  }
0x3a2: {  	v4 =	vld [tilespmem:s0+$0xFFFFFF20];
	[tilespmem:s2+$0x50] =	vst v2;
	v2 =	vmul.f32 $2.000000030e-01, v3  }
0x3a3: {  	v0 =	vmax.f32 v1, v0;
	v1 =	vld [tilespmem:s23+$0xFFFFFFA0]  }
0x3a4: {  	v5 =	vld [tilespmem:s10+$0xFFFFFFB0];
	v2 =	vmax.f32 v3, v2  }
0x3a5: {  	v0 =	vmul.f32 $1.442695020e+00, v0;
	v3 =	vld [tilespmem:s31+$0xFFFFFFF0];
	_ =	sdelay $0x1  }
0x3a6: {  	s18 =	simm.s32 $0x7B70;
	(erf) = vpow2.f32 v0;
	v0 =	vmul.f32 $1.442695020e+00, v2;
	v2 =	vpop (erf)  }
0x3a7: {  	s13 =	simm.s32 $0x4D70;
	s8 =	simm.s32 $0x8C00;
	v7 =	vld [tilespmem:s18+$0xFFFFFFD0];
	v6 =	vpop (erf)  }
0x3a8: {  	(erf) = vpow2.f32 v0;
	v0 =	vadd.f32 v1, v4;
	v1 =	vld [tilespmem:s13+$0xFFFFFF90];
	[tilespmem:s8+$0x0] =	vst v6  }
0x3a9: {  	v3 =	vadd.f32 v3, v5;
	v4 =	vld [tilespmem:s12+$0xFFFFFFD0]  }
0x3aa: {  	v5 =	vmul.f32 $2.000000030e-01, v0  }
0x3ab: {  	v8 =	vmul.f32 $2.000000030e-01, v3  }
0x3ac: {  	v0 =	vmax.f32 v0, v5  }
0x3ad: {  	v0 =	vmul.f32 $1.442695020e+00, v0;
	v3 =	vmax.f32 v3, v8  }
0x3ae: {  	v9 =	vld [tilespmem:s18+$0xFFFFFF90];
	[tilespmem:s2+$0xFFFFFF90] =	vst v2;
	v1 =	vadd.f32 v7, v1;
	v3 =	vmul.f32 $1.442695020e+00, v3;
	v4 =	vmul.f32 v6, v4  }
0x3af: {  	v5 =	vld [tilespmem:s10+$0xFFFFFF60];
	(erf) = vpow2.f32 v0;
	v8 =	vpop (erf)  }
0x3b0: {  	v0 =	vld [tilespmem:s13+$0xFFFFFF10];
	[tilespmem:s8+$0xFFFFFF80] =	vst v8;
	(erf) = vpow2.f32 v3;
	v3 =	vmul.f32 $2.000000030e-01, v1  }
0x3b1: {  	v6 =	vld [tilespmem:s12+$0xFFFFFF50];
	[tilespmem:s8+$0x40] =	vst v4  }
0x3b2: {  	v7 =	vld [tilespmem:s12+$0xFFFFFFA0];
	v1 =	vmax.f32 v1, v3;
	v4 =	vpop (erf)  }
0x3b3: {  	v3 =	vld [tilespmem:s17+$0xFFFFFFE0];
	v1 =	vmul.f32 $1.442695020e+00, v1;
	[tilespmem:s11+$0x10] =	vst v4  }
0x3b4: {  	v2 =	vmul.f32 v2, v5;
	v10 =	vld [tilespmem:s0+$0xFFFFFFE0]  }
0x3b5: {  	(erf) = vpow2.f32 v1  }
0x3b6: {  	[tilespmem:s2+$0xFFFFFFD0] =	vst v2  }
0x3b7: {  	v0 =	vadd.f32 v9, v0;
	v5 =	vld [tilespmem:s10+$0xFFFFFF30];
	v2 =	vmul.f32 v8, v6  }
0x3b8: {  	v1 =	vld [tilespmem:s31+$0xFFFFFFB0]  }
0x3b9: {  	v3 =	vadd.f32 v3, v7;
	[tilespmem:s8+$0xFFFFFFC0] =	vst v2;
	v2 =	vmul.f32 v4, v10;
	v4 =	vmul.f32 $2.000000030e-01, v0  }
0x3ba: {  	v8 =	vld [tilespmem:s12+$0xFFFFFF20]  }
0x3bb: {  	v7 =	vld [tilespmem:s17+$0xFFFFFFA0];
	v0 =	vmax.f32 v0, v4;
	v4 =	vmul.f32 $2.000000030e-01, v3  }
0x3bc: {  	v6 =	vpop (erf);
	[tilespmem:s11+$0x50] =	vst v2;
	v0 =	vmul.f32 $1.442695020e+00, v0  }
0x3bd: {  	v1 =	vadd.f32 v1, v5;
	v9 =	vld [tilespmem:s0+$0xFFFFFFB0];
	v2 =	vpop (erf);
	v3 =	vmax.f32 v3, v4  }
0x3be: {  	s14 =	simm.s32 $0x8D00;
	v4 =	vld [tilespmem:s23+$0xFFFFFFF0];
	(erf) = vpow2.f32 v0;
	v0 =	vmul.f32 $1.442695020e+00, v3;
	v5 =	vpop (erf)  }
0x3bf: {  	v3 =	vmul.f32 $2.000000030e-01, v1;
	[tilespmem:s14+$0x0] =	vst v5  }
0x3c0: {  	[tilespmem:s2+$0x20] =	vst v2;
	(erf) = vpow2.f32 v0;
	v0 =	vadd.f32 v7, v8;
	v7 =	vld [tilespmem:s13+$0xFFFFFFD0]  }
0x3c1: {  	v10 =	vld [tilespmem:s10+$0xFFFFFFF0];
	v1 =	vmax.f32 v1, v3  }
0x3c2: {  	s1 =	simm.s32 $0x4E70;
	v1 =	vmul.f32 $1.442695020e+00, v1  }
0x3c3: {  	s19 =	simm.s32 $0x7BF0;
	v3 =	vld [tilespmem:s1+$0xFFFFFF90];
	v4 =	vadd.f32 v4, v9  }
0x3c4: {  	v8 =	vmul.f32 $2.000000030e-01, v0;
	v9 =	vld [tilespmem:s19+$0xFFFFFFD0];
	(erf) = vpow2.f32 v1  }
0x3c5: {  	[tilespmem:s11+$0xFFFFFF90] =	vst v6;
	v1 =	vmul.f32 $2.000000030e-01, v4;
	v5 =	vmul.f32 v5, v7  }
0x3c6: {  	v2 =	vmul.f32 v2, v10;
	v10 =	vld [tilespmem:s0+$0xFFFFFF60];
	v0 =	vmax.f32 v0, v8  }
0x3c7: {  	v0 =	vmul.f32 $1.442695020e+00, v0;
	v1 =	vmax.f32 v4, v1  }
0x3c8: {  	v11 =	vld [tilespmem:s19+$0xFFFFFF90];
	[tilespmem:s2+$0x60] =	vst v2;
	v8 =	vpop (erf);
	v1 =	vmul.f32 $1.442695020e+00, v1  }
0x3c9: {  	v2 =	vld [tilespmem:s10+$0xFFFFFFC0];
	(erf) = vpow2.f32 v0;
	v3 =	vadd.f32 v9, v3;
	[tilespmem:s14+$0x40] =	vst v5;
	v5 =	vpop (erf)  }
0x3ca: {  	v4 =	vld [tilespmem:s31+$0x0];
	(erf) = vpow2.f32 v1;
	[tilespmem:s8+$0x10] =	vst v5  }
0x3cb: {  	[tilespmem:s14+$0xFFFFFF80] =	vst v8;
	v1 =	vmul.f32 $2.000000030e-01, v3;
	v6 =	vmul.f32 v6, v10;
	v10 =	vld [tilespmem:s12+$0xFFFFFFE0]  }
0x3cc: {  	v7 =	vld [tilespmem:s13+$0xFFFFFF50]  }
0x3cd: {  	v0 =	vld [tilespmem:s1+$0xFFFFFF10];
	v1 =	vmax.f32 v3, v1  }
0x3ce: {  	v9 =	vld [tilespmem:s13+$0xFFFFFFA0];
	v1 =	vmul.f32 $1.442695020e+00, v1  }
0x3cf: {  	v3 =	vld [tilespmem:s18+$0xFFFFFFE0];
	v2 =	vadd.f32 v4, v2  }
0x3d0: {  	[tilespmem:s11+$0xFFFFFFD0] =	vst v6;
	v4 =	vpop (erf);
	(erf) = vpow2.f32 v1;
	v5 =	vmul.f32 v5, v10  }
0x3d1: {  	v12 =	vld [tilespmem:s0+$0xFFFFFF30];
	[tilespmem:s2+$0xFFFFFFA0] =	vst v4;
	v6 =	vmul.f32 $2.000000030e-01, v2;
	v7 =	vmul.f32 v8, v7  }
0x3d2: {  	v0 =	vadd.f32 v11, v0;
	v1 =	vld [tilespmem:s10+$0xFFFFFF70]  }
0x3d3: {  	v2 =	vmax.f32 v2, v6;
	v6 =	vld [tilespmem:s23+$0xFFFFFFB0];
	[tilespmem:s14+$0xFFFFFFC0] =	vst v7;
	v8 =	vpop (erf)  }
0x3d4: {  	v7 =	vmul.f32 $2.000000030e-01, v0;
	v3 =	vadd.f32 v3, v9;
	v2 =	vmul.f32 $1.442695020e+00, v2;
	v10 =	vld [tilespmem:s13+$0xFFFFFF20];
	[tilespmem:s8+$0x50] =	vst v5;
	v5 =	vpop (erf)  }
0x3d5: {  	v9 =	vld [tilespmem:s18+$0xFFFFFFA0];
	[tilespmem:s11+$0x20] =	vst v5  }
0x3d6: {  	v0 =	vmax.f32 v0, v7;
	(erf) = vpow2.f32 v2;
	v2 =	vmul.f32 $2.000000030e-01, v3;
	v11 =	vld [tilespmem:s0+$0xFFFFFFF0]  }
0x3d7: {  	v7 =	vld [tilespmem:s12+$0xFFFFFFB0];
	v0 =	vmul.f32 $1.442695020e+00, v0;
	v1 =	vmul.f32 v4, v1  }
0x3d8: {  	v4 =	vadd.f32 v6, v12;
	v2 =	vmax.f32 v3, v2;
	v3 =	vld [tilespmem:s17+$0xFFFFFFF0]  }
0x3d9: {  	s20 =	simm.s32 $0x8E00;
	(erf) = vpow2.f32 v0;
	[tilespmem:s2+$0xFFFFFFE0] =	vst v1;
	v0 =	vmul.f32 $1.442695020e+00, v2;
	v12 =	vpop (erf)  }
0x3da: {  	v6 =	vld [tilespmem:s10+$0xFFFFFF40];
	v1 =	vmul.f32 $2.000000030e-01, v4;
	[tilespmem:s20+$0x0] =	vst v12  }
0x3db: {  	v9 =	vadd.f32 v9, v10;
	(erf) = vpow2.f32 v0;
	v10 =	vld [tilespmem:s1+$0xFFFFFFD0];
	v5 =	vmul.f32 v5, v11  }
0x3dc: {  	s3 =	simm.s32 $0x4F70;
	v0 =	vld [tilespmem:s31+$0xFFFFFFC0];
	v1 =	vmax.f32 v4, v1  }
0x3dd: {  	s21 =	simm.s32 $0x7C70;
	v4 =	vld [tilespmem:s3+$0xFFFFFF90];
	v1 =	vmul.f32 $1.442695020e+00, v1;
	v3 =	vadd.f32 v3, v7;
	v7 =	vmul.f32 $2.000000030e-01, v9  }
0x3de: {  	[tilespmem:s8+$0xFFFFFF90] =	vst v8;
	v11 =	vld [tilespmem:s21+$0xFFFFFFD0]  }
0x3df: {  	v2 =	vld [tilespmem:s12+$0xFFFFFF60];
	[tilespmem:s11+$0x60] =	vst v5;
	v7 =	vmax.f32 v9, v7;
	v5 =	vpop (erf);
	(erf) = vpow2.f32 v1;
	v1 =	vmul.f32 $2.000000030e-01, v3  }
0x3e0: {  	v13 =	vld [tilespmem:s0+$0xFFFFFFC0];
	v7 =	vmul.f32 $1.442695020e+00, v7;
	v10 =	vmul.f32 v12, v10  }
0x3e1: {  	v0 =	vadd.f32 v0, v6;
	v6 =	vld [tilespmem:s21+$0xFFFFFF90];
	v1 =	vmax.f32 v3, v1  }
0x3e2: {  	v14 =	vpop (erf);
	(erf) = vpow2.f32 v7;
	v7 =	vld [tilespmem:s3+$0xFFFFFF10];
	v1 =	vmul.f32 $1.442695020e+00, v1  }
0x3e3: {  	v4 =	vadd.f32 v11, v4;
	v3 =	vld [tilespmem:s23+$0x0];
	[tilespmem:s20+$0xFFFFFF80] =	vst v14  }
0x3e4: {  	v11 =	vmul.f32 $2.000000030e-01, v0;
	[tilespmem:s20+$0x40] =	vst v10;
	v12 =	vld [tilespmem:s1+$0xFFFFFF50];
	v10 =	vpop (erf);
	(erf) = vpow2.f32 v1  }
0x3e5: {  	[tilespmem:s14+$0x10] =	vst v10;
	v1 =	vmul.f32 v8, v2;
	v2 =	vmul.f32 $2.000000030e-01, v4;
	v8 =	vld [tilespmem:s1+$0xFFFFFFA0]  }
0x3e6: {  	[tilespmem:s2+$0x30] =	vst v5;
	v0 =	vmax.f32 v0, v11;
	v11 =	vld [tilespmem:s13+$0xFFFFFFE0]  }
0x3e7: {  	v0 =	vmul.f32 $1.442695020e+00, v0;
	[tilespmem:s8+$0xFFFFFFD0] =	vst v1;
	v1 =	vmax.f32 v4, v2;
	v4 =	vld [tilespmem:s19+$0xFFFFFFE0]  }
0x3e8: {  	v9 =	vld [tilespmem:s10+$0x0]  }
0x3e9: {  	(erf) = vpow2.f32 v0;
	v3 =	vadd.f32 v3, v13  }
0x3ea: {  	v1 =	vmul.f32 $1.442695020e+00, v1;
	v63 =	vld [tilespmem:s12+$0xFFFFFF30];
	v2 =	vmul.f32 v14, v12;
	v15 =	vpop (erf)  }
0x3eb: {  	v6 =	vadd.f32 v6, v7;
	v0 =	vld [tilespmem:s17+$0xFFFFFFB0];
	[tilespmem:s11+$0xFFFFFFA0] =	vst v15;
	v7 =	vmul.f32 v10, v11;
	v10 =	vmul.f32 $2.000000030e-01, v3  }
0x3ec: {  	(erf) = vpow2.f32 v1;
	v1 =	vld [tilespmem:s0+$0xFFFFFF70];
	v4 =	vadd.f32 v4, v8  }
0x3ed: {  	v8 =	vmul.f32 v5, v9;
	v9 =	vmul.f32 $2.000000030e-01, v6;
	[tilespmem:s14+$0x50] =	vst v7;
	v7 =	vmax.f32 v3, v10  }
0x3ee: {  	[tilespmem:s20+$0xFFFFFFC0] =	vst v2;
	v7 =	vmul.f32 $1.442695020e+00, v7  }
0x3ef: {  	v12 =	vld [tilespmem:s1+$0xFFFFFF20];
	v2 =	vpop (erf);
	v10 =	vmul.f32 $2.000000030e-01, v4;
	v6 =	vmax.f32 v6, v9  }
0x3f0: {  	v13 =	vld [tilespmem:s19+$0xFFFFFFA0];
	v0 =	vadd.f32 v0, v63;
	v5 =	vpop (erf);
	v9 =	vmul.f32 $1.442695020e+00, v6;
	(erf) = vpow2.f32 v7  }
0x3f1: {  	v3 =	vld [tilespmem:s13+$0xFFFFFFB0];
	[tilespmem:s8+$0x20] =	vst v5;
	v1 =	vmul.f32 v15, v1  }
0x3f2: {  	v11 =	vld [tilespmem:s12+$0xFFFFFFF0];
	v4 =	vmax.f32 v4, v10;
	v10 =	vmul.f32 $2.000000030e-01, v0;
	(erf) = vpow2.f32 v9  }
0x3f3: {  	[tilespmem:s14+$0xFFFFFF90] =	vst v2;
	v6 =	vld [tilespmem:s18+$0xFFFFFFF0]  }
0x3f4: {  	v7 =	vld [tilespmem:s13+$0xFFFFFF60];
	v14 =	vmul.f32 $1.442695020e+00, v4;
	[tilespmem:s11+$0xFFFFFFE0] =	vst v1  }
0x3f5: {  	s4 =	simm.s32 $0x5070;
	[tilespmem:s2+$0x70] =	vst v8;
	v8 =	vadd.f32 v13, v12;
	v1 =	vmax.f32 v0, v10;
	v0 =	vpop (erf);
	v4 =	vld [tilespmem:s0+$0xFFFFFF40]  }
0x3f6: {  	s22 =	simm.s32 $0x8F00;
	s26 =	simm.s32 $0xA;
	(erf) = vpow2.f32 v14;
	v12 =	vmul.f32 $1.442695020e+00, v1;
	v9 =	vld [tilespmem:s23+$0xFFFFFFC0];
	[tilespmem:s2+$0xFFFFFFB0] =	vst v0;
	v10 =	vpop (erf)  }
.LBB2_10:
0x3f7: {  	v1 =	vld [tilespmem:s4+$0xFFFFFF90];
	[tilespmem:s22+$0x0] =	vst v10;
	v13 =	vmul.f32 $2.000000030e-01, v8;
	v14 =	vmul.f32 v5, v11;
	s23 =	smov.u32 s18;
	s18 =	smov.u32 s19;
	s19 =	smov.u32 s21  }
0x3f8: {  	s21 =	sadd.s32 $0x80, s21;
	s24 =	smov.u32 s14;
	s14 =	smov.u32 s20;
	v11 =	vld [tilespmem:s3+$0xFFFFFFD0];
	v3 =	vadd.f32 v6, v3;
	(erf) = vpow2.f32 v12  }
0x3f9: {  	s20 =	smov.u32 s22;
	v6 =	vld [tilespmem:s21+$0xFFFFFFD0];
	v8 =	vmax.f32 v8, v13;
	v2 =	vmul.f32 v2, v7;
	[tilespmem:s8+$0x60] =	vst v14;
	v5 =	vpop (erf)  }
0x3fa: {  	v7 =	vmul.f32 $1.442695020e+00, v8;
	v8 =	vmul.f32 $2.000000030e-01, v3;
	v12 =	vld [tilespmem:s12+$0xFFFFFFC0];
	[tilespmem:s11+$0x30] =	vst v5  }
0x3fb: {  	v13 =	vpop (erf);
	[tilespmem:s24+$0xFFFFFFD0] =	vst v2;
	v2 =	vadd.f32 v9, v4;
	v4 =	vld [tilespmem:s0+$0x0]  }
0x3fc: {  	[tilespmem:s22+$0xFFFFFF80] =	vst v13;
	(erf) = vpow2.f32 v7;
	v3 =	vmax.f32 v3, v8;
	v7 =	vld [tilespmem:s17+$0x0]  }
0x3fd: {  	v8 =	vld [tilespmem:s21+$0xFFFFFF90];
	v14 =	vmul.f32 v10, v11;
	v3 =	vmul.f32 $1.442695020e+00, v3  }
0x3fe: {  	v10 =	vld [tilespmem:s4+$0xFFFFFF10];
	v1 =	vadd.f32 v6, v1;
	v6 =	vmul.f32 $2.000000030e-01, v2  }
0x3ff: {  	s26 =	sadd.s32 $0x2, s26;
	v11 =	vld [tilespmem:s3+$0xFFFFFF50];
	[tilespmem:s22+$0x40] =	vst v14;
	v9 =	vpop (erf);
	(erf) = vpow2.f32 v3  }
0x400: {  	p0 =	slt.u32 s26, $0x3E;
	v3 =	vmul.f32 $2.000000030e-01, v1;
	v14 =	vld [tilespmem:s3+$0xFFFFFFA0];
	[tilespmem:s14+$0x10] =	vst v9;
	v2 =	vmax.f32 v2, v6;
	v4 =	vmul.f32 v5, v4  }
0x401: {  	v5 =	vld [tilespmem:s1+$0xFFFFFFE0];
	v6 =	vadd.f32 v7, v12;
	v7 =	vpop (erf);
	v2 =	vmul.f32 $1.442695020e+00, v2  }
0x402: {  	v1 =	vmax.f32 v1, v3;
	v3 =	vld [tilespmem:s19+$0xFFFFFFE0];
	[tilespmem:s11+$0x70] =	vst v4  }
0x403: {  	v4 =	vadd.f32 v8, v10;
	v1 =	vmul.f32 $1.442695020e+00, v1;
	v8 =	vld [tilespmem:s13+$0xFFFFFF30];
	[tilespmem:s8+$0xFFFFFFA0] =	vst v7;
	v10 =	vmul.f32 $2.000000030e-01, v6  }
0x404: {  	v11 =	vmul.f32 v13, v11;
	v12 =	vld [tilespmem:s23+$0xFFFFFFB0];
	(erf) = vpow2.f32 v2  }
0x405: {  	v13 =	vmul.f32 $2.000000030e-01, v4;
	(erf) = vpow2.f32 v1;
	v2 =	vpop (erf);
	v1 =	vld [tilespmem:s12+$0xFFFFFF70];
	v6 =	vmax.f32 v6, v10  }
0x406: {  	[tilespmem:s22+$0xFFFFFFC0] =	vst v11;
	v11 =	vmul.f32 v9, v5;
	v6 =	vmul.f32 $1.442695020e+00, v6;
	v9 =	vld [tilespmem:s10+$0xFFFFFF80];
	s10 =	smov.u32 s0;
	s0 =	smov.u32 s12;
	s12 =	smov.u32 s13  }
0x407: {  	s13 =	smov.u32 s1;
	s1 =	smov.u32 s3;
	v4 =	vmax.f32 v4, v13;
	v10 =	vld [tilespmem:s3+$0xFFFFFF20];
	v13 =	vadd.f32 v3, v14;
	[tilespmem:s14+$0xFFFFFF90] =	vst v2;
	s3 =	smov.u32 s4  }
0x408: {  	v4 =	vmul.f32 $1.442695020e+00, v4;
	v14 =	vld [tilespmem:s19+$0xFFFFFFA0];
	[tilespmem:s14+$0x50] =	vst v11;
	v5 =	vpop (erf);
	(erf) = vpow2.f32 v6  }
0x409: {  	v6 =	vmul.f32 $2.000000030e-01, v13;
	v3 =	vld [tilespmem:s13+$0xFFFFFFB0];
	v12 =	vadd.f32 v12, v8;
	[tilespmem:s24+$0x20] =	vst v5  }
.Ltmp4:
0x40a: {  	(erf) = vpow2.f32 v4;
	v11 =	vld [tilespmem:s12+$0xFFFFFFF0];
	v1 =	vmul.f32 v7, v1;
	(pc) =	sbr.rel @p0 .LBB2_10-.Ltmp4, $4  }
0x40b: {  	v4 =	vmax.f32 v13, v6;
	v6 =	vld [tilespmem:s18+$0xFFFFFFF0];
	v13 =	vmul.f32 $2.000000030e-01, v12;
	v9 =	vmul.f32 v0, v9  }
0x40c: {  	v15 =	vmul.f32 $1.442695020e+00, v4;
	v7 =	vld [tilespmem:s13+$0xFFFFFF60];
	[tilespmem:s8+$0xFFFFFFE0] =	vst v1  }
0x40d: {  	v8 =	vadd.f32 v14, v10;
	v1 =	vmax.f32 v12, v13;
	v4 =	vld [tilespmem:s0+$0xFFFFFF40];
	v0 =	vpop (erf);
	[tilespmem:s2+$0xFFFFFFF0] =	vst v9;
	s2 =	smov.u32 s11;
	s11 =	smov.u32 s8;
	s8 =	smov.u32 s24  }
0x40e: {  	s22 =	sadd.s32 $0x100, s22;
	s4 =	sadd.s32 $0x100, s4;
	v10 =	vpop (erf);
	(erf) = vpow2.f32 v15;
	v12 =	vmul.f32 $1.442695020e+00, v1;
	v9 =	vld [tilespmem:s17+$0xFFFFFFC0];
	[tilespmem:s2+$0xFFFFFFB0] =	vst v0;
	s17 =	smov.u32 s23  }
0x40f: {  	_ =	sdelay $0x3  }
0x410: {  	[tilespmem:s22+$0x0] =	vst v10;
	v5 =	vmul.f32 v5, v11  }
0x411: {  	v13 =	vld [tilespmem:s3+$0xFFFFFFD0];
	v1 =	vpop (erf)  }
0x412: {  	[tilespmem:s8+$0x60] =	vst v5;
	v52 =	vpop (erf)  }
0x413: {  	v15 =	vld [tilespmem:s12+$0xFFFFFFC0];
	[tilespmem:s22+$0xFFFFFF80] =	vst v52  }
0x414: {  	v2 =	vmul.f32 v2, v7;
	v53 =	vld [tilespmem:s3+$0xFFFFFF50];
	v14 =	vpop (erf)  }
0x415: {  	v56 =	vld [tilespmem:s17+$0x0];
	[tilespmem:s20+$0x10] =	vst v14  }
0x416: {  	[tilespmem:s14+$0xFFFFFFD0] =	vst v2;
	v54 =	vmul.f32 v10, v13;
	v55 =	vld [tilespmem:s1+$0xFFFFFFE0]  }
0x417: {  	v16 =	vld [tilespmem:s13+$0xFFFFFF30]  }
0x418: {  	v61 =	vld [tilespmem:s18+$0xFFFFFFB0];
	[tilespmem:s22+$0x40] =	vst v54  }
0x419: {  	v58 =	vmul.f32 $2.000000030e-01, v8;
	v3 =	vadd.f32 v6, v3;
	v57 =	vld [tilespmem:s3+$0xFFFFFFA0];
	v5 =	vmul.f32 v52, v53  }
0x41a: {  	v59 =	vld [tilespmem:s21+$0xFFFFFFE0]  }
0x41b: {  	v8 =	vmax.f32 v8, v58;
	v60 =	vmul.f32 $2.000000030e-01, v3;
	[tilespmem:s22+$0xFFFFFFC0] =	vst v5;
	v62 =	vmul.f32 v14, v55  }
0x41c: {  	(erf) = vpow2.f32 v12;
	v8 =	vmul.f32 $1.442695020e+00, v8;
	v63 =	vld [tilespmem:s3+$0xFFFFFF20]  }
0x41d: {  	v4 =	vadd.f32 v9, v4;
	v3 =	vmax.f32 v3, v60;
	v7 =	vadd.f32 v56, v15;
	v13 =	vld [tilespmem:s21+$0xFFFFFFA0];
	[tilespmem:s20+$0x50] =	vst v62  }
0x41e: {  	(erf) = vpow2.f32 v8;
	v3 =	vmul.f32 $1.442695020e+00, v3;
	v19 =	vadd.f32 v61, v16;
	v15 =	vld [tilespmem:s1+$0xFFFFFFB0]  }
0x41f: {  	v18 =	vmul.f32 $2.000000030e-01, v7;
	v2 =	vadd.f32 v59, v57;
	v14 =	vmul.f32 $2.000000030e-01, v4;
	v17 =	vld [tilespmem:s19+$0xFFFFFFF0]  }
0x420: {  	(erf) = vpow2.f32 v3;
	v22 =	vmul.f32 $2.000000030e-01, v19  }
0x421: {  	v5 =	vmax.f32 v7, v18;
	v6 =	vmul.f32 $2.000000030e-01, v2;
	v4 =	vmax.f32 v4, v14  }
0x422: {  	v20 =	vmul.f32 $1.442695020e+00, v5;
	v25 =	vmax.f32 v19, v22;
	v4 =	vmul.f32 $1.442695020e+00, v4  }
0x423: {  	v27 =	vmul.f32 $1.442695020e+00, v25;
	v2 =	vmax.f32 v2, v6;
	v21 =	vadd.f32 v13, v63  }
0x424: {  	v2 =	vmul.f32 $1.442695020e+00, v2;
	(erf) = vpow2.f32 v4;
	v3 =	vadd.f32 v17, v15  }
0x425: {  	v24 =	vpop (erf);
	v23 =	vmul.f32 $2.000000030e-01, v21;
	(erf) = vpow2.f32 v20  }
0x426: {  	[tilespmem:s8+$0xFFFFFFA0] =	vst v24;
	(erf) = vpow2.f32 v2;
	v26 =	vmul.f32 $2.000000030e-01, v3  }
0x427: {  	v30 =	vld [tilespmem:s12+$0xFFFFFF70];
	v28 =	vmax.f32 v21, v23  }
0x428: {  	v29 =	vpop (erf);
	(erf) = vpow2.f32 v27;
	v4 =	vmul.f32 $1.442695020e+00, v28;
	v3 =	vmax.f32 v3, v26  }
0x429: {  	[tilespmem:s20+$0xFFFFFF90] =	vst v29;
	v32 =	vmul.f32 $1.442695020e+00, v3  }
0x42a: {  	v35 =	vld [tilespmem:s1+$0xFFFFFF60];
	v31 =	vpop (erf);
	(erf) = vpow2.f32 v4  }
0x42b: {  	(erf) = vpow2.f32 v32  }
0x42c: {  	v34 =	vmul.f32 v24, v30  }
0x42d: {  	[tilespmem:s14+$0x20] =	vst v31;
	v2 =	vpop (erf)  }
0x42e: {  	v33 =	vld [tilespmem:s13+$0xFFFFFFF0];
	[tilespmem:s8+$0xFFFFFFE0] =	vst v34;
	v4 =	vpop (erf)  }
0x42f: {  	v36 =	vld [tilespmem:s12+$0xFFFFFF40];
	v5 =	vmul.f32 v29, v35;
	v37 =	vpop (erf)  }
0x430: {  	v38 =	vld [tilespmem:s17+$0xFFFFFFC0];
	[tilespmem:s22+$0x10] =	vst v37  }
0x431: {  	[tilespmem:s20+$0xFFFFFFD0] =	vst v5;
	v40 =	vpop (erf);
	v39 =	vld [tilespmem:s3+$0xFFFFFFE0]  }
0x432: {  	v47 =	vld [tilespmem:s1+$0xFFFFFF30];
	[tilespmem:s14+$0xFFFFFFA0] =	vst v40  }
0x433: {  	v43 =	vld [tilespmem:s13+$0xFFFFFF70];
	v42 =	vpop (erf)  }
0x434: {  	v49 =	vld [tilespmem:s19+$0xFFFFFFB0];
	v3 =	vmul.f32 v31, v33;
	[tilespmem:s22+$0xFFFFFF90] =	vst v42;
	v44 =	vpop (erf)  }
0x435: {  	v48 =	vld [tilespmem:s3+$0xFFFFFF60];
	[tilespmem:s20+$0x20] =	vst v44  }
0x436: {  	[tilespmem:s14+$0x60] =	vst v3;
	v3 =	vmul.f32 v37, v39;
	v46 =	vld [tilespmem:s1+$0xFFFFFFF0]  }
0x437: {  	v41 =	vld [tilespmem:s13+$0xFFFFFFC0]  }
0x438: {  	v45 =	vld [tilespmem:s18+$0x0];
	v50 =	vmul.f32 v40, v43;
	[tilespmem:s22+$0x50] =	vst v3  }
0x439: {  	v51 =	vld [tilespmem:s3+$0xFFFFFFB0]  }
0x43a: {  	v52 =	vld [tilespmem:s21+$0xFFFFFFF0];
	[tilespmem:s14+$0xFFFFFFE0] =	vst v50;
	v6 =	vmul.f32 v42, v48  }
0x43b: {  	v8 =	vadd.f32 v38, v36;
	v54 =	vld [tilespmem:s13+$0xFFFFFF40];
	v53 =	vmul.f32 v44, v46  }
0x43c: {  	v55 =	vld [tilespmem:s18+$0xFFFFFFC0];
	[tilespmem:s22+$0xFFFFFFD0] =	vst v6  }
0x43d: {  	v58 =	vmul.f32 $2.000000030e-01, v8;
	v61 =	vld [tilespmem:s3+$0xFFFFFF30];
	[tilespmem:s20+$0x60] =	vst v53  }
0x43e: {  	v57 =	vld [tilespmem:s1+$0xFFFFFFC0]  }
0x43f: {  	v8 =	vmax.f32 v8, v58;
	v63 =	vadd.f32 v49, v47;
	v56 =	vadd.f32 v45, v41;
	v59 =	vld [tilespmem:s19+$0x0]  }
0x440: {  	v8 =	vmul.f32 $1.442695020e+00, v8;
	v62 =	vld [tilespmem:s21+$0xFFFFFFB0]  }
0x441: {  	v15 =	vmul.f32 $2.000000030e-01, v63;
	v60 =	vmul.f32 $2.000000030e-01, v56  }
0x442: {  	(erf) = vpow2.f32 v8;
	v7 =	vadd.f32 v52, v51  }
0x443: {  	v8 =	vmax.f32 v63, v15;
	v3 =	vmax.f32 v56, v60;
	v5 =	vadd.f32 v55, v54  }
0x444: {  	v3 =	vmul.f32 $1.442695020e+00, v3;
	v16 =	vmul.f32 $2.000000030e-01, v7;
	v6 =	vadd.f32 v59, v57  }
0x445: {  	v8 =	vmul.f32 $1.442695020e+00, v8;
	v9 =	vmul.f32 $2.000000030e-01, v5;
	v17 =	vadd.f32 v62, v61  }
0x446: {  	(erf) = vpow2.f32 v3;
	v3 =	vmax.f32 v7, v16;
	v18 =	vmul.f32 $2.000000030e-01, v6  }
0x447: {  	v3 =	vmul.f32 $1.442695020e+00, v3;
	v5 =	vmax.f32 v5, v9;
	v19 =	vmul.f32 $2.000000030e-01, v17  }
0x448: {  	(erf) = vpow2.f32 v8;
	v5 =	vmul.f32 $1.442695020e+00, v5;
	v6 =	vmax.f32 v6, v18  }
0x449: {  	(erf) = vpow2.f32 v3;
	v21 =	vmax.f32 v17, v19;
	v20 =	vmul.f32 $1.442695020e+00, v6  }
0x44a: {  	(erf) = vpow2.f32 v5;
	v22 =	vmul.f32 $1.442695020e+00, v21  }
0x44b: {  	(erf) = vpow2.f32 v20  }
0x44c: {  	(erf) = vpow2.f32 v22;
	_ =	sdelay $0x2  }
0x44d: {  	v23 =	vpop (erf)  }
0x44e: {  	v24 =	vpop (erf)  }
0x44f: {  	v25 =	vpop (erf)  }
0x450: {  	[tilespmem:s20+$0xFFFFFFA0] =	vst v25;
	v26 =	vpop (erf)  }
0x451: {  	v27 =	vld [tilespmem:s1+$0xFFFFFF70];
	v28 =	vpop (erf)  }
0x452: {  	[tilespmem:s22+$0x20] =	vst v26;
	v29 =	vpop (erf)  }
0x453: {  	v30 =	vld [tilespmem:s3+$0xFFFFFFF0];
	v31 =	vpop (erf)  }
0x454: {  	[tilespmem:s22+$0xFFFFFFA0] =	vst v31  }
0x455: {  	v32 =	vld [tilespmem:s3+$0xFFFFFF70]  }
0x456: {  	v6 =	vmul.f32 v25, v27;
	_ =	sdelay $0x1  }
0x457: {  	[tilespmem:s20+$0xFFFFFFE0] =	vst v6;
	v33 =	vmul.f32 v26, v30  }
0x458: {  	v34 =	vld [tilespmem:s1+$0xFFFFFF40]  }
0x459: {  	v35 =	vld [tilespmem:s19+$0xFFFFFFC0];
	[tilespmem:s22+$0x60] =	vst v33;
	v36 =	vmul.f32 v31, v32  }
0x45a: {  	v37 =	vld [tilespmem:s3+$0xFFFFFFC0]  }
0x45b: {  	v38 =	vld [tilespmem:s21+$0x0];
	[tilespmem:s22+$0xFFFFFFE0] =	vst v36  }
0x45c: {  	v6 =	vld [tilespmem:s3+$0xFFFFFF40]  }
0x45d: {  	v39 =	vld [tilespmem:s21+$0xFFFFFFC0];
	_ =	sdelay $0x2  }
0x45e: {  	v7 =	vadd.f32 v35, v34  }
0x45f: {  	v40 =	vadd.f32 v38, v37  }
0x460: {  	v42 =	vmul.f32 $2.000000030e-01, v7;
	v6 =	vadd.f32 v39, v6  }
0x461: {  	[tilespmem:s11+$0x30] =	vst v1;
	v43 =	vmul.f32 $2.000000030e-01, v40  }
0x462: {  	v41 =	vld [tilespmem:s0+$0x0];
	v7 =	vmax.f32 v7, v42;
	v45 =	vmul.f32 $2.000000030e-01, v6  }
0x463: {  	[tilespmem:s8+$0x30] =	vst v4;
	v44 =	vld [tilespmem:s10+$0xFFFFFF80];
	v7 =	vmul.f32 $1.442695020e+00, v7;
	v8 =	vmax.f32 v40, v43  }
0x464: {  	v46 =	vld [tilespmem:s12+$0x0];
	v8 =	vmul.f32 $1.442695020e+00, v8;
	v6 =	vmax.f32 v6, v45  }
0x465: {  	(erf) = vpow2.f32 v7;
	v6 =	vmul.f32 $1.442695020e+00, v6  }
0x466: {  	(erf) = vpow2.f32 v8  }
0x467: {  	[tilespmem:s11+$0xFFFFFFB0] =	vst v2;
	v1 =	vmul.f32 v1, v41;
	(erf) = vpow2.f32 v6  }
0x468: {  	[tilespmem:s8+$0xFFFFFFB0] =	vst v23;
	v0 =	vmul.f32 v0, v44  }
0x469: {  	[tilespmem:s11+$0x70] =	vst v1;
	v47 =	vmul.f32 v4, v46  }
0x46a: {  	[tilespmem:s2+$0xFFFFFFF0] =	vst v0  }
0x46b: {  	v48 =	vld [tilespmem:s0+$0xFFFFFF80];
	[tilespmem:s8+$0x70] =	vst v47  }
0x46c: {  	v50 =	vld [tilespmem:s12+$0xFFFFFF80];
	[tilespmem:s14+$0x30] =	vst v24  }
0x46d: {  	v49 =	vld [tilespmem:s13+$0x0];
	[tilespmem:s14+$0xFFFFFFB0] =	vst v28  }
0x46e: {  	v53 =	vld [tilespmem:s13+$0xFFFFFF80];
	[tilespmem:s20+$0x30] =	vst v29;
	v51 =	vpop (erf)  }
0x46f: {  	v52 =	vld [tilespmem:s1+$0x0];
	[tilespmem:s20+$0xFFFFFFB0] =	vst v51;
	v8 =	vpop (erf)  }
0x470: {  	v0 =	vmul.f32 v2, v48;
	v56 =	vld [tilespmem:s1+$0xFFFFFF80];
	[tilespmem:s22+$0x30] =	vst v8;
	v55 =	vpop (erf)  }
0x471: {  	v57 =	vmul.f32 v23, v50;
	v54 =	vld [tilespmem:s3+$0x0];
	[tilespmem:s22+$0xFFFFFFB0] =	vst v55  }
0x472: {  	[tilespmem:s11+$0xFFFFFFF0] =	vst v0;
	v1 =	vmul.f32 v24, v49;
	v58 =	vld [tilespmem:s3+$0xFFFFFF80]  }
0x473: {  	[tilespmem:s8+$0xFFFFFFF0] =	vst v57;
	v60 =	vmul.f32 v28, v53  }
0x474: {  	[tilespmem:s14+$0x70] =	vst v1;
	v59 =	vmul.f32 v29, v52  }
0x475: {  	[tilespmem:s14+$0xFFFFFFF0] =	vst v60;
	v62 =	vmul.f32 v51, v56  }
0x476: {  	[tilespmem:s20+$0x70] =	vst v59;
	v61 =	vmul.f32 v8, v54  }
0x477: {  	[tilespmem:s20+$0xFFFFFFF0] =	vst v62;
	v63 =	vmul.f32 v55, v58  }
0x478: {  	[tilespmem:s22+$0x70] =	vst v61  }
0x479: {  	s24 =	rddreg [dreg:$0x2];
	s25 =	simm.s32 $0x8980;
	s26 =	simm.s32 $0x2940;
	[tilespmem:s22+$0xFFFFFFF0] =	vst v63  }
0x47a: {  	[spmem:s24] =	stream.indirect.scatter.add.f32 [tilespmem:s25], [sflag:$0x7], $0x80, s26, s16, $0xb8;
	[tilespmem:$0x1E580] =	vst v63  }
0x47b: {  	_ =	swait.ge [sflag:s15], $0x2000  }
0x47c: {  	[sflag:s15] =	ssyncset.done $0x0  }
0x47d: {  	[sflag:s15] =	ssyncadd.s32 $0xFFFFE000  }
0x47e: {  	[bflag:$0x0] =	sbarrier.arrive $0xFFFF  }
0x47f: {  	s28 =	rddreg [dreg:$0x7]  }
0x480: {  	s3 =	rddreg [dreg:$0x9]  }
0x481: {  	s4 =	rddreg [dreg:$0xa]  }
0x482: {  	[hbm:s28], [sflag:s3] =	dma.local [spmem:s4], $0x2780  }
0x483: {  	_ =	swait.ge [sflag:s15], $0x2780  }
0x484: {  	s29 =	rddreg [dreg:$0xb]  }
0x485: {  	s31 =	rddreg [dreg:$0x8];
	s1 =	sadd.s32 $0x1, s29  }
0x486: {  	p0 =	sne.s32 s1, s31  }
.Ltmp5:
0x487: {  	_ = 	snop;
	(pc) =	sbr.rel @p0 .LBB2_1-.Ltmp5, $3  }
0x488: {  	_ =	sdelay $0x1  }
0x489: {  	[sflag:s15] =	ssyncset.done $0x0  }
0x48a: {  	[sflag:s15] =	ssyncadd.s32 $0xFFFFD880  }
0x48b: {  	_ =	sfence.sel $0x180000  }
0x48c: {  	[bflag:$0x0] =	sbarrier.arrive $0xFFFF  }
0x48d: {  	_ =	strace $0x90000047  }
0x48e: {  	s0 =	stileid.u32;
	[bflag:$0x2] =	sbarrier.arrive $0xFFFF  }
0x48f: {  	p0 =	sne.s32 s0, $0x0;
	s0 =	rddreg [dreg:$0x3]  }
0x490: {  	s0 =	sadd.s32 @!p0 $0x100000, s0  }
0x491: {  	[sflag:s0] =	ssyncadd.tile.s32 @!p0 $0x1;
	_ =	shalt  }
.Lfunc_end2:
_tile_overlayer_lowered:
.L_overlay_start_2:
0x492: {  	(tag) =	ssettag $0x2  }
0x493: {  	s0 =	rddreg [dreg:$0x0];
	s2 =	stileid.u32  }
0x494: {  	s1 =	rddreg [dreg:$0x1];
	p0 =	sne.s32 s2, $0x0  }
0x495: {  	s3 =	rddreg [dreg:$0x2];
	[bflag:$0x3] =	sbarrier.arrive $0xFFFF;
	s2 =	simm.s32 @!p0 $0x1C07  }
0x496: {  	[timem:s3], [sflag:s2] =	dma.local @!p0 [hbm:s0], s1  }
0x497: {  	s0 =	simm.s32 @!p0 $0x7  }
0x498: {  	_ =	swait.ge @!p0 [sflag:s0], s1  }
0x499: {  	s1 =	ssub.s32 @!p0 $0x0, s1;
	[sflag:s0] =	ssyncset.done @!p0 $0x0  }
0x49a: {  	[sflag:s0] =	ssyncadd.s32 @!p0 s1  }
0x49b: {  	[bflag:$0x3] =	sbarrier.arrive $0xFFFF  }
0x49c: {  	_ =	shalt  }

</sc_bundles>
